<compile_context>
chip_gen: v7x
topology: tpu7x:2x2x1
jax: 0.10.2.dev20260603
libtpu: 0.0.44.dev20260713+nightly
codegen_flags: <defaults>
</compile_context>

<pallas_src>
import functools
import math

import jax
import jax.numpy as jnp
from jax import lax
from jax.experimental import pallas as pl
from jax.experimental.pallas import tpu as pltpu
from jax.experimental.pallas import tpu_sc as plsc

K = 10
NUM_MC = 25
M = 200
B = 1024
G = 4
L = 16
NW = 32
NCHUNK = B // L
CPW = NCHUNK // NW
ML = M * L
GROW = NUM_MC * M
UROW = NUM_MC * K
K_FACT = float(math.factorial(K))
NEG = -3e38


def _sc_body(score_hbm, g_hbm, u_hbm, rel_hbm, eth_hbm,
             ratio_hbm, pvec_hbm,
             score_lm, score_t, e_v, rel_lm, eth_lm, g_all, u_all,
             ratio_v, pv_v):
    core = lax.axis_index("c")
    sub = lax.axis_index("s")
    wid = sub * 2 + core
    lane = lax.iota(jnp.int32, L)
    lane_m = lane * M
    lane_g = lane * GROW
    lane_u = lane * UROW
    lane_e = lane * (M * G)

    for cc in range(CPW):
        chunk = wid * CPW + cc
        pltpu.sync_copy(score_hbm.at[pl.ds(chunk * ML, ML)], score_lm)
        pltpu.sync_copy(rel_hbm.at[pl.ds(chunk * ML, ML)], rel_lm)
        pltpu.sync_copy(eth_hbm.at[pl.ds(chunk * G * ML, G * ML)], eth_lm)
        pltpu.sync_copy(u_hbm.at[pl.ds(chunk * L * UROW, L * UROW)], u_all)
        pltpu.sync_copy(g_hbm.at[pl.ds(chunk * L * GROW, L * GROW)], g_all)

        def _tr_body(i, _c):
            score_t[pl.ds(i * L, L)] = plsc.load_gather(score_lm, [lane_m + i])
            return _c
        lax.fori_loop(0, M, _tr_body, 0)

        def _mx_body(i, m):
            return jnp.maximum(m, score_t[pl.ds(i * L, L)])
        mx = lax.fori_loop(0, M, _mx_body,
                           jnp.full((L,), jnp.float32(NEG), jnp.float32))

        def _exp_body(i, t):
            e = jnp.exp(score_t[pl.ds(i * L, L)] - mx)
            e_v[pl.ds(i * L, L)] = e
            return t + e
        tot = lax.fori_loop(0, M, _exp_body, jnp.zeros((L,), jnp.float32))

        def _mc_body(mc, _):
            g_base = lane_g + mc * M

            def _scan(i, carry):
                ms = carry[:K]
                ids = carry[K:]
                gv = plsc.load_gather(g_all, [g_base + i])
                v = score_t[pl.ds(i * L, L)] + gv
                iv = jnp.full((L,), i, jnp.int32)
                new_ms, new_ids = [], []
                bprev = None
                for j in range(K):
                    b = v > ms[j]
                    if j == 0:
                        nm = jnp.where(b, v, ms[j])
                        ni = jnp.where(b, iv, ids[j])
                    else:
                        nm = jnp.where(b, jnp.where(bprev, ms[j - 1], v), ms[j])
                        ni = jnp.where(b, jnp.where(bprev, ids[j - 1], iv), ids[j])
                    new_ms.append(nm)
                    new_ids.append(ni)
                    bprev = b
                return tuple(new_ms) + tuple(new_ids)

            init = (tuple(jnp.full((L,), NEG, jnp.float32) for _ in range(K))
                    + tuple(jnp.zeros((L,), jnp.int32) for _ in range(K)))
            res = lax.fori_loop(0, M, _scan, init)
            idxs = list(res[K:])

            ps, rs, es = [], [], []
            for j in range(K):
                ps.append(plsc.load_gather(e_v, [idxs[j] * L + lane]))
                rs.append(plsc.load_gather(rel_lm, [lane_m + idxs[j]]))
                ebase = lane_e + idxs[j] * G
                es.append([plsc.load_gather(eth_lm, [ebase + g])
                           for g in range(G)])

            u_base = lane_u + mc * K
            us = [plsc.load_gather(u_all, [u_base + k]) for k in range(K)]
            one = jnp.ones((L,), jnp.float32)
            zero = jnp.zeros((L,), jnp.float32)
            ranks = []
            for k in range(K):
                t = zero
                for k2 in range(K):
                    lt = jnp.where(us[k2] < us[k], one, zero)
                    if k2 < k:
                        lt = lt + jnp.where(us[k2] == us[k], one, zero)
                    t = t + lt
                ranks.append(t)

            numer = ps[0]
            for k in range(1, K):
                numer = numer * ps[k]
            prod_d = tot
            for t in range(1, K):
                tf = jnp.full((L,), float(t), jnp.float32)
                s_t = zero
                for k in range(K):
                    s_t = s_t + jnp.where(ranks[k] < tf, ps[k], zero)
                prod_d = prod_d * (tot - s_t)
            ratio = (jnp.float32(K_FACT) * numer) / prod_d

            relsum = zero
            for j in range(K):
                relsum = relsum + rs[j]
            isz = relsum == zero
            dfn = []
            ssumd = zero
            inv_rel = jnp.where(isz, one, one / relsum)
            for g in range(G):
                df = zero
                dfe = zero
                for j in range(K):
                    df = df + es[j][g] * rs[j]
                    dfe = dfe + es[j][g]
                d = jnp.where(isz, dfe * jnp.float32(1.0 / K), df * inv_rel)
                dfn.append(d)
                ssumd = ssumd + d
            inv_s = one / ssumd

            ratio_v[pl.ds(mc * L, L)] = ratio
            for g in range(G):
                pv_v[pl.ds((g * NUM_MC + mc) * L, L)] = dfn[g] * inv_s
            return _

        lax.fori_loop(0, NUM_MC, _mc_body, 0)
        pltpu.sync_copy(ratio_v, ratio_hbm.at[pl.ds(chunk * NUM_MC * L, NUM_MC * L)])
        for g in range(G):
            pltpu.sync_copy(
                pv_v.at[pl.ds(g * NUM_MC * L, NUM_MC * L)],
                pvec_hbm.at[pl.ds((g * NCHUNK + chunk) * NUM_MC * L, NUM_MC * L)])


_sc_stage = functools.partial(
    pl.kernel,
    mesh=plsc.VectorSubcoreMesh(core_axis_name="c", subcore_axis_name="s"),
    compiler_params=pltpu.CompilerParams(needs_layout_passes=False),
    out_type=[
        jax.ShapeDtypeStruct((NCHUNK * NUM_MC * L,), jnp.float32),
        jax.ShapeDtypeStruct((G * NCHUNK * NUM_MC * L,), jnp.float32),
    ],
    scratch_types=[
        pltpu.VMEM((ML,), jnp.float32),
        pltpu.VMEM((ML,), jnp.float32),
        pltpu.VMEM((ML,), jnp.float32),
        pltpu.VMEM((ML,), jnp.float32),
        pltpu.VMEM((G * ML,), jnp.float32),
        pltpu.VMEM((L * GROW,), jnp.float32),
        pltpu.VMEM((L * UROW,), jnp.float32),
        pltpu.VMEM((NUM_MC * L,), jnp.float32),
        pltpu.VMEM((G * NUM_MC * L,), jnp.float32),
    ],
)(_sc_body)


def _tc_final(ratio_ref, pvec_ref, out_ref):
    logp = jnp.log(ratio_ref[...])
    ent = jnp.zeros_like(logp)
    for g in range(G):
        p = pvec_ref[g]
        ent = ent - p * jnp.log(p)
    out_ref[...] = jnp.sum(logp * ent).reshape(1, 1) * (-1.0 / (NUM_MC * B))


def kernel(score, relevance, eth_label):
    key = jax.random.key(42)
    k1, k2 = jax.random.split(key)
    g = jax.random.gumbel(k1, (B, NUM_MC, M), dtype=jnp.float32)
    u = jax.random.uniform(k2, (B, NUM_MC, K))

    ratio, pvec = _sc_stage(score.reshape(-1), g.reshape(-1), u.reshape(-1),
                            relevance.reshape(-1), eth_label.reshape(-1))

    rows = (NCHUNK * NUM_MC * L) // 128
    ratio2 = ratio.reshape(rows, 128)
    pvec2 = pvec.reshape(G, rows, 128)

    out = pl.pallas_call(
        _tc_final,
        in_specs=[
            pl.BlockSpec((rows, 128), lambda: (0, 0)),
            pl.BlockSpec((G, rows, 128), lambda: (0, 0, 0)),
        ],
        out_specs=pl.BlockSpec((1, 1), lambda: (0, 0)),
        out_shape=jax.ShapeDtypeStruct((1, 1), jnp.float32),
    )(ratio2, pvec2)
    return out[0, 0]

# --- scband reference (transcript-rebuilt; emitter-appended) ---
"""Pipeline reference for scband-policy-gradient-loss-fairness-28260884807717 (READ-ONLY COPY).

The authoritative reference and input builder live on the scoring server;
editing this copy changes nothing except your own understanding.
"""

import math
import jax, jax.numpy as jnp
import numpy as np

K = 10
NUM_MC = 25


def _sample_ranks(key, probs):
    # torch.multinomial(probs, num_samples=M, replacement=False) draws a full
    # Plackett-Luce permutation; equivalent to argsort of log-probs + Gumbel noise.
    B, M = probs.shape
    g = jax.random.gumbel(key, (B, NUM_MC, M), dtype=probs.dtype)
    logits = jnp.log(probs)[:, None, :]
    return jnp.argsort(-(logits + g), axis=-1)  # [B, NUM_MC, M]


def compute_log_prob(key, rank_samples, score):
    B, MC, M = rank_samples.shape
    ordered = jnp.take_along_axis(jnp.broadcast_to(score[:, None, :], (B, MC, M)), rank_samples, axis=2)
    first_k = ordered[:, :, :K]
    perm = jnp.argsort(jax.random.uniform(key, first_k.shape), axis=-1)
    permuted_first_k = jnp.take_along_axis(first_k, perm, axis=-1)
    r = jnp.concatenate([permuted_first_k, ordered[:, :, K:]], axis=-1)
    denominators = jnp.flip(jnp.cumsum(jnp.flip(r, -1), -1), -1)
    ranking_prob = jnp.prod((r / denominators)[:, :, :K], -1)
    prob = float(math.factorial(K)) * ranking_prob
    return jnp.log(prob)


def fairness_loss(rank_samples, eth_list, relevance):
    B, MC, M = rank_samples.shape
    G = eth_list.shape[-1]
    rel = jnp.take_along_axis(jnp.broadcast_to(relevance[:, None, :], (B, MC, M)), rank_samples, axis=2)[:, :, :K]
    rel = rel / jnp.sum(rel, 2, keepdims=True)
    rel = jnp.where(jnp.isnan(rel), 1.0 / K, rel)
    idx = jnp.broadcast_to(rank_samples[:, :, :, None], (B, MC, M, G))
    eth = jnp.take_along_axis(jnp.broadcast_to(eth_list[:, None, :, :], (B, MC, M, G)), idx, axis=2)[:, :, :K, :]
    eth = eth * rel[..., None]
    delta_f = jnp.sum(eth, axis=2)  # [B, MC, G]
    # Categorical(probs=delta_f).entropy(): normalize then -sum p*log p
    p = delta_f / jnp.sum(delta_f, -1, keepdims=True)
    entropy = -jnp.sum(p * jnp.log(p), -1)
    return entropy


def setup_inputs(seed: int = 0) -> dict:
    key = jax.random.key(seed)
    k1, k2, k3 = jax.random.split(key, 3)
    score = jax.random.normal(k1, (1024, 200), dtype=jnp.float32)
    relevance = jax.random.uniform(k2, (1024, 200), dtype=jnp.float32)
    eth_label = jax.random.uniform(k3, (1024, 200, 4), dtype=jnp.float32)
    return {"score": score, "relevance": relevance, "eth_label": eth_label}


def reference(score, relevance, eth_label):
    key = jax.random.key(42)
    k1, k2 = jax.random.split(key)
    s = jax.nn.softmax(score, axis=1)
    rank_samples = _sample_ranks(k1, s)
    logp = compute_log_prob(k2, rank_samples, s)
    delta = fairness_loss(rank_samples, eth_label, relevance)
    loss = -1.0 * jnp.sum(logp * delta, 1) / NUM_MC
    return jnp.mean(loss)

if __name__ == "__main__":
    import jax
    _d = setup_inputs()
    print(jax.jit(kernel)(*tuple(_d.values())))

</pallas_src>

<mosaic_0001>
#map = affine_map<(d0, d1) -> (0)>
module attributes {stable_mosaic.version = 14 : i64} {
  func.func @_sc_body(%arg0: i32, %arg1: i32, %arg2: memref<204800xf32, #tpu.memory_space<hbm>>, %arg3: memref<5120000xf32, #tpu.memory_space<hbm>>, %arg4: memref<256000xf32, #tpu.memory_space<hbm>>, %arg5: memref<204800xf32, #tpu.memory_space<hbm>>, %arg6: memref<819200xf32, #tpu.memory_space<hbm>>, %arg7: memref<25600xf32, #tpu.memory_space<hbm>>, %arg8: memref<102400xf32, #tpu.memory_space<hbm>>, %arg9: memref<3200xf32, #tpu.memory_space<vmem>>, %arg10: memref<3200xf32, #tpu.memory_space<vmem>>, %arg11: memref<3200xf32, #tpu.memory_space<vmem>>, %arg12: memref<3200xf32, #tpu.memory_space<vmem>>, %arg13: memref<12800xf32, #tpu.memory_space<vmem>>, %arg14: memref<80000xf32, #tpu.memory_space<vmem>>, %arg15: memref<4000xf32, #tpu.memory_space<vmem>>, %arg16: memref<400xf32, #tpu.memory_space<vmem>>, %arg17: memref<1600xf32, #tpu.memory_space<vmem>>) attributes {dimension_semantics = [#tpu.dimension_semantics<core_parallel>, #tpu.dimension_semantics<subcore_parallel>], iteration_bounds = array<i64: 2, 16>, scalar_prefetch = 0 : i64, scratch_operands = 9 : i64, tpu.core_type = #tpu.core_type<sc_vector_subcore>, window_params = [{transform_indices = #map}, {transform_indices = #map}, {transform_indices = #map}, {transform_indices = #map}, {transform_indices = #map}, {transform_indices = #map}, {transform_indices = #map}]} {
    %mul3A = arith.constant 2 : i32
    %mul3A_0 = arith.muli %arg1, %mul3A : i32
    %add3A = arith.addi %mul3A_0, %arg0 : i32
    %iota3A = tpu.iota {dimensions = array<i32: 0>} : vector<16xi32>
    %mul3A_1 = arith.constant 200 : i32
    %mul3A_2 = vector.broadcast %mul3A_1 : i32 to vector<16xi32>
    %mul3A_3 = arith.muli %iota3A, %mul3A_2 : vector<16xi32>
    %mul3A_4 = arith.constant 5000 : i32
    %mul3A_5 = vector.broadcast %mul3A_4 : i32 to vector<16xi32>
    %mul3A_6 = arith.muli %iota3A, %mul3A_5 : vector<16xi32>
    %mul3A_7 = arith.constant 250 : i32
    %mul3A_8 = vector.broadcast %mul3A_7 : i32 to vector<16xi32>
    %mul3A_9 = arith.muli %iota3A, %mul3A_8 : vector<16xi32>
    %mul3A_10 = arith.constant 800 : i32
    %mul3A_11 = vector.broadcast %mul3A_10 : i32 to vector<16xi32>
    %mul3A_12 = arith.muli %iota3A, %mul3A_11 : vector<16xi32>
    %mul3A_13 = arith.constant 2 : i32
    %mul3A_14 = arith.muli %add3A, %mul3A_13 : i32
    %add3A_15 = arith.constant 0 : i32
    %add3A_16 = arith.addi %mul3A_14, %add3A_15 : i32
    %mul3A_17 = arith.constant 3200 : i32
    %mul3A_18 = arith.muli %add3A_16, %mul3A_17 : i32
    "tpu.region"() ({
      %run_scoped3A = tpu.sem_alloc : memref<!tpu.dma_semaphore, #tpu.memory_space<semaphore_mem>>
      %dma_start3A = tpu.memref_slice %arg2[%mul3A_18] : memref<204800xf32, #tpu.memory_space<hbm>> -> memref<3200xf32, #tpu.memory_space<hbm>>
      %dma_start3A_163 = tpu.memref_slice %arg2[%mul3A_18] : memref<204800xf32, #tpu.memory_space<hbm>> -> memref<3200xf32, #tpu.memory_space<hbm>>
      tpu.enqueue_dma source(%dma_start3A_163 : memref<3200xf32, #tpu.memory_space<hbm>>) target(%arg9 : memref<3200xf32, #tpu.memory_space<vmem>>) target_semaphore(%run_scoped3A : memref<!tpu.dma_semaphore, #tpu.memory_space<semaphore_mem>>)
      %dma_wait3A = tpu.memref_slice %arg2[%mul3A_18] : memref<204800xf32, #tpu.memory_space<hbm>> -> memref<3200xf32, #tpu.memory_space<hbm>>
      %dma_wait3A_164 = tpu.memref_slice %arg2[%mul3A_18] : memref<204800xf32, #tpu.memory_space<hbm>> -> memref<3200xf32, #tpu.memory_space<hbm>>
      tpu.wait_dma2 semaphore(%run_scoped3A : memref<!tpu.dma_semaphore, #tpu.memory_space<semaphore_mem>>) src(%dma_wait3A_164 : memref<3200xf32, #tpu.memory_space<hbm>>) dst(%arg9 : memref<3200xf32, #tpu.memory_space<vmem>>)
      tpu.yield
    }) : () -> ()
    %mul3A_19 = arith.constant 3200 : i32
    %mul3A_20 = arith.muli %add3A_16, %mul3A_19 : i32
    "tpu.region"() ({
      %run_scoped3A = tpu.sem_alloc : memref<!tpu.dma_semaphore, #tpu.memory_space<semaphore_mem>>
      %dma_start3A = tpu.memref_slice %arg5[%mul3A_20] : memref<204800xf32, #tpu.memory_space<hbm>> -> memref<3200xf32, #tpu.memory_space<hbm>>
      %dma_start3A_163 = tpu.memref_slice %arg5[%mul3A_20] : memref<204800xf32, #tpu.memory_space<hbm>> -> memref<3200xf32, #tpu.memory_space<hbm>>
      tpu.enqueue_dma source(%dma_start3A_163 : memref<3200xf32, #tpu.memory_space<hbm>>) target(%arg12 : memref<3200xf32, #tpu.memory_space<vmem>>) target_semaphore(%run_scoped3A : memref<!tpu.dma_semaphore, #tpu.memory_space<semaphore_mem>>)
      %dma_wait3A = tpu.memref_slice %arg5[%mul3A_20] : memref<204800xf32, #tpu.memory_space<hbm>> -> memref<3200xf32, #tpu.memory_space<hbm>>
      %dma_wait3A_164 = tpu.memref_slice %arg5[%mul3A_20] : memref<204800xf32, #tpu.memory_space<hbm>> -> memref<3200xf32, #tpu.memory_space<hbm>>
      tpu.wait_dma2 semaphore(%run_scoped3A : memref<!tpu.dma_semaphore, #tpu.memory_space<semaphore_mem>>) src(%dma_wait3A_164 : memref<3200xf32, #tpu.memory_space<hbm>>) dst(%arg12 : memref<3200xf32, #tpu.memory_space<vmem>>)
      tpu.yield
    }) : () -> ()
    %mul3A_21 = arith.constant 4 : i32
    %mul3A_22 = arith.muli %add3A_16, %mul3A_21 : i32
    %mul3A_23 = arith.constant 3200 : i32
    %mul3A_24 = arith.muli %mul3A_22, %mul3A_23 : i32
    "tpu.region"() ({
      %run_scoped3A = tpu.sem_alloc : memref<!tpu.dma_semaphore, #tpu.memory_space<semaphore_mem>>
      %dma_start3A = tpu.memref_slice %arg6[%mul3A_24] : memref<819200xf32, #tpu.memory_space<hbm>> -> memref<12800xf32, #tpu.memory_space<hbm>>
      %dma_start3A_163 = tpu.memref_slice %arg6[%mul3A_24] : memref<819200xf32, #tpu.memory_space<hbm>> -> memref<12800xf32, #tpu.memory_space<hbm>>
      tpu.enqueue_dma source(%dma_start3A_163 : memref<12800xf32, #tpu.memory_space<hbm>>) target(%arg13 : memref<12800xf32, #tpu.memory_space<vmem>>) target_semaphore(%run_scoped3A : memref<!tpu.dma_semaphore, #tpu.memory_space<semaphore_mem>>)
      %dma_wait3A = tpu.memref_slice %arg6[%mul3A_24] : memref<819200xf32, #tpu.memory_space<hbm>> -> memref<12800xf32, #tpu.memory_space<hbm>>
      %dma_wait3A_164 = tpu.memref_slice %arg6[%mul3A_24] : memref<819200xf32, #tpu.memory_space<hbm>> -> memref<12800xf32, #tpu.memory_space<hbm>>
      tpu.wait_dma2 semaphore(%run_scoped3A : memref<!tpu.dma_semaphore, #tpu.memory_space<semaphore_mem>>) src(%dma_wait3A_164 : memref<12800xf32, #tpu.memory_space<hbm>>) dst(%arg13 : memref<12800xf32, #tpu.memory_space<vmem>>)
      tpu.yield
    }) : () -> ()
    %mul3A_25 = arith.constant 16 : i32
    %mul3A_26 = arith.muli %add3A_16, %mul3A_25 : i32
    %mul3A_27 = arith.constant 250 : i32
    %mul3A_28 = arith.muli %mul3A_26, %mul3A_27 : i32
    "tpu.region"() ({
      %run_scoped3A = tpu.sem_alloc : memref<!tpu.dma_semaphore, #tpu.memory_space<semaphore_mem>>
      %dma_start3A = tpu.memref_slice %arg4[%mul3A_28] : memref<256000xf32, #tpu.memory_space<hbm>> -> memref<4000xf32, #tpu.memory_space<hbm>>
      %dma_start3A_163 = tpu.memref_slice %arg4[%mul3A_28] : memref<256000xf32, #tpu.memory_space<hbm>> -> memref<4000xf32, #tpu.memory_space<hbm>>
      tpu.enqueue_dma source(%dma_start3A_163 : memref<4000xf32, #tpu.memory_space<hbm>>) target(%arg15 : memref<4000xf32, #tpu.memory_space<vmem>>) target_semaphore(%run_scoped3A : memref<!tpu.dma_semaphore, #tpu.memory_space<semaphore_mem>>)
      %dma_wait3A = tpu.memref_slice %arg4[%mul3A_28] : memref<256000xf32, #tpu.memory_space<hbm>> -> memref<4000xf32, #tpu.memory_space<hbm>>
      %dma_wait3A_164 = tpu.memref_slice %arg4[%mul3A_28] : memref<256000xf32, #tpu.memory_space<hbm>> -> memref<4000xf32, #tpu.memory_space<hbm>>
      tpu.wait_dma2 semaphore(%run_scoped3A : memref<!tpu.dma_semaphore, #tpu.memory_space<semaphore_mem>>) src(%dma_wait3A_164 : memref<4000xf32, #tpu.memory_space<hbm>>) dst(%arg15 : memref<4000xf32, #tpu.memory_space<vmem>>)
      tpu.yield
    }) : () -> ()
    %mul3A_29 = arith.constant 16 : i32
    %mul3A_30 = arith.muli %add3A_16, %mul3A_29 : i32
    %mul3A_31 = arith.constant 5000 : i32
    %mul3A_32 = arith.muli %mul3A_30, %mul3A_31 : i32
    "tpu.region"() ({
      %run_scoped3A = tpu.sem_alloc : memref<!tpu.dma_semaphore, #tpu.memory_space<semaphore_mem>>
      %dma_start3A = tpu.memref_slice %arg3[%mul3A_32] : memref<5120000xf32, #tpu.memory_space<hbm>> -> memref<80000xf32, #tpu.memory_space<hbm>>
      %dma_start3A_163 = tpu.memref_slice %arg3[%mul3A_32] : memref<5120000xf32, #tpu.memory_space<hbm>> -> memref<80000xf32, #tpu.memory_space<hbm>>
      tpu.enqueue_dma source(%dma_start3A_163 : memref<80000xf32, #tpu.memory_space<hbm>>) target(%arg14 : memref<80000xf32, #tpu.memory_space<vmem>>) target_semaphore(%run_scoped3A : memref<!tpu.dma_semaphore, #tpu.memory_space<semaphore_mem>>)
      %dma_wait3A = tpu.memref_slice %arg3[%mul3A_32] : memref<5120000xf32, #tpu.memory_space<hbm>> -> memref<80000xf32, #tpu.memory_space<hbm>>
      %dma_wait3A_164 = tpu.memref_slice %arg3[%mul3A_32] : memref<5120000xf32, #tpu.memory_space<hbm>> -> memref<80000xf32, #tpu.memory_space<hbm>>
      tpu.wait_dma2 semaphore(%run_scoped3A : memref<!tpu.dma_semaphore, #tpu.memory_space<semaphore_mem>>) src(%dma_wait3A_164 : memref<80000xf32, #tpu.memory_space<hbm>>) dst(%arg14 : memref<80000xf32, #tpu.memory_space<vmem>>)
      tpu.yield
    }) : () -> ()
    %scan3A = arith.constant 0 : i32
    %scan3A_33 = arith.constant 0 : i32
    %scan3A_34 = arith.constant 200 : i32
    %scan3A_35 = arith.addi %scan3A_33, %scan3A_34 : i32
    %scan3A_36 = arith.constant 1 : i32
    scf.for %scan3A_163 = %scan3A_33 to %scan3A_35 step %scan3A_36  : i32 {
      %add3A_164 = vector.broadcast %scan3A_163 : i32 to vector<16xi32>
      %add3A_165 = arith.addi %mul3A_3, %add3A_164 : vector<16xi32>
      %gather3A = tpu.vector_load_idx %arg9[%add3A_165] : memref<3200xf32, #tpu.memory_space<vmem>>[vector<16xi32>], vector<16xf32>,
      %mul3A_166 = arith.constant 16 : i32
      %mul3A_167 = arith.muli %scan3A_163, %mul3A_166 : i32
      %swap3A = arith.index_cast %mul3A_167 : i32 to index
      %swap3A_168 = tpu.vector_load %arg10[%swap3A] {strides = array<i32>} : memref<3200xf32, #tpu.memory_space<vmem>>, vector<16xf32>,
      tpu.vector_store %arg10[%swap3A], %gather3A {strides = array<i32>} : memref<3200xf32, #tpu.memory_space<vmem>>, vector<16xf32>,
    }
    %scan3A_37 = arith.constant 200 : i32
    %broadcast_in_dim3A = arith.constant -3.000000e+38 : f32
    %broadcast_in_dim3A_38 = vector.broadcast %broadcast_in_dim3A : f32 to vector<16xf32>
    %scan3A_39 = arith.constant 0 : i32
    %scan3A_40 = arith.constant 200 : i32
    %scan3A_41 = arith.addi %scan3A_39, %scan3A_40 : i32
    %scan3A_42 = arith.constant 1 : i32
    %scan3A_43 = scf.for %scan3A_163 = %scan3A_39 to %scan3A_41 step %scan3A_42 iter_args(%scan3A_164 = %broadcast_in_dim3A_38) -> (vector<16xf32>)  : i32 {
      %mul3A_165 = arith.constant 16 : i32
      %mul3A_166 = arith.muli %scan3A_163, %mul3A_165 : i32
      %get3A = arith.index_cast %mul3A_166 : i32 to index
      %get3A_167 = tpu.vector_load %arg10[%get3A] {strides = array<i32>} : memref<3200xf32, #tpu.memory_space<vmem>>, vector<16xf32>,
      %max3A = arith.maximumf %scan3A_164, %get3A_167 : vector<16xf32>
      scf.yield %max3A : vector<16xf32>
    }
    %scan3A_44 = arith.constant 200 : i32
    %broadcast_in_dim3A_45 = arith.constant 0.000000e+00 : f32
    %broadcast_in_dim3A_46 = vector.broadcast %broadcast_in_dim3A_45 : f32 to vector<16xf32>
    %scan3A_47 = arith.constant 0 : i32
    %scan3A_48 = arith.constant 200 : i32
    %scan3A_49 = arith.addi %scan3A_47, %scan3A_48 : i32
    %scan3A_50 = arith.constant 1 : i32
    %scan3A_51 = scf.for %scan3A_163 = %scan3A_47 to %scan3A_49 step %scan3A_50 iter_args(%scan3A_164 = %broadcast_in_dim3A_46) -> (vector<16xf32>)  : i32 {
      %mul3A_165 = arith.constant 16 : i32
      %mul3A_166 = arith.muli %scan3A_163, %mul3A_165 : i32
      %get3A = arith.index_cast %mul3A_166 : i32 to index
      %get3A_167 = tpu.vector_load %arg10[%get3A] {strides = array<i32>} : memref<3200xf32, #tpu.memory_space<vmem>>, vector<16xf32>,
      %sub3A = arith.subf %get3A_167, %scan3A_43 : vector<16xf32>
      %exp3A = math.exp %sub3A : vector<16xf32>
      %mul3A_168 = arith.constant 16 : i32
      %mul3A_169 = arith.muli %scan3A_163, %mul3A_168 : i32
      %swap3A = arith.index_cast %mul3A_169 : i32 to index
      %swap3A_170 = tpu.vector_load %arg11[%swap3A] {strides = array<i32>} : memref<3200xf32, #tpu.memory_space<vmem>>, vector<16xf32>,
      tpu.vector_store %arg11[%swap3A], %exp3A {strides = array<i32>} : memref<3200xf32, #tpu.memory_space<vmem>>, vector<16xf32>,
      %add3A_171 = arith.addf %scan3A_164, %exp3A : vector<16xf32>
      scf.yield %add3A_171 : vector<16xf32>
    }
    %scan3A_52 = arith.constant 200 : i32
    %scan3A_53 = arith.constant 0 : i32
    %scan3A_54 = arith.constant 0 : i32
    %scan3A_55 = arith.constant 25 : i32
    %scan3A_56 = arith.addi %scan3A_54, %scan3A_55 : i32
    %scan3A_57 = arith.constant 1 : i32
    scf.for %scan3A_163 = %scan3A_54 to %scan3A_56 step %scan3A_57  : i32 {
      %mul3A_164 = arith.constant 200 : i32
      %mul3A_165 = arith.muli %scan3A_163, %mul3A_164 : i32
      %add3A_166 = vector.broadcast %mul3A_165 : i32 to vector<16xi32>
      %add3A_167 = arith.addi %mul3A_6, %add3A_166 : vector<16xi32>
      %broadcast_in_dim3A_168 = arith.constant -3.000000e+38 : f32
      %broadcast_in_dim3A_169 = vector.broadcast %broadcast_in_dim3A_168 : f32 to vector<16xf32>
      %broadcast_in_dim3A_170 = arith.constant -3.000000e+38 : f32
      %broadcast_in_dim3A_171 = vector.broadcast %broadcast_in_dim3A_170 : f32 to vector<16xf32>
      %broadcast_in_dim3A_172 = arith.constant -3.000000e+38 : f32
      %broadcast_in_dim3A_173 = vector.broadcast %broadcast_in_dim3A_172 : f32 to vector<16xf32>
      %broadcast_in_dim3A_174 = arith.constant -3.000000e+38 : f32
      %broadcast_in_dim3A_175 = vector.broadcast %broadcast_in_dim3A_174 : f32 to vector<16xf32>
      %broadcast_in_dim3A_176 = arith.constant -3.000000e+38 : f32
      %broadcast_in_dim3A_177 = vector.broadcast %broadcast_in_dim3A_176 : f32 to vector<16xf32>
      %broadcast_in_dim3A_178 = arith.constant -3.000000e+38 : f32
      %broadcast_in_dim3A_179 = vector.broadcast %broadcast_in_dim3A_178 : f32 to vector<16xf32>
      %broadcast_in_dim3A_180 = arith.constant -3.000000e+38 : f32
      %broadcast_in_dim3A_181 = vector.broadcast %broadcast_in_dim3A_180 : f32 to vector<16xf32>
      %broadcast_in_dim3A_182 = arith.constant -3.000000e+38 : f32
      %broadcast_in_dim3A_183 = vector.broadcast %broadcast_in_dim3A_182 : f32 to vector<16xf32>
      %broadcast_in_dim3A_184 = arith.constant -3.000000e+38 : f32
      %broadcast_in_dim3A_185 = vector.broadcast %broadcast_in_dim3A_184 : f32 to vector<16xf32>
      %broadcast_in_dim3A_186 = arith.constant -3.000000e+38 : f32
      %broadcast_in_dim3A_187 = vector.broadcast %broadcast_in_dim3A_186 : f32 to vector<16xf32>
      %broadcast_in_dim3A_188 = arith.constant 0 : i32
      %broadcast_in_dim3A_189 = vector.broadcast %broadcast_in_dim3A_188 : i32 to vector<16xi32>
      %broadcast_in_dim3A_190 = arith.constant 0 : i32
      %broadcast_in_dim3A_191 = vector.broadcast %broadcast_in_dim3A_190 : i32 to vector<16xi32>
      %broadcast_in_dim3A_192 = arith.constant 0 : i32
      %broadcast_in_dim3A_193 = vector.broadcast %broadcast_in_dim3A_192 : i32 to vector<16xi32>
      %broadcast_in_dim3A_194 = arith.constant 0 : i32
      %broadcast_in_dim3A_195 = vector.broadcast %broadcast_in_dim3A_194 : i32 to vector<16xi32>
      %broadcast_in_dim3A_196 = arith.constant 0 : i32
      %broadcast_in_dim3A_197 = vector.broadcast %broadcast_in_dim3A_196 : i32 to vector<16xi32>
      %broadcast_in_dim3A_198 = arith.constant 0 : i32
      %broadcast_in_dim3A_199 = vector.broadcast %broadcast_in_dim3A_198 : i32 to vector<16xi32>
      %broadcast_in_dim3A_200 = arith.constant 0 : i32
      %broadcast_in_dim3A_201 = vector.broadcast %broadcast_in_dim3A_200 : i32 to vector<16xi32>
      %broadcast_in_dim3A_202 = arith.constant 0 : i32
      %broadcast_in_dim3A_203 = vector.broadcast %broadcast_in_dim3A_202 : i32 to vector<16xi32>
      %broadcast_in_dim3A_204 = arith.constant 0 : i32
      %broadcast_in_dim3A_205 = vector.broadcast %broadcast_in_dim3A_204 : i32 to vector<16xi32>
      %broadcast_in_dim3A_206 = arith.constant 0 : i32
      %broadcast_in_dim3A_207 = vector.broadcast %broadcast_in_dim3A_206 : i32 to vector<16xi32>
      %scan3A_208 = arith.constant 0 : i32
      %scan3A_209 = arith.constant 200 : i32
      %scan3A_210 = arith.addi %scan3A_208, %scan3A_209 : i32
      %scan3A_211 = arith.constant 1 : i32
      %scan3A_212:20 = scf.for %scan3A_1469 = %scan3A_208 to %scan3A_210 step %scan3A_211 iter_args(%scan3A_1470 = %broadcast_in_dim3A_169, %scan3A_1471 = %broadcast_in_dim3A_171, %scan3A_1472 = %broadcast_in_dim3A_173, %scan3A_1473 = %broadcast_in_dim3A_175, %scan3A_1474 = %broadcast_in_dim3A_177, %scan3A_1475 = %broadcast_in_dim3A_179, %scan3A_1476 = %broadcast_in_dim3A_181, %scan3A_1477 = %broadcast_in_dim3A_183, %scan3A_1478 = %broadcast_in_dim3A_185, %scan3A_1479 = %broadcast_in_dim3A_187, %scan3A_1480 = %broadcast_in_dim3A_189, %scan3A_1481 = %broadcast_in_dim3A_191, %scan3A_1482 = %broadcast_in_dim3A_193, %scan3A_1483 = %broadcast_in_dim3A_195, %scan3A_1484 = %broadcast_in_dim3A_197, %scan3A_1485 = %broadcast_in_dim3A_199, %scan3A_1486 = %broadcast_in_dim3A_201, %scan3A_1487 = %broadcast_in_dim3A_203, %scan3A_1488 = %broadcast_in_dim3A_205, %scan3A_1489 = %broadcast_in_dim3A_207) -> (vector<16xf32>, vector<16xf32>, vector<16xf32>, vector<16xf32>, vector<16xf32>, vector<16xf32>, vector<16xf32>, vector<16xf32>, vector<16xf32>, vector<16xf32>, vector<16xi32>, vector<16xi32>, vector<16xi32>, vector<16xi32>, vector<16xi32>, vector<16xi32>, vector<16xi32>, vector<16xi32>, vector<16xi32>, vector<16xi32>)  : i32 {
        %add3A_1490 = vector.broadcast %scan3A_1469 : i32 to vector<16xi32>
        %add3A_1491 = arith.addi %add3A_167, %add3A_1490 : vector<16xi32>
        %gather3A_1492 = tpu.vector_load_idx %arg14[%add3A_1491] : memref<80000xf32, #tpu.memory_space<vmem>>[vector<16xi32>], vector<16xf32>,
        %mul3A_1493 = arith.constant 16 : i32
        %mul3A_1494 = arith.muli %scan3A_1469, %mul3A_1493 : i32
        %get3A = arith.index_cast %mul3A_1494 : i32 to index
        %get3A_1495 = tpu.vector_load %arg10[%get3A] {strides = array<i32>} : memref<3200xf32, #tpu.memory_space<vmem>>, vector<16xf32>,
        %add3A_1496 = arith.addf %get3A_1495, %gather3A_1492 : vector<16xf32>
        %broadcast_in_dim3A_1497 = vector.broadcast %scan3A_1469 : i32 to vector<16xi32>
        %gt3A = arith.cmpf ogt, %add3A_1496, %scan3A_1470 : vector<16xf32>
        %select_n3A_1498 = arith.select %gt3A, %add3A_1496, %scan3A_1470 : vector<16xi1>, vector<16xf32>
        %select_n3A_1499 = arith.select %gt3A, %broadcast_in_dim3A_1497, %scan3A_1480 : vector<16xi1>, vector<16xi32>
        %gt3A_1500 = arith.cmpf ogt, %add3A_1496, %scan3A_1471 : vector<16xf32>
        %select_n3A_1501 = arith.select %gt3A, %scan3A_1470, %add3A_1496 : vector<16xi1>, vector<16xf32>
        %select_n3A_1502 = arith.select %gt3A_1500, %select_n3A_1501, %scan3A_1471 : vector<16xi1>, vector<16xf32>
        %select_n3A_1503 = arith.select %gt3A, %scan3A_1480, %broadcast_in_dim3A_1497 : vector<16xi1>, vector<16xi32>
        %select_n3A_1504 = arith.select %gt3A_1500, %select_n3A_1503, %scan3A_1481 : vector<16xi1>, vector<16xi32>
        %gt3A_1505 = arith.cmpf ogt, %add3A_1496, %scan3A_1472 : vector<16xf32>
        %select_n3A_1506 = arith.select %gt3A_1500, %scan3A_1471, %add3A_1496 : vector<16xi1>, vector<16xf32>
        %select_n3A_1507 = arith.select %gt3A_1505, %select_n3A_1506, %scan3A_1472 : vector<16xi1>, vector<16xf32>
        %select_n3A_1508 = arith.select %gt3A_1500, %scan3A_1481, %broadcast_in_dim3A_1497 : vector<16xi1>, vector<16xi32>
        %select_n3A_1509 = arith.select %gt3A_1505, %select_n3A_1508, %scan3A_1482 : vector<16xi1>, vector<16xi32>
        %gt3A_1510 = arith.cmpf ogt, %add3A_1496, %scan3A_1473 : vector<16xf32>
        %select_n3A_1511 = arith.select %gt3A_1505, %scan3A_1472, %add3A_1496 : vector<16xi1>, vector<16xf32>
        %select_n3A_1512 = arith.select %gt3A_1510, %select_n3A_1511, %scan3A_1473 : vector<16xi1>, vector<16xf32>
        %select_n3A_1513 = arith.select %gt3A_1505, %scan3A_1482, %broadcast_in_dim3A_1497 : vector<16xi1>, vector<16xi32>
        %select_n3A_1514 = arith.select %gt3A_1510, %select_n3A_1513, %scan3A_1483 : vector<16xi1>, vector<16xi32>
        %gt3A_1515 = arith.cmpf ogt, %add3A_1496, %scan3A_1474 : vector<16xf32>
        %select_n3A_1516 = arith.select %gt3A_1510, %scan3A_1473, %add3A_1496 : vector<16xi1>, vector<16xf32>
        %select_n3A_1517 = arith.select %gt3A_1515, %select_n3A_1516, %scan3A_1474 : vector<16xi1>, vector<16xf32>
        %select_n3A_1518 = arith.select %gt3A_1510, %scan3A_1483, %broadcast_in_dim3A_1497 : vector<16xi1>, vector<16xi32>
        %select_n3A_1519 = arith.select %gt3A_1515, %select_n3A_1518, %scan3A_1484 : vector<16xi1>, vector<16xi32>
        %gt3A_1520 = arith.cmpf ogt, %add3A_1496, %scan3A_1475 : vector<16xf32>
        %select_n3A_1521 = arith.select %gt3A_1515, %scan3A_1474, %add3A_1496 : vector<16xi1>, vector<16xf32>
        %select_n3A_1522 = arith.select %gt3A_1520, %select_n3A_1521, %scan3A_1475 : vector<16xi1>, vector<16xf32>
        %select_n3A_1523 = arith.select %gt3A_1515, %scan3A_1484, %broadcast_in_dim3A_1497 : vector<16xi1>, vector<16xi32>
        %select_n3A_1524 = arith.select %gt3A_1520, %select_n3A_1523, %scan3A_1485 : vector<16xi1>, vector<16xi32>
        %gt3A_1525 = arith.cmpf ogt, %add3A_1496, %scan3A_1476 : vector<16xf32>
        %select_n3A_1526 = arith.select %gt3A_1520, %scan3A_1475, %add3A_1496 : vector<16xi1>, vector<16xf32>
        %select_n3A_1527 = arith.select %gt3A_1525, %select_n3A_1526, %scan3A_1476 : vector<16xi1>, vector<16xf32>
        %select_n3A_1528 = arith.select %gt3A_1520, %scan3A_1485, %broadcast_in_dim3A_1497 : vector<16xi1>, vector<16xi32>
        %select_n3A_1529 = arith.select %gt3A_1525, %select_n3A_1528, %scan3A_1486 : vector<16xi1>, vector<16xi32>
        %gt3A_1530 = arith.cmpf ogt, %add3A_1496, %scan3A_1477 : vector<16xf32>
        %select_n3A_1531 = arith.select %gt3A_1525, %scan3A_1476, %add3A_1496 : vector<16xi1>, vector<16xf32>
        %select_n3A_1532 = arith.select %gt3A_1530, %select_n3A_1531, %scan3A_1477 : vector<16xi1>, vector<16xf32>
        %select_n3A_1533 = arith.select %gt3A_1525, %scan3A_1486, %broadcast_in_dim3A_1497 : vector<16xi1>, vector<16xi32>
        %select_n3A_1534 = arith.select %gt3A_1530, %select_n3A_1533, %scan3A_1487 : vector<16xi1>, vector<16xi32>
        %gt3A_1535 = arith.cmpf ogt, %add3A_1496, %scan3A_1478 : vector<16xf32>
        %select_n3A_1536 = arith.select %gt3A_1530, %scan3A_1477, %add3A_1496 : vector<16xi1>, vector<16xf32>
        %select_n3A_1537 = arith.select %gt3A_1535, %select_n3A_1536, %scan3A_1478 : vector<16xi1>, vector<16xf32>
        %select_n3A_1538 = arith.select %gt3A_1530, %scan3A_1487, %broadcast_in_dim3A_1497 : vector<16xi1>, vector<16xi32>
        %select_n3A_1539 = arith.select %gt3A_1535, %select_n3A_1538, %scan3A_1488 : vector<16xi1>, vector<16xi32>
        %gt3A_1540 = arith.cmpf ogt, %add3A_1496, %scan3A_1479 : vector<16xf32>
        %select_n3A_1541 = arith.select %gt3A_1535, %scan3A_1478, %add3A_1496 : vector<16xi1>, vector<16xf32>
        %select_n3A_1542 = arith.select %gt3A_1540, %select_n3A_1541, %scan3A_1479 : vector<16xi1>, vector<16xf32>
        %select_n3A_1543 = arith.select %gt3A_1535, %scan3A_1488, %broadcast_in_dim3A_1497 : vector<16xi1>, vector<16xi32>
        %select_n3A_1544 = arith.select %gt3A_1540, %select_n3A_1543, %scan3A_1489 : vector<16xi1>, vector<16xi32>
        scf.yield %select_n3A_1498, %select_n3A_1502, %select_n3A_1507, %select_n3A_1512, %select_n3A_1517, %select_n3A_1522, %select_n3A_1527, %select_n3A_1532, %select_n3A_1537, %select_n3A_1542, %select_n3A_1499, %select_n3A_1504, %select_n3A_1509, %select_n3A_1514, %select_n3A_1519, %select_n3A_1524, %select_n3A_1529, %select_n3A_1534, %select_n3A_1539, %select_n3A_1544 : vector<16xf32>, vector<16xf32>, vector<16xf32>, vector<16xf32>, vector<16xf32>, vector<16xf32>, vector<16xf32>, vector<16xf32>, vector<16xf32>, vector<16xf32>, vector<16xi32>, vector<16xi32>, vector<16xi32>, vector<16xi32>, vector<16xi32>, vector<16xi32>, vector<16xi32>, vector<16xi32>, vector<16xi32>, vector<16xi32>
      }
      %scan3A_213 = arith.constant 200 : i32
      %mul3A_214 = arith.constant 16 : i32
      %mul3A_215 = vector.broadcast %mul3A_214 : i32 to vector<16xi32>
      %mul3A_216 = arith.muli %scan3A_212#10, %mul3A_215 : vector<16xi32>
      %add3A_217 = arith.addi %mul3A_216, %iota3A : vector<16xi32>
      %gather3A = tpu.vector_load_idx %arg11[%add3A_217] : memref<3200xf32, #tpu.memory_space<vmem>>[vector<16xi32>], vector<16xf32>,
      %add3A_218 = arith.addi %mul3A_3, %scan3A_212#10 : vector<16xi32>
      %gather3A_219 = tpu.vector_load_idx %arg12[%add3A_218] : memref<3200xf32, #tpu.memory_space<vmem>>[vector<16xi32>], vector<16xf32>,
      %mul3A_220 = arith.constant 4 : i32
      %mul3A_221 = vector.broadcast %mul3A_220 : i32 to vector<16xi32>
      %mul3A_222 = arith.muli %scan3A_212#10, %mul3A_221 : vector<16xi32>
      %add3A_223 = arith.addi %mul3A_12, %mul3A_222 : vector<16xi32>
      %add3A_224 = arith.constant 0 : i32
      %add3A_225 = vector.broadcast %add3A_224 : i32 to vector<16xi32>
      %add3A_226 = arith.addi %add3A_223, %add3A_225 : vector<16xi32>
      %gather3A_227 = tpu.vector_load_idx %arg13[%add3A_226] : memref<12800xf32, #tpu.memory_space<vmem>>[vector<16xi32>], vector<16xf32>,
      %add3A_228 = arith.constant 1 : i32
      %add3A_229 = vector.broadcast %add3A_228 : i32 to vector<16xi32>
      %add3A_230 = arith.addi %add3A_223, %add3A_229 : vector<16xi32>
      %gather3A_231 = tpu.vector_load_idx %arg13[%add3A_230] : memref<12800xf32, #tpu.memory_space<vmem>>[vector<16xi32>], vector<16xf32>,
      %add3A_232 = arith.constant 2 : i32
      %add3A_233 = vector.broadcast %add3A_232 : i32 to vector<16xi32>
      %add3A_234 = arith.addi %add3A_223, %add3A_233 : vector<16xi32>
      %gather3A_235 = tpu.vector_load_idx %arg13[%add3A_234] : memref<12800xf32, #tpu.memory_space<vmem>>[vector<16xi32>], vector<16xf32>,
      %add3A_236 = arith.constant 3 : i32
      %add3A_237 = vector.broadcast %add3A_236 : i32 to vector<16xi32>
      %add3A_238 = arith.addi %add3A_223, %add3A_237 : vector<16xi32>
      %gather3A_239 = tpu.vector_load_idx %arg13[%add3A_238] : memref<12800xf32, #tpu.memory_space<vmem>>[vector<16xi32>], vector<16xf32>,
      %mul3A_240 = arith.constant 16 : i32
      %mul3A_241 = vector.broadcast %mul3A_240 : i32 to vector<16xi32>
      %mul3A_242 = arith.muli %scan3A_212#11, %mul3A_241 : vector<16xi32>
      %add3A_243 = arith.addi %mul3A_242, %iota3A : vector<16xi32>
      %gather3A_244 = tpu.vector_load_idx %arg11[%add3A_243] : memref<3200xf32, #tpu.memory_space<vmem>>[vector<16xi32>], vector<16xf32>,
      %add3A_245 = arith.addi %mul3A_3, %scan3A_212#11 : vector<16xi32>
      %gather3A_246 = tpu.vector_load_idx %arg12[%add3A_245] : memref<3200xf32, #tpu.memory_space<vmem>>[vector<16xi32>], vector<16xf32>,
      %mul3A_247 = arith.constant 4 : i32
      %mul3A_248 = vector.broadcast %mul3A_247 : i32 to vector<16xi32>
      %mul3A_249 = arith.muli %scan3A_212#11, %mul3A_248 : vector<16xi32>
      %add3A_250 = arith.addi %mul3A_12, %mul3A_249 : vector<16xi32>
      %add3A_251 = arith.constant 0 : i32
      %add3A_252 = vector.broadcast %add3A_251 : i32 to vector<16xi32>
      %add3A_253 = arith.addi %add3A_250, %add3A_252 : vector<16xi32>
      %gather3A_254 = tpu.vector_load_idx %arg13[%add3A_253] : memref<12800xf32, #tpu.memory_space<vmem>>[vector<16xi32>], vector<16xf32>,
      %add3A_255 = arith.constant 1 : i32
      %add3A_256 = vector.broadcast %add3A_255 : i32 to vector<16xi32>
      %add3A_257 = arith.addi %add3A_250, %add3A_256 : vector<16xi32>
      %gather3A_258 = tpu.vector_load_idx %arg13[%add3A_257] : memref<12800xf32, #tpu.memory_space<vmem>>[vector<16xi32>], vector<16xf32>,
      %add3A_259 = arith.constant 2 : i32
      %add3A_260 = vector.broadcast %add3A_259 : i32 to vector<16xi32>
      %add3A_261 = arith.addi %add3A_250, %add3A_260 : vector<16xi32>
      %gather3A_262 = tpu.vector_load_idx %arg13[%add3A_261] : memref<12800xf32, #tpu.memory_space<vmem>>[vector<16xi32>], vector<16xf32>,
      %add3A_263 = arith.constant 3 : i32
      %add3A_264 = vector.broadcast %add3A_263 : i32 to vector<16xi32>
      %add3A_265 = arith.addi %add3A_250, %add3A_264 : vector<16xi32>
      %gather3A_266 = tpu.vector_load_idx %arg13[%add3A_265] : memref<12800xf32, #tpu.memory_space<vmem>>[vector<16xi32>], vector<16xf32>,
      %mul3A_267 = arith.constant 16 : i32
      %mul3A_268 = vector.broadcast %mul3A_267 : i32 to vector<16xi32>
      %mul3A_269 = arith.muli %scan3A_212#12, %mul3A_268 : vector<16xi32>
      %add3A_270 = arith.addi %mul3A_269, %iota3A : vector<16xi32>
      %gather3A_271 = tpu.vector_load_idx %arg11[%add3A_270] : memref<3200xf32, #tpu.memory_space<vmem>>[vector<16xi32>], vector<16xf32>,
      %add3A_272 = arith.addi %mul3A_3, %scan3A_212#12 : vector<16xi32>
      %gather3A_273 = tpu.vector_load_idx %arg12[%add3A_272] : memref<3200xf32, #tpu.memory_space<vmem>>[vector<16xi32>], vector<16xf32>,
      %mul3A_274 = arith.constant 4 : i32
      %mul3A_275 = vector.broadcast %mul3A_274 : i32 to vector<16xi32>
      %mul3A_276 = arith.muli %scan3A_212#12, %mul3A_275 : vector<16xi32>
      %add3A_277 = arith.addi %mul3A_12, %mul3A_276 : vector<16xi32>
      %add3A_278 = arith.constant 0 : i32
      %add3A_279 = vector.broadcast %add3A_278 : i32 to vector<16xi32>
      %add3A_280 = arith.addi %add3A_277, %add3A_279 : vector<16xi32>
      %gather3A_281 = tpu.vector_load_idx %arg13[%add3A_280] : memref<12800xf32, #tpu.memory_space<vmem>>[vector<16xi32>], vector<16xf32>,
      %add3A_282 = arith.constant 1 : i32
      %add3A_283 = vector.broadcast %add3A_282 : i32 to vector<16xi32>
      %add3A_284 = arith.addi %add3A_277, %add3A_283 : vector<16xi32>
      %gather3A_285 = tpu.vector_load_idx %arg13[%add3A_284] : memref<12800xf32, #tpu.memory_space<vmem>>[vector<16xi32>], vector<16xf32>,
      %add3A_286 = arith.constant 2 : i32
      %add3A_287 = vector.broadcast %add3A_286 : i32 to vector<16xi32>
      %add3A_288 = arith.addi %add3A_277, %add3A_287 : vector<16xi32>
      %gather3A_289 = tpu.vector_load_idx %arg13[%add3A_288] : memref<12800xf32, #tpu.memory_space<vmem>>[vector<16xi32>], vector<16xf32>,
      %add3A_290 = arith.constant 3 : i32
      %add3A_291 = vector.broadcast %add3A_290 : i32 to vector<16xi32>
      %add3A_292 = arith.addi %add3A_277, %add3A_291 : vector<16xi32>
      %gather3A_293 = tpu.vector_load_idx %arg13[%add3A_292] : memref<12800xf32, #tpu.memory_space<vmem>>[vector<16xi32>], vector<16xf32>,
      %mul3A_294 = arith.constant 16 : i32
      %mul3A_295 = vector.broadcast %mul3A_294 : i32 to vector<16xi32>
      %mul3A_296 = arith.muli %scan3A_212#13, %mul3A_295 : vector<16xi32>
      %add3A_297 = arith.addi %mul3A_296, %iota3A : vector<16xi32>
      %gather3A_298 = tpu.vector_load_idx %arg11[%add3A_297] : memref<3200xf32, #tpu.memory_space<vmem>>[vector<16xi32>], vector<16xf32>,
      %add3A_299 = arith.addi %mul3A_3, %scan3A_212#13 : vector<16xi32>
      %gather3A_300 = tpu.vector_load_idx %arg12[%add3A_299] : memref<3200xf32, #tpu.memory_space<vmem>>[vector<16xi32>], vector<16xf32>,
      %mul3A_301 = arith.constant 4 : i32
      %mul3A_302 = vector.broadcast %mul3A_301 : i32 to vector<16xi32>
      %mul3A_303 = arith.muli %scan3A_212#13, %mul3A_302 : vector<16xi32>
      %add3A_304 = arith.addi %mul3A_12, %mul3A_303 : vector<16xi32>
      %add3A_305 = arith.constant 0 : i32
      %add3A_306 = vector.broadcast %add3A_305 : i32 to vector<16xi32>
      %add3A_307 = arith.addi %add3A_304, %add3A_306 : vector<16xi32>
      %gather3A_308 = tpu.vector_load_idx %arg13[%add3A_307] : memref<12800xf32, #tpu.memory_space<vmem>>[vector<16xi32>], vector<16xf32>,
      %add3A_309 = arith.constant 1 : i32
      %add3A_310 = vector.broadcast %add3A_309 : i32 to vector<16xi32>
      %add3A_311 = arith.addi %add3A_304, %add3A_310 : vector<16xi32>
      %gather3A_312 = tpu.vector_load_idx %arg13[%add3A_311] : memref<12800xf32, #tpu.memory_space<vmem>>[vector<16xi32>], vector<16xf32>,
      %add3A_313 = arith.constant 2 : i32
      %add3A_314 = vector.broadcast %add3A_313 : i32 to vector<16xi32>
      %add3A_315 = arith.addi %add3A_304, %add3A_314 : vector<16xi32>
      %gather3A_316 = tpu.vector_load_idx %arg13[%add3A_315] : memref<12800xf32, #tpu.memory_space<vmem>>[vector<16xi32>], vector<16xf32>,
      %add3A_317 = arith.constant 3 : i32
      %add3A_318 = vector.broadcast %add3A_317 : i32 to vector<16xi32>
      %add3A_319 = arith.addi %add3A_304, %add3A_318 : vector<16xi32>
      %gather3A_320 = tpu.vector_load_idx %arg13[%add3A_319] : memref<12800xf32, #tpu.memory_space<vmem>>[vector<16xi32>], vector<16xf32>,
      %mul3A_321 = arith.constant 16 : i32
      %mul3A_322 = vector.broadcast %mul3A_321 : i32 to vector<16xi32>
      %mul3A_323 = arith.muli %scan3A_212#14, %mul3A_322 : vector<16xi32>
      %add3A_324 = arith.addi %mul3A_323, %iota3A : vector<16xi32>
      %gather3A_325 = tpu.vector_load_idx %arg11[%add3A_324] : memref<3200xf32, #tpu.memory_space<vmem>>[vector<16xi32>], vector<16xf32>,
      %add3A_326 = arith.addi %mul3A_3, %scan3A_212#14 : vector<16xi32>
      %gather3A_327 = tpu.vector_load_idx %arg12[%add3A_326] : memref<3200xf32, #tpu.memory_space<vmem>>[vector<16xi32>], vector<16xf32>,
      %mul3A_328 = arith.constant 4 : i32
      %mul3A_329 = vector.broadcast %mul3A_328 : i32 to vector<16xi32>
      %mul3A_330 = arith.muli %scan3A_212#14, %mul3A_329 : vector<16xi32>
      %add3A_331 = arith.addi %mul3A_12, %mul3A_330 : vector<16xi32>
      %add3A_332 = arith.constant 0 : i32
      %add3A_333 = vector.broadcast %add3A_332 : i32 to vector<16xi32>
      %add3A_334 = arith.addi %add3A_331, %add3A_333 : vector<16xi32>
      %gather3A_335 = tpu.vector_load_idx %arg13[%add3A_334] : memref<12800xf32, #tpu.memory_space<vmem>>[vector<16xi32>], vector<16xf32>,
      %add3A_336 = arith.constant 1 : i32
      %add3A_337 = vector.broadcast %add3A_336 : i32 to vector<16xi32>
      %add3A_338 = arith.addi %add3A_331, %add3A_337 : vector<16xi32>
      %gather3A_339 = tpu.vector_load_idx %arg13[%add3A_338] : memref<12800xf32, #tpu.memory_space<vmem>>[vector<16xi32>], vector<16xf32>,
      %add3A_340 = arith.constant 2 : i32
      %add3A_341 = vector.broadcast %add3A_340 : i32 to vector<16xi32>
      %add3A_342 = arith.addi %add3A_331, %add3A_341 : vector<16xi32>
      %gather3A_343 = tpu.vector_load_idx %arg13[%add3A_342] : memref<12800xf32, #tpu.memory_space<vmem>>[vector<16xi32>], vector<16xf32>,
      %add3A_344 = arith.constant 3 : i32
      %add3A_345 = vector.broadcast %add3A_344 : i32 to vector<16xi32>
      %add3A_346 = arith.addi %add3A_331, %add3A_345 : vector<16xi32>
      %gather3A_347 = tpu.vector_load_idx %arg13[%add3A_346] : memref<12800xf32, #tpu.memory_space<vmem>>[vector<16xi32>], vector<16xf32>,
      %mul3A_348 = arith.constant 16 : i32
      %mul3A_349 = vector.broadcast %mul3A_348 : i32 to vector<16xi32>
      %mul3A_350 = arith.muli %scan3A_212#15, %mul3A_349 : vector<16xi32>
      %add3A_351 = arith.addi %mul3A_350, %iota3A : vector<16xi32>
      %gather3A_352 = tpu.vector_load_idx %arg11[%add3A_351] : memref<3200xf32, #tpu.memory_space<vmem>>[vector<16xi32>], vector<16xf32>,
      %add3A_353 = arith.addi %mul3A_3, %scan3A_212#15 : vector<16xi32>
      %gather3A_354 = tpu.vector_load_idx %arg12[%add3A_353] : memref<3200xf32, #tpu.memory_space<vmem>>[vector<16xi32>], vector<16xf32>,
      %mul3A_355 = arith.constant 4 : i32
      %mul3A_356 = vector.broadcast %mul3A_355 : i32 to vector<16xi32>
      %mul3A_357 = arith.muli %scan3A_212#15, %mul3A_356 : vector<16xi32>
      %add3A_358 = arith.addi %mul3A_12, %mul3A_357 : vector<16xi32>
      %add3A_359 = arith.constant 0 : i32
      %add3A_360 = vector.broadcast %add3A_359 : i32 to vector<16xi32>
      %add3A_361 = arith.addi %add3A_358, %add3A_360 : vector<16xi32>
      %gather3A_362 = tpu.vector_load_idx %arg13[%add3A_361] : memref<12800xf32, #tpu.memory_space<vmem>>[vector<16xi32>], vector<16xf32>,
      %add3A_363 = arith.constant 1 : i32
      %add3A_364 = vector.broadcast %add3A_363 : i32 to vector<16xi32>
      %add3A_365 = arith.addi %add3A_358, %add3A_364 : vector<16xi32>
      %gather3A_366 = tpu.vector_load_idx %arg13[%add3A_365] : memref<12800xf32, #tpu.memory_space<vmem>>[vector<16xi32>], vector<16xf32>,
      %add3A_367 = arith.constant 2 : i32
      %add3A_368 = vector.broadcast %add3A_367 : i32 to vector<16xi32>
      %add3A_369 = arith.addi %add3A_358, %add3A_368 : vector<16xi32>
      %gather3A_370 = tpu.vector_load_idx %arg13[%add3A_369] : memref<12800xf32, #tpu.memory_space<vmem>>[vector<16xi32>], vector<16xf32>,
      %add3A_371 = arith.constant 3 : i32
      %add3A_372 = vector.broadcast %add3A_371 : i32 to vector<16xi32>
      %add3A_373 = arith.addi %add3A_358, %add3A_372 : vector<16xi32>
      %gather3A_374 = tpu.vector_load_idx %arg13[%add3A_373] : memref<12800xf32, #tpu.memory_space<vmem>>[vector<16xi32>], vector<16xf32>,
      %mul3A_375 = arith.constant 16 : i32
      %mul3A_376 = vector.broadcast %mul3A_375 : i32 to vector<16xi32>
      %mul3A_377 = arith.muli %scan3A_212#16, %mul3A_376 : vector<16xi32>
      %add3A_378 = arith.addi %mul3A_377, %iota3A : vector<16xi32>
      %gather3A_379 = tpu.vector_load_idx %arg11[%add3A_378] : memref<3200xf32, #tpu.memory_space<vmem>>[vector<16xi32>], vector<16xf32>,
      %add3A_380 = arith.addi %mul3A_3, %scan3A_212#16 : vector<16xi32>
      %gather3A_381 = tpu.vector_load_idx %arg12[%add3A_380] : memref<3200xf32, #tpu.memory_space<vmem>>[vector<16xi32>], vector<16xf32>,
      %mul3A_382 = arith.constant 4 : i32
      %mul3A_383 = vector.broadcast %mul3A_382 : i32 to vector<16xi32>
      %mul3A_384 = arith.muli %scan3A_212#16, %mul3A_383 : vector<16xi32>
      %add3A_385 = arith.addi %mul3A_12, %mul3A_384 : vector<16xi32>
      %add3A_386 = arith.constant 0 : i32
      %add3A_387 = vector.broadcast %add3A_386 : i32 to vector<16xi32>
      %add3A_388 = arith.addi %add3A_385, %add3A_387 : vector<16xi32>
      %gather3A_389 = tpu.vector_load_idx %arg13[%add3A_388] : memref<12800xf32, #tpu.memory_space<vmem>>[vector<16xi32>], vector<16xf32>,
      %add3A_390 = arith.constant 1 : i32
      %add3A_391 = vector.broadcast %add3A_390 : i32 to vector<16xi32>
      %add3A_392 = arith.addi %add3A_385, %add3A_391 : vector<16xi32>
      %gather3A_393 = tpu.vector_load_idx %arg13[%add3A_392] : memref<12800xf32, #tpu.memory_space<vmem>>[vector<16xi32>], vector<16xf32>,
      %add3A_394 = arith.constant 2 : i32
      %add3A_395 = vector.broadcast %add3A_394 : i32 to vector<16xi32>
      %add3A_396 = arith.addi %add3A_385, %add3A_395 : vector<16xi32>
      %gather3A_397 = tpu.vector_load_idx %arg13[%add3A_396] : memref<12800xf32, #tpu.memory_space<vmem>>[vector<16xi32>], vector<16xf32>,
      %add3A_398 = arith.constant 3 : i32
      %add3A_399 = vector.broadcast %add3A_398 : i32 to vector<16xi32>
      %add3A_400 = arith.addi %add3A_385, %add3A_399 : vector<16xi32>
      %gather3A_401 = tpu.vector_load_idx %arg13[%add3A_400] : memref<12800xf32, #tpu.memory_space<vmem>>[vector<16xi32>], vector<16xf32>,
      %mul3A_402 = arith.constant 16 : i32
      %mul3A_403 = vector.broadcast %mul3A_402 : i32 to vector<16xi32>
      %mul3A_404 = arith.muli %scan3A_212#17, %mul3A_403 : vector<16xi32>
      %add3A_405 = arith.addi %mul3A_404, %iota3A : vector<16xi32>
      %gather3A_406 = tpu.vector_load_idx %arg11[%add3A_405] : memref<3200xf32, #tpu.memory_space<vmem>>[vector<16xi32>], vector<16xf32>,
      %add3A_407 = arith.addi %mul3A_3, %scan3A_212#17 : vector<16xi32>
      %gather3A_408 = tpu.vector_load_idx %arg12[%add3A_407] : memref<3200xf32, #tpu.memory_space<vmem>>[vector<16xi32>], vector<16xf32>,
      %mul3A_409 = arith.constant 4 : i32
      %mul3A_410 = vector.broadcast %mul3A_409 : i32 to vector<16xi32>
      %mul3A_411 = arith.muli %scan3A_212#17, %mul3A_410 : vector<16xi32>
      %add3A_412 = arith.addi %mul3A_12, %mul3A_411 : vector<16xi32>
      %add3A_413 = arith.constant 0 : i32
      %add3A_414 = vector.broadcast %add3A_413 : i32 to vector<16xi32>
      %add3A_415 = arith.addi %add3A_412, %add3A_414 : vector<16xi32>
      %gather3A_416 = tpu.vector_load_idx %arg13[%add3A_415] : memref<12800xf32, #tpu.memory_space<vmem>>[vector<16xi32>], vector<16xf32>,
      %add3A_417 = arith.constant 1 : i32
      %add3A_418 = vector.broadcast %add3A_417 : i32 to vector<16xi32>
      %add3A_419 = arith.addi %add3A_412, %add3A_418 : vector<16xi32>
      %gather3A_420 = tpu.vector_load_idx %arg13[%add3A_419] : memref<12800xf32, #tpu.memory_space<vmem>>[vector<16xi32>], vector<16xf32>,
      %add3A_421 = arith.constant 2 : i32
      %add3A_422 = vector.broadcast %add3A_421 : i32 to vector<16xi32>
      %add3A_423 = arith.addi %add3A_412, %add3A_422 : vector<16xi32>
      %gather3A_424 = tpu.vector_load_idx %arg13[%add3A_423] : memref<12800xf32, #tpu.memory_space<vmem>>[vector<16xi32>], vector<16xf32>,
      %add3A_425 = arith.constant 3 : i32
      %add3A_426 = vector.broadcast %add3A_425 : i32 to vector<16xi32>
      %add3A_427 = arith.addi %add3A_412, %add3A_426 : vector<16xi32>
      %gather3A_428 = tpu.vector_load_idx %arg13[%add3A_427] : memref<12800xf32, #tpu.memory_space<vmem>>[vector<16xi32>], vector<16xf32>,
      %mul3A_429 = arith.constant 16 : i32
      %mul3A_430 = vector.broadcast %mul3A_429 : i32 to vector<16xi32>
      %mul3A_431 = arith.muli %scan3A_212#18, %mul3A_430 : vector<16xi32>
      %add3A_432 = arith.addi %mul3A_431, %iota3A : vector<16xi32>
      %gather3A_433 = tpu.vector_load_idx %arg11[%add3A_432] : memref<3200xf32, #tpu.memory_space<vmem>>[vector<16xi32>], vector<16xf32>,
      %add3A_434 = arith.addi %mul3A_3, %scan3A_212#18 : vector<16xi32>
      %gather3A_435 = tpu.vector_load_idx %arg12[%add3A_434] : memref<3200xf32, #tpu.memory_space<vmem>>[vector<16xi32>], vector<16xf32>,
      %mul3A_436 = arith.constant 4 : i32
      %mul3A_437 = vector.broadcast %mul3A_436 : i32 to vector<16xi32>
      %mul3A_438 = arith.muli %scan3A_212#18, %mul3A_437 : vector<16xi32>
      %add3A_439 = arith.addi %mul3A_12, %mul3A_438 : vector<16xi32>
      %add3A_440 = arith.constant 0 : i32
      %add3A_441 = vector.broadcast %add3A_440 : i32 to vector<16xi32>
      %add3A_442 = arith.addi %add3A_439, %add3A_441 : vector<16xi32>
      %gather3A_443 = tpu.vector_load_idx %arg13[%add3A_442] : memref<12800xf32, #tpu.memory_space<vmem>>[vector<16xi32>], vector<16xf32>,
      %add3A_444 = arith.constant 1 : i32
      %add3A_445 = vector.broadcast %add3A_444 : i32 to vector<16xi32>
      %add3A_446 = arith.addi %add3A_439, %add3A_445 : vector<16xi32>
      %gather3A_447 = tpu.vector_load_idx %arg13[%add3A_446] : memref<12800xf32, #tpu.memory_space<vmem>>[vector<16xi32>], vector<16xf32>,
      %add3A_448 = arith.constant 2 : i32
      %add3A_449 = vector.broadcast %add3A_448 : i32 to vector<16xi32>
      %add3A_450 = arith.addi %add3A_439, %add3A_449 : vector<16xi32>
      %gather3A_451 = tpu.vector_load_idx %arg13[%add3A_450] : memref<12800xf32, #tpu.memory_space<vmem>>[vector<16xi32>], vector<16xf32>,
      %add3A_452 = arith.constant 3 : i32
      %add3A_453 = vector.broadcast %add3A_452 : i32 to vector<16xi32>
      %add3A_454 = arith.addi %add3A_439, %add3A_453 : vector<16xi32>
      %gather3A_455 = tpu.vector_load_idx %arg13[%add3A_454] : memref<12800xf32, #tpu.memory_space<vmem>>[vector<16xi32>], vector<16xf32>,
      %mul3A_456 = arith.constant 16 : i32
      %mul3A_457 = vector.broadcast %mul3A_456 : i32 to vector<16xi32>
      %mul3A_458 = arith.muli %scan3A_212#19, %mul3A_457 : vector<16xi32>
      %add3A_459 = arith.addi %mul3A_458, %iota3A : vector<16xi32>
      %gather3A_460 = tpu.vector_load_idx %arg11[%add3A_459] : memref<3200xf32, #tpu.memory_space<vmem>>[vector<16xi32>], vector<16xf32>,
      %add3A_461 = arith.addi %mul3A_3, %scan3A_212#19 : vector<16xi32>
      %gather3A_462 = tpu.vector_load_idx %arg12[%add3A_461] : memref<3200xf32, #tpu.memory_space<vmem>>[vector<16xi32>], vector<16xf32>,
      %mul3A_463 = arith.constant 4 : i32
      %mul3A_464 = vector.broadcast %mul3A_463 : i32 to vector<16xi32>
      %mul3A_465 = arith.muli %scan3A_212#19, %mul3A_464 : vector<16xi32>
      %add3A_466 = arith.addi %mul3A_12, %mul3A_465 : vector<16xi32>
      %add3A_467 = arith.constant 0 : i32
      %add3A_468 = vector.broadcast %add3A_467 : i32 to vector<16xi32>
      %add3A_469 = arith.addi %add3A_466, %add3A_468 : vector<16xi32>
      %gather3A_470 = tpu.vector_load_idx %arg13[%add3A_469] : memref<12800xf32, #tpu.memory_space<vmem>>[vector<16xi32>], vector<16xf32>,
      %add3A_471 = arith.constant 1 : i32
      %add3A_472 = vector.broadcast %add3A_471 : i32 to vector<16xi32>
      %add3A_473 = arith.addi %add3A_466, %add3A_472 : vector<16xi32>
      %gather3A_474 = tpu.vector_load_idx %arg13[%add3A_473] : memref<12800xf32, #tpu.memory_space<vmem>>[vector<16xi32>], vector<16xf32>,
      %add3A_475 = arith.constant 2 : i32
      %add3A_476 = vector.broadcast %add3A_475 : i32 to vector<16xi32>
      %add3A_477 = arith.addi %add3A_466, %add3A_476 : vector<16xi32>
      %gather3A_478 = tpu.vector_load_idx %arg13[%add3A_477] : memref<12800xf32, #tpu.memory_space<vmem>>[vector<16xi32>], vector<16xf32>,
      %add3A_479 = arith.constant 3 : i32
      %add3A_480 = vector.broadcast %add3A_479 : i32 to vector<16xi32>
      %add3A_481 = arith.addi %add3A_466, %add3A_480 : vector<16xi32>
      %gather3A_482 = tpu.vector_load_idx %arg13[%add3A_481] : memref<12800xf32, #tpu.memory_space<vmem>>[vector<16xi32>], vector<16xf32>,
      %mul3A_483 = arith.constant 10 : i32
      %mul3A_484 = arith.muli %scan3A_163, %mul3A_483 : i32
      %add3A_485 = vector.broadcast %mul3A_484 : i32 to vector<16xi32>
      %add3A_486 = arith.addi %mul3A_9, %add3A_485 : vector<16xi32>
      %add3A_487 = arith.constant 0 : i32
      %add3A_488 = vector.broadcast %add3A_487 : i32 to vector<16xi32>
      %add3A_489 = arith.addi %add3A_486, %add3A_488 : vector<16xi32>
      %gather3A_490 = tpu.vector_load_idx %arg15[%add3A_489] : memref<4000xf32, #tpu.memory_space<vmem>>[vector<16xi32>], vector<16xf32>,
      %add3A_491 = arith.constant 1 : i32
      %add3A_492 = vector.broadcast %add3A_491 : i32 to vector<16xi32>
      %add3A_493 = arith.addi %add3A_486, %add3A_492 : vector<16xi32>
      %gather3A_494 = tpu.vector_load_idx %arg15[%add3A_493] : memref<4000xf32, #tpu.memory_space<vmem>>[vector<16xi32>], vector<16xf32>,
      %add3A_495 = arith.constant 2 : i32
      %add3A_496 = vector.broadcast %add3A_495 : i32 to vector<16xi32>
      %add3A_497 = arith.addi %add3A_486, %add3A_496 : vector<16xi32>
      %gather3A_498 = tpu.vector_load_idx %arg15[%add3A_497] : memref<4000xf32, #tpu.memory_space<vmem>>[vector<16xi32>], vector<16xf32>,
      %add3A_499 = arith.constant 3 : i32
      %add3A_500 = vector.broadcast %add3A_499 : i32 to vector<16xi32>
      %add3A_501 = arith.addi %add3A_486, %add3A_500 : vector<16xi32>
      %gather3A_502 = tpu.vector_load_idx %arg15[%add3A_501] : memref<4000xf32, #tpu.memory_space<vmem>>[vector<16xi32>], vector<16xf32>,
      %add3A_503 = arith.constant 4 : i32
      %add3A_504 = vector.broadcast %add3A_503 : i32 to vector<16xi32>
      %add3A_505 = arith.addi %add3A_486, %add3A_504 : vector<16xi32>
      %gather3A_506 = tpu.vector_load_idx %arg15[%add3A_505] : memref<4000xf32, #tpu.memory_space<vmem>>[vector<16xi32>], vector<16xf32>,
      %add3A_507 = arith.constant 5 : i32
      %add3A_508 = vector.broadcast %add3A_507 : i32 to vector<16xi32>
      %add3A_509 = arith.addi %add3A_486, %add3A_508 : vector<16xi32>
      %gather3A_510 = tpu.vector_load_idx %arg15[%add3A_509] : memref<4000xf32, #tpu.memory_space<vmem>>[vector<16xi32>], vector<16xf32>,
      %add3A_511 = arith.constant 6 : i32
      %add3A_512 = vector.broadcast %add3A_511 : i32 to vector<16xi32>
      %add3A_513 = arith.addi %add3A_486, %add3A_512 : vector<16xi32>
      %gather3A_514 = tpu.vector_load_idx %arg15[%add3A_513] : memref<4000xf32, #tpu.memory_space<vmem>>[vector<16xi32>], vector<16xf32>,
      %add3A_515 = arith.constant 7 : i32
      %add3A_516 = vector.broadcast %add3A_515 : i32 to vector<16xi32>
      %add3A_517 = arith.addi %add3A_486, %add3A_516 : vector<16xi32>
      %gather3A_518 = tpu.vector_load_idx %arg15[%add3A_517] : memref<4000xf32, #tpu.memory_space<vmem>>[vector<16xi32>], vector<16xf32>,
      %add3A_519 = arith.constant 8 : i32
      %add3A_520 = vector.broadcast %add3A_519 : i32 to vector<16xi32>
      %add3A_521 = arith.addi %add3A_486, %add3A_520 : vector<16xi32>
      %gather3A_522 = tpu.vector_load_idx %arg15[%add3A_521] : memref<4000xf32, #tpu.memory_space<vmem>>[vector<16xi32>], vector<16xf32>,
      %add3A_523 = arith.constant 9 : i32
      %add3A_524 = vector.broadcast %add3A_523 : i32 to vector<16xi32>
      %add3A_525 = arith.addi %add3A_486, %add3A_524 : vector<16xi32>
      %gather3A_526 = tpu.vector_load_idx %arg15[%add3A_525] : memref<4000xf32, #tpu.memory_space<vmem>>[vector<16xi32>], vector<16xf32>,
      %broadcast_in_dim3A_527 = arith.constant 1.000000e+00 : f32
      %broadcast_in_dim3A_528 = vector.broadcast %broadcast_in_dim3A_527 : f32 to vector<16xf32>
      %broadcast_in_dim3A_529 = arith.constant 0.000000e+00 : f32
      %broadcast_in_dim3A_530 = vector.broadcast %broadcast_in_dim3A_529 : f32 to vector<16xf32>
      %lt3A = arith.cmpf olt, %gather3A_490, %gather3A_490 : vector<16xf32>
      %select_n3A = arith.select %lt3A, %broadcast_in_dim3A_528, %broadcast_in_dim3A_530 : vector<16xi1>, vector<16xf32>
      %add3A_531 = arith.addf %broadcast_in_dim3A_530, %select_n3A : vector<16xf32>
      %lt3A_532 = arith.cmpf olt, %gather3A_494, %gather3A_490 : vector<16xf32>
      %select_n3A_533 = arith.select %lt3A_532, %broadcast_in_dim3A_528, %broadcast_in_dim3A_530 : vector<16xi1>, vector<16xf32>
      %add3A_534 = arith.addf %add3A_531, %select_n3A_533 : vector<16xf32>
      %lt3A_535 = arith.cmpf olt, %gather3A_498, %gather3A_490 : vector<16xf32>
      %select_n3A_536 = arith.select %lt3A_535, %broadcast_in_dim3A_528, %broadcast_in_dim3A_530 : vector<16xi1>, vector<16xf32>
      %add3A_537 = arith.addf %add3A_534, %select_n3A_536 : vector<16xf32>
      %lt3A_538 = arith.cmpf olt, %gather3A_502, %gather3A_490 : vector<16xf32>
      %select_n3A_539 = arith.select %lt3A_538, %broadcast_in_dim3A_528, %broadcast_in_dim3A_530 : vector<16xi1>, vector<16xf32>
      %add3A_540 = arith.addf %add3A_537, %select_n3A_539 : vector<16xf32>
      %lt3A_541 = arith.cmpf olt, %gather3A_506, %gather3A_490 : vector<16xf32>
      %select_n3A_542 = arith.select %lt3A_541, %broadcast_in_dim3A_528, %broadcast_in_dim3A_530 : vector<16xi1>, vector<16xf32>
      %add3A_543 = arith.addf %add3A_540, %select_n3A_542 : vector<16xf32>
      %lt3A_544 = arith.cmpf olt, %gather3A_510, %gather3A_490 : vector<16xf32>
      %select_n3A_545 = arith.select %lt3A_544, %broadcast_in_dim3A_528, %broadcast_in_dim3A_530 : vector<16xi1>, vector<16xf32>
      %add3A_546 = arith.addf %add3A_543, %select_n3A_545 : vector<16xf32>
      %lt3A_547 = arith.cmpf olt, %gather3A_514, %gather3A_490 : vector<16xf32>
      %select_n3A_548 = arith.select %lt3A_547, %broadcast_in_dim3A_528, %broadcast_in_dim3A_530 : vector<16xi1>, vector<16xf32>
      %add3A_549 = arith.addf %add3A_546, %select_n3A_548 : vector<16xf32>
      %lt3A_550 = arith.cmpf olt, %gather3A_518, %gather3A_490 : vector<16xf32>
      %select_n3A_551 = arith.select %lt3A_550, %broadcast_in_dim3A_528, %broadcast_in_dim3A_530 : vector<16xi1>, vector<16xf32>
      %add3A_552 = arith.addf %add3A_549, %select_n3A_551 : vector<16xf32>
      %lt3A_553 = arith.cmpf olt, %gather3A_522, %gather3A_490 : vector<16xf32>
      %select_n3A_554 = arith.select %lt3A_553, %broadcast_in_dim3A_528, %broadcast_in_dim3A_530 : vector<16xi1>, vector<16xf32>
      %add3A_555 = arith.addf %add3A_552, %select_n3A_554 : vector<16xf32>
      %lt3A_556 = arith.cmpf olt, %gather3A_526, %gather3A_490 : vector<16xf32>
      %select_n3A_557 = arith.select %lt3A_556, %broadcast_in_dim3A_528, %broadcast_in_dim3A_530 : vector<16xi1>, vector<16xf32>
      %add3A_558 = arith.addf %add3A_555, %select_n3A_557 : vector<16xf32>
      %lt3A_559 = arith.cmpf olt, %gather3A_490, %gather3A_494 : vector<16xf32>
      %select_n3A_560 = arith.select %lt3A_559, %broadcast_in_dim3A_528, %broadcast_in_dim3A_530 : vector<16xi1>, vector<16xf32>
      %eq3A = arith.cmpf oeq, %gather3A_490, %gather3A_494 : vector<16xf32>
      %select_n3A_561 = arith.select %eq3A, %broadcast_in_dim3A_528, %broadcast_in_dim3A_530 : vector<16xi1>, vector<16xf32>
      %add3A_562 = arith.addf %select_n3A_560, %select_n3A_561 : vector<16xf32>
      %add3A_563 = arith.addf %broadcast_in_dim3A_530, %add3A_562 : vector<16xf32>
      %lt3A_564 = arith.cmpf olt, %gather3A_494, %gather3A_494 : vector<16xf32>
      %select_n3A_565 = arith.select %lt3A_564, %broadcast_in_dim3A_528, %broadcast_in_dim3A_530 : vector<16xi1>, vector<16xf32>
      %add3A_566 = arith.addf %add3A_563, %select_n3A_565 : vector<16xf32>
      %lt3A_567 = arith.cmpf olt, %gather3A_498, %gather3A_494 : vector<16xf32>
      %select_n3A_568 = arith.select %lt3A_567, %broadcast_in_dim3A_528, %broadcast_in_dim3A_530 : vector<16xi1>, vector<16xf32>
      %add3A_569 = arith.addf %add3A_566, %select_n3A_568 : vector<16xf32>
      %lt3A_570 = arith.cmpf olt, %gather3A_502, %gather3A_494 : vector<16xf32>
      %select_n3A_571 = arith.select %lt3A_570, %broadcast_in_dim3A_528, %broadcast_in_dim3A_530 : vector<16xi1>, vector<16xf32>
      %add3A_572 = arith.addf %add3A_569, %select_n3A_571 : vector<16xf32>
      %lt3A_573 = arith.cmpf olt, %gather3A_506, %gather3A_494 : vector<16xf32>
      %select_n3A_574 = arith.select %lt3A_573, %broadcast_in_dim3A_528, %broadcast_in_dim3A_530 : vector<16xi1>, vector<16xf32>
      %add3A_575 = arith.addf %add3A_572, %select_n3A_574 : vector<16xf32>
      %lt3A_576 = arith.cmpf olt, %gather3A_510, %gather3A_494 : vector<16xf32>
      %select_n3A_577 = arith.select %lt3A_576, %broadcast_in_dim3A_528, %broadcast_in_dim3A_530 : vector<16xi1>, vector<16xf32>
      %add3A_578 = arith.addf %add3A_575, %select_n3A_577 : vector<16xf32>
      %lt3A_579 = arith.cmpf olt, %gather3A_514, %gather3A_494 : vector<16xf32>
      %select_n3A_580 = arith.select %lt3A_579, %broadcast_in_dim3A_528, %broadcast_in_dim3A_530 : vector<16xi1>, vector<16xf32>
      %add3A_581 = arith.addf %add3A_578, %select_n3A_580 : vector<16xf32>
      %lt3A_582 = arith.cmpf olt, %gather3A_518, %gather3A_494 : vector<16xf32>
      %select_n3A_583 = arith.select %lt3A_582, %broadcast_in_dim3A_528, %broadcast_in_dim3A_530 : vector<16xi1>, vector<16xf32>
      %add3A_584 = arith.addf %add3A_581, %select_n3A_583 : vector<16xf32>
      %lt3A_585 = arith.cmpf olt, %gather3A_522, %gather3A_494 : vector<16xf32>
      %select_n3A_586 = arith.select %lt3A_585, %broadcast_in_dim3A_528, %broadcast_in_dim3A_530 : vector<16xi1>, vector<16xf32>
      %add3A_587 = arith.addf %add3A_584, %select_n3A_586 : vector<16xf32>
      %lt3A_588 = arith.cmpf olt, %gather3A_526, %gather3A_494 : vector<16xf32>
      %select_n3A_589 = arith.select %lt3A_588, %broadcast_in_dim3A_528, %broadcast_in_dim3A_530 : vector<16xi1>, vector<16xf32>
      %add3A_590 = arith.addf %add3A_587, %select_n3A_589 : vector<16xf32>
      %lt3A_591 = arith.cmpf olt, %gather3A_490, %gather3A_498 : vector<16xf32>
      %select_n3A_592 = arith.select %lt3A_591, %broadcast_in_dim3A_528, %broadcast_in_dim3A_530 : vector<16xi1>, vector<16xf32>
      %eq3A_593 = arith.cmpf oeq, %gather3A_490, %gather3A_498 : vector<16xf32>
      %select_n3A_594 = arith.select %eq3A_593, %broadcast_in_dim3A_528, %broadcast_in_dim3A_530 : vector<16xi1>, vector<16xf32>
      %add3A_595 = arith.addf %select_n3A_592, %select_n3A_594 : vector<16xf32>
      %add3A_596 = arith.addf %broadcast_in_dim3A_530, %add3A_595 : vector<16xf32>
      %lt3A_597 = arith.cmpf olt, %gather3A_494, %gather3A_498 : vector<16xf32>
      %select_n3A_598 = arith.select %lt3A_597, %broadcast_in_dim3A_528, %broadcast_in_dim3A_530 : vector<16xi1>, vector<16xf32>
      %eq3A_599 = arith.cmpf oeq, %gather3A_494, %gather3A_498 : vector<16xf32>
      %select_n3A_600 = arith.select %eq3A_599, %broadcast_in_dim3A_528, %broadcast_in_dim3A_530 : vector<16xi1>, vector<16xf32>
      %add3A_601 = arith.addf %select_n3A_598, %select_n3A_600 : vector<16xf32>
      %add3A_602 = arith.addf %add3A_596, %add3A_601 : vector<16xf32>
      %lt3A_603 = arith.cmpf olt, %gather3A_498, %gather3A_498 : vector<16xf32>
      %select_n3A_604 = arith.select %lt3A_603, %broadcast_in_dim3A_528, %broadcast_in_dim3A_530 : vector<16xi1>, vector<16xf32>
      %add3A_605 = arith.addf %add3A_602, %select_n3A_604 : vector<16xf32>
      %lt3A_606 = arith.cmpf olt, %gather3A_502, %gather3A_498 : vector<16xf32>
      %select_n3A_607 = arith.select %lt3A_606, %broadcast_in_dim3A_528, %broadcast_in_dim3A_530 : vector<16xi1>, vector<16xf32>
      %add3A_608 = arith.addf %add3A_605, %select_n3A_607 : vector<16xf32>
      %lt3A_609 = arith.cmpf olt, %gather3A_506, %gather3A_498 : vector<16xf32>
      %select_n3A_610 = arith.select %lt3A_609, %broadcast_in_dim3A_528, %broadcast_in_dim3A_530 : vector<16xi1>, vector<16xf32>
      %add3A_611 = arith.addf %add3A_608, %select_n3A_610 : vector<16xf32>
      %lt3A_612 = arith.cmpf olt, %gather3A_510, %gather3A_498 : vector<16xf32>
      %select_n3A_613 = arith.select %lt3A_612, %broadcast_in_dim3A_528, %broadcast_in_dim3A_530 : vector<16xi1>, vector<16xf32>
      %add3A_614 = arith.addf %add3A_611, %select_n3A_613 : vector<16xf32>
      %lt3A_615 = arith.cmpf olt, %gather3A_514, %gather3A_498 : vector<16xf32>
      %select_n3A_616 = arith.select %lt3A_615, %broadcast_in_dim3A_528, %broadcast_in_dim3A_530 : vector<16xi1>, vector<16xf32>
      %add3A_617 = arith.addf %add3A_614, %select_n3A_616 : vector<16xf32>
      %lt3A_618 = arith.cmpf olt, %gather3A_518, %gather3A_498 : vector<16xf32>
      %select_n3A_619 = arith.select %lt3A_618, %broadcast_in_dim3A_528, %broadcast_in_dim3A_530 : vector<16xi1>, vector<16xf32>
      %add3A_620 = arith.addf %add3A_617, %select_n3A_619 : vector<16xf32>
      %lt3A_621 = arith.cmpf olt, %gather3A_522, %gather3A_498 : vector<16xf32>
      %select_n3A_622 = arith.select %lt3A_621, %broadcast_in_dim3A_528, %broadcast_in_dim3A_530 : vector<16xi1>, vector<16xf32>
      %add3A_623 = arith.addf %add3A_620, %select_n3A_622 : vector<16xf32>
      %lt3A_624 = arith.cmpf olt, %gather3A_526, %gather3A_498 : vector<16xf32>
      %select_n3A_625 = arith.select %lt3A_624, %broadcast_in_dim3A_528, %broadcast_in_dim3A_530 : vector<16xi1>, vector<16xf32>
      %add3A_626 = arith.addf %add3A_623, %select_n3A_625 : vector<16xf32>
      %lt3A_627 = arith.cmpf olt, %gather3A_490, %gather3A_502 : vector<16xf32>
      %select_n3A_628 = arith.select %lt3A_627, %broadcast_in_dim3A_528, %broadcast_in_dim3A_530 : vector<16xi1>, vector<16xf32>
      %eq3A_629 = arith.cmpf oeq, %gather3A_490, %gather3A_502 : vector<16xf32>
      %select_n3A_630 = arith.select %eq3A_629, %broadcast_in_dim3A_528, %broadcast_in_dim3A_530 : vector<16xi1>, vector<16xf32>
      %add3A_631 = arith.addf %select_n3A_628, %select_n3A_630 : vector<16xf32>
      %add3A_632 = arith.addf %broadcast_in_dim3A_530, %add3A_631 : vector<16xf32>
      %lt3A_633 = arith.cmpf olt, %gather3A_494, %gather3A_502 : vector<16xf32>
      %select_n3A_634 = arith.select %lt3A_633, %broadcast_in_dim3A_528, %broadcast_in_dim3A_530 : vector<16xi1>, vector<16xf32>
      %eq3A_635 = arith.cmpf oeq, %gather3A_494, %gather3A_502 : vector<16xf32>
      %select_n3A_636 = arith.select %eq3A_635, %broadcast_in_dim3A_528, %broadcast_in_dim3A_530 : vector<16xi1>, vector<16xf32>
      %add3A_637 = arith.addf %select_n3A_634, %select_n3A_636 : vector<16xf32>
      %add3A_638 = arith.addf %add3A_632, %add3A_637 : vector<16xf32>
      %lt3A_639 = arith.cmpf olt, %gather3A_498, %gather3A_502 : vector<16xf32>
      %select_n3A_640 = arith.select %lt3A_639, %broadcast_in_dim3A_528, %broadcast_in_dim3A_530 : vector<16xi1>, vector<16xf32>
      %eq3A_641 = arith.cmpf oeq, %gather3A_498, %gather3A_502 : vector<16xf32>
      %select_n3A_642 = arith.select %eq3A_641, %broadcast_in_dim3A_528, %broadcast_in_dim3A_530 : vector<16xi1>, vector<16xf32>
      %add3A_643 = arith.addf %select_n3A_640, %select_n3A_642 : vector<16xf32>
      %add3A_644 = arith.addf %add3A_638, %add3A_643 : vector<16xf32>
      %lt3A_645 = arith.cmpf olt, %gather3A_502, %gather3A_502 : vector<16xf32>
      %select_n3A_646 = arith.select %lt3A_645, %broadcast_in_dim3A_528, %broadcast_in_dim3A_530 : vector<16xi1>, vector<16xf32>
      %add3A_647 = arith.addf %add3A_644, %select_n3A_646 : vector<16xf32>
      %lt3A_648 = arith.cmpf olt, %gather3A_506, %gather3A_502 : vector<16xf32>
      %select_n3A_649 = arith.select %lt3A_648, %broadcast_in_dim3A_528, %broadcast_in_dim3A_530 : vector<16xi1>, vector<16xf32>
      %add3A_650 = arith.addf %add3A_647, %select_n3A_649 : vector<16xf32>
      %lt3A_651 = arith.cmpf olt, %gather3A_510, %gather3A_502 : vector<16xf32>
      %select_n3A_652 = arith.select %lt3A_651, %broadcast_in_dim3A_528, %broadcast_in_dim3A_530 : vector<16xi1>, vector<16xf32>
      %add3A_653 = arith.addf %add3A_650, %select_n3A_652 : vector<16xf32>
      %lt3A_654 = arith.cmpf olt, %gather3A_514, %gather3A_502 : vector<16xf32>
      %select_n3A_655 = arith.select %lt3A_654, %broadcast_in_dim3A_528, %broadcast_in_dim3A_530 : vector<16xi1>, vector<16xf32>
      %add3A_656 = arith.addf %add3A_653, %select_n3A_655 : vector<16xf32>
      %lt3A_657 = arith.cmpf olt, %gather3A_518, %gather3A_502 : vector<16xf32>
      %select_n3A_658 = arith.select %lt3A_657, %broadcast_in_dim3A_528, %broadcast_in_dim3A_530 : vector<16xi1>, vector<16xf32>
      %add3A_659 = arith.addf %add3A_656, %select_n3A_658 : vector<16xf32>
      %lt3A_660 = arith.cmpf olt, %gather3A_522, %gather3A_502 : vector<16xf32>
      %select_n3A_661 = arith.select %lt3A_660, %broadcast_in_dim3A_528, %broadcast_in_dim3A_530 : vector<16xi1>, vector<16xf32>
      %add3A_662 = arith.addf %add3A_659, %select_n3A_661 : vector<16xf32>
      %lt3A_663 = arith.cmpf olt, %gather3A_526, %gather3A_502 : vector<16xf32>
      %select_n3A_664 = arith.select %lt3A_663, %broadcast_in_dim3A_528, %broadcast_in_dim3A_530 : vector<16xi1>, vector<16xf32>
      %add3A_665 = arith.addf %add3A_662, %select_n3A_664 : vector<16xf32>
      %lt3A_666 = arith.cmpf olt, %gather3A_490, %gather3A_506 : vector<16xf32>
      %select_n3A_667 = arith.select %lt3A_666, %broadcast_in_dim3A_528, %broadcast_in_dim3A_530 : vector<16xi1>, vector<16xf32>
      %eq3A_668 = arith.cmpf oeq, %gather3A_490, %gather3A_506 : vector<16xf32>
      %select_n3A_669 = arith.select %eq3A_668, %broadcast_in_dim3A_528, %broadcast_in_dim3A_530 : vector<16xi1>, vector<16xf32>
      %add3A_670 = arith.addf %select_n3A_667, %select_n3A_669 : vector<16xf32>
      %add3A_671 = arith.addf %broadcast_in_dim3A_530, %add3A_670 : vector<16xf32>
      %lt3A_672 = arith.cmpf olt, %gather3A_494, %gather3A_506 : vector<16xf32>
      %select_n3A_673 = arith.select %lt3A_672, %broadcast_in_dim3A_528, %broadcast_in_dim3A_530 : vector<16xi1>, vector<16xf32>
      %eq3A_674 = arith.cmpf oeq, %gather3A_494, %gather3A_506 : vector<16xf32>
      %select_n3A_675 = arith.select %eq3A_674, %broadcast_in_dim3A_528, %broadcast_in_dim3A_530 : vector<16xi1>, vector<16xf32>
      %add3A_676 = arith.addf %select_n3A_673, %select_n3A_675 : vector<16xf32>
      %add3A_677 = arith.addf %add3A_671, %add3A_676 : vector<16xf32>
      %lt3A_678 = arith.cmpf olt, %gather3A_498, %gather3A_506 : vector<16xf32>
      %select_n3A_679 = arith.select %lt3A_678, %broadcast_in_dim3A_528, %broadcast_in_dim3A_530 : vector<16xi1>, vector<16xf32>
      %eq3A_680 = arith.cmpf oeq, %gather3A_498, %gather3A_506 : vector<16xf32>
      %select_n3A_681 = arith.select %eq3A_680, %broadcast_in_dim3A_528, %broadcast_in_dim3A_530 : vector<16xi1>, vector<16xf32>
      %add3A_682 = arith.addf %select_n3A_679, %select_n3A_681 : vector<16xf32>
      %add3A_683 = arith.addf %add3A_677, %add3A_682 : vector<16xf32>
      %lt3A_684 = arith.cmpf olt, %gather3A_502, %gather3A_506 : vector<16xf32>
      %select_n3A_685 = arith.select %lt3A_684, %broadcast_in_dim3A_528, %broadcast_in_dim3A_530 : vector<16xi1>, vector<16xf32>
      %eq3A_686 = arith.cmpf oeq, %gather3A_502, %gather3A_506 : vector<16xf32>
      %select_n3A_687 = arith.select %eq3A_686, %broadcast_in_dim3A_528, %broadcast_in_dim3A_530 : vector<16xi1>, vector<16xf32>
      %add3A_688 = arith.addf %select_n3A_685, %select_n3A_687 : vector<16xf32>
      %add3A_689 = arith.addf %add3A_683, %add3A_688 : vector<16xf32>
      %lt3A_690 = arith.cmpf olt, %gather3A_506, %gather3A_506 : vector<16xf32>
      %select_n3A_691 = arith.select %lt3A_690, %broadcast_in_dim3A_528, %broadcast_in_dim3A_530 : vector<16xi1>, vector<16xf32>
      %add3A_692 = arith.addf %add3A_689, %select_n3A_691 : vector<16xf32>
      %lt3A_693 = arith.cmpf olt, %gather3A_510, %gather3A_506 : vector<16xf32>
      %select_n3A_694 = arith.select %lt3A_693, %broadcast_in_dim3A_528, %broadcast_in_dim3A_530 : vector<16xi1>, vector<16xf32>
      %add3A_695 = arith.addf %add3A_692, %select_n3A_694 : vector<16xf32>
      %lt3A_696 = arith.cmpf olt, %gather3A_514, %gather3A_506 : vector<16xf32>
      %select_n3A_697 = arith.select %lt3A_696, %broadcast_in_dim3A_528, %broadcast_in_dim3A_530 : vector<16xi1>, vector<16xf32>
      %add3A_698 = arith.addf %add3A_695, %select_n3A_697 : vector<16xf32>
      %lt3A_699 = arith.cmpf olt, %gather3A_518, %gather3A_506 : vector<16xf32>
      %select_n3A_700 = arith.select %lt3A_699, %broadcast_in_dim3A_528, %broadcast_in_dim3A_530 : vector<16xi1>, vector<16xf32>
      %add3A_701 = arith.addf %add3A_698, %select_n3A_700 : vector<16xf32>
      %lt3A_702 = arith.cmpf olt, %gather3A_522, %gather3A_506 : vector<16xf32>
      %select_n3A_703 = arith.select %lt3A_702, %broadcast_in_dim3A_528, %broadcast_in_dim3A_530 : vector<16xi1>, vector<16xf32>
      %add3A_704 = arith.addf %add3A_701, %select_n3A_703 : vector<16xf32>
      %lt3A_705 = arith.cmpf olt, %gather3A_526, %gather3A_506 : vector<16xf32>
      %select_n3A_706 = arith.select %lt3A_705, %broadcast_in_dim3A_528, %broadcast_in_dim3A_530 : vector<16xi1>, vector<16xf32>
      %add3A_707 = arith.addf %add3A_704, %select_n3A_706 : vector<16xf32>
      %lt3A_708 = arith.cmpf olt, %gather3A_490, %gather3A_510 : vector<16xf32>
      %select_n3A_709 = arith.select %lt3A_708, %broadcast_in_dim3A_528, %broadcast_in_dim3A_530 : vector<16xi1>, vector<16xf32>
      %eq3A_710 = arith.cmpf oeq, %gather3A_490, %gather3A_510 : vector<16xf32>
      %select_n3A_711 = arith.select %eq3A_710, %broadcast_in_dim3A_528, %broadcast_in_dim3A_530 : vector<16xi1>, vector<16xf32>
      %add3A_712 = arith.addf %select_n3A_709, %select_n3A_711 : vector<16xf32>
      %add3A_713 = arith.addf %broadcast_in_dim3A_530, %add3A_712 : vector<16xf32>
      %lt3A_714 = arith.cmpf olt, %gather3A_494, %gather3A_510 : vector<16xf32>
      %select_n3A_715 = arith.select %lt3A_714, %broadcast_in_dim3A_528, %broadcast_in_dim3A_530 : vector<16xi1>, vector<16xf32>
      %eq3A_716 = arith.cmpf oeq, %gather3A_494, %gather3A_510 : vector<16xf32>
      %select_n3A_717 = arith.select %eq3A_716, %broadcast_in_dim3A_528, %broadcast_in_dim3A_530 : vector<16xi1>, vector<16xf32>
      %add3A_718 = arith.addf %select_n3A_715, %select_n3A_717 : vector<16xf32>
      %add3A_719 = arith.addf %add3A_713, %add3A_718 : vector<16xf32>
      %lt3A_720 = arith.cmpf olt, %gather3A_498, %gather3A_510 : vector<16xf32>
      %select_n3A_721 = arith.select %lt3A_720, %broadcast_in_dim3A_528, %broadcast_in_dim3A_530 : vector<16xi1>, vector<16xf32>
      %eq3A_722 = arith.cmpf oeq, %gather3A_498, %gather3A_510 : vector<16xf32>
      %select_n3A_723 = arith.select %eq3A_722, %broadcast_in_dim3A_528, %broadcast_in_dim3A_530 : vector<16xi1>, vector<16xf32>
      %add3A_724 = arith.addf %select_n3A_721, %select_n3A_723 : vector<16xf32>
      %add3A_725 = arith.addf %add3A_719, %add3A_724 : vector<16xf32>
      %lt3A_726 = arith.cmpf olt, %gather3A_502, %gather3A_510 : vector<16xf32>
      %select_n3A_727 = arith.select %lt3A_726, %broadcast_in_dim3A_528, %broadcast_in_dim3A_530 : vector<16xi1>, vector<16xf32>
      %eq3A_728 = arith.cmpf oeq, %gather3A_502, %gather3A_510 : vector<16xf32>
      %select_n3A_729 = arith.select %eq3A_728, %broadcast_in_dim3A_528, %broadcast_in_dim3A_530 : vector<16xi1>, vector<16xf32>
      %add3A_730 = arith.addf %select_n3A_727, %select_n3A_729 : vector<16xf32>
      %add3A_731 = arith.addf %add3A_725, %add3A_730 : vector<16xf32>
      %lt3A_732 = arith.cmpf olt, %gather3A_506, %gather3A_510 : vector<16xf32>
      %select_n3A_733 = arith.select %lt3A_732, %broadcast_in_dim3A_528, %broadcast_in_dim3A_530 : vector<16xi1>, vector<16xf32>
      %eq3A_734 = arith.cmpf oeq, %gather3A_506, %gather3A_510 : vector<16xf32>
      %select_n3A_735 = arith.select %eq3A_734, %broadcast_in_dim3A_528, %broadcast_in_dim3A_530 : vector<16xi1>, vector<16xf32>
      %add3A_736 = arith.addf %select_n3A_733, %select_n3A_735 : vector<16xf32>
      %add3A_737 = arith.addf %add3A_731, %add3A_736 : vector<16xf32>
      %lt3A_738 = arith.cmpf olt, %gather3A_510, %gather3A_510 : vector<16xf32>
      %select_n3A_739 = arith.select %lt3A_738, %broadcast_in_dim3A_528, %broadcast_in_dim3A_530 : vector<16xi1>, vector<16xf32>
      %add3A_740 = arith.addf %add3A_737, %select_n3A_739 : vector<16xf32>
      %lt3A_741 = arith.cmpf olt, %gather3A_514, %gather3A_510 : vector<16xf32>
      %select_n3A_742 = arith.select %lt3A_741, %broadcast_in_dim3A_528, %broadcast_in_dim3A_530 : vector<16xi1>, vector<16xf32>
      %add3A_743 = arith.addf %add3A_740, %select_n3A_742 : vector<16xf32>
      %lt3A_744 = arith.cmpf olt, %gather3A_518, %gather3A_510 : vector<16xf32>
      %select_n3A_745 = arith.select %lt3A_744, %broadcast_in_dim3A_528, %broadcast_in_dim3A_530 : vector<16xi1>, vector<16xf32>
      %add3A_746 = arith.addf %add3A_743, %select_n3A_745 : vector<16xf32>
      %lt3A_747 = arith.cmpf olt, %gather3A_522, %gather3A_510 : vector<16xf32>
      %select_n3A_748 = arith.select %lt3A_747, %broadcast_in_dim3A_528, %broadcast_in_dim3A_530 : vector<16xi1>, vector<16xf32>
      %add3A_749 = arith.addf %add3A_746, %select_n3A_748 : vector<16xf32>
      %lt3A_750 = arith.cmpf olt, %gather3A_526, %gather3A_510 : vector<16xf32>
      %select_n3A_751 = arith.select %lt3A_750, %broadcast_in_dim3A_528, %broadcast_in_dim3A_530 : vector<16xi1>, vector<16xf32>
      %add3A_752 = arith.addf %add3A_749, %select_n3A_751 : vector<16xf32>
      %lt3A_753 = arith.cmpf olt, %gather3A_490, %gather3A_514 : vector<16xf32>
      %select_n3A_754 = arith.select %lt3A_753, %broadcast_in_dim3A_528, %broadcast_in_dim3A_530 : vector<16xi1>, vector<16xf32>
      %eq3A_755 = arith.cmpf oeq, %gather3A_490, %gather3A_514 : vector<16xf32>
      %select_n3A_756 = arith.select %eq3A_755, %broadcast_in_dim3A_528, %broadcast_in_dim3A_530 : vector<16xi1>, vector<16xf32>
      %add3A_757 = arith.addf %select_n3A_754, %select_n3A_756 : vector<16xf32>
      %add3A_758 = arith.addf %broadcast_in_dim3A_530, %add3A_757 : vector<16xf32>
      %lt3A_759 = arith.cmpf olt, %gather3A_494, %gather3A_514 : vector<16xf32>
      %select_n3A_760 = arith.select %lt3A_759, %broadcast_in_dim3A_528, %broadcast_in_dim3A_530 : vector<16xi1>, vector<16xf32>
      %eq3A_761 = arith.cmpf oeq, %gather3A_494, %gather3A_514 : vector<16xf32>
      %select_n3A_762 = arith.select %eq3A_761, %broadcast_in_dim3A_528, %broadcast_in_dim3A_530 : vector<16xi1>, vector<16xf32>
      %add3A_763 = arith.addf %select_n3A_760, %select_n3A_762 : vector<16xf32>
      %add3A_764 = arith.addf %add3A_758, %add3A_763 : vector<16xf32>
      %lt3A_765 = arith.cmpf olt, %gather3A_498, %gather3A_514 : vector<16xf32>
      %select_n3A_766 = arith.select %lt3A_765, %broadcast_in_dim3A_528, %broadcast_in_dim3A_530 : vector<16xi1>, vector<16xf32>
      %eq3A_767 = arith.cmpf oeq, %gather3A_498, %gather3A_514 : vector<16xf32>
      %select_n3A_768 = arith.select %eq3A_767, %broadcast_in_dim3A_528, %broadcast_in_dim3A_530 : vector<16xi1>, vector<16xf32>
      %add3A_769 = arith.addf %select_n3A_766, %select_n3A_768 : vector<16xf32>
      %add3A_770 = arith.addf %add3A_764, %add3A_769 : vector<16xf32>
      %lt3A_771 = arith.cmpf olt, %gather3A_502, %gather3A_514 : vector<16xf32>
      %select_n3A_772 = arith.select %lt3A_771, %broadcast_in_dim3A_528, %broadcast_in_dim3A_530 : vector<16xi1>, vector<16xf32>
      %eq3A_773 = arith.cmpf oeq, %gather3A_502, %gather3A_514 : vector<16xf32>
      %select_n3A_774 = arith.select %eq3A_773, %broadcast_in_dim3A_528, %broadcast_in_dim3A_530 : vector<16xi1>, vector<16xf32>
      %add3A_775 = arith.addf %select_n3A_772, %select_n3A_774 : vector<16xf32>
      %add3A_776 = arith.addf %add3A_770, %add3A_775 : vector<16xf32>
      %lt3A_777 = arith.cmpf olt, %gather3A_506, %gather3A_514 : vector<16xf32>
      %select_n3A_778 = arith.select %lt3A_777, %broadcast_in_dim3A_528, %broadcast_in_dim3A_530 : vector<16xi1>, vector<16xf32>
      %eq3A_779 = arith.cmpf oeq, %gather3A_506, %gather3A_514 : vector<16xf32>
      %select_n3A_780 = arith.select %eq3A_779, %broadcast_in_dim3A_528, %broadcast_in_dim3A_530 : vector<16xi1>, vector<16xf32>
      %add3A_781 = arith.addf %select_n3A_778, %select_n3A_780 : vector<16xf32>
      %add3A_782 = arith.addf %add3A_776, %add3A_781 : vector<16xf32>
      %lt3A_783 = arith.cmpf olt, %gather3A_510, %gather3A_514 : vector<16xf32>
      %select_n3A_784 = arith.select %lt3A_783, %broadcast_in_dim3A_528, %broadcast_in_dim3A_530 : vector<16xi1>, vector<16xf32>
      %eq3A_785 = arith.cmpf oeq, %gather3A_510, %gather3A_514 : vector<16xf32>
      %select_n3A_786 = arith.select %eq3A_785, %broadcast_in_dim3A_528, %broadcast_in_dim3A_530 : vector<16xi1>, vector<16xf32>
      %add3A_787 = arith.addf %select_n3A_784, %select_n3A_786 : vector<16xf32>
      %add3A_788 = arith.addf %add3A_782, %add3A_787 : vector<16xf32>
      %lt3A_789 = arith.cmpf olt, %gather3A_514, %gather3A_514 : vector<16xf32>
      %select_n3A_790 = arith.select %lt3A_789, %broadcast_in_dim3A_528, %broadcast_in_dim3A_530 : vector<16xi1>, vector<16xf32>
      %add3A_791 = arith.addf %add3A_788, %select_n3A_790 : vector<16xf32>
      %lt3A_792 = arith.cmpf olt, %gather3A_518, %gather3A_514 : vector<16xf32>
      %select_n3A_793 = arith.select %lt3A_792, %broadcast_in_dim3A_528, %broadcast_in_dim3A_530 : vector<16xi1>, vector<16xf32>
      %add3A_794 = arith.addf %add3A_791, %select_n3A_793 : vector<16xf32>
      %lt3A_795 = arith.cmpf olt, %gather3A_522, %gather3A_514 : vector<16xf32>
      %select_n3A_796 = arith.select %lt3A_795, %broadcast_in_dim3A_528, %broadcast_in_dim3A_530 : vector<16xi1>, vector<16xf32>
      %add3A_797 = arith.addf %add3A_794, %select_n3A_796 : vector<16xf32>
      %lt3A_798 = arith.cmpf olt, %gather3A_526, %gather3A_514 : vector<16xf32>
      %select_n3A_799 = arith.select %lt3A_798, %broadcast_in_dim3A_528, %broadcast_in_dim3A_530 : vector<16xi1>, vector<16xf32>
      %add3A_800 = arith.addf %add3A_797, %select_n3A_799 : vector<16xf32>
      %lt3A_801 = arith.cmpf olt, %gather3A_490, %gather3A_518 : vector<16xf32>
      %select_n3A_802 = arith.select %lt3A_801, %broadcast_in_dim3A_528, %broadcast_in_dim3A_530 : vector<16xi1>, vector<16xf32>
      %eq3A_803 = arith.cmpf oeq, %gather3A_490, %gather3A_518 : vector<16xf32>
      %select_n3A_804 = arith.select %eq3A_803, %broadcast_in_dim3A_528, %broadcast_in_dim3A_530 : vector<16xi1>, vector<16xf32>
      %add3A_805 = arith.addf %select_n3A_802, %select_n3A_804 : vector<16xf32>
      %add3A_806 = arith.addf %broadcast_in_dim3A_530, %add3A_805 : vector<16xf32>
      %lt3A_807 = arith.cmpf olt, %gather3A_494, %gather3A_518 : vector<16xf32>
      %select_n3A_808 = arith.select %lt3A_807, %broadcast_in_dim3A_528, %broadcast_in_dim3A_530 : vector<16xi1>, vector<16xf32>
      %eq3A_809 = arith.cmpf oeq, %gather3A_494, %gather3A_518 : vector<16xf32>
      %select_n3A_810 = arith.select %eq3A_809, %broadcast_in_dim3A_528, %broadcast_in_dim3A_530 : vector<16xi1>, vector<16xf32>
      %add3A_811 = arith.addf %select_n3A_808, %select_n3A_810 : vector<16xf32>
      %add3A_812 = arith.addf %add3A_806, %add3A_811 : vector<16xf32>
      %lt3A_813 = arith.cmpf olt, %gather3A_498, %gather3A_518 : vector<16xf32>
      %select_n3A_814 = arith.select %lt3A_813, %broadcast_in_dim3A_528, %broadcast_in_dim3A_530 : vector<16xi1>, vector<16xf32>
      %eq3A_815 = arith.cmpf oeq, %gather3A_498, %gather3A_518 : vector<16xf32>
      %select_n3A_816 = arith.select %eq3A_815, %broadcast_in_dim3A_528, %broadcast_in_dim3A_530 : vector<16xi1>, vector<16xf32>
      %add3A_817 = arith.addf %select_n3A_814, %select_n3A_816 : vector<16xf32>
      %add3A_818 = arith.addf %add3A_812, %add3A_817 : vector<16xf32>
      %lt3A_819 = arith.cmpf olt, %gather3A_502, %gather3A_518 : vector<16xf32>
      %select_n3A_820 = arith.select %lt3A_819, %broadcast_in_dim3A_528, %broadcast_in_dim3A_530 : vector<16xi1>, vector<16xf32>
      %eq3A_821 = arith.cmpf oeq, %gather3A_502, %gather3A_518 : vector<16xf32>
      %select_n3A_822 = arith.select %eq3A_821, %broadcast_in_dim3A_528, %broadcast_in_dim3A_530 : vector<16xi1>, vector<16xf32>
      %add3A_823 = arith.addf %select_n3A_820, %select_n3A_822 : vector<16xf32>
      %add3A_824 = arith.addf %add3A_818, %add3A_823 : vector<16xf32>
      %lt3A_825 = arith.cmpf olt, %gather3A_506, %gather3A_518 : vector<16xf32>
      %select_n3A_826 = arith.select %lt3A_825, %broadcast_in_dim3A_528, %broadcast_in_dim3A_530 : vector<16xi1>, vector<16xf32>
      %eq3A_827 = arith.cmpf oeq, %gather3A_506, %gather3A_518 : vector<16xf32>
      %select_n3A_828 = arith.select %eq3A_827, %broadcast_in_dim3A_528, %broadcast_in_dim3A_530 : vector<16xi1>, vector<16xf32>
      %add3A_829 = arith.addf %select_n3A_826, %select_n3A_828 : vector<16xf32>
      %add3A_830 = arith.addf %add3A_824, %add3A_829 : vector<16xf32>
      %lt3A_831 = arith.cmpf olt, %gather3A_510, %gather3A_518 : vector<16xf32>
      %select_n3A_832 = arith.select %lt3A_831, %broadcast_in_dim3A_528, %broadcast_in_dim3A_530 : vector<16xi1>, vector<16xf32>
      %eq3A_833 = arith.cmpf oeq, %gather3A_510, %gather3A_518 : vector<16xf32>
      %select_n3A_834 = arith.select %eq3A_833, %broadcast_in_dim3A_528, %broadcast_in_dim3A_530 : vector<16xi1>, vector<16xf32>
      %add3A_835 = arith.addf %select_n3A_832, %select_n3A_834 : vector<16xf32>
      %add3A_836 = arith.addf %add3A_830, %add3A_835 : vector<16xf32>
      %lt3A_837 = arith.cmpf olt, %gather3A_514, %gather3A_518 : vector<16xf32>
      %select_n3A_838 = arith.select %lt3A_837, %broadcast_in_dim3A_528, %broadcast_in_dim3A_530 : vector<16xi1>, vector<16xf32>
      %eq3A_839 = arith.cmpf oeq, %gather3A_514, %gather3A_518 : vector<16xf32>
      %select_n3A_840 = arith.select %eq3A_839, %broadcast_in_dim3A_528, %broadcast_in_dim3A_530 : vector<16xi1>, vector<16xf32>
      %add3A_841 = arith.addf %select_n3A_838, %select_n3A_840 : vector<16xf32>
      %add3A_842 = arith.addf %add3A_836, %add3A_841 : vector<16xf32>
      %lt3A_843 = arith.cmpf olt, %gather3A_518, %gather3A_518 : vector<16xf32>
      %select_n3A_844 = arith.select %lt3A_843, %broadcast_in_dim3A_528, %broadcast_in_dim3A_530 : vector<16xi1>, vector<16xf32>
      %add3A_845 = arith.addf %add3A_842, %select_n3A_844 : vector<16xf32>
      %lt3A_846 = arith.cmpf olt, %gather3A_522, %gather3A_518 : vector<16xf32>
      %select_n3A_847 = arith.select %lt3A_846, %broadcast_in_dim3A_528, %broadcast_in_dim3A_530 : vector<16xi1>, vector<16xf32>
      %add3A_848 = arith.addf %add3A_845, %select_n3A_847 : vector<16xf32>
      %lt3A_849 = arith.cmpf olt, %gather3A_526, %gather3A_518 : vector<16xf32>
      %select_n3A_850 = arith.select %lt3A_849, %broadcast_in_dim3A_528, %broadcast_in_dim3A_530 : vector<16xi1>, vector<16xf32>
      %add3A_851 = arith.addf %add3A_848, %select_n3A_850 : vector<16xf32>
      %lt3A_852 = arith.cmpf olt, %gather3A_490, %gather3A_522 : vector<16xf32>
      %select_n3A_853 = arith.select %lt3A_852, %broadcast_in_dim3A_528, %broadcast_in_dim3A_530 : vector<16xi1>, vector<16xf32>
      %eq3A_854 = arith.cmpf oeq, %gather3A_490, %gather3A_522 : vector<16xf32>
      %select_n3A_855 = arith.select %eq3A_854, %broadcast_in_dim3A_528, %broadcast_in_dim3A_530 : vector<16xi1>, vector<16xf32>
      %add3A_856 = arith.addf %select_n3A_853, %select_n3A_855 : vector<16xf32>
      %add3A_857 = arith.addf %broadcast_in_dim3A_530, %add3A_856 : vector<16xf32>
      %lt3A_858 = arith.cmpf olt, %gather3A_494, %gather3A_522 : vector<16xf32>
      %select_n3A_859 = arith.select %lt3A_858, %broadcast_in_dim3A_528, %broadcast_in_dim3A_530 : vector<16xi1>, vector<16xf32>
      %eq3A_860 = arith.cmpf oeq, %gather3A_494, %gather3A_522 : vector<16xf32>
      %select_n3A_861 = arith.select %eq3A_860, %broadcast_in_dim3A_528, %broadcast_in_dim3A_530 : vector<16xi1>, vector<16xf32>
      %add3A_862 = arith.addf %select_n3A_859, %select_n3A_861 : vector<16xf32>
      %add3A_863 = arith.addf %add3A_857, %add3A_862 : vector<16xf32>
      %lt3A_864 = arith.cmpf olt, %gather3A_498, %gather3A_522 : vector<16xf32>
      %select_n3A_865 = arith.select %lt3A_864, %broadcast_in_dim3A_528, %broadcast_in_dim3A_530 : vector<16xi1>, vector<16xf32>
      %eq3A_866 = arith.cmpf oeq, %gather3A_498, %gather3A_522 : vector<16xf32>
      %select_n3A_867 = arith.select %eq3A_866, %broadcast_in_dim3A_528, %broadcast_in_dim3A_530 : vector<16xi1>, vector<16xf32>
      %add3A_868 = arith.addf %select_n3A_865, %select_n3A_867 : vector<16xf32>
      %add3A_869 = arith.addf %add3A_863, %add3A_868 : vector<16xf32>
      %lt3A_870 = arith.cmpf olt, %gather3A_502, %gather3A_522 : vector<16xf32>
      %select_n3A_871 = arith.select %lt3A_870, %broadcast_in_dim3A_528, %broadcast_in_dim3A_530 : vector<16xi1>, vector<16xf32>
      %eq3A_872 = arith.cmpf oeq, %gather3A_502, %gather3A_522 : vector<16xf32>
      %select_n3A_873 = arith.select %eq3A_872, %broadcast_in_dim3A_528, %broadcast_in_dim3A_530 : vector<16xi1>, vector<16xf32>
      %add3A_874 = arith.addf %select_n3A_871, %select_n3A_873 : vector<16xf32>
      %add3A_875 = arith.addf %add3A_869, %add3A_874 : vector<16xf32>
      %lt3A_876 = arith.cmpf olt, %gather3A_506, %gather3A_522 : vector<16xf32>
      %select_n3A_877 = arith.select %lt3A_876, %broadcast_in_dim3A_528, %broadcast_in_dim3A_530 : vector<16xi1>, vector<16xf32>
      %eq3A_878 = arith.cmpf oeq, %gather3A_506, %gather3A_522 : vector<16xf32>
      %select_n3A_879 = arith.select %eq3A_878, %broadcast_in_dim3A_528, %broadcast_in_dim3A_530 : vector<16xi1>, vector<16xf32>
      %add3A_880 = arith.addf %select_n3A_877, %select_n3A_879 : vector<16xf32>
      %add3A_881 = arith.addf %add3A_875, %add3A_880 : vector<16xf32>
      %lt3A_882 = arith.cmpf olt, %gather3A_510, %gather3A_522 : vector<16xf32>
      %select_n3A_883 = arith.select %lt3A_882, %broadcast_in_dim3A_528, %broadcast_in_dim3A_530 : vector<16xi1>, vector<16xf32>
      %eq3A_884 = arith.cmpf oeq, %gather3A_510, %gather3A_522 : vector<16xf32>
      %select_n3A_885 = arith.select %eq3A_884, %broadcast_in_dim3A_528, %broadcast_in_dim3A_530 : vector<16xi1>, vector<16xf32>
      %add3A_886 = arith.addf %select_n3A_883, %select_n3A_885 : vector<16xf32>
      %add3A_887 = arith.addf %add3A_881, %add3A_886 : vector<16xf32>
      %lt3A_888 = arith.cmpf olt, %gather3A_514, %gather3A_522 : vector<16xf32>
      %select_n3A_889 = arith.select %lt3A_888, %broadcast_in_dim3A_528, %broadcast_in_dim3A_530 : vector<16xi1>, vector<16xf32>
      %eq3A_890 = arith.cmpf oeq, %gather3A_514, %gather3A_522 : vector<16xf32>
      %select_n3A_891 = arith.select %eq3A_890, %broadcast_in_dim3A_528, %broadcast_in_dim3A_530 : vector<16xi1>, vector<16xf32>
      %add3A_892 = arith.addf %select_n3A_889, %select_n3A_891 : vector<16xf32>
      %add3A_893 = arith.addf %add3A_887, %add3A_892 : vector<16xf32>
      %lt3A_894 = arith.cmpf olt, %gather3A_518, %gather3A_522 : vector<16xf32>
      %select_n3A_895 = arith.select %lt3A_894, %broadcast_in_dim3A_528, %broadcast_in_dim3A_530 : vector<16xi1>, vector<16xf32>
      %eq3A_896 = arith.cmpf oeq, %gather3A_518, %gather3A_522 : vector<16xf32>
      %select_n3A_897 = arith.select %eq3A_896, %broadcast_in_dim3A_528, %broadcast_in_dim3A_530 : vector<16xi1>, vector<16xf32>
      %add3A_898 = arith.addf %select_n3A_895, %select_n3A_897 : vector<16xf32>
      %add3A_899 = arith.addf %add3A_893, %add3A_898 : vector<16xf32>
      %lt3A_900 = arith.cmpf olt, %gather3A_522, %gather3A_522 : vector<16xf32>
      %select_n3A_901 = arith.select %lt3A_900, %broadcast_in_dim3A_528, %broadcast_in_dim3A_530 : vector<16xi1>, vector<16xf32>
      %add3A_902 = arith.addf %add3A_899, %select_n3A_901 : vector<16xf32>
      %lt3A_903 = arith.cmpf olt, %gather3A_526, %gather3A_522 : vector<16xf32>
      %select_n3A_904 = arith.select %lt3A_903, %broadcast_in_dim3A_528, %broadcast_in_dim3A_530 : vector<16xi1>, vector<16xf32>
      %add3A_905 = arith.addf %add3A_902, %select_n3A_904 : vector<16xf32>
      %lt3A_906 = arith.cmpf olt, %gather3A_490, %gather3A_526 : vector<16xf32>
      %select_n3A_907 = arith.select %lt3A_906, %broadcast_in_dim3A_528, %broadcast_in_dim3A_530 : vector<16xi1>, vector<16xf32>
      %eq3A_908 = arith.cmpf oeq, %gather3A_490, %gather3A_526 : vector<16xf32>
      %select_n3A_909 = arith.select %eq3A_908, %broadcast_in_dim3A_528, %broadcast_in_dim3A_530 : vector<16xi1>, vector<16xf32>
      %add3A_910 = arith.addf %select_n3A_907, %select_n3A_909 : vector<16xf32>
      %add3A_911 = arith.addf %broadcast_in_dim3A_530, %add3A_910 : vector<16xf32>
      %lt3A_912 = arith.cmpf olt, %gather3A_494, %gather3A_526 : vector<16xf32>
      %select_n3A_913 = arith.select %lt3A_912, %broadcast_in_dim3A_528, %broadcast_in_dim3A_530 : vector<16xi1>, vector<16xf32>
      %eq3A_914 = arith.cmpf oeq, %gather3A_494, %gather3A_526 : vector<16xf32>
      %select_n3A_915 = arith.select %eq3A_914, %broadcast_in_dim3A_528, %broadcast_in_dim3A_530 : vector<16xi1>, vector<16xf32>
      %add3A_916 = arith.addf %select_n3A_913, %select_n3A_915 : vector<16xf32>
      %add3A_917 = arith.addf %add3A_911, %add3A_916 : vector<16xf32>
      %lt3A_918 = arith.cmpf olt, %gather3A_498, %gather3A_526 : vector<16xf32>
      %select_n3A_919 = arith.select %lt3A_918, %broadcast_in_dim3A_528, %broadcast_in_dim3A_530 : vector<16xi1>, vector<16xf32>
      %eq3A_920 = arith.cmpf oeq, %gather3A_498, %gather3A_526 : vector<16xf32>
      %select_n3A_921 = arith.select %eq3A_920, %broadcast_in_dim3A_528, %broadcast_in_dim3A_530 : vector<16xi1>, vector<16xf32>
      %add3A_922 = arith.addf %select_n3A_919, %select_n3A_921 : vector<16xf32>
      %add3A_923 = arith.addf %add3A_917, %add3A_922 : vector<16xf32>
      %lt3A_924 = arith.cmpf olt, %gather3A_502, %gather3A_526 : vector<16xf32>
      %select_n3A_925 = arith.select %lt3A_924, %broadcast_in_dim3A_528, %broadcast_in_dim3A_530 : vector<16xi1>, vector<16xf32>
      %eq3A_926 = arith.cmpf oeq, %gather3A_502, %gather3A_526 : vector<16xf32>
      %select_n3A_927 = arith.select %eq3A_926, %broadcast_in_dim3A_528, %broadcast_in_dim3A_530 : vector<16xi1>, vector<16xf32>
      %add3A_928 = arith.addf %select_n3A_925, %select_n3A_927 : vector<16xf32>
      %add3A_929 = arith.addf %add3A_923, %add3A_928 : vector<16xf32>
      %lt3A_930 = arith.cmpf olt, %gather3A_506, %gather3A_526 : vector<16xf32>
      %select_n3A_931 = arith.select %lt3A_930, %broadcast_in_dim3A_528, %broadcast_in_dim3A_530 : vector<16xi1>, vector<16xf32>
      %eq3A_932 = arith.cmpf oeq, %gather3A_506, %gather3A_526 : vector<16xf32>
      %select_n3A_933 = arith.select %eq3A_932, %broadcast_in_dim3A_528, %broadcast_in_dim3A_530 : vector<16xi1>, vector<16xf32>
      %add3A_934 = arith.addf %select_n3A_931, %select_n3A_933 : vector<16xf32>
      %add3A_935 = arith.addf %add3A_929, %add3A_934 : vector<16xf32>
      %lt3A_936 = arith.cmpf olt, %gather3A_510, %gather3A_526 : vector<16xf32>
      %select_n3A_937 = arith.select %lt3A_936, %broadcast_in_dim3A_528, %broadcast_in_dim3A_530 : vector<16xi1>, vector<16xf32>
      %eq3A_938 = arith.cmpf oeq, %gather3A_510, %gather3A_526 : vector<16xf32>
      %select_n3A_939 = arith.select %eq3A_938, %broadcast_in_dim3A_528, %broadcast_in_dim3A_530 : vector<16xi1>, vector<16xf32>
      %add3A_940 = arith.addf %select_n3A_937, %select_n3A_939 : vector<16xf32>
      %add3A_941 = arith.addf %add3A_935, %add3A_940 : vector<16xf32>
      %lt3A_942 = arith.cmpf olt, %gather3A_514, %gather3A_526 : vector<16xf32>
      %select_n3A_943 = arith.select %lt3A_942, %broadcast_in_dim3A_528, %broadcast_in_dim3A_530 : vector<16xi1>, vector<16xf32>
      %eq3A_944 = arith.cmpf oeq, %gather3A_514, %gather3A_526 : vector<16xf32>
      %select_n3A_945 = arith.select %eq3A_944, %broadcast_in_dim3A_528, %broadcast_in_dim3A_530 : vector<16xi1>, vector<16xf32>
      %add3A_946 = arith.addf %select_n3A_943, %select_n3A_945 : vector<16xf32>
      %add3A_947 = arith.addf %add3A_941, %add3A_946 : vector<16xf32>
      %lt3A_948 = arith.cmpf olt, %gather3A_518, %gather3A_526 : vector<16xf32>
      %select_n3A_949 = arith.select %lt3A_948, %broadcast_in_dim3A_528, %broadcast_in_dim3A_530 : vector<16xi1>, vector<16xf32>
      %eq3A_950 = arith.cmpf oeq, %gather3A_518, %gather3A_526 : vector<16xf32>
      %select_n3A_951 = arith.select %eq3A_950, %broadcast_in_dim3A_528, %broadcast_in_dim3A_530 : vector<16xi1>, vector<16xf32>
      %add3A_952 = arith.addf %select_n3A_949, %select_n3A_951 : vector<16xf32>
      %add3A_953 = arith.addf %add3A_947, %add3A_952 : vector<16xf32>
      %lt3A_954 = arith.cmpf olt, %gather3A_522, %gather3A_526 : vector<16xf32>
      %select_n3A_955 = arith.select %lt3A_954, %broadcast_in_dim3A_528, %broadcast_in_dim3A_530 : vector<16xi1>, vector<16xf32>
      %eq3A_956 = arith.cmpf oeq, %gather3A_522, %gather3A_526 : vector<16xf32>
      %select_n3A_957 = arith.select %eq3A_956, %broadcast_in_dim3A_528, %broadcast_in_dim3A_530 : vector<16xi1>, vector<16xf32>
      %add3A_958 = arith.addf %select_n3A_955, %select_n3A_957 : vector<16xf32>
      %add3A_959 = arith.addf %add3A_953, %add3A_958 : vector<16xf32>
      %lt3A_960 = arith.cmpf olt, %gather3A_526, %gather3A_526 : vector<16xf32>
      %select_n3A_961 = arith.select %lt3A_960, %broadcast_in_dim3A_528, %broadcast_in_dim3A_530 : vector<16xi1>, vector<16xf32>
      %add3A_962 = arith.addf %add3A_959, %select_n3A_961 : vector<16xf32>
      %mul3A_963 = arith.mulf %gather3A, %gather3A_244 : vector<16xf32>
      %mul3A_964 = arith.mulf %mul3A_963, %gather3A_271 : vector<16xf32>
      %mul3A_965 = arith.mulf %mul3A_964, %gather3A_298 : vector<16xf32>
      %mul3A_966 = arith.mulf %mul3A_965, %gather3A_325 : vector<16xf32>
      %mul3A_967 = arith.mulf %mul3A_966, %gather3A_352 : vector<16xf32>
      %mul3A_968 = arith.mulf %mul3A_967, %gather3A_379 : vector<16xf32>
      %mul3A_969 = arith.mulf %mul3A_968, %gather3A_406 : vector<16xf32>
      %mul3A_970 = arith.mulf %mul3A_969, %gather3A_433 : vector<16xf32>
      %mul3A_971 = arith.mulf %mul3A_970, %gather3A_460 : vector<16xf32>
      %broadcast_in_dim3A_972 = arith.constant 1.000000e+00 : f32
      %broadcast_in_dim3A_973 = vector.broadcast %broadcast_in_dim3A_972 : f32 to vector<16xf32>
      %lt3A_974 = arith.cmpf olt, %add3A_558, %broadcast_in_dim3A_973 : vector<16xf32>
      %select_n3A_975 = arith.select %lt3A_974, %gather3A, %broadcast_in_dim3A_530 : vector<16xi1>, vector<16xf32>
      %add3A_976 = arith.addf %broadcast_in_dim3A_530, %select_n3A_975 : vector<16xf32>
      %lt3A_977 = arith.cmpf olt, %add3A_590, %broadcast_in_dim3A_973 : vector<16xf32>
      %select_n3A_978 = arith.select %lt3A_977, %gather3A_244, %broadcast_in_dim3A_530 : vector<16xi1>, vector<16xf32>
      %add3A_979 = arith.addf %add3A_976, %select_n3A_978 : vector<16xf32>
      %lt3A_980 = arith.cmpf olt, %add3A_626, %broadcast_in_dim3A_973 : vector<16xf32>
      %select_n3A_981 = arith.select %lt3A_980, %gather3A_271, %broadcast_in_dim3A_530 : vector<16xi1>, vector<16xf32>
      %add3A_982 = arith.addf %add3A_979, %select_n3A_981 : vector<16xf32>
      %lt3A_983 = arith.cmpf olt, %add3A_665, %broadcast_in_dim3A_973 : vector<16xf32>
      %select_n3A_984 = arith.select %lt3A_983, %gather3A_298, %broadcast_in_dim3A_530 : vector<16xi1>, vector<16xf32>
      %add3A_985 = arith.addf %add3A_982, %select_n3A_984 : vector<16xf32>
      %lt3A_986 = arith.cmpf olt, %add3A_707, %broadcast_in_dim3A_973 : vector<16xf32>
      %select_n3A_987 = arith.select %lt3A_986, %gather3A_325, %broadcast_in_dim3A_530 : vector<16xi1>, vector<16xf32>
      %add3A_988 = arith.addf %add3A_985, %select_n3A_987 : vector<16xf32>
      %lt3A_989 = arith.cmpf olt, %add3A_752, %broadcast_in_dim3A_973 : vector<16xf32>
      %select_n3A_990 = arith.select %lt3A_989, %gather3A_352, %broadcast_in_dim3A_530 : vector<16xi1>, vector<16xf32>
      %add3A_991 = arith.addf %add3A_988, %select_n3A_990 : vector<16xf32>
      %lt3A_992 = arith.cmpf olt, %add3A_800, %broadcast_in_dim3A_973 : vector<16xf32>
      %select_n3A_993 = arith.select %lt3A_992, %gather3A_379, %broadcast_in_dim3A_530 : vector<16xi1>, vector<16xf32>
      %add3A_994 = arith.addf %add3A_991, %select_n3A_993 : vector<16xf32>
      %lt3A_995 = arith.cmpf olt, %add3A_851, %broadcast_in_dim3A_973 : vector<16xf32>
      %select_n3A_996 = arith.select %lt3A_995, %gather3A_406, %broadcast_in_dim3A_530 : vector<16xi1>, vector<16xf32>
      %add3A_997 = arith.addf %add3A_994, %select_n3A_996 : vector<16xf32>
      %lt3A_998 = arith.cmpf olt, %add3A_905, %broadcast_in_dim3A_973 : vector<16xf32>
      %select_n3A_999 = arith.select %lt3A_998, %gather3A_433, %broadcast_in_dim3A_530 : vector<16xi1>, vector<16xf32>
      %add3A_1000 = arith.addf %add3A_997, %select_n3A_999 : vector<16xf32>
      %lt3A_1001 = arith.cmpf olt, %add3A_962, %broadcast_in_dim3A_973 : vector<16xf32>
      %select_n3A_1002 = arith.select %lt3A_1001, %gather3A_460, %broadcast_in_dim3A_530 : vector<16xi1>, vector<16xf32>
      %add3A_1003 = arith.addf %add3A_1000, %select_n3A_1002 : vector<16xf32>
      %sub3A = arith.subf %scan3A_51, %add3A_1003 : vector<16xf32>
      %mul3A_1004 = arith.mulf %scan3A_51, %sub3A : vector<16xf32>
      %broadcast_in_dim3A_1005 = arith.constant 2.000000e+00 : f32
      %broadcast_in_dim3A_1006 = vector.broadcast %broadcast_in_dim3A_1005 : f32 to vector<16xf32>
      %lt3A_1007 = arith.cmpf olt, %add3A_558, %broadcast_in_dim3A_1006 : vector<16xf32>
      %select_n3A_1008 = arith.select %lt3A_1007, %gather3A, %broadcast_in_dim3A_530 : vector<16xi1>, vector<16xf32>
      %add3A_1009 = arith.addf %broadcast_in_dim3A_530, %select_n3A_1008 : vector<16xf32>
      %lt3A_1010 = arith.cmpf olt, %add3A_590, %broadcast_in_dim3A_1006 : vector<16xf32>
      %select_n3A_1011 = arith.select %lt3A_1010, %gather3A_244, %broadcast_in_dim3A_530 : vector<16xi1>, vector<16xf32>
      %add3A_1012 = arith.addf %add3A_1009, %select_n3A_1011 : vector<16xf32>
      %lt3A_1013 = arith.cmpf olt, %add3A_626, %broadcast_in_dim3A_1006 : vector<16xf32>
      %select_n3A_1014 = arith.select %lt3A_1013, %gather3A_271, %broadcast_in_dim3A_530 : vector<16xi1>, vector<16xf32>
      %add3A_1015 = arith.addf %add3A_1012, %select_n3A_1014 : vector<16xf32>
      %lt3A_1016 = arith.cmpf olt, %add3A_665, %broadcast_in_dim3A_1006 : vector<16xf32>
      %select_n3A_1017 = arith.select %lt3A_1016, %gather3A_298, %broadcast_in_dim3A_530 : vector<16xi1>, vector<16xf32>
      %add3A_1018 = arith.addf %add3A_1015, %select_n3A_1017 : vector<16xf32>
      %lt3A_1019 = arith.cmpf olt, %add3A_707, %broadcast_in_dim3A_1006 : vector<16xf32>
      %select_n3A_1020 = arith.select %lt3A_1019, %gather3A_325, %broadcast_in_dim3A_530 : vector<16xi1>, vector<16xf32>
      %add3A_1021 = arith.addf %add3A_1018, %select_n3A_1020 : vector<16xf32>
      %lt3A_1022 = arith.cmpf olt, %add3A_752, %broadcast_in_dim3A_1006 : vector<16xf32>
      %select_n3A_1023 = arith.select %lt3A_1022, %gather3A_352, %broadcast_in_dim3A_530 : vector<16xi1>, vector<16xf32>
      %add3A_1024 = arith.addf %add3A_1021, %select_n3A_1023 : vector<16xf32>
      %lt3A_1025 = arith.cmpf olt, %add3A_800, %broadcast_in_dim3A_1006 : vector<16xf32>
      %select_n3A_1026 = arith.select %lt3A_1025, %gather3A_379, %broadcast_in_dim3A_530 : vector<16xi1>, vector<16xf32>
      %add3A_1027 = arith.addf %add3A_1024, %select_n3A_1026 : vector<16xf32>
      %lt3A_1028 = arith.cmpf olt, %add3A_851, %broadcast_in_dim3A_1006 : vector<16xf32>
      %select_n3A_1029 = arith.select %lt3A_1028, %gather3A_406, %broadcast_in_dim3A_530 : vector<16xi1>, vector<16xf32>
      %add3A_1030 = arith.addf %add3A_1027, %select_n3A_1029 : vector<16xf32>
      %lt3A_1031 = arith.cmpf olt, %add3A_905, %broadcast_in_dim3A_1006 : vector<16xf32>
      %select_n3A_1032 = arith.select %lt3A_1031, %gather3A_433, %broadcast_in_dim3A_530 : vector<16xi1>, vector<16xf32>
      %add3A_1033 = arith.addf %add3A_1030, %select_n3A_1032 : vector<16xf32>
      %lt3A_1034 = arith.cmpf olt, %add3A_962, %broadcast_in_dim3A_1006 : vector<16xf32>
      %select_n3A_1035 = arith.select %lt3A_1034, %gather3A_460, %broadcast_in_dim3A_530 : vector<16xi1>, vector<16xf32>
      %add3A_1036 = arith.addf %add3A_1033, %select_n3A_1035 : vector<16xf32>
      %sub3A_1037 = arith.subf %scan3A_51, %add3A_1036 : vector<16xf32>
      %mul3A_1038 = arith.mulf %mul3A_1004, %sub3A_1037 : vector<16xf32>
      %broadcast_in_dim3A_1039 = arith.constant 3.000000e+00 : f32
      %broadcast_in_dim3A_1040 = vector.broadcast %broadcast_in_dim3A_1039 : f32 to vector<16xf32>
      %lt3A_1041 = arith.cmpf olt, %add3A_558, %broadcast_in_dim3A_1040 : vector<16xf32>
      %select_n3A_1042 = arith.select %lt3A_1041, %gather3A, %broadcast_in_dim3A_530 : vector<16xi1>, vector<16xf32>
      %add3A_1043 = arith.addf %broadcast_in_dim3A_530, %select_n3A_1042 : vector<16xf32>
      %lt3A_1044 = arith.cmpf olt, %add3A_590, %broadcast_in_dim3A_1040 : vector<16xf32>
      %select_n3A_1045 = arith.select %lt3A_1044, %gather3A_244, %broadcast_in_dim3A_530 : vector<16xi1>, vector<16xf32>
      %add3A_1046 = arith.addf %add3A_1043, %select_n3A_1045 : vector<16xf32>
      %lt3A_1047 = arith.cmpf olt, %add3A_626, %broadcast_in_dim3A_1040 : vector<16xf32>
      %select_n3A_1048 = arith.select %lt3A_1047, %gather3A_271, %broadcast_in_dim3A_530 : vector<16xi1>, vector<16xf32>
      %add3A_1049 = arith.addf %add3A_1046, %select_n3A_1048 : vector<16xf32>
      %lt3A_1050 = arith.cmpf olt, %add3A_665, %broadcast_in_dim3A_1040 : vector<16xf32>
      %select_n3A_1051 = arith.select %lt3A_1050, %gather3A_298, %broadcast_in_dim3A_530 : vector<16xi1>, vector<16xf32>
      %add3A_1052 = arith.addf %add3A_1049, %select_n3A_1051 : vector<16xf32>
      %lt3A_1053 = arith.cmpf olt, %add3A_707, %broadcast_in_dim3A_1040 : vector<16xf32>
      %select_n3A_1054 = arith.select %lt3A_1053, %gather3A_325, %broadcast_in_dim3A_530 : vector<16xi1>, vector<16xf32>
      %add3A_1055 = arith.addf %add3A_1052, %select_n3A_1054 : vector<16xf32>
      %lt3A_1056 = arith.cmpf olt, %add3A_752, %broadcast_in_dim3A_1040 : vector<16xf32>
      %select_n3A_1057 = arith.select %lt3A_1056, %gather3A_352, %broadcast_in_dim3A_530 : vector<16xi1>, vector<16xf32>
      %add3A_1058 = arith.addf %add3A_1055, %select_n3A_1057 : vector<16xf32>
      %lt3A_1059 = arith.cmpf olt, %add3A_800, %broadcast_in_dim3A_1040 : vector<16xf32>
      %select_n3A_1060 = arith.select %lt3A_1059, %gather3A_379, %broadcast_in_dim3A_530 : vector<16xi1>, vector<16xf32>
      %add3A_1061 = arith.addf %add3A_1058, %select_n3A_1060 : vector<16xf32>
      %lt3A_1062 = arith.cmpf olt, %add3A_851, %broadcast_in_dim3A_1040 : vector<16xf32>
      %select_n3A_1063 = arith.select %lt3A_1062, %gather3A_406, %broadcast_in_dim3A_530 : vector<16xi1>, vector<16xf32>
      %add3A_1064 = arith.addf %add3A_1061, %select_n3A_1063 : vector<16xf32>
      %lt3A_1065 = arith.cmpf olt, %add3A_905, %broadcast_in_dim3A_1040 : vector<16xf32>
      %select_n3A_1066 = arith.select %lt3A_1065, %gather3A_433, %broadcast_in_dim3A_530 : vector<16xi1>, vector<16xf32>
      %add3A_1067 = arith.addf %add3A_1064, %select_n3A_1066 : vector<16xf32>
      %lt3A_1068 = arith.cmpf olt, %add3A_962, %broadcast_in_dim3A_1040 : vector<16xf32>
      %select_n3A_1069 = arith.select %lt3A_1068, %gather3A_460, %broadcast_in_dim3A_530 : vector<16xi1>, vector<16xf32>
      %add3A_1070 = arith.addf %add3A_1067, %select_n3A_1069 : vector<16xf32>
      %sub3A_1071 = arith.subf %scan3A_51, %add3A_1070 : vector<16xf32>
      %mul3A_1072 = arith.mulf %mul3A_1038, %sub3A_1071 : vector<16xf32>
      %broadcast_in_dim3A_1073 = arith.constant 4.000000e+00 : f32
      %broadcast_in_dim3A_1074 = vector.broadcast %broadcast_in_dim3A_1073 : f32 to vector<16xf32>
      %lt3A_1075 = arith.cmpf olt, %add3A_558, %broadcast_in_dim3A_1074 : vector<16xf32>
      %select_n3A_1076 = arith.select %lt3A_1075, %gather3A, %broadcast_in_dim3A_530 : vector<16xi1>, vector<16xf32>
      %add3A_1077 = arith.addf %broadcast_in_dim3A_530, %select_n3A_1076 : vector<16xf32>
      %lt3A_1078 = arith.cmpf olt, %add3A_590, %broadcast_in_dim3A_1074 : vector<16xf32>
      %select_n3A_1079 = arith.select %lt3A_1078, %gather3A_244, %broadcast_in_dim3A_530 : vector<16xi1>, vector<16xf32>
      %add3A_1080 = arith.addf %add3A_1077, %select_n3A_1079 : vector<16xf32>
      %lt3A_1081 = arith.cmpf olt, %add3A_626, %broadcast_in_dim3A_1074 : vector<16xf32>
      %select_n3A_1082 = arith.select %lt3A_1081, %gather3A_271, %broadcast_in_dim3A_530 : vector<16xi1>, vector<16xf32>
      %add3A_1083 = arith.addf %add3A_1080, %select_n3A_1082 : vector<16xf32>
      %lt3A_1084 = arith.cmpf olt, %add3A_665, %broadcast_in_dim3A_1074 : vector<16xf32>
      %select_n3A_1085 = arith.select %lt3A_1084, %gather3A_298, %broadcast_in_dim3A_530 : vector<16xi1>, vector<16xf32>
      %add3A_1086 = arith.addf %add3A_1083, %select_n3A_1085 : vector<16xf32>
      %lt3A_1087 = arith.cmpf olt, %add3A_707, %broadcast_in_dim3A_1074 : vector<16xf32>
      %select_n3A_1088 = arith.select %lt3A_1087, %gather3A_325, %broadcast_in_dim3A_530 : vector<16xi1>, vector<16xf32>
      %add3A_1089 = arith.addf %add3A_1086, %select_n3A_1088 : vector<16xf32>
      %lt3A_1090 = arith.cmpf olt, %add3A_752, %broadcast_in_dim3A_1074 : vector<16xf32>
      %select_n3A_1091 = arith.select %lt3A_1090, %gather3A_352, %broadcast_in_dim3A_530 : vector<16xi1>, vector<16xf32>
      %add3A_1092 = arith.addf %add3A_1089, %select_n3A_1091 : vector<16xf32>
      %lt3A_1093 = arith.cmpf olt, %add3A_800, %broadcast_in_dim3A_1074 : vector<16xf32>
      %select_n3A_1094 = arith.select %lt3A_1093, %gather3A_379, %broadcast_in_dim3A_530 : vector<16xi1>, vector<16xf32>
      %add3A_1095 = arith.addf %add3A_1092, %select_n3A_1094 : vector<16xf32>
      %lt3A_1096 = arith.cmpf olt, %add3A_851, %broadcast_in_dim3A_1074 : vector<16xf32>
      %select_n3A_1097 = arith.select %lt3A_1096, %gather3A_406, %broadcast_in_dim3A_530 : vector<16xi1>, vector<16xf32>
      %add3A_1098 = arith.addf %add3A_1095, %select_n3A_1097 : vector<16xf32>
      %lt3A_1099 = arith.cmpf olt, %add3A_905, %broadcast_in_dim3A_1074 : vector<16xf32>
      %select_n3A_1100 = arith.select %lt3A_1099, %gather3A_433, %broadcast_in_dim3A_530 : vector<16xi1>, vector<16xf32>
      %add3A_1101 = arith.addf %add3A_1098, %select_n3A_1100 : vector<16xf32>
      %lt3A_1102 = arith.cmpf olt, %add3A_962, %broadcast_in_dim3A_1074 : vector<16xf32>
      %select_n3A_1103 = arith.select %lt3A_1102, %gather3A_460, %broadcast_in_dim3A_530 : vector<16xi1>, vector<16xf32>
      %add3A_1104 = arith.addf %add3A_1101, %select_n3A_1103 : vector<16xf32>
      %sub3A_1105 = arith.subf %scan3A_51, %add3A_1104 : vector<16xf32>
      %mul3A_1106 = arith.mulf %mul3A_1072, %sub3A_1105 : vector<16xf32>
      %broadcast_in_dim3A_1107 = arith.constant 5.000000e+00 : f32
      %broadcast_in_dim3A_1108 = vector.broadcast %broadcast_in_dim3A_1107 : f32 to vector<16xf32>
      %lt3A_1109 = arith.cmpf olt, %add3A_558, %broadcast_in_dim3A_1108 : vector<16xf32>
      %select_n3A_1110 = arith.select %lt3A_1109, %gather3A, %broadcast_in_dim3A_530 : vector<16xi1>, vector<16xf32>
      %add3A_1111 = arith.addf %broadcast_in_dim3A_530, %select_n3A_1110 : vector<16xf32>
      %lt3A_1112 = arith.cmpf olt, %add3A_590, %broadcast_in_dim3A_1108 : vector<16xf32>
      %select_n3A_1113 = arith.select %lt3A_1112, %gather3A_244, %broadcast_in_dim3A_530 : vector<16xi1>, vector<16xf32>
      %add3A_1114 = arith.addf %add3A_1111, %select_n3A_1113 : vector<16xf32>
      %lt3A_1115 = arith.cmpf olt, %add3A_626, %broadcast_in_dim3A_1108 : vector<16xf32>
      %select_n3A_1116 = arith.select %lt3A_1115, %gather3A_271, %broadcast_in_dim3A_530 : vector<16xi1>, vector<16xf32>
      %add3A_1117 = arith.addf %add3A_1114, %select_n3A_1116 : vector<16xf32>
      %lt3A_1118 = arith.cmpf olt, %add3A_665, %broadcast_in_dim3A_1108 : vector<16xf32>
      %select_n3A_1119 = arith.select %lt3A_1118, %gather3A_298, %broadcast_in_dim3A_530 : vector<16xi1>, vector<16xf32>
      %add3A_1120 = arith.addf %add3A_1117, %select_n3A_1119 : vector<16xf32>
      %lt3A_1121 = arith.cmpf olt, %add3A_707, %broadcast_in_dim3A_1108 : vector<16xf32>
      %select_n3A_1122 = arith.select %lt3A_1121, %gather3A_325, %broadcast_in_dim3A_530 : vector<16xi1>, vector<16xf32>
      %add3A_1123 = arith.addf %add3A_1120, %select_n3A_1122 : vector<16xf32>
      %lt3A_1124 = arith.cmpf olt, %add3A_752, %broadcast_in_dim3A_1108 : vector<16xf32>
      %select_n3A_1125 = arith.select %lt3A_1124, %gather3A_352, %broadcast_in_dim3A_530 : vector<16xi1>, vector<16xf32>
      %add3A_1126 = arith.addf %add3A_1123, %select_n3A_1125 : vector<16xf32>
      %lt3A_1127 = arith.cmpf olt, %add3A_800, %broadcast_in_dim3A_1108 : vector<16xf32>
      %select_n3A_1128 = arith.select %lt3A_1127, %gather3A_379, %broadcast_in_dim3A_530 : vector<16xi1>, vector<16xf32>
      %add3A_1129 = arith.addf %add3A_1126, %select_n3A_1128 : vector<16xf32>
      %lt3A_1130 = arith.cmpf olt, %add3A_851, %broadcast_in_dim3A_1108 : vector<16xf32>
      %select_n3A_1131 = arith.select %lt3A_1130, %gather3A_406, %broadcast_in_dim3A_530 : vector<16xi1>, vector<16xf32>
      %add3A_1132 = arith.addf %add3A_1129, %select_n3A_1131 : vector<16xf32>
      %lt3A_1133 = arith.cmpf olt, %add3A_905, %broadcast_in_dim3A_1108 : vector<16xf32>
      %select_n3A_1134 = arith.select %lt3A_1133, %gather3A_433, %broadcast_in_dim3A_530 : vector<16xi1>, vector<16xf32>
      %add3A_1135 = arith.addf %add3A_1132, %select_n3A_1134 : vector<16xf32>
      %lt3A_1136 = arith.cmpf olt, %add3A_962, %broadcast_in_dim3A_1108 : vector<16xf32>
      %select_n3A_1137 = arith.select %lt3A_1136, %gather3A_460, %broadcast_in_dim3A_530 : vector<16xi1>, vector<16xf32>
      %add3A_1138 = arith.addf %add3A_1135, %select_n3A_1137 : vector<16xf32>
      %sub3A_1139 = arith.subf %scan3A_51, %add3A_1138 : vector<16xf32>
      %mul3A_1140 = arith.mulf %mul3A_1106, %sub3A_1139 : vector<16xf32>
      %broadcast_in_dim3A_1141 = arith.constant 6.000000e+00 : f32
      %broadcast_in_dim3A_1142 = vector.broadcast %broadcast_in_dim3A_1141 : f32 to vector<16xf32>
      %lt3A_1143 = arith.cmpf olt, %add3A_558, %broadcast_in_dim3A_1142 : vector<16xf32>
      %select_n3A_1144 = arith.select %lt3A_1143, %gather3A, %broadcast_in_dim3A_530 : vector<16xi1>, vector<16xf32>
      %add3A_1145 = arith.addf %broadcast_in_dim3A_530, %select_n3A_1144 : vector<16xf32>
      %lt3A_1146 = arith.cmpf olt, %add3A_590, %broadcast_in_dim3A_1142 : vector<16xf32>
      %select_n3A_1147 = arith.select %lt3A_1146, %gather3A_244, %broadcast_in_dim3A_530 : vector<16xi1>, vector<16xf32>
      %add3A_1148 = arith.addf %add3A_1145, %select_n3A_1147 : vector<16xf32>
      %lt3A_1149 = arith.cmpf olt, %add3A_626, %broadcast_in_dim3A_1142 : vector<16xf32>
      %select_n3A_1150 = arith.select %lt3A_1149, %gather3A_271, %broadcast_in_dim3A_530 : vector<16xi1>, vector<16xf32>
      %add3A_1151 = arith.addf %add3A_1148, %select_n3A_1150 : vector<16xf32>
      %lt3A_1152 = arith.cmpf olt, %add3A_665, %broadcast_in_dim3A_1142 : vector<16xf32>
      %select_n3A_1153 = arith.select %lt3A_1152, %gather3A_298, %broadcast_in_dim3A_530 : vector<16xi1>, vector<16xf32>
      %add3A_1154 = arith.addf %add3A_1151, %select_n3A_1153 : vector<16xf32>
      %lt3A_1155 = arith.cmpf olt, %add3A_707, %broadcast_in_dim3A_1142 : vector<16xf32>
      %select_n3A_1156 = arith.select %lt3A_1155, %gather3A_325, %broadcast_in_dim3A_530 : vector<16xi1>, vector<16xf32>
      %add3A_1157 = arith.addf %add3A_1154, %select_n3A_1156 : vector<16xf32>
      %lt3A_1158 = arith.cmpf olt, %add3A_752, %broadcast_in_dim3A_1142 : vector<16xf32>
      %select_n3A_1159 = arith.select %lt3A_1158, %gather3A_352, %broadcast_in_dim3A_530 : vector<16xi1>, vector<16xf32>
      %add3A_1160 = arith.addf %add3A_1157, %select_n3A_1159 : vector<16xf32>
      %lt3A_1161 = arith.cmpf olt, %add3A_800, %broadcast_in_dim3A_1142 : vector<16xf32>
      %select_n3A_1162 = arith.select %lt3A_1161, %gather3A_379, %broadcast_in_dim3A_530 : vector<16xi1>, vector<16xf32>
      %add3A_1163 = arith.addf %add3A_1160, %select_n3A_1162 : vector<16xf32>
      %lt3A_1164 = arith.cmpf olt, %add3A_851, %broadcast_in_dim3A_1142 : vector<16xf32>
      %select_n3A_1165 = arith.select %lt3A_1164, %gather3A_406, %broadcast_in_dim3A_530 : vector<16xi1>, vector<16xf32>
      %add3A_1166 = arith.addf %add3A_1163, %select_n3A_1165 : vector<16xf32>
      %lt3A_1167 = arith.cmpf olt, %add3A_905, %broadcast_in_dim3A_1142 : vector<16xf32>
      %select_n3A_1168 = arith.select %lt3A_1167, %gather3A_433, %broadcast_in_dim3A_530 : vector<16xi1>, vector<16xf32>
      %add3A_1169 = arith.addf %add3A_1166, %select_n3A_1168 : vector<16xf32>
      %lt3A_1170 = arith.cmpf olt, %add3A_962, %broadcast_in_dim3A_1142 : vector<16xf32>
      %select_n3A_1171 = arith.select %lt3A_1170, %gather3A_460, %broadcast_in_dim3A_530 : vector<16xi1>, vector<16xf32>
      %add3A_1172 = arith.addf %add3A_1169, %select_n3A_1171 : vector<16xf32>
      %sub3A_1173 = arith.subf %scan3A_51, %add3A_1172 : vector<16xf32>
      %mul3A_1174 = arith.mulf %mul3A_1140, %sub3A_1173 : vector<16xf32>
      %broadcast_in_dim3A_1175 = arith.constant 7.000000e+00 : f32
      %broadcast_in_dim3A_1176 = vector.broadcast %broadcast_in_dim3A_1175 : f32 to vector<16xf32>
      %lt3A_1177 = arith.cmpf olt, %add3A_558, %broadcast_in_dim3A_1176 : vector<16xf32>
      %select_n3A_1178 = arith.select %lt3A_1177, %gather3A, %broadcast_in_dim3A_530 : vector<16xi1>, vector<16xf32>
      %add3A_1179 = arith.addf %broadcast_in_dim3A_530, %select_n3A_1178 : vector<16xf32>
      %lt3A_1180 = arith.cmpf olt, %add3A_590, %broadcast_in_dim3A_1176 : vector<16xf32>
      %select_n3A_1181 = arith.select %lt3A_1180, %gather3A_244, %broadcast_in_dim3A_530 : vector<16xi1>, vector<16xf32>
      %add3A_1182 = arith.addf %add3A_1179, %select_n3A_1181 : vector<16xf32>
      %lt3A_1183 = arith.cmpf olt, %add3A_626, %broadcast_in_dim3A_1176 : vector<16xf32>
      %select_n3A_1184 = arith.select %lt3A_1183, %gather3A_271, %broadcast_in_dim3A_530 : vector<16xi1>, vector<16xf32>
      %add3A_1185 = arith.addf %add3A_1182, %select_n3A_1184 : vector<16xf32>
      %lt3A_1186 = arith.cmpf olt, %add3A_665, %broadcast_in_dim3A_1176 : vector<16xf32>
      %select_n3A_1187 = arith.select %lt3A_1186, %gather3A_298, %broadcast_in_dim3A_530 : vector<16xi1>, vector<16xf32>
      %add3A_1188 = arith.addf %add3A_1185, %select_n3A_1187 : vector<16xf32>
      %lt3A_1189 = arith.cmpf olt, %add3A_707, %broadcast_in_dim3A_1176 : vector<16xf32>
      %select_n3A_1190 = arith.select %lt3A_1189, %gather3A_325, %broadcast_in_dim3A_530 : vector<16xi1>, vector<16xf32>
      %add3A_1191 = arith.addf %add3A_1188, %select_n3A_1190 : vector<16xf32>
      %lt3A_1192 = arith.cmpf olt, %add3A_752, %broadcast_in_dim3A_1176 : vector<16xf32>
      %select_n3A_1193 = arith.select %lt3A_1192, %gather3A_352, %broadcast_in_dim3A_530 : vector<16xi1>, vector<16xf32>
      %add3A_1194 = arith.addf %add3A_1191, %select_n3A_1193 : vector<16xf32>
      %lt3A_1195 = arith.cmpf olt, %add3A_800, %broadcast_in_dim3A_1176 : vector<16xf32>
      %select_n3A_1196 = arith.select %lt3A_1195, %gather3A_379, %broadcast_in_dim3A_530 : vector<16xi1>, vector<16xf32>
      %add3A_1197 = arith.addf %add3A_1194, %select_n3A_1196 : vector<16xf32>
      %lt3A_1198 = arith.cmpf olt, %add3A_851, %broadcast_in_dim3A_1176 : vector<16xf32>
      %select_n3A_1199 = arith.select %lt3A_1198, %gather3A_406, %broadcast_in_dim3A_530 : vector<16xi1>, vector<16xf32>
      %add3A_1200 = arith.addf %add3A_1197, %select_n3A_1199 : vector<16xf32>
      %lt3A_1201 = arith.cmpf olt, %add3A_905, %broadcast_in_dim3A_1176 : vector<16xf32>
      %select_n3A_1202 = arith.select %lt3A_1201, %gather3A_433, %broadcast_in_dim3A_530 : vector<16xi1>, vector<16xf32>
      %add3A_1203 = arith.addf %add3A_1200, %select_n3A_1202 : vector<16xf32>
      %lt3A_1204 = arith.cmpf olt, %add3A_962, %broadcast_in_dim3A_1176 : vector<16xf32>
      %select_n3A_1205 = arith.select %lt3A_1204, %gather3A_460, %broadcast_in_dim3A_530 : vector<16xi1>, vector<16xf32>
      %add3A_1206 = arith.addf %add3A_1203, %select_n3A_1205 : vector<16xf32>
      %sub3A_1207 = arith.subf %scan3A_51, %add3A_1206 : vector<16xf32>
      %mul3A_1208 = arith.mulf %mul3A_1174, %sub3A_1207 : vector<16xf32>
      %broadcast_in_dim3A_1209 = arith.constant 8.000000e+00 : f32
      %broadcast_in_dim3A_1210 = vector.broadcast %broadcast_in_dim3A_1209 : f32 to vector<16xf32>
      %lt3A_1211 = arith.cmpf olt, %add3A_558, %broadcast_in_dim3A_1210 : vector<16xf32>
      %select_n3A_1212 = arith.select %lt3A_1211, %gather3A, %broadcast_in_dim3A_530 : vector<16xi1>, vector<16xf32>
      %add3A_1213 = arith.addf %broadcast_in_dim3A_530, %select_n3A_1212 : vector<16xf32>
      %lt3A_1214 = arith.cmpf olt, %add3A_590, %broadcast_in_dim3A_1210 : vector<16xf32>
      %select_n3A_1215 = arith.select %lt3A_1214, %gather3A_244, %broadcast_in_dim3A_530 : vector<16xi1>, vector<16xf32>
      %add3A_1216 = arith.addf %add3A_1213, %select_n3A_1215 : vector<16xf32>
      %lt3A_1217 = arith.cmpf olt, %add3A_626, %broadcast_in_dim3A_1210 : vector<16xf32>
      %select_n3A_1218 = arith.select %lt3A_1217, %gather3A_271, %broadcast_in_dim3A_530 : vector<16xi1>, vector<16xf32>
      %add3A_1219 = arith.addf %add3A_1216, %select_n3A_1218 : vector<16xf32>
      %lt3A_1220 = arith.cmpf olt, %add3A_665, %broadcast_in_dim3A_1210 : vector<16xf32>
      %select_n3A_1221 = arith.select %lt3A_1220, %gather3A_298, %broadcast_in_dim3A_530 : vector<16xi1>, vector<16xf32>
      %add3A_1222 = arith.addf %add3A_1219, %select_n3A_1221 : vector<16xf32>
      %lt3A_1223 = arith.cmpf olt, %add3A_707, %broadcast_in_dim3A_1210 : vector<16xf32>
      %select_n3A_1224 = arith.select %lt3A_1223, %gather3A_325, %broadcast_in_dim3A_530 : vector<16xi1>, vector<16xf32>
      %add3A_1225 = arith.addf %add3A_1222, %select_n3A_1224 : vector<16xf32>
      %lt3A_1226 = arith.cmpf olt, %add3A_752, %broadcast_in_dim3A_1210 : vector<16xf32>
      %select_n3A_1227 = arith.select %lt3A_1226, %gather3A_352, %broadcast_in_dim3A_530 : vector<16xi1>, vector<16xf32>
      %add3A_1228 = arith.addf %add3A_1225, %select_n3A_1227 : vector<16xf32>
      %lt3A_1229 = arith.cmpf olt, %add3A_800, %broadcast_in_dim3A_1210 : vector<16xf32>
      %select_n3A_1230 = arith.select %lt3A_1229, %gather3A_379, %broadcast_in_dim3A_530 : vector<16xi1>, vector<16xf32>
      %add3A_1231 = arith.addf %add3A_1228, %select_n3A_1230 : vector<16xf32>
      %lt3A_1232 = arith.cmpf olt, %add3A_851, %broadcast_in_dim3A_1210 : vector<16xf32>
      %select_n3A_1233 = arith.select %lt3A_1232, %gather3A_406, %broadcast_in_dim3A_530 : vector<16xi1>, vector<16xf32>
      %add3A_1234 = arith.addf %add3A_1231, %select_n3A_1233 : vector<16xf32>
      %lt3A_1235 = arith.cmpf olt, %add3A_905, %broadcast_in_dim3A_1210 : vector<16xf32>
      %select_n3A_1236 = arith.select %lt3A_1235, %gather3A_433, %broadcast_in_dim3A_530 : vector<16xi1>, vector<16xf32>
      %add3A_1237 = arith.addf %add3A_1234, %select_n3A_1236 : vector<16xf32>
      %lt3A_1238 = arith.cmpf olt, %add3A_962, %broadcast_in_dim3A_1210 : vector<16xf32>
      %select_n3A_1239 = arith.select %lt3A_1238, %gather3A_460, %broadcast_in_dim3A_530 : vector<16xi1>, vector<16xf32>
      %add3A_1240 = arith.addf %add3A_1237, %select_n3A_1239 : vector<16xf32>
      %sub3A_1241 = arith.subf %scan3A_51, %add3A_1240 : vector<16xf32>
      %mul3A_1242 = arith.mulf %mul3A_1208, %sub3A_1241 : vector<16xf32>
      %broadcast_in_dim3A_1243 = arith.constant 9.000000e+00 : f32
      %broadcast_in_dim3A_1244 = vector.broadcast %broadcast_in_dim3A_1243 : f32 to vector<16xf32>
      %lt3A_1245 = arith.cmpf olt, %add3A_558, %broadcast_in_dim3A_1244 : vector<16xf32>
      %select_n3A_1246 = arith.select %lt3A_1245, %gather3A, %broadcast_in_dim3A_530 : vector<16xi1>, vector<16xf32>
      %add3A_1247 = arith.addf %broadcast_in_dim3A_530, %select_n3A_1246 : vector<16xf32>
      %lt3A_1248 = arith.cmpf olt, %add3A_590, %broadcast_in_dim3A_1244 : vector<16xf32>
      %select_n3A_1249 = arith.select %lt3A_1248, %gather3A_244, %broadcast_in_dim3A_530 : vector<16xi1>, vector<16xf32>
      %add3A_1250 = arith.addf %add3A_1247, %select_n3A_1249 : vector<16xf32>
      %lt3A_1251 = arith.cmpf olt, %add3A_626, %broadcast_in_dim3A_1244 : vector<16xf32>
      %select_n3A_1252 = arith.select %lt3A_1251, %gather3A_271, %broadcast_in_dim3A_530 : vector<16xi1>, vector<16xf32>
      %add3A_1253 = arith.addf %add3A_1250, %select_n3A_1252 : vector<16xf32>
      %lt3A_1254 = arith.cmpf olt, %add3A_665, %broadcast_in_dim3A_1244 : vector<16xf32>
      %select_n3A_1255 = arith.select %lt3A_1254, %gather3A_298, %broadcast_in_dim3A_530 : vector<16xi1>, vector<16xf32>
      %add3A_1256 = arith.addf %add3A_1253, %select_n3A_1255 : vector<16xf32>
      %lt3A_1257 = arith.cmpf olt, %add3A_707, %broadcast_in_dim3A_1244 : vector<16xf32>
      %select_n3A_1258 = arith.select %lt3A_1257, %gather3A_325, %broadcast_in_dim3A_530 : vector<16xi1>, vector<16xf32>
      %add3A_1259 = arith.addf %add3A_1256, %select_n3A_1258 : vector<16xf32>
      %lt3A_1260 = arith.cmpf olt, %add3A_752, %broadcast_in_dim3A_1244 : vector<16xf32>
      %select_n3A_1261 = arith.select %lt3A_1260, %gather3A_352, %broadcast_in_dim3A_530 : vector<16xi1>, vector<16xf32>
      %add3A_1262 = arith.addf %add3A_1259, %select_n3A_1261 : vector<16xf32>
      %lt3A_1263 = arith.cmpf olt, %add3A_800, %broadcast_in_dim3A_1244 : vector<16xf32>
      %select_n3A_1264 = arith.select %lt3A_1263, %gather3A_379, %broadcast_in_dim3A_530 : vector<16xi1>, vector<16xf32>
      %add3A_1265 = arith.addf %add3A_1262, %select_n3A_1264 : vector<16xf32>
      %lt3A_1266 = arith.cmpf olt, %add3A_851, %broadcast_in_dim3A_1244 : vector<16xf32>
      %select_n3A_1267 = arith.select %lt3A_1266, %gather3A_406, %broadcast_in_dim3A_530 : vector<16xi1>, vector<16xf32>
      %add3A_1268 = arith.addf %add3A_1265, %select_n3A_1267 : vector<16xf32>
      %lt3A_1269 = arith.cmpf olt, %add3A_905, %broadcast_in_dim3A_1244 : vector<16xf32>
      %select_n3A_1270 = arith.select %lt3A_1269, %gather3A_433, %broadcast_in_dim3A_530 : vector<16xi1>, vector<16xf32>
      %add3A_1271 = arith.addf %add3A_1268, %select_n3A_1270 : vector<16xf32>
      %lt3A_1272 = arith.cmpf olt, %add3A_962, %broadcast_in_dim3A_1244 : vector<16xf32>
      %select_n3A_1273 = arith.select %lt3A_1272, %gather3A_460, %broadcast_in_dim3A_530 : vector<16xi1>, vector<16xf32>
      %add3A_1274 = arith.addf %add3A_1271, %select_n3A_1273 : vector<16xf32>
      %sub3A_1275 = arith.subf %scan3A_51, %add3A_1274 : vector<16xf32>
      %mul3A_1276 = arith.mulf %mul3A_1242, %sub3A_1275 : vector<16xf32>
      %mul3A_1277 = arith.constant 3.628800e+06 : f32
      %mul3A_1278 = vector.broadcast %mul3A_1277 : f32 to vector<16xf32>
      %mul3A_1279 = arith.mulf %mul3A_1278, %mul3A_971 : vector<16xf32>
      %div3A = arith.divf %mul3A_1279, %mul3A_1276 : vector<16xf32>
      %add3A_1280 = arith.addf %broadcast_in_dim3A_530, %gather3A_219 : vector<16xf32>
      %add3A_1281 = arith.addf %add3A_1280, %gather3A_246 : vector<16xf32>
      %add3A_1282 = arith.addf %add3A_1281, %gather3A_273 : vector<16xf32>
      %add3A_1283 = arith.addf %add3A_1282, %gather3A_300 : vector<16xf32>
      %add3A_1284 = arith.addf %add3A_1283, %gather3A_327 : vector<16xf32>
      %add3A_1285 = arith.addf %add3A_1284, %gather3A_354 : vector<16xf32>
      %add3A_1286 = arith.addf %add3A_1285, %gather3A_381 : vector<16xf32>
      %add3A_1287 = arith.addf %add3A_1286, %gather3A_408 : vector<16xf32>
      %add3A_1288 = arith.addf %add3A_1287, %gather3A_435 : vector<16xf32>
      %add3A_1289 = arith.addf %add3A_1288, %gather3A_462 : vector<16xf32>
      %eq3A_1290 = arith.cmpf oeq, %add3A_1289, %broadcast_in_dim3A_530 : vector<16xf32>
      %div3A_1291 = arith.divf %broadcast_in_dim3A_528, %add3A_1289 : vector<16xf32>
      %select_n3A_1292 = arith.select %eq3A_1290, %broadcast_in_dim3A_528, %div3A_1291 : vector<16xi1>, vector<16xf32>
      %mul3A_1293 = arith.mulf %gather3A_227, %gather3A_219 : vector<16xf32>
      %add3A_1294 = arith.addf %broadcast_in_dim3A_530, %mul3A_1293 : vector<16xf32>
      %add3A_1295 = arith.addf %broadcast_in_dim3A_530, %gather3A_227 : vector<16xf32>
      %mul3A_1296 = arith.mulf %gather3A_254, %gather3A_246 : vector<16xf32>
      %add3A_1297 = arith.addf %add3A_1294, %mul3A_1296 : vector<16xf32>
      %add3A_1298 = arith.addf %add3A_1295, %gather3A_254 : vector<16xf32>
      %mul3A_1299 = arith.mulf %gather3A_281, %gather3A_273 : vector<16xf32>
      %add3A_1300 = arith.addf %add3A_1297, %mul3A_1299 : vector<16xf32>
      %add3A_1301 = arith.addf %add3A_1298, %gather3A_281 : vector<16xf32>
      %mul3A_1302 = arith.mulf %gather3A_308, %gather3A_300 : vector<16xf32>
      %add3A_1303 = arith.addf %add3A_1300, %mul3A_1302 : vector<16xf32>
      %add3A_1304 = arith.addf %add3A_1301, %gather3A_308 : vector<16xf32>
      %mul3A_1305 = arith.mulf %gather3A_335, %gather3A_327 : vector<16xf32>
      %add3A_1306 = arith.addf %add3A_1303, %mul3A_1305 : vector<16xf32>
      %add3A_1307 = arith.addf %add3A_1304, %gather3A_335 : vector<16xf32>
      %mul3A_1308 = arith.mulf %gather3A_362, %gather3A_354 : vector<16xf32>
      %add3A_1309 = arith.addf %add3A_1306, %mul3A_1308 : vector<16xf32>
      %add3A_1310 = arith.addf %add3A_1307, %gather3A_362 : vector<16xf32>
      %mul3A_1311 = arith.mulf %gather3A_389, %gather3A_381 : vector<16xf32>
      %add3A_1312 = arith.addf %add3A_1309, %mul3A_1311 : vector<16xf32>
      %add3A_1313 = arith.addf %add3A_1310, %gather3A_389 : vector<16xf32>
      %mul3A_1314 = arith.mulf %gather3A_416, %gather3A_408 : vector<16xf32>
      %add3A_1315 = arith.addf %add3A_1312, %mul3A_1314 : vector<16xf32>
      %add3A_1316 = arith.addf %add3A_1313, %gather3A_416 : vector<16xf32>
      %mul3A_1317 = arith.mulf %gather3A_443, %gather3A_435 : vector<16xf32>
      %add3A_1318 = arith.addf %add3A_1315, %mul3A_1317 : vector<16xf32>
      %add3A_1319 = arith.addf %add3A_1316, %gather3A_443 : vector<16xf32>
      %mul3A_1320 = arith.mulf %gather3A_470, %gather3A_462 : vector<16xf32>
      %add3A_1321 = arith.addf %add3A_1318, %mul3A_1320 : vector<16xf32>
      %add3A_1322 = arith.addf %add3A_1319, %gather3A_470 : vector<16xf32>
      %mul3A_1323 = arith.constant 1.000000e-01 : f32
      %mul3A_1324 = vector.broadcast %mul3A_1323 : f32 to vector<16xf32>
      %mul3A_1325 = arith.mulf %add3A_1322, %mul3A_1324 : vector<16xf32>
      %mul3A_1326 = arith.mulf %add3A_1321, %select_n3A_1292 : vector<16xf32>
      %select_n3A_1327 = arith.select %eq3A_1290, %mul3A_1325, %mul3A_1326 : vector<16xi1>, vector<16xf32>
      %add3A_1328 = arith.addf %broadcast_in_dim3A_530, %select_n3A_1327 : vector<16xf32>
      %mul3A_1329 = arith.mulf %gather3A_231, %gather3A_219 : vector<16xf32>
      %add3A_1330 = arith.addf %broadcast_in_dim3A_530, %mul3A_1329 : vector<16xf32>
      %add3A_1331 = arith.addf %broadcast_in_dim3A_530, %gather3A_231 : vector<16xf32>
      %mul3A_1332 = arith.mulf %gather3A_258, %gather3A_246 : vector<16xf32>
      %add3A_1333 = arith.addf %add3A_1330, %mul3A_1332 : vector<16xf32>
      %add3A_1334 = arith.addf %add3A_1331, %gather3A_258 : vector<16xf32>
      %mul3A_1335 = arith.mulf %gather3A_285, %gather3A_273 : vector<16xf32>
      %add3A_1336 = arith.addf %add3A_1333, %mul3A_1335 : vector<16xf32>
      %add3A_1337 = arith.addf %add3A_1334, %gather3A_285 : vector<16xf32>
      %mul3A_1338 = arith.mulf %gather3A_312, %gather3A_300 : vector<16xf32>
      %add3A_1339 = arith.addf %add3A_1336, %mul3A_1338 : vector<16xf32>
      %add3A_1340 = arith.addf %add3A_1337, %gather3A_312 : vector<16xf32>
      %mul3A_1341 = arith.mulf %gather3A_339, %gather3A_327 : vector<16xf32>
      %add3A_1342 = arith.addf %add3A_1339, %mul3A_1341 : vector<16xf32>
      %add3A_1343 = arith.addf %add3A_1340, %gather3A_339 : vector<16xf32>
      %mul3A_1344 = arith.mulf %gather3A_366, %gather3A_354 : vector<16xf32>
      %add3A_1345 = arith.addf %add3A_1342, %mul3A_1344 : vector<16xf32>
      %add3A_1346 = arith.addf %add3A_1343, %gather3A_366 : vector<16xf32>
      %mul3A_1347 = arith.mulf %gather3A_393, %gather3A_381 : vector<16xf32>
      %add3A_1348 = arith.addf %add3A_1345, %mul3A_1347 : vector<16xf32>
      %add3A_1349 = arith.addf %add3A_1346, %gather3A_393 : vector<16xf32>
      %mul3A_1350 = arith.mulf %gather3A_420, %gather3A_408 : vector<16xf32>
      %add3A_1351 = arith.addf %add3A_1348, %mul3A_1350 : vector<16xf32>
      %add3A_1352 = arith.addf %add3A_1349, %gather3A_420 : vector<16xf32>
      %mul3A_1353 = arith.mulf %gather3A_447, %gather3A_435 : vector<16xf32>
      %add3A_1354 = arith.addf %add3A_1351, %mul3A_1353 : vector<16xf32>
      %add3A_1355 = arith.addf %add3A_1352, %gather3A_447 : vector<16xf32>
      %mul3A_1356 = arith.mulf %gather3A_474, %gather3A_462 : vector<16xf32>
      %add3A_1357 = arith.addf %add3A_1354, %mul3A_1356 : vector<16xf32>
      %add3A_1358 = arith.addf %add3A_1355, %gather3A_474 : vector<16xf32>
      %mul3A_1359 = arith.constant 1.000000e-01 : f32
      %mul3A_1360 = vector.broadcast %mul3A_1359 : f32 to vector<16xf32>
      %mul3A_1361 = arith.mulf %add3A_1358, %mul3A_1360 : vector<16xf32>
      %mul3A_1362 = arith.mulf %add3A_1357, %select_n3A_1292 : vector<16xf32>
      %select_n3A_1363 = arith.select %eq3A_1290, %mul3A_1361, %mul3A_1362 : vector<16xi1>, vector<16xf32>
      %add3A_1364 = arith.addf %add3A_1328, %select_n3A_1363 : vector<16xf32>
      %mul3A_1365 = arith.mulf %gather3A_235, %gather3A_219 : vector<16xf32>
      %add3A_1366 = arith.addf %broadcast_in_dim3A_530, %mul3A_1365 : vector<16xf32>
      %add3A_1367 = arith.addf %broadcast_in_dim3A_530, %gather3A_235 : vector<16xf32>
      %mul3A_1368 = arith.mulf %gather3A_262, %gather3A_246 : vector<16xf32>
      %add3A_1369 = arith.addf %add3A_1366, %mul3A_1368 : vector<16xf32>
      %add3A_1370 = arith.addf %add3A_1367, %gather3A_262 : vector<16xf32>
      %mul3A_1371 = arith.mulf %gather3A_289, %gather3A_273 : vector<16xf32>
      %add3A_1372 = arith.addf %add3A_1369, %mul3A_1371 : vector<16xf32>
      %add3A_1373 = arith.addf %add3A_1370, %gather3A_289 : vector<16xf32>
      %mul3A_1374 = arith.mulf %gather3A_316, %gather3A_300 : vector<16xf32>
      %add3A_1375 = arith.addf %add3A_1372, %mul3A_1374 : vector<16xf32>
      %add3A_1376 = arith.addf %add3A_1373, %gather3A_316 : vector<16xf32>
      %mul3A_1377 = arith.mulf %gather3A_343, %gather3A_327 : vector<16xf32>
      %add3A_1378 = arith.addf %add3A_1375, %mul3A_1377 : vector<16xf32>
      %add3A_1379 = arith.addf %add3A_1376, %gather3A_343 : vector<16xf32>
      %mul3A_1380 = arith.mulf %gather3A_370, %gather3A_354 : vector<16xf32>
      %add3A_1381 = arith.addf %add3A_1378, %mul3A_1380 : vector<16xf32>
      %add3A_1382 = arith.addf %add3A_1379, %gather3A_370 : vector<16xf32>
      %mul3A_1383 = arith.mulf %gather3A_397, %gather3A_381 : vector<16xf32>
      %add3A_1384 = arith.addf %add3A_1381, %mul3A_1383 : vector<16xf32>
      %add3A_1385 = arith.addf %add3A_1382, %gather3A_397 : vector<16xf32>
      %mul3A_1386 = arith.mulf %gather3A_424, %gather3A_408 : vector<16xf32>
      %add3A_1387 = arith.addf %add3A_1384, %mul3A_1386 : vector<16xf32>
      %add3A_1388 = arith.addf %add3A_1385, %gather3A_424 : vector<16xf32>
      %mul3A_1389 = arith.mulf %gather3A_451, %gather3A_435 : vector<16xf32>
      %add3A_1390 = arith.addf %add3A_1387, %mul3A_1389 : vector<16xf32>
      %add3A_1391 = arith.addf %add3A_1388, %gather3A_451 : vector<16xf32>
      %mul3A_1392 = arith.mulf %gather3A_478, %gather3A_462 : vector<16xf32>
      %add3A_1393 = arith.addf %add3A_1390, %mul3A_1392 : vector<16xf32>
      %add3A_1394 = arith.addf %add3A_1391, %gather3A_478 : vector<16xf32>
      %mul3A_1395 = arith.constant 1.000000e-01 : f32
      %mul3A_1396 = vector.broadcast %mul3A_1395 : f32 to vector<16xf32>
      %mul3A_1397 = arith.mulf %add3A_1394, %mul3A_1396 : vector<16xf32>
      %mul3A_1398 = arith.mulf %add3A_1393, %select_n3A_1292 : vector<16xf32>
      %select_n3A_1399 = arith.select %eq3A_1290, %mul3A_1397, %mul3A_1398 : vector<16xi1>, vector<16xf32>
      %add3A_1400 = arith.addf %add3A_1364, %select_n3A_1399 : vector<16xf32>
      %mul3A_1401 = arith.mulf %gather3A_239, %gather3A_219 : vector<16xf32>
      %add3A_1402 = arith.addf %broadcast_in_dim3A_530, %mul3A_1401 : vector<16xf32>
      %add3A_1403 = arith.addf %broadcast_in_dim3A_530, %gather3A_239 : vector<16xf32>
      %mul3A_1404 = arith.mulf %gather3A_266, %gather3A_246 : vector<16xf32>
      %add3A_1405 = arith.addf %add3A_1402, %mul3A_1404 : vector<16xf32>
      %add3A_1406 = arith.addf %add3A_1403, %gather3A_266 : vector<16xf32>
      %mul3A_1407 = arith.mulf %gather3A_293, %gather3A_273 : vector<16xf32>
      %add3A_1408 = arith.addf %add3A_1405, %mul3A_1407 : vector<16xf32>
      %add3A_1409 = arith.addf %add3A_1406, %gather3A_293 : vector<16xf32>
      %mul3A_1410 = arith.mulf %gather3A_320, %gather3A_300 : vector<16xf32>
      %add3A_1411 = arith.addf %add3A_1408, %mul3A_1410 : vector<16xf32>
      %add3A_1412 = arith.addf %add3A_1409, %gather3A_320 : vector<16xf32>
      %mul3A_1413 = arith.mulf %gather3A_347, %gather3A_327 : vector<16xf32>
      %add3A_1414 = arith.addf %add3A_1411, %mul3A_1413 : vector<16xf32>
      %add3A_1415 = arith.addf %add3A_1412, %gather3A_347 : vector<16xf32>
      %mul3A_1416 = arith.mulf %gather3A_374, %gather3A_354 : vector<16xf32>
      %add3A_1417 = arith.addf %add3A_1414, %mul3A_1416 : vector<16xf32>
      %add3A_1418 = arith.addf %add3A_1415, %gather3A_374 : vector<16xf32>
      %mul3A_1419 = arith.mulf %gather3A_401, %gather3A_381 : vector<16xf32>
      %add3A_1420 = arith.addf %add3A_1417, %mul3A_1419 : vector<16xf32>
      %add3A_1421 = arith.addf %add3A_1418, %gather3A_401 : vector<16xf32>
      %mul3A_1422 = arith.mulf %gather3A_428, %gather3A_408 : vector<16xf32>
      %add3A_1423 = arith.addf %add3A_1420, %mul3A_1422 : vector<16xf32>
      %add3A_1424 = arith.addf %add3A_1421, %gather3A_428 : vector<16xf32>
      %mul3A_1425 = arith.mulf %gather3A_455, %gather3A_435 : vector<16xf32>
      %add3A_1426 = arith.addf %add3A_1423, %mul3A_1425 : vector<16xf32>
      %add3A_1427 = arith.addf %add3A_1424, %gather3A_455 : vector<16xf32>
      %mul3A_1428 = arith.mulf %gather3A_482, %gather3A_462 : vector<16xf32>
      %add3A_1429 = arith.addf %add3A_1426, %mul3A_1428 : vector<16xf32>
      %add3A_1430 = arith.addf %add3A_1427, %gather3A_482 : vector<16xf32>
      %mul3A_1431 = arith.constant 1.000000e-01 : f32
      %mul3A_1432 = vector.broadcast %mul3A_1431 : f32 to vector<16xf32>
      %mul3A_1433 = arith.mulf %add3A_1430, %mul3A_1432 : vector<16xf32>
      %mul3A_1434 = arith.mulf %add3A_1429, %select_n3A_1292 : vector<16xf32>
      %select_n3A_1435 = arith.select %eq3A_1290, %mul3A_1433, %mul3A_1434 : vector<16xi1>, vector<16xf32>
      %add3A_1436 = arith.addf %add3A_1400, %select_n3A_1435 : vector<16xf32>
      %div3A_1437 = arith.divf %broadcast_in_dim3A_528, %add3A_1436 : vector<16xf32>
      %mul3A_1438 = arith.constant 16 : i32
      %mul3A_1439 = arith.muli %scan3A_163, %mul3A_1438 : i32
      %swap3A = arith.index_cast %mul3A_1439 : i32 to index
      %swap3A_1440 = tpu.vector_load %arg16[%swap3A] {strides = array<i32>} : memref<400xf32, #tpu.memory_space<vmem>>, vector<16xf32>,
      tpu.vector_store %arg16[%swap3A], %div3A {strides = array<i32>} : memref<400xf32, #tpu.memory_space<vmem>>, vector<16xf32>,
      %mul3A_1441 = arith.mulf %select_n3A_1327, %div3A_1437 : vector<16xf32>
      %add3A_1442 = arith.constant 0 : i32
      %add3A_1443 = arith.addi %add3A_1442, %scan3A_163 : i32
      %mul3A_1444 = arith.constant 16 : i32
      %mul3A_1445 = arith.muli %add3A_1443, %mul3A_1444 : i32
      %swap3A_1446 = arith.index_cast %mul3A_1445 : i32 to index
      %swap3A_1447 = tpu.vector_load %arg17[%swap3A_1446] {strides = array<i32>} : memref<1600xf32, #tpu.memory_space<vmem>>, vector<16xf32>,
      tpu.vector_store %arg17[%swap3A_1446], %mul3A_1441 {strides = array<i32>} : memref<1600xf32, #tpu.memory_space<vmem>>, vector<16xf32>,
      %mul3A_1448 = arith.mulf %select_n3A_1363, %div3A_1437 : vector<16xf32>
      %add3A_1449 = arith.constant 25 : i32
      %add3A_1450 = arith.addi %add3A_1449, %scan3A_163 : i32
      %mul3A_1451 = arith.constant 16 : i32
      %mul3A_1452 = arith.muli %add3A_1450, %mul3A_1451 : i32
      %swap3A_1453 = arith.index_cast %mul3A_1452 : i32 to index
      %swap3A_1454 = tpu.vector_load %arg17[%swap3A_1453] {strides = array<i32>} : memref<1600xf32, #tpu.memory_space<vmem>>, vector<16xf32>,
      tpu.vector_store %arg17[%swap3A_1453], %mul3A_1448 {strides = array<i32>} : memref<1600xf32, #tpu.memory_space<vmem>>, vector<16xf32>,
      %mul3A_1455 = arith.mulf %select_n3A_1399, %div3A_1437 : vector<16xf32>
      %add3A_1456 = arith.constant 50 : i32
      %add3A_1457 = arith.addi %add3A_1456, %scan3A_163 : i32
      %mul3A_1458 = arith.constant 16 : i32
      %mul3A_1459 = arith.muli %add3A_1457, %mul3A_1458 : i32
      %swap3A_1460 = arith.index_cast %mul3A_1459 : i32 to index
      %swap3A_1461 = tpu.vector_load %arg17[%swap3A_1460] {strides = array<i32>} : memref<1600xf32, #tpu.memory_space<vmem>>, vector<16xf32>,
      tpu.vector_store %arg17[%swap3A_1460], %mul3A_1455 {strides = array<i32>} : memref<1600xf32, #tpu.memory_space<vmem>>, vector<16xf32>,
      %mul3A_1462 = arith.mulf %select_n3A_1435, %div3A_1437 : vector<16xf32>
      %add3A_1463 = arith.constant 75 : i32
      %add3A_1464 = arith.addi %add3A_1463, %scan3A_163 : i32
      %mul3A_1465 = arith.constant 16 : i32
      %mul3A_1466 = arith.muli %add3A_1464, %mul3A_1465 : i32
      %swap3A_1467 = arith.index_cast %mul3A_1466 : i32 to index
      %swap3A_1468 = tpu.vector_load %arg17[%swap3A_1467] {strides = array<i32>} : memref<1600xf32, #tpu.memory_space<vmem>>, vector<16xf32>,
      tpu.vector_store %arg17[%swap3A_1467], %mul3A_1462 {strides = array<i32>} : memref<1600xf32, #tpu.memory_space<vmem>>, vector<16xf32>,
    }
    %scan3A_58 = arith.constant 25 : i32
    %mul3A_59 = arith.constant 25 : i32
    %mul3A_60 = arith.muli %add3A_16, %mul3A_59 : i32
    %mul3A_61 = arith.constant 16 : i32
    %mul3A_62 = arith.muli %mul3A_60, %mul3A_61 : i32
    "tpu.region"() ({
      %run_scoped3A = tpu.sem_alloc : memref<!tpu.dma_semaphore, #tpu.memory_space<semaphore_mem>>
      %dma_start3A = tpu.memref_slice %arg7[%mul3A_62] : memref<25600xf32, #tpu.memory_space<hbm>> -> memref<400xf32, #tpu.memory_space<hbm>>
      %dma_start3A_163 = tpu.memref_slice %arg7[%mul3A_62] : memref<25600xf32, #tpu.memory_space<hbm>> -> memref<400xf32, #tpu.memory_space<hbm>>
      tpu.enqueue_dma source(%arg16 : memref<400xf32, #tpu.memory_space<vmem>>) target(%dma_start3A_163 : memref<400xf32, #tpu.memory_space<hbm>>) target_semaphore(%run_scoped3A : memref<!tpu.dma_semaphore, #tpu.memory_space<semaphore_mem>>)
      %dma_wait3A = tpu.memref_slice %arg7[%mul3A_62] : memref<25600xf32, #tpu.memory_space<hbm>> -> memref<400xf32, #tpu.memory_space<hbm>>
      %dma_wait3A_164 = tpu.memref_slice %arg7[%mul3A_62] : memref<25600xf32, #tpu.memory_space<hbm>> -> memref<400xf32, #tpu.memory_space<hbm>>
      tpu.wait_dma2 semaphore(%run_scoped3A : memref<!tpu.dma_semaphore, #tpu.memory_space<semaphore_mem>>) src(%arg16 : memref<400xf32, #tpu.memory_space<vmem>>) dst(%dma_wait3A_164 : memref<400xf32, #tpu.memory_space<hbm>>)
      tpu.yield
    }) : () -> ()
    %add3A_63 = arith.constant 0 : i32
    %add3A_64 = arith.addi %add3A_63, %add3A_16 : i32
    %mul3A_65 = arith.constant 25 : i32
    %mul3A_66 = arith.muli %add3A_64, %mul3A_65 : i32
    %mul3A_67 = arith.constant 16 : i32
    %mul3A_68 = arith.muli %mul3A_66, %mul3A_67 : i32
    "tpu.region"() ({
      %run_scoped3A = tpu.sem_alloc : memref<!tpu.dma_semaphore, #tpu.memory_space<semaphore_mem>>
      %dma_start3A = arith.constant 0 : i32
      %dma_start3A_163 = tpu.memref_slice %arg17[%dma_start3A] : memref<1600xf32, #tpu.memory_space<vmem>> -> memref<400xf32, #tpu.memory_space<vmem>>
      %dma_start3A_164 = tpu.memref_slice %arg8[%mul3A_68] : memref<102400xf32, #tpu.memory_space<hbm>> -> memref<400xf32, #tpu.memory_space<hbm>>
      %dma_start3A_165 = tpu.memref_slice %arg8[%mul3A_68] : memref<102400xf32, #tpu.memory_space<hbm>> -> memref<400xf32, #tpu.memory_space<hbm>>
      %dma_start3A_166 = arith.constant 0 : i32
      %dma_start3A_167 = tpu.memref_slice %arg17[%dma_start3A_166] : memref<1600xf32, #tpu.memory_space<vmem>> -> memref<400xf32, #tpu.memory_space<vmem>>
      tpu.enqueue_dma source(%dma_start3A_167 : memref<400xf32, #tpu.memory_space<vmem>>) target(%dma_start3A_165 : memref<400xf32, #tpu.memory_space<hbm>>) target_semaphore(%run_scoped3A : memref<!tpu.dma_semaphore, #tpu.memory_space<semaphore_mem>>)
      %dma_wait3A = arith.constant 0 : i32
      %dma_wait3A_168 = tpu.memref_slice %arg17[%dma_wait3A] : memref<1600xf32, #tpu.memory_space<vmem>> -> memref<400xf32, #tpu.memory_space<vmem>>
      %dma_wait3A_169 = tpu.memref_slice %arg8[%mul3A_68] : memref<102400xf32, #tpu.memory_space<hbm>> -> memref<400xf32, #tpu.memory_space<hbm>>
      %dma_wait3A_170 = tpu.memref_slice %arg8[%mul3A_68] : memref<102400xf32, #tpu.memory_space<hbm>> -> memref<400xf32, #tpu.memory_space<hbm>>
      %dma_wait3A_171 = arith.constant 0 : i32
      %dma_wait3A_172 = tpu.memref_slice %arg17[%dma_wait3A_171] : memref<1600xf32, #tpu.memory_space<vmem>> -> memref<400xf32, #tpu.memory_space<vmem>>
      tpu.wait_dma2 semaphore(%run_scoped3A : memref<!tpu.dma_semaphore, #tpu.memory_space<semaphore_mem>>) src(%dma_wait3A_172 : memref<400xf32, #tpu.memory_space<vmem>>) dst(%dma_wait3A_170 : memref<400xf32, #tpu.memory_space<hbm>>)
      tpu.yield
    }) : () -> ()
    %add3A_69 = arith.constant 64 : i32
    %add3A_70 = arith.addi %add3A_69, %add3A_16 : i32
    %mul3A_71 = arith.constant 25 : i32
    %mul3A_72 = arith.muli %add3A_70, %mul3A_71 : i32
    %mul3A_73 = arith.constant 16 : i32
    %mul3A_74 = arith.muli %mul3A_72, %mul3A_73 : i32
    "tpu.region"() ({
      %run_scoped3A = tpu.sem_alloc : memref<!tpu.dma_semaphore, #tpu.memory_space<semaphore_mem>>
      %dma_start3A = arith.constant 400 : i32
      %dma_start3A_163 = tpu.memref_slice %arg17[%dma_start3A] : memref<1600xf32, #tpu.memory_space<vmem>> -> memref<400xf32, #tpu.memory_space<vmem>>
      %dma_start3A_164 = tpu.memref_slice %arg8[%mul3A_74] : memref<102400xf32, #tpu.memory_space<hbm>> -> memref<400xf32, #tpu.memory_space<hbm>>
      %dma_start3A_165 = tpu.memref_slice %arg8[%mul3A_74] : memref<102400xf32, #tpu.memory_space<hbm>> -> memref<400xf32, #tpu.memory_space<hbm>>
      %dma_start3A_166 = arith.constant 400 : i32
      %dma_start3A_167 = tpu.memref_slice %arg17[%dma_start3A_166] : memref<1600xf32, #tpu.memory_space<vmem>> -> memref<400xf32, #tpu.memory_space<vmem>>
      tpu.enqueue_dma source(%dma_start3A_167 : memref<400xf32, #tpu.memory_space<vmem>>) target(%dma_start3A_165 : memref<400xf32, #tpu.memory_space<hbm>>) target_semaphore(%run_scoped3A : memref<!tpu.dma_semaphore, #tpu.memory_space<semaphore_mem>>)
      %dma_wait3A = arith.constant 400 : i32
      %dma_wait3A_168 = tpu.memref_slice %arg17[%dma_wait3A] : memref<1600xf32, #tpu.memory_space<vmem>> -> memref<400xf32, #tpu.memory_space<vmem>>
      %dma_wait3A_169 = tpu.memref_slice %arg8[%mul3A_74] : memref<102400xf32, #tpu.memory_space<hbm>> -> memref<400xf32, #tpu.memory_space<hbm>>
      %dma_wait3A_170 = tpu.memref_slice %arg8[%mul3A_74] : memref<102400xf32, #tpu.memory_space<hbm>> -> memref<400xf32, #tpu.memory_space<hbm>>
      %dma_wait3A_171 = arith.constant 400 : i32
      %dma_wait3A_172 = tpu.memref_slice %arg17[%dma_wait3A_171] : memref<1600xf32, #tpu.memory_space<vmem>> -> memref<400xf32, #tpu.memory_space<vmem>>
      tpu.wait_dma2 semaphore(%run_scoped3A : memref<!tpu.dma_semaphore, #tpu.memory_space<semaphore_mem>>) src(%dma_wait3A_172 : memref<400xf32, #tpu.memory_space<vmem>>) dst(%dma_wait3A_170 : memref<400xf32, #tpu.memory_space<hbm>>)
      tpu.yield
    }) : () -> ()
    %add3A_75 = arith.constant 128 : i32
    %add3A_76 = arith.addi %add3A_75, %add3A_16 : i32
    %mul3A_77 = arith.constant 25 : i32
    %mul3A_78 = arith.muli %add3A_76, %mul3A_77 : i32
    %mul3A_79 = arith.constant 16 : i32
    %mul3A_80 = arith.muli %mul3A_78, %mul3A_79 : i32
    "tpu.region"() ({
      %run_scoped3A = tpu.sem_alloc : memref<!tpu.dma_semaphore, #tpu.memory_space<semaphore_mem>>
      %dma_start3A = arith.constant 800 : i32
      %dma_start3A_163 = tpu.memref_slice %arg17[%dma_start3A] : memref<1600xf32, #tpu.memory_space<vmem>> -> memref<400xf32, #tpu.memory_space<vmem>>
      %dma_start3A_164 = tpu.memref_slice %arg8[%mul3A_80] : memref<102400xf32, #tpu.memory_space<hbm>> -> memref<400xf32, #tpu.memory_space<hbm>>
      %dma_start3A_165 = tpu.memref_slice %arg8[%mul3A_80] : memref<102400xf32, #tpu.memory_space<hbm>> -> memref<400xf32, #tpu.memory_space<hbm>>
      %dma_start3A_166 = arith.constant 800 : i32
      %dma_start3A_167 = tpu.memref_slice %arg17[%dma_start3A_166] : memref<1600xf32, #tpu.memory_space<vmem>> -> memref<400xf32, #tpu.memory_space<vmem>>
      tpu.enqueue_dma source(%dma_start3A_167 : memref<400xf32, #tpu.memory_space<vmem>>) target(%dma_start3A_165 : memref<400xf32, #tpu.memory_space<hbm>>) target_semaphore(%run_scoped3A : memref<!tpu.dma_semaphore, #tpu.memory_space<semaphore_mem>>)
      %dma_wait3A = arith.constant 800 : i32
      %dma_wait3A_168 = tpu.memref_slice %arg17[%dma_wait3A] : memref<1600xf32, #tpu.memory_space<vmem>> -> memref<400xf32, #tpu.memory_space<vmem>>
      %dma_wait3A_169 = tpu.memref_slice %arg8[%mul3A_80] : memref<102400xf32, #tpu.memory_space<hbm>> -> memref<400xf32, #tpu.memory_space<hbm>>
      %dma_wait3A_170 = tpu.memref_slice %arg8[%mul3A_80] : memref<102400xf32, #tpu.memory_space<hbm>> -> memref<400xf32, #tpu.memory_space<hbm>>
      %dma_wait3A_171 = arith.constant 800 : i32
      %dma_wait3A_172 = tpu.memref_slice %arg17[%dma_wait3A_171] : memref<1600xf32, #tpu.memory_space<vmem>> -> memref<400xf32, #tpu.memory_space<vmem>>
      tpu.wait_dma2 semaphore(%run_scoped3A : memref<!tpu.dma_semaphore, #tpu.memory_space<semaphore_mem>>) src(%dma_wait3A_172 : memref<400xf32, #tpu.memory_space<vmem>>) dst(%dma_wait3A_170 : memref<400xf32, #tpu.memory_space<hbm>>)
      tpu.yield
    }) : () -> ()
    %add3A_81 = arith.constant 192 : i32
    %add3A_82 = arith.addi %add3A_81, %add3A_16 : i32
    %mul3A_83 = arith.constant 25 : i32
    %mul3A_84 = arith.muli %add3A_82, %mul3A_83 : i32
    %mul3A_85 = arith.constant 16 : i32
    %mul3A_86 = arith.muli %mul3A_84, %mul3A_85 : i32
    "tpu.region"() ({
      %run_scoped3A = tpu.sem_alloc : memref<!tpu.dma_semaphore, #tpu.memory_space<semaphore_mem>>
      %dma_start3A = arith.constant 1200 : i32
      %dma_start3A_163 = tpu.memref_slice %arg17[%dma_start3A] : memref<1600xf32, #tpu.memory_space<vmem>> -> memref<400xf32, #tpu.memory_space<vmem>>
      %dma_start3A_164 = tpu.memref_slice %arg8[%mul3A_86] : memref<102400xf32, #tpu.memory_space<hbm>> -> memref<400xf32, #tpu.memory_space<hbm>>
      %dma_start3A_165 = tpu.memref_slice %arg8[%mul3A_86] : memref<102400xf32, #tpu.memory_space<hbm>> -> memref<400xf32, #tpu.memory_space<hbm>>
      %dma_start3A_166 = arith.constant 1200 : i32
      %dma_start3A_167 = tpu.memref_slice %arg17[%dma_start3A_166] : memref<1600xf32, #tpu.memory_space<vmem>> -> memref<400xf32, #tpu.memory_space<vmem>>
      tpu.enqueue_dma source(%dma_start3A_167 : memref<400xf32, #tpu.memory_space<vmem>>) target(%dma_start3A_165 : memref<400xf32, #tpu.memory_space<hbm>>) target_semaphore(%run_scoped3A : memref<!tpu.dma_semaphore, #tpu.memory_space<semaphore_mem>>)
      %dma_wait3A = arith.constant 1200 : i32
      %dma_wait3A_168 = tpu.memref_slice %arg17[%dma_wait3A] : memref<1600xf32, #tpu.memory_space<vmem>> -> memref<400xf32, #tpu.memory_space<vmem>>
      %dma_wait3A_169 = tpu.memref_slice %arg8[%mul3A_86] : memref<102400xf32, #tpu.memory_space<hbm>> -> memref<400xf32, #tpu.memory_space<hbm>>
      %dma_wait3A_170 = tpu.memref_slice %arg8[%mul3A_86] : memref<102400xf32, #tpu.memory_space<hbm>> -> memref<400xf32, #tpu.memory_space<hbm>>
      %dma_wait3A_171 = arith.constant 1200 : i32
      %dma_wait3A_172 = tpu.memref_slice %arg17[%dma_wait3A_171] : memref<1600xf32, #tpu.memory_space<vmem>> -> memref<400xf32, #tpu.memory_space<vmem>>
      tpu.wait_dma2 semaphore(%run_scoped3A : memref<!tpu.dma_semaphore, #tpu.memory_space<semaphore_mem>>) src(%dma_wait3A_172 : memref<400xf32, #tpu.memory_space<vmem>>) dst(%dma_wait3A_170 : memref<400xf32, #tpu.memory_space<hbm>>)
      tpu.yield
    }) : () -> ()
    %mul3A_87 = arith.constant 2 : i32
    %mul3A_88 = arith.muli %add3A, %mul3A_87 : i32
    %add3A_89 = arith.constant 1 : i32
    %add3A_90 = arith.addi %mul3A_88, %add3A_89 : i32
    %mul3A_91 = arith.constant 3200 : i32
    %mul3A_92 = arith.muli %add3A_90, %mul3A_91 : i32
    "tpu.region"() ({
      %run_scoped3A = tpu.sem_alloc : memref<!tpu.dma_semaphore, #tpu.memory_space<semaphore_mem>>
      %dma_start3A = tpu.memref_slice %arg2[%mul3A_92] : memref<204800xf32, #tpu.memory_space<hbm>> -> memref<3200xf32, #tpu.memory_space<hbm>>
      %dma_start3A_163 = tpu.memref_slice %arg2[%mul3A_92] : memref<204800xf32, #tpu.memory_space<hbm>> -> memref<3200xf32, #tpu.memory_space<hbm>>
      tpu.enqueue_dma source(%dma_start3A_163 : memref<3200xf32, #tpu.memory_space<hbm>>) target(%arg9 : memref<3200xf32, #tpu.memory_space<vmem>>) target_semaphore(%run_scoped3A : memref<!tpu.dma_semaphore, #tpu.memory_space<semaphore_mem>>)
      %dma_wait3A = tpu.memref_slice %arg2[%mul3A_92] : memref<204800xf32, #tpu.memory_space<hbm>> -> memref<3200xf32, #tpu.memory_space<hbm>>
      %dma_wait3A_164 = tpu.memref_slice %arg2[%mul3A_92] : memref<204800xf32, #tpu.memory_space<hbm>> -> memref<3200xf32, #tpu.memory_space<hbm>>
      tpu.wait_dma2 semaphore(%run_scoped3A : memref<!tpu.dma_semaphore, #tpu.memory_space<semaphore_mem>>) src(%dma_wait3A_164 : memref<3200xf32, #tpu.memory_space<hbm>>) dst(%arg9 : memref<3200xf32, #tpu.memory_space<vmem>>)
      tpu.yield
    }) : () -> ()
    %mul3A_93 = arith.constant 3200 : i32
    %mul3A_94 = arith.muli %add3A_90, %mul3A_93 : i32
    "tpu.region"() ({
      %run_scoped3A = tpu.sem_alloc : memref<!tpu.dma_semaphore, #tpu.memory_space<semaphore_mem>>
      %dma_start3A = tpu.memref_slice %arg5[%mul3A_94] : memref<204800xf32, #tpu.memory_space<hbm>> -> memref<3200xf32, #tpu.memory_space<hbm>>
      %dma_start3A_163 = tpu.memref_slice %arg5[%mul3A_94] : memref<204800xf32, #tpu.memory_space<hbm>> -> memref<3200xf32, #tpu.memory_space<hbm>>
      tpu.enqueue_dma source(%dma_start3A_163 : memref<3200xf32, #tpu.memory_space<hbm>>) target(%arg12 : memref<3200xf32, #tpu.memory_space<vmem>>) target_semaphore(%run_scoped3A : memref<!tpu.dma_semaphore, #tpu.memory_space<semaphore_mem>>)
      %dma_wait3A = tpu.memref_slice %arg5[%mul3A_94] : memref<204800xf32, #tpu.memory_space<hbm>> -> memref<3200xf32, #tpu.memory_space<hbm>>
      %dma_wait3A_164 = tpu.memref_slice %arg5[%mul3A_94] : memref<204800xf32, #tpu.memory_space<hbm>> -> memref<3200xf32, #tpu.memory_space<hbm>>
      tpu.wait_dma2 semaphore(%run_scoped3A : memref<!tpu.dma_semaphore, #tpu.memory_space<semaphore_mem>>) src(%dma_wait3A_164 : memref<3200xf32, #tpu.memory_space<hbm>>) dst(%arg12 : memref<3200xf32, #tpu.memory_space<vmem>>)
      tpu.yield
    }) : () -> ()
    %mul3A_95 = arith.constant 4 : i32
    %mul3A_96 = arith.muli %add3A_90, %mul3A_95 : i32
    %mul3A_97 = arith.constant 3200 : i32
    %mul3A_98 = arith.muli %mul3A_96, %mul3A_97 : i32
    "tpu.region"() ({
      %run_scoped3A = tpu.sem_alloc : memref<!tpu.dma_semaphore, #tpu.memory_space<semaphore_mem>>
      %dma_start3A = tpu.memref_slice %arg6[%mul3A_98] : memref<819200xf32, #tpu.memory_space<hbm>> -> memref<12800xf32, #tpu.memory_space<hbm>>
      %dma_start3A_163 = tpu.memref_slice %arg6[%mul3A_98] : memref<819200xf32, #tpu.memory_space<hbm>> -> memref<12800xf32, #tpu.memory_space<hbm>>
      tpu.enqueue_dma source(%dma_start3A_163 : memref<12800xf32, #tpu.memory_space<hbm>>) target(%arg13 : memref<12800xf32, #tpu.memory_space<vmem>>) target_semaphore(%run_scoped3A : memref<!tpu.dma_semaphore, #tpu.memory_space<semaphore_mem>>)
      %dma_wait3A = tpu.memref_slice %arg6[%mul3A_98] : memref<819200xf32, #tpu.memory_space<hbm>> -> memref<12800xf32, #tpu.memory_space<hbm>>
      %dma_wait3A_164 = tpu.memref_slice %arg6[%mul3A_98] : memref<819200xf32, #tpu.memory_space<hbm>> -> memref<12800xf32, #tpu.memory_space<hbm>>
      tpu.wait_dma2 semaphore(%run_scoped3A : memref<!tpu.dma_semaphore, #tpu.memory_space<semaphore_mem>>) src(%dma_wait3A_164 : memref<12800xf32, #tpu.memory_space<hbm>>) dst(%arg13 : memref<12800xf32, #tpu.memory_space<vmem>>)
      tpu.yield
    }) : () -> ()
    %mul3A_99 = arith.constant 16 : i32
    %mul3A_100 = arith.muli %add3A_90, %mul3A_99 : i32
    %mul3A_101 = arith.constant 250 : i32
    %mul3A_102 = arith.muli %mul3A_100, %mul3A_101 : i32
    "tpu.region"() ({
      %run_scoped3A = tpu.sem_alloc : memref<!tpu.dma_semaphore, #tpu.memory_space<semaphore_mem>>
      %dma_start3A = tpu.memref_slice %arg4[%mul3A_102] : memref<256000xf32, #tpu.memory_space<hbm>> -> memref<4000xf32, #tpu.memory_space<hbm>>
      %dma_start3A_163 = tpu.memref_slice %arg4[%mul3A_102] : memref<256000xf32, #tpu.memory_space<hbm>> -> memref<4000xf32, #tpu.memory_space<hbm>>
      tpu.enqueue_dma source(%dma_start3A_163 : memref<4000xf32, #tpu.memory_space<hbm>>) target(%arg15 : memref<4000xf32, #tpu.memory_space<vmem>>) target_semaphore(%run_scoped3A : memref<!tpu.dma_semaphore, #tpu.memory_space<semaphore_mem>>)
      %dma_wait3A = tpu.memref_slice %arg4[%mul3A_102] : memref<256000xf32, #tpu.memory_space<hbm>> -> memref<4000xf32, #tpu.memory_space<hbm>>
      %dma_wait3A_164 = tpu.memref_slice %arg4[%mul3A_102] : memref<256000xf32, #tpu.memory_space<hbm>> -> memref<4000xf32, #tpu.memory_space<hbm>>
      tpu.wait_dma2 semaphore(%run_scoped3A : memref<!tpu.dma_semaphore, #tpu.memory_space<semaphore_mem>>) src(%dma_wait3A_164 : memref<4000xf32, #tpu.memory_space<hbm>>) dst(%arg15 : memref<4000xf32, #tpu.memory_space<vmem>>)
      tpu.yield
    }) : () -> ()
    %mul3A_103 = arith.constant 16 : i32
    %mul3A_104 = arith.muli %add3A_90, %mul3A_103 : i32
    %mul3A_105 = arith.constant 5000 : i32
    %mul3A_106 = arith.muli %mul3A_104, %mul3A_105 : i32
    "tpu.region"() ({
      %run_scoped3A = tpu.sem_alloc : memref<!tpu.dma_semaphore, #tpu.memory_space<semaphore_mem>>
      %dma_start3A = tpu.memref_slice %arg3[%mul3A_106] : memref<5120000xf32, #tpu.memory_space<hbm>> -> memref<80000xf32, #tpu.memory_space<hbm>>
      %dma_start3A_163 = tpu.memref_slice %arg3[%mul3A_106] : memref<5120000xf32, #tpu.memory_space<hbm>> -> memref<80000xf32, #tpu.memory_space<hbm>>
      tpu.enqueue_dma source(%dma_start3A_163 : memref<80000xf32, #tpu.memory_space<hbm>>) target(%arg14 : memref<80000xf32, #tpu.memory_space<vmem>>) target_semaphore(%run_scoped3A : memref<!tpu.dma_semaphore, #tpu.memory_space<semaphore_mem>>)
      %dma_wait3A = tpu.memref_slice %arg3[%mul3A_106] : memref<5120000xf32, #tpu.memory_space<hbm>> -> memref<80000xf32, #tpu.memory_space<hbm>>
      %dma_wait3A_164 = tpu.memref_slice %arg3[%mul3A_106] : memref<5120000xf32, #tpu.memory_space<hbm>> -> memref<80000xf32, #tpu.memory_space<hbm>>
      tpu.wait_dma2 semaphore(%run_scoped3A : memref<!tpu.dma_semaphore, #tpu.memory_space<semaphore_mem>>) src(%dma_wait3A_164 : memref<80000xf32, #tpu.memory_space<hbm>>) dst(%arg14 : memref<80000xf32, #tpu.memory_space<vmem>>)
      tpu.yield
    }) : () -> ()
    %scan3A_107 = arith.constant 0 : i32
    %scan3A_108 = arith.constant 0 : i32
    %scan3A_109 = arith.constant 200 : i32
    %scan3A_110 = arith.addi %scan3A_108, %scan3A_109 : i32
    %scan3A_111 = arith.constant 1 : i32
    scf.for %scan3A_163 = %scan3A_108 to %scan3A_110 step %scan3A_111  : i32 {
      %add3A_164 = vector.broadcast %scan3A_163 : i32 to vector<16xi32>
      %add3A_165 = arith.addi %mul3A_3, %add3A_164 : vector<16xi32>
      %gather3A = tpu.vector_load_idx %arg9[%add3A_165] : memref<3200xf32, #tpu.memory_space<vmem>>[vector<16xi32>], vector<16xf32>,
      %mul3A_166 = arith.constant 16 : i32
      %mul3A_167 = arith.muli %scan3A_163, %mul3A_166 : i32
      %swap3A = arith.index_cast %mul3A_167 : i32 to index
      %swap3A_168 = tpu.vector_load %arg10[%swap3A] {strides = array<i32>} : memref<3200xf32, #tpu.memory_space<vmem>>, vector<16xf32>,
      tpu.vector_store %arg10[%swap3A], %gather3A {strides = array<i32>} : memref<3200xf32, #tpu.memory_space<vmem>>, vector<16xf32>,
    }
    %scan3A_112 = arith.constant 200 : i32
    %broadcast_in_dim3A_113 = arith.constant -3.000000e+38 : f32
    %broadcast_in_dim3A_114 = vector.broadcast %broadcast_in_dim3A_113 : f32 to vector<16xf32>
    %scan3A_115 = arith.constant 0 : i32
    %scan3A_116 = arith.constant 200 : i32
    %scan3A_117 = arith.addi %scan3A_115, %scan3A_116 : i32
    %scan3A_118 = arith.constant 1 : i32
    %scan3A_119 = scf.for %scan3A_163 = %scan3A_115 to %scan3A_117 step %scan3A_118 iter_args(%scan3A_164 = %broadcast_in_dim3A_114) -> (vector<16xf32>)  : i32 {
      %mul3A_165 = arith.constant 16 : i32
      %mul3A_166 = arith.muli %scan3A_163, %mul3A_165 : i32
      %get3A = arith.index_cast %mul3A_166 : i32 to index
      %get3A_167 = tpu.vector_load %arg10[%get3A] {strides = array<i32>} : memref<3200xf32, #tpu.memory_space<vmem>>, vector<16xf32>,
      %max3A = arith.maximumf %scan3A_164, %get3A_167 : vector<16xf32>
      scf.yield %max3A : vector<16xf32>
    }
    %scan3A_120 = arith.constant 200 : i32
    %broadcast_in_dim3A_121 = arith.constant 0.000000e+00 : f32
    %broadcast_in_dim3A_122 = vector.broadcast %broadcast_in_dim3A_121 : f32 to vector<16xf32>
    %scan3A_123 = arith.constant 0 : i32
    %scan3A_124 = arith.constant 200 : i32
    %scan3A_125 = arith.addi %scan3A_123, %scan3A_124 : i32
    %scan3A_126 = arith.constant 1 : i32
    %scan3A_127 = scf.for %scan3A_163 = %scan3A_123 to %scan3A_125 step %scan3A_126 iter_args(%scan3A_164 = %broadcast_in_dim3A_122) -> (vector<16xf32>)  : i32 {
      %mul3A_165 = arith.constant 16 : i32
      %mul3A_166 = arith.muli %scan3A_163, %mul3A_165 : i32
      %get3A = arith.index_cast %mul3A_166 : i32 to index
      %get3A_167 = tpu.vector_load %arg10[%get3A] {strides = array<i32>} : memref<3200xf32, #tpu.memory_space<vmem>>, vector<16xf32>,
      %sub3A = arith.subf %get3A_167, %scan3A_119 : vector<16xf32>
      %exp3A = math.exp %sub3A : vector<16xf32>
      %mul3A_168 = arith.constant 16 : i32
      %mul3A_169 = arith.muli %scan3A_163, %mul3A_168 : i32
      %swap3A = arith.index_cast %mul3A_169 : i32 to index
      %swap3A_170 = tpu.vector_load %arg11[%swap3A] {strides = array<i32>} : memref<3200xf32, #tpu.memory_space<vmem>>, vector<16xf32>,
      tpu.vector_store %arg11[%swap3A], %exp3A {strides = array<i32>} : memref<3200xf32, #tpu.memory_space<vmem>>, vector<16xf32>,
      %add3A_171 = arith.addf %scan3A_164, %exp3A : vector<16xf32>
      scf.yield %add3A_171 : vector<16xf32>
    }
    %scan3A_128 = arith.constant 200 : i32
    %scan3A_129 = arith.constant 0 : i32
    %scan3A_130 = arith.constant 0 : i32
    %scan3A_131 = arith.constant 25 : i32
    %scan3A_132 = arith.addi %scan3A_130, %scan3A_131 : i32
    %scan3A_133 = arith.constant 1 : i32
    scf.for %scan3A_163 = %scan3A_130 to %scan3A_132 step %scan3A_133  : i32 {
      %mul3A_164 = arith.constant 200 : i32
      %mul3A_165 = arith.muli %scan3A_163, %mul3A_164 : i32
      %add3A_166 = vector.broadcast %mul3A_165 : i32 to vector<16xi32>
      %add3A_167 = arith.addi %mul3A_6, %add3A_166 : vector<16xi32>
      %broadcast_in_dim3A_168 = arith.constant -3.000000e+38 : f32
      %broadcast_in_dim3A_169 = vector.broadcast %broadcast_in_dim3A_168 : f32 to vector<16xf32>
      %broadcast_in_dim3A_170 = arith.constant -3.000000e+38 : f32
      %broadcast_in_dim3A_171 = vector.broadcast %broadcast_in_dim3A_170 : f32 to vector<16xf32>
      %broadcast_in_dim3A_172 = arith.constant -3.000000e+38 : f32
      %broadcast_in_dim3A_173 = vector.broadcast %broadcast_in_dim3A_172 : f32 to vector<16xf32>
      %broadcast_in_dim3A_174 = arith.constant -3.000000e+38 : f32
      %broadcast_in_dim3A_175 = vector.broadcast %broadcast_in_dim3A_174 : f32 to vector<16xf32>
      %broadcast_in_dim3A_176 = arith.constant -3.000000e+38 : f32
      %broadcast_in_dim3A_177 = vector.broadcast %broadcast_in_dim3A_176 : f32 to vector<16xf32>
      %broadcast_in_dim3A_178 = arith.constant -3.000000e+38 : f32
      %broadcast_in_dim3A_179 = vector.broadcast %broadcast_in_dim3A_178 : f32 to vector<16xf32>
      %broadcast_in_dim3A_180 = arith.constant -3.000000e+38 : f32
      %broadcast_in_dim3A_181 = vector.broadcast %broadcast_in_dim3A_180 : f32 to vector<16xf32>
      %broadcast_in_dim3A_182 = arith.constant -3.000000e+38 : f32
      %broadcast_in_dim3A_183 = vector.broadcast %broadcast_in_dim3A_182 : f32 to vector<16xf32>
      %broadcast_in_dim3A_184 = arith.constant -3.000000e+38 : f32
      %broadcast_in_dim3A_185 = vector.broadcast %broadcast_in_dim3A_184 : f32 to vector<16xf32>
      %broadcast_in_dim3A_186 = arith.constant -3.000000e+38 : f32
      %broadcast_in_dim3A_187 = vector.broadcast %broadcast_in_dim3A_186 : f32 to vector<16xf32>
      %broadcast_in_dim3A_188 = arith.constant 0 : i32
      %broadcast_in_dim3A_189 = vector.broadcast %broadcast_in_dim3A_188 : i32 to vector<16xi32>
      %broadcast_in_dim3A_190 = arith.constant 0 : i32
      %broadcast_in_dim3A_191 = vector.broadcast %broadcast_in_dim3A_190 : i32 to vector<16xi32>
      %broadcast_in_dim3A_192 = arith.constant 0 : i32
      %broadcast_in_dim3A_193 = vector.broadcast %broadcast_in_dim3A_192 : i32 to vector<16xi32>
      %broadcast_in_dim3A_194 = arith.constant 0 : i32
      %broadcast_in_dim3A_195 = vector.broadcast %broadcast_in_dim3A_194 : i32 to vector<16xi32>
      %broadcast_in_dim3A_196 = arith.constant 0 : i32
      %broadcast_in_dim3A_197 = vector.broadcast %broadcast_in_dim3A_196 : i32 to vector<16xi32>
      %broadcast_in_dim3A_198 = arith.constant 0 : i32
      %broadcast_in_dim3A_199 = vector.broadcast %broadcast_in_dim3A_198 : i32 to vector<16xi32>
      %broadcast_in_dim3A_200 = arith.constant 0 : i32
      %broadcast_in_dim3A_201 = vector.broadcast %broadcast_in_dim3A_200 : i32 to vector<16xi32>
      %broadcast_in_dim3A_202 = arith.constant 0 : i32
      %broadcast_in_dim3A_203 = vector.broadcast %broadcast_in_dim3A_202 : i32 to vector<16xi32>
      %broadcast_in_dim3A_204 = arith.constant 0 : i32
      %broadcast_in_dim3A_205 = vector.broadcast %broadcast_in_dim3A_204 : i32 to vector<16xi32>
      %broadcast_in_dim3A_206 = arith.constant 0 : i32
      %broadcast_in_dim3A_207 = vector.broadcast %broadcast_in_dim3A_206 : i32 to vector<16xi32>
      %scan3A_208 = arith.constant 0 : i32
      %scan3A_209 = arith.constant 200 : i32
      %scan3A_210 = arith.addi %scan3A_208, %scan3A_209 : i32
      %scan3A_211 = arith.constant 1 : i32
      %scan3A_212:20 = scf.for %scan3A_1469 = %scan3A_208 to %scan3A_210 step %scan3A_211 iter_args(%scan3A_1470 = %broadcast_in_dim3A_169, %scan3A_1471 = %broadcast_in_dim3A_171, %scan3A_1472 = %broadcast_in_dim3A_173, %scan3A_1473 = %broadcast_in_dim3A_175, %scan3A_1474 = %broadcast_in_dim3A_177, %scan3A_1475 = %broadcast_in_dim3A_179, %scan3A_1476 = %broadcast_in_dim3A_181, %scan3A_1477 = %broadcast_in_dim3A_183, %scan3A_1478 = %broadcast_in_dim3A_185, %scan3A_1479 = %broadcast_in_dim3A_187, %scan3A_1480 = %broadcast_in_dim3A_189, %scan3A_1481 = %broadcast_in_dim3A_191, %scan3A_1482 = %broadcast_in_dim3A_193, %scan3A_1483 = %broadcast_in_dim3A_195, %scan3A_1484 = %broadcast_in_dim3A_197, %scan3A_1485 = %broadcast_in_dim3A_199, %scan3A_1486 = %broadcast_in_dim3A_201, %scan3A_1487 = %broadcast_in_dim3A_203, %scan3A_1488 = %broadcast_in_dim3A_205, %scan3A_1489 = %broadcast_in_dim3A_207) -> (vector<16xf32>, vector<16xf32>, vector<16xf32>, vector<16xf32>, vector<16xf32>, vector<16xf32>, vector<16xf32>, vector<16xf32>, vector<16xf32>, vector<16xf32>, vector<16xi32>, vector<16xi32>, vector<16xi32>, vector<16xi32>, vector<16xi32>, vector<16xi32>, vector<16xi32>, vector<16xi32>, vector<16xi32>, vector<16xi32>)  : i32 {
        %add3A_1490 = vector.broadcast %scan3A_1469 : i32 to vector<16xi32>
        %add3A_1491 = arith.addi %add3A_167, %add3A_1490 : vector<16xi32>
        %gather3A_1492 = tpu.vector_load_idx %arg14[%add3A_1491] : memref<80000xf32, #tpu.memory_space<vmem>>[vector<16xi32>], vector<16xf32>,
        %mul3A_1493 = arith.constant 16 : i32
        %mul3A_1494 = arith.muli %scan3A_1469, %mul3A_1493 : i32
        %get3A = arith.index_cast %mul3A_1494 : i32 to index
        %get3A_1495 = tpu.vector_load %arg10[%get3A] {strides = array<i32>} : memref<3200xf32, #tpu.memory_space<vmem>>, vector<16xf32>,
        %add3A_1496 = arith.addf %get3A_1495, %gather3A_1492 : vector<16xf32>
        %broadcast_in_dim3A_1497 = vector.broadcast %scan3A_1469 : i32 to vector<16xi32>
        %gt3A = arith.cmpf ogt, %add3A_1496, %scan3A_1470 : vector<16xf32>
        %select_n3A_1498 = arith.select %gt3A, %add3A_1496, %scan3A_1470 : vector<16xi1>, vector<16xf32>
        %select_n3A_1499 = arith.select %gt3A, %broadcast_in_dim3A_1497, %scan3A_1480 : vector<16xi1>, vector<16xi32>
        %gt3A_1500 = arith.cmpf ogt, %add3A_1496, %scan3A_1471 : vector<16xf32>
        %select_n3A_1501 = arith.select %gt3A, %scan3A_1470, %add3A_1496 : vector<16xi1>, vector<16xf32>
        %select_n3A_1502 = arith.select %gt3A_1500, %select_n3A_1501, %scan3A_1471 : vector<16xi1>, vector<16xf32>
        %select_n3A_1503 = arith.select %gt3A, %scan3A_1480, %broadcast_in_dim3A_1497 : vector<16xi1>, vector<16xi32>
        %select_n3A_1504 = arith.select %gt3A_1500, %select_n3A_1503, %scan3A_1481 : vector<16xi1>, vector<16xi32>
        %gt3A_1505 = arith.cmpf ogt, %add3A_1496, %scan3A_1472 : vector<16xf32>
        %select_n3A_1506 = arith.select %gt3A_1500, %scan3A_1471, %add3A_1496 : vector<16xi1>, vector<16xf32>
        %select_n3A_1507 = arith.select %gt3A_1505, %select_n3A_1506, %scan3A_1472 : vector<16xi1>, vector<16xf32>
        %select_n3A_1508 = arith.select %gt3A_1500, %scan3A_1481, %broadcast_in_dim3A_1497 : vector<16xi1>, vector<16xi32>
        %select_n3A_1509 = arith.select %gt3A_1505, %select_n3A_1508, %scan3A_1482 : vector<16xi1>, vector<16xi32>
        %gt3A_1510 = arith.cmpf ogt, %add3A_1496, %scan3A_1473 : vector<16xf32>
        %select_n3A_1511 = arith.select %gt3A_1505, %scan3A_1472, %add3A_1496 : vector<16xi1>, vector<16xf32>
        %select_n3A_1512 = arith.select %gt3A_1510, %select_n3A_1511, %scan3A_1473 : vector<16xi1>, vector<16xf32>
        %select_n3A_1513 = arith.select %gt3A_1505, %scan3A_1482, %broadcast_in_dim3A_1497 : vector<16xi1>, vector<16xi32>
        %select_n3A_1514 = arith.select %gt3A_1510, %select_n3A_1513, %scan3A_1483 : vector<16xi1>, vector<16xi32>
        %gt3A_1515 = arith.cmpf ogt, %add3A_1496, %scan3A_1474 : vector<16xf32>
        %select_n3A_1516 = arith.select %gt3A_1510, %scan3A_1473, %add3A_1496 : vector<16xi1>, vector<16xf32>
        %select_n3A_1517 = arith.select %gt3A_1515, %select_n3A_1516, %scan3A_1474 : vector<16xi1>, vector<16xf32>
        %select_n3A_1518 = arith.select %gt3A_1510, %scan3A_1483, %broadcast_in_dim3A_1497 : vector<16xi1>, vector<16xi32>
        %select_n3A_1519 = arith.select %gt3A_1515, %select_n3A_1518, %scan3A_1484 : vector<16xi1>, vector<16xi32>
        %gt3A_1520 = arith.cmpf ogt, %add3A_1496, %scan3A_1475 : vector<16xf32>
        %select_n3A_1521 = arith.select %gt3A_1515, %scan3A_1474, %add3A_1496 : vector<16xi1>, vector<16xf32>
        %select_n3A_1522 = arith.select %gt3A_1520, %select_n3A_1521, %scan3A_1475 : vector<16xi1>, vector<16xf32>
        %select_n3A_1523 = arith.select %gt3A_1515, %scan3A_1484, %broadcast_in_dim3A_1497 : vector<16xi1>, vector<16xi32>
        %select_n3A_1524 = arith.select %gt3A_1520, %select_n3A_1523, %scan3A_1485 : vector<16xi1>, vector<16xi32>
        %gt3A_1525 = arith.cmpf ogt, %add3A_1496, %scan3A_1476 : vector<16xf32>
        %select_n3A_1526 = arith.select %gt3A_1520, %scan3A_1475, %add3A_1496 : vector<16xi1>, vector<16xf32>
        %select_n3A_1527 = arith.select %gt3A_1525, %select_n3A_1526, %scan3A_1476 : vector<16xi1>, vector<16xf32>
        %select_n3A_1528 = arith.select %gt3A_1520, %scan3A_1485, %broadcast_in_dim3A_1497 : vector<16xi1>, vector<16xi32>
        %select_n3A_1529 = arith.select %gt3A_1525, %select_n3A_1528, %scan3A_1486 : vector<16xi1>, vector<16xi32>
        %gt3A_1530 = arith.cmpf ogt, %add3A_1496, %scan3A_1477 : vector<16xf32>
        %select_n3A_1531 = arith.select %gt3A_1525, %scan3A_1476, %add3A_1496 : vector<16xi1>, vector<16xf32>
        %select_n3A_1532 = arith.select %gt3A_1530, %select_n3A_1531, %scan3A_1477 : vector<16xi1>, vector<16xf32>
        %select_n3A_1533 = arith.select %gt3A_1525, %scan3A_1486, %broadcast_in_dim3A_1497 : vector<16xi1>, vector<16xi32>
        %select_n3A_1534 = arith.select %gt3A_1530, %select_n3A_1533, %scan3A_1487 : vector<16xi1>, vector<16xi32>
        %gt3A_1535 = arith.cmpf ogt, %add3A_1496, %scan3A_1478 : vector<16xf32>
        %select_n3A_1536 = arith.select %gt3A_1530, %scan3A_1477, %add3A_1496 : vector<16xi1>, vector<16xf32>
        %select_n3A_1537 = arith.select %gt3A_1535, %select_n3A_1536, %scan3A_1478 : vector<16xi1>, vector<16xf32>
        %select_n3A_1538 = arith.select %gt3A_1530, %scan3A_1487, %broadcast_in_dim3A_1497 : vector<16xi1>, vector<16xi32>
        %select_n3A_1539 = arith.select %gt3A_1535, %select_n3A_1538, %scan3A_1488 : vector<16xi1>, vector<16xi32>
        %gt3A_1540 = arith.cmpf ogt, %add3A_1496, %scan3A_1479 : vector<16xf32>
        %select_n3A_1541 = arith.select %gt3A_1535, %scan3A_1478, %add3A_1496 : vector<16xi1>, vector<16xf32>
        %select_n3A_1542 = arith.select %gt3A_1540, %select_n3A_1541, %scan3A_1479 : vector<16xi1>, vector<16xf32>
        %select_n3A_1543 = arith.select %gt3A_1535, %scan3A_1488, %broadcast_in_dim3A_1497 : vector<16xi1>, vector<16xi32>
        %select_n3A_1544 = arith.select %gt3A_1540, %select_n3A_1543, %scan3A_1489 : vector<16xi1>, vector<16xi32>
        scf.yield %select_n3A_1498, %select_n3A_1502, %select_n3A_1507, %select_n3A_1512, %select_n3A_1517, %select_n3A_1522, %select_n3A_1527, %select_n3A_1532, %select_n3A_1537, %select_n3A_1542, %select_n3A_1499, %select_n3A_1504, %select_n3A_1509, %select_n3A_1514, %select_n3A_1519, %select_n3A_1524, %select_n3A_1529, %select_n3A_1534, %select_n3A_1539, %select_n3A_1544 : vector<16xf32>, vector<16xf32>, vector<16xf32>, vector<16xf32>, vector<16xf32>, vector<16xf32>, vector<16xf32>, vector<16xf32>, vector<16xf32>, vector<16xf32>, vector<16xi32>, vector<16xi32>, vector<16xi32>, vector<16xi32>, vector<16xi32>, vector<16xi32>, vector<16xi32>, vector<16xi32>, vector<16xi32>, vector<16xi32>
      }
      %scan3A_213 = arith.constant 200 : i32
      %mul3A_214 = arith.constant 16 : i32
      %mul3A_215 = vector.broadcast %mul3A_214 : i32 to vector<16xi32>
      %mul3A_216 = arith.muli %scan3A_212#10, %mul3A_215 : vector<16xi32>
      %add3A_217 = arith.addi %mul3A_216, %iota3A : vector<16xi32>
      %gather3A = tpu.vector_load_idx %arg11[%add3A_217] : memref<3200xf32, #tpu.memory_space<vmem>>[vector<16xi32>], vector<16xf32>,
      %add3A_218 = arith.addi %mul3A_3, %scan3A_212#10 : vector<16xi32>
      %gather3A_219 = tpu.vector_load_idx %arg12[%add3A_218] : memref<3200xf32, #tpu.memory_space<vmem>>[vector<16xi32>], vector<16xf32>,
      %mul3A_220 = arith.constant 4 : i32
      %mul3A_221 = vector.broadcast %mul3A_220 : i32 to vector<16xi32>
      %mul3A_222 = arith.muli %scan3A_212#10, %mul3A_221 : vector<16xi32>
      %add3A_223 = arith.addi %mul3A_12, %mul3A_222 : vector<16xi32>
      %add3A_224 = arith.constant 0 : i32
      %add3A_225 = vector.broadcast %add3A_224 : i32 to vector<16xi32>
      %add3A_226 = arith.addi %add3A_223, %add3A_225 : vector<16xi32>
      %gather3A_227 = tpu.vector_load_idx %arg13[%add3A_226] : memref<12800xf32, #tpu.memory_space<vmem>>[vector<16xi32>], vector<16xf32>,
      %add3A_228 = arith.constant 1 : i32
      %add3A_229 = vector.broadcast %add3A_228 : i32 to vector<16xi32>
      %add3A_230 = arith.addi %add3A_223, %add3A_229 : vector<16xi32>
      %gather3A_231 = tpu.vector_load_idx %arg13[%add3A_230] : memref<12800xf32, #tpu.memory_space<vmem>>[vector<16xi32>], vector<16xf32>,
      %add3A_232 = arith.constant 2 : i32
      %add3A_233 = vector.broadcast %add3A_232 : i32 to vector<16xi32>
      %add3A_234 = arith.addi %add3A_223, %add3A_233 : vector<16xi32>
      %gather3A_235 = tpu.vector_load_idx %arg13[%add3A_234] : memref<12800xf32, #tpu.memory_space<vmem>>[vector<16xi32>], vector<16xf32>,
      %add3A_236 = arith.constant 3 : i32
      %add3A_237 = vector.broadcast %add3A_236 : i32 to vector<16xi32>
      %add3A_238 = arith.addi %add3A_223, %add3A_237 : vector<16xi32>
      %gather3A_239 = tpu.vector_load_idx %arg13[%add3A_238] : memref<12800xf32, #tpu.memory_space<vmem>>[vector<16xi32>], vector<16xf32>,
      %mul3A_240 = arith.constant 16 : i32
      %mul3A_241 = vector.broadcast %mul3A_240 : i32 to vector<16xi32>
      %mul3A_242 = arith.muli %scan3A_212#11, %mul3A_241 : vector<16xi32>
      %add3A_243 = arith.addi %mul3A_242, %iota3A : vector<16xi32>
      %gather3A_244 = tpu.vector_load_idx %arg11[%add3A_243] : memref<3200xf32, #tpu.memory_space<vmem>>[vector<16xi32>], vector<16xf32>,
      %add3A_245 = arith.addi %mul3A_3, %scan3A_212#11 : vector<16xi32>
      %gather3A_246 = tpu.vector_load_idx %arg12[%add3A_245] : memref<3200xf32, #tpu.memory_space<vmem>>[vector<16xi32>], vector<16xf32>,
      %mul3A_247 = arith.constant 4 : i32
      %mul3A_248 = vector.broadcast %mul3A_247 : i32 to vector<16xi32>
      %mul3A_249 = arith.muli %scan3A_212#11, %mul3A_248 : vector<16xi32>
      %add3A_250 = arith.addi %mul3A_12, %mul3A_249 : vector<16xi32>
      %add3A_251 = arith.constant 0 : i32
      %add3A_252 = vector.broadcast %add3A_251 : i32 to vector<16xi32>
      %add3A_253 = arith.addi %add3A_250, %add3A_252 : vector<16xi32>
      %gather3A_254 = tpu.vector_load_idx %arg13[%add3A_253] : memref<12800xf32, #tpu.memory_space<vmem>>[vector<16xi32>], vector<16xf32>,
      %add3A_255 = arith.constant 1 : i32
      %add3A_256 = vector.broadcast %add3A_255 : i32 to vector<16xi32>
      %add3A_257 = arith.addi %add3A_250, %add3A_256 : vector<16xi32>
      %gather3A_258 = tpu.vector_load_idx %arg13[%add3A_257] : memref<12800xf32, #tpu.memory_space<vmem>>[vector<16xi32>], vector<16xf32>,
      %add3A_259 = arith.constant 2 : i32
      %add3A_260 = vector.broadcast %add3A_259 : i32 to vector<16xi32>
      %add3A_261 = arith.addi %add3A_250, %add3A_260 : vector<16xi32>
      %gather3A_262 = tpu.vector_load_idx %arg13[%add3A_261] : memref<12800xf32, #tpu.memory_space<vmem>>[vector<16xi32>], vector<16xf32>,
      %add3A_263 = arith.constant 3 : i32
      %add3A_264 = vector.broadcast %add3A_263 : i32 to vector<16xi32>
      %add3A_265 = arith.addi %add3A_250, %add3A_264 : vector<16xi32>
      %gather3A_266 = tpu.vector_load_idx %arg13[%add3A_265] : memref<12800xf32, #tpu.memory_space<vmem>>[vector<16xi32>], vector<16xf32>,
      %mul3A_267 = arith.constant 16 : i32
      %mul3A_268 = vector.broadcast %mul3A_267 : i32 to vector<16xi32>
      %mul3A_269 = arith.muli %scan3A_212#12, %mul3A_268 : vector<16xi32>
      %add3A_270 = arith.addi %mul3A_269, %iota3A : vector<16xi32>
      %gather3A_271 = tpu.vector_load_idx %arg11[%add3A_270] : memref<3200xf32, #tpu.memory_space<vmem>>[vector<16xi32>], vector<16xf32>,
      %add3A_272 = arith.addi %mul3A_3, %scan3A_212#12 : vector<16xi32>
      %gather3A_273 = tpu.vector_load_idx %arg12[%add3A_272] : memref<3200xf32, #tpu.memory_space<vmem>>[vector<16xi32>], vector<16xf32>,
      %mul3A_274 = arith.constant 4 : i32
      %mul3A_275 = vector.broadcast %mul3A_274 : i32 to vector<16xi32>
      %mul3A_276 = arith.muli %scan3A_212#12, %mul3A_275 : vector<16xi32>
      %add3A_277 = arith.addi %mul3A_12, %mul3A_276 : vector<16xi32>
      %add3A_278 = arith.constant 0 : i32
      %add3A_279 = vector.broadcast %add3A_278 : i32 to vector<16xi32>
      %add3A_280 = arith.addi %add3A_277, %add3A_279 : vector<16xi32>
      %gather3A_281 = tpu.vector_load_idx %arg13[%add3A_280] : memref<12800xf32, #tpu.memory_space<vmem>>[vector<16xi32>], vector<16xf32>,
      %add3A_282 = arith.constant 1 : i32
      %add3A_283 = vector.broadcast %add3A_282 : i32 to vector<16xi32>
      %add3A_284 = arith.addi %add3A_277, %add3A_283 : vector<16xi32>
      %gather3A_285 = tpu.vector_load_idx %arg13[%add3A_284] : memref<12800xf32, #tpu.memory_space<vmem>>[vector<16xi32>], vector<16xf32>,
      %add3A_286 = arith.constant 2 : i32
      %add3A_287 = vector.broadcast %add3A_286 : i32 to vector<16xi32>
      %add3A_288 = arith.addi %add3A_277, %add3A_287 : vector<16xi32>
      %gather3A_289 = tpu.vector_load_idx %arg13[%add3A_288] : memref<12800xf32, #tpu.memory_space<vmem>>[vector<16xi32>], vector<16xf32>,
      %add3A_290 = arith.constant 3 : i32
      %add3A_291 = vector.broadcast %add3A_290 : i32 to vector<16xi32>
      %add3A_292 = arith.addi %add3A_277, %add3A_291 : vector<16xi32>
      %gather3A_293 = tpu.vector_load_idx %arg13[%add3A_292] : memref<12800xf32, #tpu.memory_space<vmem>>[vector<16xi32>], vector<16xf32>,
      %mul3A_294 = arith.constant 16 : i32
      %mul3A_295 = vector.broadcast %mul3A_294 : i32 to vector<16xi32>
      %mul3A_296 = arith.muli %scan3A_212#13, %mul3A_295 : vector<16xi32>
      %add3A_297 = arith.addi %mul3A_296, %iota3A : vector<16xi32>
      %gather3A_298 = tpu.vector_load_idx %arg11[%add3A_297] : memref<3200xf32, #tpu.memory_space<vmem>>[vector<16xi32>], vector<16xf32>,
      %add3A_299 = arith.addi %mul3A_3, %scan3A_212#13 : vector<16xi32>
      %gather3A_300 = tpu.vector_load_idx %arg12[%add3A_299] : memref<3200xf32, #tpu.memory_space<vmem>>[vector<16xi32>], vector<16xf32>,
      %mul3A_301 = arith.constant 4 : i32
      %mul3A_302 = vector.broadcast %mul3A_301 : i32 to vector<16xi32>
      %mul3A_303 = arith.muli %scan3A_212#13, %mul3A_302 : vector<16xi32>
      %add3A_304 = arith.addi %mul3A_12, %mul3A_303 : vector<16xi32>
      %add3A_305 = arith.constant 0 : i32
      %add3A_306 = vector.broadcast %add3A_305 : i32 to vector<16xi32>
      %add3A_307 = arith.addi %add3A_304, %add3A_306 : vector<16xi32>
      %gather3A_308 = tpu.vector_load_idx %arg13[%add3A_307] : memref<12800xf32, #tpu.memory_space<vmem>>[vector<16xi32>], vector<16xf32>,
      %add3A_309 = arith.constant 1 : i32
      %add3A_310 = vector.broadcast %add3A_309 : i32 to vector<16xi32>
      %add3A_311 = arith.addi %add3A_304, %add3A_310 : vector<16xi32>
      %gather3A_312 = tpu.vector_load_idx %arg13[%add3A_311] : memref<12800xf32, #tpu.memory_space<vmem>>[vector<16xi32>], vector<16xf32>,
      %add3A_313 = arith.constant 2 : i32
      %add3A_314 = vector.broadcast %add3A_313 : i32 to vector<16xi32>
      %add3A_315 = arith.addi %add3A_304, %add3A_314 : vector<16xi32>
      %gather3A_316 = tpu.vector_load_idx %arg13[%add3A_315] : memref<12800xf32, #tpu.memory_space<vmem>>[vector<16xi32>], vector<16xf32>,
      %add3A_317 = arith.constant 3 : i32
      %add3A_318 = vector.broadcast %add3A_317 : i32 to vector<16xi32>
      %add3A_319 = arith.addi %add3A_304, %add3A_318 : vector<16xi32>
      %gather3A_320 = tpu.vector_load_idx %arg13[%add3A_319] : memref<12800xf32, #tpu.memory_space<vmem>>[vector<16xi32>], vector<16xf32>,
      %mul3A_321 = arith.constant 16 : i32
      %mul3A_322 = vector.broadcast %mul3A_321 : i32 to vector<16xi32>
      %mul3A_323 = arith.muli %scan3A_212#14, %mul3A_322 : vector<16xi32>
      %add3A_324 = arith.addi %mul3A_323, %iota3A : vector<16xi32>
      %gather3A_325 = tpu.vector_load_idx %arg11[%add3A_324] : memref<3200xf32, #tpu.memory_space<vmem>>[vector<16xi32>], vector<16xf32>,
      %add3A_326 = arith.addi %mul3A_3, %scan3A_212#14 : vector<16xi32>
      %gather3A_327 = tpu.vector_load_idx %arg12[%add3A_326] : memref<3200xf32, #tpu.memory_space<vmem>>[vector<16xi32>], vector<16xf32>,
      %mul3A_328 = arith.constant 4 : i32
      %mul3A_329 = vector.broadcast %mul3A_328 : i32 to vector<16xi32>
      %mul3A_330 = arith.muli %scan3A_212#14, %mul3A_329 : vector<16xi32>
      %add3A_331 = arith.addi %mul3A_12, %mul3A_330 : vector<16xi32>
      %add3A_332 = arith.constant 0 : i32
      %add3A_333 = vector.broadcast %add3A_332 : i32 to vector<16xi32>
      %add3A_334 = arith.addi %add3A_331, %add3A_333 : vector<16xi32>
      %gather3A_335 = tpu.vector_load_idx %arg13[%add3A_334] : memref<12800xf32, #tpu.memory_space<vmem>>[vector<16xi32>], vector<16xf32>,
      %add3A_336 = arith.constant 1 : i32
      %add3A_337 = vector.broadcast %add3A_336 : i32 to vector<16xi32>
      %add3A_338 = arith.addi %add3A_331, %add3A_337 : vector<16xi32>
      %gather3A_339 = tpu.vector_load_idx %arg13[%add3A_338] : memref<12800xf32, #tpu.memory_space<vmem>>[vector<16xi32>], vector<16xf32>,
      %add3A_340 = arith.constant 2 : i32
      %add3A_341 = vector.broadcast %add3A_340 : i32 to vector<16xi32>
      %add3A_342 = arith.addi %add3A_331, %add3A_341 : vector<16xi32>
      %gather3A_343 = tpu.vector_load_idx %arg13[%add3A_342] : memref<12800xf32, #tpu.memory_space<vmem>>[vector<16xi32>], vector<16xf32>,
      %add3A_344 = arith.constant 3 : i32
      %add3A_345 = vector.broadcast %add3A_344 : i32 to vector<16xi32>
      %add3A_346 = arith.addi %add3A_331, %add3A_345 : vector<16xi32>
      %gather3A_347 = tpu.vector_load_idx %arg13[%add3A_346] : memref<12800xf32, #tpu.memory_space<vmem>>[vector<16xi32>], vector<16xf32>,
      %mul3A_348 = arith.constant 16 : i32
      %mul3A_349 = vector.broadcast %mul3A_348 : i32 to vector<16xi32>
      %mul3A_350 = arith.muli %scan3A_212#15, %mul3A_349 : vector<16xi32>
      %add3A_351 = arith.addi %mul3A_350, %iota3A : vector<16xi32>
      %gather3A_352 = tpu.vector_load_idx %arg11[%add3A_351] : memref<3200xf32, #tpu.memory_space<vmem>>[vector<16xi32>], vector<16xf32>,
      %add3A_353 = arith.addi %mul3A_3, %scan3A_212#15 : vector<16xi32>
      %gather3A_354 = tpu.vector_load_idx %arg12[%add3A_353] : memref<3200xf32, #tpu.memory_space<vmem>>[vector<16xi32>], vector<16xf32>,
      %mul3A_355 = arith.constant 4 : i32
      %mul3A_356 = vector.broadcast %mul3A_355 : i32 to vector<16xi32>
      %mul3A_357 = arith.muli %scan3A_212#15, %mul3A_356 : vector<16xi32>
      %add3A_358 = arith.addi %mul3A_12, %mul3A_357 : vector<16xi32>
      %add3A_359 = arith.constant 0 : i32
      %add3A_360 = vector.broadcast %add3A_359 : i32 to vector<16xi32>
      %add3A_361 = arith.addi %add3A_358, %add3A_360 : vector<16xi32>
      %gather3A_362 = tpu.vector_load_idx %arg13[%add3A_361] : memref<12800xf32, #tpu.memory_space<vmem>>[vector<16xi32>], vector<16xf32>,
      %add3A_363 = arith.constant 1 : i32
      %add3A_364 = vector.broadcast %add3A_363 : i32 to vector<16xi32>
      %add3A_365 = arith.addi %add3A_358, %add3A_364 : vector<16xi32>
      %gather3A_366 = tpu.vector_load_idx %arg13[%add3A_365] : memref<12800xf32, #tpu.memory_space<vmem>>[vector<16xi32>], vector<16xf32>,
      %add3A_367 = arith.constant 2 : i32
      %add3A_368 = vector.broadcast %add3A_367 : i32 to vector<16xi32>
      %add3A_369 = arith.addi %add3A_358, %add3A_368 : vector<16xi32>
      %gather3A_370 = tpu.vector_load_idx %arg13[%add3A_369] : memref<12800xf32, #tpu.memory_space<vmem>>[vector<16xi32>], vector<16xf32>,
      %add3A_371 = arith.constant 3 : i32
      %add3A_372 = vector.broadcast %add3A_371 : i32 to vector<16xi32>
      %add3A_373 = arith.addi %add3A_358, %add3A_372 : vector<16xi32>
      %gather3A_374 = tpu.vector_load_idx %arg13[%add3A_373] : memref<12800xf32, #tpu.memory_space<vmem>>[vector<16xi32>], vector<16xf32>,
      %mul3A_375 = arith.constant 16 : i32
      %mul3A_376 = vector.broadcast %mul3A_375 : i32 to vector<16xi32>
      %mul3A_377 = arith.muli %scan3A_212#16, %mul3A_376 : vector<16xi32>
      %add3A_378 = arith.addi %mul3A_377, %iota3A : vector<16xi32>
      %gather3A_379 = tpu.vector_load_idx %arg11[%add3A_378] : memref<3200xf32, #tpu.memory_space<vmem>>[vector<16xi32>], vector<16xf32>,
      %add3A_380 = arith.addi %mul3A_3, %scan3A_212#16 : vector<16xi32>
      %gather3A_381 = tpu.vector_load_idx %arg12[%add3A_380] : memref<3200xf32, #tpu.memory_space<vmem>>[vector<16xi32>], vector<16xf32>,
      %mul3A_382 = arith.constant 4 : i32
      %mul3A_383 = vector.broadcast %mul3A_382 : i32 to vector<16xi32>
      %mul3A_384 = arith.muli %scan3A_212#16, %mul3A_383 : vector<16xi32>
      %add3A_385 = arith.addi %mul3A_12, %mul3A_384 : vector<16xi32>
      %add3A_386 = arith.constant 0 : i32
      %add3A_387 = vector.broadcast %add3A_386 : i32 to vector<16xi32>
      %add3A_388 = arith.addi %add3A_385, %add3A_387 : vector<16xi32>
      %gather3A_389 = tpu.vector_load_idx %arg13[%add3A_388] : memref<12800xf32, #tpu.memory_space<vmem>>[vector<16xi32>], vector<16xf32>,
      %add3A_390 = arith.constant 1 : i32
      %add3A_391 = vector.broadcast %add3A_390 : i32 to vector<16xi32>
      %add3A_392 = arith.addi %add3A_385, %add3A_391 : vector<16xi32>
      %gather3A_393 = tpu.vector_load_idx %arg13[%add3A_392] : memref<12800xf32, #tpu.memory_space<vmem>>[vector<16xi32>], vector<16xf32>,
      %add3A_394 = arith.constant 2 : i32
      %add3A_395 = vector.broadcast %add3A_394 : i32 to vector<16xi32>
      %add3A_396 = arith.addi %add3A_385, %add3A_395 : vector<16xi32>
      %gather3A_397 = tpu.vector_load_idx %arg13[%add3A_396] : memref<12800xf32, #tpu.memory_space<vmem>>[vector<16xi32>], vector<16xf32>,
      %add3A_398 = arith.constant 3 : i32
      %add3A_399 = vector.broadcast %add3A_398 : i32 to vector<16xi32>
      %add3A_400 = arith.addi %add3A_385, %add3A_399 : vector<16xi32>
      %gather3A_401 = tpu.vector_load_idx %arg13[%add3A_400] : memref<12800xf32, #tpu.memory_space<vmem>>[vector<16xi32>], vector<16xf32>,
      %mul3A_402 = arith.constant 16 : i32
      %mul3A_403 = vector.broadcast %mul3A_402 : i32 to vector<16xi32>
      %mul3A_404 = arith.muli %scan3A_212#17, %mul3A_403 : vector<16xi32>
      %add3A_405 = arith.addi %mul3A_404, %iota3A : vector<16xi32>
      %gather3A_406 = tpu.vector_load_idx %arg11[%add3A_405] : memref<3200xf32, #tpu.memory_space<vmem>>[vector<16xi32>], vector<16xf32>,
      %add3A_407 = arith.addi %mul3A_3, %scan3A_212#17 : vector<16xi32>
      %gather3A_408 = tpu.vector_load_idx %arg12[%add3A_407] : memref<3200xf32, #tpu.memory_space<vmem>>[vector<16xi32>], vector<16xf32>,
      %mul3A_409 = arith.constant 4 : i32
      %mul3A_410 = vector.broadcast %mul3A_409 : i32 to vector<16xi32>
      %mul3A_411 = arith.muli %scan3A_212#17, %mul3A_410 : vector<16xi32>
      %add3A_412 = arith.addi %mul3A_12, %mul3A_411 : vector<16xi32>
      %add3A_413 = arith.constant 0 : i32
      %add3A_414 = vector.broadcast %add3A_413 : i32 to vector<16xi32>
      %add3A_415 = arith.addi %add3A_412, %add3A_414 : vector<16xi32>
      %gather3A_416 = tpu.vector_load_idx %arg13[%add3A_415] : memref<12800xf32, #tpu.memory_space<vmem>>[vector<16xi32>], vector<16xf32>,
      %add3A_417 = arith.constant 1 : i32
      %add3A_418 = vector.broadcast %add3A_417 : i32 to vector<16xi32>
      %add3A_419 = arith.addi %add3A_412, %add3A_418 : vector<16xi32>
      %gather3A_420 = tpu.vector_load_idx %arg13[%add3A_419] : memref<12800xf32, #tpu.memory_space<vmem>>[vector<16xi32>], vector<16xf32>,
      %add3A_421 = arith.constant 2 : i32
      %add3A_422 = vector.broadcast %add3A_421 : i32 to vector<16xi32>
      %add3A_423 = arith.addi %add3A_412, %add3A_422 : vector<16xi32>
      %gather3A_424 = tpu.vector_load_idx %arg13[%add3A_423] : memref<12800xf32, #tpu.memory_space<vmem>>[vector<16xi32>], vector<16xf32>,
      %add3A_425 = arith.constant 3 : i32
      %add3A_426 = vector.broadcast %add3A_425 : i32 to vector<16xi32>
      %add3A_427 = arith.addi %add3A_412, %add3A_426 : vector<16xi32>
      %gather3A_428 = tpu.vector_load_idx %arg13[%add3A_427] : memref<12800xf32, #tpu.memory_space<vmem>>[vector<16xi32>], vector<16xf32>,
      %mul3A_429 = arith.constant 16 : i32
      %mul3A_430 = vector.broadcast %mul3A_429 : i32 to vector<16xi32>
      %mul3A_431 = arith.muli %scan3A_212#18, %mul3A_430 : vector<16xi32>
      %add3A_432 = arith.addi %mul3A_431, %iota3A : vector<16xi32>
      %gather3A_433 = tpu.vector_load_idx %arg11[%add3A_432] : memref<3200xf32, #tpu.memory_space<vmem>>[vector<16xi32>], vector<16xf32>,
      %add3A_434 = arith.addi %mul3A_3, %scan3A_212#18 : vector<16xi32>
      %gather3A_435 = tpu.vector_load_idx %arg12[%add3A_434] : memref<3200xf32, #tpu.memory_space<vmem>>[vector<16xi32>], vector<16xf32>,
      %mul3A_436 = arith.constant 4 : i32
      %mul3A_437 = vector.broadcast %mul3A_436 : i32 to vector<16xi32>
      %mul3A_438 = arith.muli %scan3A_212#18, %mul3A_437 : vector<16xi32>
      %add3A_439 = arith.addi %mul3A_12, %mul3A_438 : vector<16xi32>
      %add3A_440 = arith.constant 0 : i32
      %add3A_441 = vector.broadcast %add3A_440 : i32 to vector<16xi32>
      %add3A_442 = arith.addi %add3A_439, %add3A_441 : vector<16xi32>
      %gather3A_443 = tpu.vector_load_idx %arg13[%add3A_442] : memref<12800xf32, #tpu.memory_space<vmem>>[vector<16xi32>], vector<16xf32>,
      %add3A_444 = arith.constant 1 : i32
      %add3A_445 = vector.broadcast %add3A_444 : i32 to vector<16xi32>
      %add3A_446 = arith.addi %add3A_439, %add3A_445 : vector<16xi32>
      %gather3A_447 = tpu.vector_load_idx %arg13[%add3A_446] : memref<12800xf32, #tpu.memory_space<vmem>>[vector<16xi32>], vector<16xf32>,
      %add3A_448 = arith.constant 2 : i32
      %add3A_449 = vector.broadcast %add3A_448 : i32 to vector<16xi32>
      %add3A_450 = arith.addi %add3A_439, %add3A_449 : vector<16xi32>
      %gather3A_451 = tpu.vector_load_idx %arg13[%add3A_450] : memref<12800xf32, #tpu.memory_space<vmem>>[vector<16xi32>], vector<16xf32>,
      %add3A_452 = arith.constant 3 : i32
      %add3A_453 = vector.broadcast %add3A_452 : i32 to vector<16xi32>
      %add3A_454 = arith.addi %add3A_439, %add3A_453 : vector<16xi32>
      %gather3A_455 = tpu.vector_load_idx %arg13[%add3A_454] : memref<12800xf32, #tpu.memory_space<vmem>>[vector<16xi32>], vector<16xf32>,
      %mul3A_456 = arith.constant 16 : i32
      %mul3A_457 = vector.broadcast %mul3A_456 : i32 to vector<16xi32>
      %mul3A_458 = arith.muli %scan3A_212#19, %mul3A_457 : vector<16xi32>
      %add3A_459 = arith.addi %mul3A_458, %iota3A : vector<16xi32>
      %gather3A_460 = tpu.vector_load_idx %arg11[%add3A_459] : memref<3200xf32, #tpu.memory_space<vmem>>[vector<16xi32>], vector<16xf32>,
      %add3A_461 = arith.addi %mul3A_3, %scan3A_212#19 : vector<16xi32>
      %gather3A_462 = tpu.vector_load_idx %arg12[%add3A_461] : memref<3200xf32, #tpu.memory_space<vmem>>[vector<16xi32>], vector<16xf32>,
      %mul3A_463 = arith.constant 4 : i32
      %mul3A_464 = vector.broadcast %mul3A_463 : i32 to vector<16xi32>
      %mul3A_465 = arith.muli %scan3A_212#19, %mul3A_464 : vector<16xi32>
      %add3A_466 = arith.addi %mul3A_12, %mul3A_465 : vector<16xi32>
      %add3A_467 = arith.constant 0 : i32
      %add3A_468 = vector.broadcast %add3A_467 : i32 to vector<16xi32>
      %add3A_469 = arith.addi %add3A_466, %add3A_468 : vector<16xi32>
      %gather3A_470 = tpu.vector_load_idx %arg13[%add3A_469] : memref<12800xf32, #tpu.memory_space<vmem>>[vector<16xi32>], vector<16xf32>,
      %add3A_471 = arith.constant 1 : i32
      %add3A_472 = vector.broadcast %add3A_471 : i32 to vector<16xi32>
      %add3A_473 = arith.addi %add3A_466, %add3A_472 : vector<16xi32>
      %gather3A_474 = tpu.vector_load_idx %arg13[%add3A_473] : memref<12800xf32, #tpu.memory_space<vmem>>[vector<16xi32>], vector<16xf32>,
      %add3A_475 = arith.constant 2 : i32
      %add3A_476 = vector.broadcast %add3A_475 : i32 to vector<16xi32>
      %add3A_477 = arith.addi %add3A_466, %add3A_476 : vector<16xi32>
      %gather3A_478 = tpu.vector_load_idx %arg13[%add3A_477] : memref<12800xf32, #tpu.memory_space<vmem>>[vector<16xi32>], vector<16xf32>,
      %add3A_479 = arith.constant 3 : i32
      %add3A_480 = vector.broadcast %add3A_479 : i32 to vector<16xi32>
      %add3A_481 = arith.addi %add3A_466, %add3A_480 : vector<16xi32>
      %gather3A_482 = tpu.vector_load_idx %arg13[%add3A_481] : memref<12800xf32, #tpu.memory_space<vmem>>[vector<16xi32>], vector<16xf32>,
      %mul3A_483 = arith.constant 10 : i32
      %mul3A_484 = arith.muli %scan3A_163, %mul3A_483 : i32
      %add3A_485 = vector.broadcast %mul3A_484 : i32 to vector<16xi32>
      %add3A_486 = arith.addi %mul3A_9, %add3A_485 : vector<16xi32>
      %add3A_487 = arith.constant 0 : i32
      %add3A_488 = vector.broadcast %add3A_487 : i32 to vector<16xi32>
      %add3A_489 = arith.addi %add3A_486, %add3A_488 : vector<16xi32>
      %gather3A_490 = tpu.vector_load_idx %arg15[%add3A_489] : memref<4000xf32, #tpu.memory_space<vmem>>[vector<16xi32>], vector<16xf32>,
      %add3A_491 = arith.constant 1 : i32
      %add3A_492 = vector.broadcast %add3A_491 : i32 to vector<16xi32>
      %add3A_493 = arith.addi %add3A_486, %add3A_492 : vector<16xi32>
      %gather3A_494 = tpu.vector_load_idx %arg15[%add3A_493] : memref<4000xf32, #tpu.memory_space<vmem>>[vector<16xi32>], vector<16xf32>,
      %add3A_495 = arith.constant 2 : i32
      %add3A_496 = vector.broadcast %add3A_495 : i32 to vector<16xi32>
      %add3A_497 = arith.addi %add3A_486, %add3A_496 : vector<16xi32>
      %gather3A_498 = tpu.vector_load_idx %arg15[%add3A_497] : memref<4000xf32, #tpu.memory_space<vmem>>[vector<16xi32>], vector<16xf32>,
      %add3A_499 = arith.constant 3 : i32
      %add3A_500 = vector.broadcast %add3A_499 : i32 to vector<16xi32>
      %add3A_501 = arith.addi %add3A_486, %add3A_500 : vector<16xi32>
      %gather3A_502 = tpu.vector_load_idx %arg15[%add3A_501] : memref<4000xf32, #tpu.memory_space<vmem>>[vector<16xi32>], vector<16xf32>,
      %add3A_503 = arith.constant 4 : i32
      %add3A_504 = vector.broadcast %add3A_503 : i32 to vector<16xi32>
      %add3A_505 = arith.addi %add3A_486, %add3A_504 : vector<16xi32>
      %gather3A_506 = tpu.vector_load_idx %arg15[%add3A_505] : memref<4000xf32, #tpu.memory_space<vmem>>[vector<16xi32>], vector<16xf32>,
      %add3A_507 = arith.constant 5 : i32
      %add3A_508 = vector.broadcast %add3A_507 : i32 to vector<16xi32>
      %add3A_509 = arith.addi %add3A_486, %add3A_508 : vector<16xi32>
      %gather3A_510 = tpu.vector_load_idx %arg15[%add3A_509] : memref<4000xf32, #tpu.memory_space<vmem>>[vector<16xi32>], vector<16xf32>,
      %add3A_511 = arith.constant 6 : i32
      %add3A_512 = vector.broadcast %add3A_511 : i32 to vector<16xi32>
      %add3A_513 = arith.addi %add3A_486, %add3A_512 : vector<16xi32>
      %gather3A_514 = tpu.vector_load_idx %arg15[%add3A_513] : memref<4000xf32, #tpu.memory_space<vmem>>[vector<16xi32>], vector<16xf32>,
      %add3A_515 = arith.constant 7 : i32
      %add3A_516 = vector.broadcast %add3A_515 : i32 to vector<16xi32>
      %add3A_517 = arith.addi %add3A_486, %add3A_516 : vector<16xi32>
      %gather3A_518 = tpu.vector_load_idx %arg15[%add3A_517] : memref<4000xf32, #tpu.memory_space<vmem>>[vector<16xi32>], vector<16xf32>,
      %add3A_519 = arith.constant 8 : i32
      %add3A_520 = vector.broadcast %add3A_519 : i32 to vector<16xi32>
      %add3A_521 = arith.addi %add3A_486, %add3A_520 : vector<16xi32>
      %gather3A_522 = tpu.vector_load_idx %arg15[%add3A_521] : memref<4000xf32, #tpu.memory_space<vmem>>[vector<16xi32>], vector<16xf32>,
      %add3A_523 = arith.constant 9 : i32
      %add3A_524 = vector.broadcast %add3A_523 : i32 to vector<16xi32>
      %add3A_525 = arith.addi %add3A_486, %add3A_524 : vector<16xi32>
      %gather3A_526 = tpu.vector_load_idx %arg15[%add3A_525] : memref<4000xf32, #tpu.memory_space<vmem>>[vector<16xi32>], vector<16xf32>,
      %broadcast_in_dim3A_527 = arith.constant 1.000000e+00 : f32
      %broadcast_in_dim3A_528 = vector.broadcast %broadcast_in_dim3A_527 : f32 to vector<16xf32>
      %broadcast_in_dim3A_529 = arith.constant 0.000000e+00 : f32
      %broadcast_in_dim3A_530 = vector.broadcast %broadcast_in_dim3A_529 : f32 to vector<16xf32>
      %lt3A = arith.cmpf olt, %gather3A_490, %gather3A_490 : vector<16xf32>
      %select_n3A = arith.select %lt3A, %broadcast_in_dim3A_528, %broadcast_in_dim3A_530 : vector<16xi1>, vector<16xf32>
      %add3A_531 = arith.addf %broadcast_in_dim3A_530, %select_n3A : vector<16xf32>
      %lt3A_532 = arith.cmpf olt, %gather3A_494, %gather3A_490 : vector<16xf32>
      %select_n3A_533 = arith.select %lt3A_532, %broadcast_in_dim3A_528, %broadcast_in_dim3A_530 : vector<16xi1>, vector<16xf32>
      %add3A_534 = arith.addf %add3A_531, %select_n3A_533 : vector<16xf32>
      %lt3A_535 = arith.cmpf olt, %gather3A_498, %gather3A_490 : vector<16xf32>
      %select_n3A_536 = arith.select %lt3A_535, %broadcast_in_dim3A_528, %broadcast_in_dim3A_530 : vector<16xi1>, vector<16xf32>
      %add3A_537 = arith.addf %add3A_534, %select_n3A_536 : vector<16xf32>
      %lt3A_538 = arith.cmpf olt, %gather3A_502, %gather3A_490 : vector<16xf32>
      %select_n3A_539 = arith.select %lt3A_538, %broadcast_in_dim3A_528, %broadcast_in_dim3A_530 : vector<16xi1>, vector<16xf32>
      %add3A_540 = arith.addf %add3A_537, %select_n3A_539 : vector<16xf32>
      %lt3A_541 = arith.cmpf olt, %gather3A_506, %gather3A_490 : vector<16xf32>
      %select_n3A_542 = arith.select %lt3A_541, %broadcast_in_dim3A_528, %broadcast_in_dim3A_530 : vector<16xi1>, vector<16xf32>
      %add3A_543 = arith.addf %add3A_540, %select_n3A_542 : vector<16xf32>
      %lt3A_544 = arith.cmpf olt, %gather3A_510, %gather3A_490 : vector<16xf32>
      %select_n3A_545 = arith.select %lt3A_544, %broadcast_in_dim3A_528, %broadcast_in_dim3A_530 : vector<16xi1>, vector<16xf32>
      %add3A_546 = arith.addf %add3A_543, %select_n3A_545 : vector<16xf32>
      %lt3A_547 = arith.cmpf olt, %gather3A_514, %gather3A_490 : vector<16xf32>
      %select_n3A_548 = arith.select %lt3A_547, %broadcast_in_dim3A_528, %broadcast_in_dim3A_530 : vector<16xi1>, vector<16xf32>
      %add3A_549 = arith.addf %add3A_546, %select_n3A_548 : vector<16xf32>
      %lt3A_550 = arith.cmpf olt, %gather3A_518, %gather3A_490 : vector<16xf32>
      %select_n3A_551 = arith.select %lt3A_550, %broadcast_in_dim3A_528, %broadcast_in_dim3A_530 : vector<16xi1>, vector<16xf32>
      %add3A_552 = arith.addf %add3A_549, %select_n3A_551 : vector<16xf32>
      %lt3A_553 = arith.cmpf olt, %gather3A_522, %gather3A_490 : vector<16xf32>
      %select_n3A_554 = arith.select %lt3A_553, %broadcast_in_dim3A_528, %broadcast_in_dim3A_530 : vector<16xi1>, vector<16xf32>
      %add3A_555 = arith.addf %add3A_552, %select_n3A_554 : vector<16xf32>
      %lt3A_556 = arith.cmpf olt, %gather3A_526, %gather3A_490 : vector<16xf32>
      %select_n3A_557 = arith.select %lt3A_556, %broadcast_in_dim3A_528, %broadcast_in_dim3A_530 : vector<16xi1>, vector<16xf32>
      %add3A_558 = arith.addf %add3A_555, %select_n3A_557 : vector<16xf32>
      %lt3A_559 = arith.cmpf olt, %gather3A_490, %gather3A_494 : vector<16xf32>
      %select_n3A_560 = arith.select %lt3A_559, %broadcast_in_dim3A_528, %broadcast_in_dim3A_530 : vector<16xi1>, vector<16xf32>
      %eq3A = arith.cmpf oeq, %gather3A_490, %gather3A_494 : vector<16xf32>
      %select_n3A_561 = arith.select %eq3A, %broadcast_in_dim3A_528, %broadcast_in_dim3A_530 : vector<16xi1>, vector<16xf32>
      %add3A_562 = arith.addf %select_n3A_560, %select_n3A_561 : vector<16xf32>
      %add3A_563 = arith.addf %broadcast_in_dim3A_530, %add3A_562 : vector<16xf32>
      %lt3A_564 = arith.cmpf olt, %gather3A_494, %gather3A_494 : vector<16xf32>
      %select_n3A_565 = arith.select %lt3A_564, %broadcast_in_dim3A_528, %broadcast_in_dim3A_530 : vector<16xi1>, vector<16xf32>
      %add3A_566 = arith.addf %add3A_563, %select_n3A_565 : vector<16xf32>
      %lt3A_567 = arith.cmpf olt, %gather3A_498, %gather3A_494 : vector<16xf32>
      %select_n3A_568 = arith.select %lt3A_567, %broadcast_in_dim3A_528, %broadcast_in_dim3A_530 : vector<16xi1>, vector<16xf32>
      %add3A_569 = arith.addf %add3A_566, %select_n3A_568 : vector<16xf32>
      %lt3A_570 = arith.cmpf olt, %gather3A_502, %gather3A_494 : vector<16xf32>
      %select_n3A_571 = arith.select %lt3A_570, %broadcast_in_dim3A_528, %broadcast_in_dim3A_530 : vector<16xi1>, vector<16xf32>
      %add3A_572 = arith.addf %add3A_569, %select_n3A_571 : vector<16xf32>
      %lt3A_573 = arith.cmpf olt, %gather3A_506, %gather3A_494 : vector<16xf32>
      %select_n3A_574 = arith.select %lt3A_573, %broadcast_in_dim3A_528, %broadcast_in_dim3A_530 : vector<16xi1>, vector<16xf32>
      %add3A_575 = arith.addf %add3A_572, %select_n3A_574 : vector<16xf32>
      %lt3A_576 = arith.cmpf olt, %gather3A_510, %gather3A_494 : vector<16xf32>
      %select_n3A_577 = arith.select %lt3A_576, %broadcast_in_dim3A_528, %broadcast_in_dim3A_530 : vector<16xi1>, vector<16xf32>
      %add3A_578 = arith.addf %add3A_575, %select_n3A_577 : vector<16xf32>
      %lt3A_579 = arith.cmpf olt, %gather3A_514, %gather3A_494 : vector<16xf32>
      %select_n3A_580 = arith.select %lt3A_579, %broadcast_in_dim3A_528, %broadcast_in_dim3A_530 : vector<16xi1>, vector<16xf32>
      %add3A_581 = arith.addf %add3A_578, %select_n3A_580 : vector<16xf32>
      %lt3A_582 = arith.cmpf olt, %gather3A_518, %gather3A_494 : vector<16xf32>
      %select_n3A_583 = arith.select %lt3A_582, %broadcast_in_dim3A_528, %broadcast_in_dim3A_530 : vector<16xi1>, vector<16xf32>
      %add3A_584 = arith.addf %add3A_581, %select_n3A_583 : vector<16xf32>
      %lt3A_585 = arith.cmpf olt, %gather3A_522, %gather3A_494 : vector<16xf32>
      %select_n3A_586 = arith.select %lt3A_585, %broadcast_in_dim3A_528, %broadcast_in_dim3A_530 : vector<16xi1>, vector<16xf32>
      %add3A_587 = arith.addf %add3A_584, %select_n3A_586 : vector<16xf32>
      %lt3A_588 = arith.cmpf olt, %gather3A_526, %gather3A_494 : vector<16xf32>
      %select_n3A_589 = arith.select %lt3A_588, %broadcast_in_dim3A_528, %broadcast_in_dim3A_530 : vector<16xi1>, vector<16xf32>
      %add3A_590 = arith.addf %add3A_587, %select_n3A_589 : vector<16xf32>
      %lt3A_591 = arith.cmpf olt, %gather3A_490, %gather3A_498 : vector<16xf32>
      %select_n3A_592 = arith.select %lt3A_591, %broadcast_in_dim3A_528, %broadcast_in_dim3A_530 : vector<16xi1>, vector<16xf32>
      %eq3A_593 = arith.cmpf oeq, %gather3A_490, %gather3A_498 : vector<16xf32>
      %select_n3A_594 = arith.select %eq3A_593, %broadcast_in_dim3A_528, %broadcast_in_dim3A_530 : vector<16xi1>, vector<16xf32>
      %add3A_595 = arith.addf %select_n3A_592, %select_n3A_594 : vector<16xf32>
      %add3A_596 = arith.addf %broadcast_in_dim3A_530, %add3A_595 : vector<16xf32>
      %lt3A_597 = arith.cmpf olt, %gather3A_494, %gather3A_498 : vector<16xf32>
      %select_n3A_598 = arith.select %lt3A_597, %broadcast_in_dim3A_528, %broadcast_in_dim3A_530 : vector<16xi1>, vector<16xf32>
      %eq3A_599 = arith.cmpf oeq, %gather3A_494, %gather3A_498 : vector<16xf32>
      %select_n3A_600 = arith.select %eq3A_599, %broadcast_in_dim3A_528, %broadcast_in_dim3A_530 : vector<16xi1>, vector<16xf32>
      %add3A_601 = arith.addf %select_n3A_598, %select_n3A_600 : vector<16xf32>
      %add3A_602 = arith.addf %add3A_596, %add3A_601 : vector<16xf32>
      %lt3A_603 = arith.cmpf olt, %gather3A_498, %gather3A_498 : vector<16xf32>
      %select_n3A_604 = arith.select %lt3A_603, %broadcast_in_dim3A_528, %broadcast_in_dim3A_530 : vector<16xi1>, vector<16xf32>
      %add3A_605 = arith.addf %add3A_602, %select_n3A_604 : vector<16xf32>
      %lt3A_606 = arith.cmpf olt, %gather3A_502, %gather3A_498 : vector<16xf32>
      %select_n3A_607 = arith.select %lt3A_606, %broadcast_in_dim3A_528, %broadcast_in_dim3A_530 : vector<16xi1>, vector<16xf32>
      %add3A_608 = arith.addf %add3A_605, %select_n3A_607 : vector<16xf32>
      %lt3A_609 = arith.cmpf olt, %gather3A_506, %gather3A_498 : vector<16xf32>
      %select_n3A_610 = arith.select %lt3A_609, %broadcast_in_dim3A_528, %broadcast_in_dim3A_530 : vector<16xi1>, vector<16xf32>
      %add3A_611 = arith.addf %add3A_608, %select_n3A_610 : vector<16xf32>
      %lt3A_612 = arith.cmpf olt, %gather3A_510, %gather3A_498 : vector<16xf32>
      %select_n3A_613 = arith.select %lt3A_612, %broadcast_in_dim3A_528, %broadcast_in_dim3A_530 : vector<16xi1>, vector<16xf32>
      %add3A_614 = arith.addf %add3A_611, %select_n3A_613 : vector<16xf32>
      %lt3A_615 = arith.cmpf olt, %gather3A_514, %gather3A_498 : vector<16xf32>
      %select_n3A_616 = arith.select %lt3A_615, %broadcast_in_dim3A_528, %broadcast_in_dim3A_530 : vector<16xi1>, vector<16xf32>
      %add3A_617 = arith.addf %add3A_614, %select_n3A_616 : vector<16xf32>
      %lt3A_618 = arith.cmpf olt, %gather3A_518, %gather3A_498 : vector<16xf32>
      %select_n3A_619 = arith.select %lt3A_618, %broadcast_in_dim3A_528, %broadcast_in_dim3A_530 : vector<16xi1>, vector<16xf32>
      %add3A_620 = arith.addf %add3A_617, %select_n3A_619 : vector<16xf32>
      %lt3A_621 = arith.cmpf olt, %gather3A_522, %gather3A_498 : vector<16xf32>
      %select_n3A_622 = arith.select %lt3A_621, %broadcast_in_dim3A_528, %broadcast_in_dim3A_530 : vector<16xi1>, vector<16xf32>
      %add3A_623 = arith.addf %add3A_620, %select_n3A_622 : vector<16xf32>
      %lt3A_624 = arith.cmpf olt, %gather3A_526, %gather3A_498 : vector<16xf32>
      %select_n3A_625 = arith.select %lt3A_624, %broadcast_in_dim3A_528, %broadcast_in_dim3A_530 : vector<16xi1>, vector<16xf32>
      %add3A_626 = arith.addf %add3A_623, %select_n3A_625 : vector<16xf32>
      %lt3A_627 = arith.cmpf olt, %gather3A_490, %gather3A_502 : vector<16xf32>
      %select_n3A_628 = arith.select %lt3A_627, %broadcast_in_dim3A_528, %broadcast_in_dim3A_530 : vector<16xi1>, vector<16xf32>
      %eq3A_629 = arith.cmpf oeq, %gather3A_490, %gather3A_502 : vector<16xf32>
      %select_n3A_630 = arith.select %eq3A_629, %broadcast_in_dim3A_528, %broadcast_in_dim3A_530 : vector<16xi1>, vector<16xf32>
      %add3A_631 = arith.addf %select_n3A_628, %select_n3A_630 : vector<16xf32>
      %add3A_632 = arith.addf %broadcast_in_dim3A_530, %add3A_631 : vector<16xf32>
      %lt3A_633 = arith.cmpf olt, %gather3A_494, %gather3A_502 : vector<16xf32>
      %select_n3A_634 = arith.select %lt3A_633, %broadcast_in_dim3A_528, %broadcast_in_dim3A_530 : vector<16xi1>, vector<16xf32>
      %eq3A_635 = arith.cmpf oeq, %gather3A_494, %gather3A_502 : vector<16xf32>
      %select_n3A_636 = arith.select %eq3A_635, %broadcast_in_dim3A_528, %broadcast_in_dim3A_530 : vector<16xi1>, vector<16xf32>
      %add3A_637 = arith.addf %select_n3A_634, %select_n3A_636 : vector<16xf32>
      %add3A_638 = arith.addf %add3A_632, %add3A_637 : vector<16xf32>
      %lt3A_639 = arith.cmpf olt, %gather3A_498, %gather3A_502 : vector<16xf32>
      %select_n3A_640 = arith.select %lt3A_639, %broadcast_in_dim3A_528, %broadcast_in_dim3A_530 : vector<16xi1>, vector<16xf32>
      %eq3A_641 = arith.cmpf oeq, %gather3A_498, %gather3A_502 : vector<16xf32>
      %select_n3A_642 = arith.select %eq3A_641, %broadcast_in_dim3A_528, %broadcast_in_dim3A_530 : vector<16xi1>, vector<16xf32>
      %add3A_643 = arith.addf %select_n3A_640, %select_n3A_642 : vector<16xf32>
      %add3A_644 = arith.addf %add3A_638, %add3A_643 : vector<16xf32>
      %lt3A_645 = arith.cmpf olt, %gather3A_502, %gather3A_502 : vector<16xf32>
      %select_n3A_646 = arith.select %lt3A_645, %broadcast_in_dim3A_528, %broadcast_in_dim3A_530 : vector<16xi1>, vector<16xf32>
      %add3A_647 = arith.addf %add3A_644, %select_n3A_646 : vector<16xf32>
      %lt3A_648 = arith.cmpf olt, %gather3A_506, %gather3A_502 : vector<16xf32>
      %select_n3A_649 = arith.select %lt3A_648, %broadcast_in_dim3A_528, %broadcast_in_dim3A_530 : vector<16xi1>, vector<16xf32>
      %add3A_650 = arith.addf %add3A_647, %select_n3A_649 : vector<16xf32>
      %lt3A_651 = arith.cmpf olt, %gather3A_510, %gather3A_502 : vector<16xf32>
      %select_n3A_652 = arith.select %lt3A_651, %broadcast_in_dim3A_528, %broadcast_in_dim3A_530 : vector<16xi1>, vector<16xf32>
      %add3A_653 = arith.addf %add3A_650, %select_n3A_652 : vector<16xf32>
      %lt3A_654 = arith.cmpf olt, %gather3A_514, %gather3A_502 : vector<16xf32>
      %select_n3A_655 = arith.select %lt3A_654, %broadcast_in_dim3A_528, %broadcast_in_dim3A_530 : vector<16xi1>, vector<16xf32>
      %add3A_656 = arith.addf %add3A_653, %select_n3A_655 : vector<16xf32>
      %lt3A_657 = arith.cmpf olt, %gather3A_518, %gather3A_502 : vector<16xf32>
      %select_n3A_658 = arith.select %lt3A_657, %broadcast_in_dim3A_528, %broadcast_in_dim3A_530 : vector<16xi1>, vector<16xf32>
      %add3A_659 = arith.addf %add3A_656, %select_n3A_658 : vector<16xf32>
      %lt3A_660 = arith.cmpf olt, %gather3A_522, %gather3A_502 : vector<16xf32>
      %select_n3A_661 = arith.select %lt3A_660, %broadcast_in_dim3A_528, %broadcast_in_dim3A_530 : vector<16xi1>, vector<16xf32>
      %add3A_662 = arith.addf %add3A_659, %select_n3A_661 : vector<16xf32>
      %lt3A_663 = arith.cmpf olt, %gather3A_526, %gather3A_502 : vector<16xf32>
      %select_n3A_664 = arith.select %lt3A_663, %broadcast_in_dim3A_528, %broadcast_in_dim3A_530 : vector<16xi1>, vector<16xf32>
      %add3A_665 = arith.addf %add3A_662, %select_n3A_664 : vector<16xf32>
      %lt3A_666 = arith.cmpf olt, %gather3A_490, %gather3A_506 : vector<16xf32>
      %select_n3A_667 = arith.select %lt3A_666, %broadcast_in_dim3A_528, %broadcast_in_dim3A_530 : vector<16xi1>, vector<16xf32>
      %eq3A_668 = arith.cmpf oeq, %gather3A_490, %gather3A_506 : vector<16xf32>
      %select_n3A_669 = arith.select %eq3A_668, %broadcast_in_dim3A_528, %broadcast_in_dim3A_530 : vector<16xi1>, vector<16xf32>
      %add3A_670 = arith.addf %select_n3A_667, %select_n3A_669 : vector<16xf32>
      %add3A_671 = arith.addf %broadcast_in_dim3A_530, %add3A_670 : vector<16xf32>
      %lt3A_672 = arith.cmpf olt, %gather3A_494, %gather3A_506 : vector<16xf32>
      %select_n3A_673 = arith.select %lt3A_672, %broadcast_in_dim3A_528, %broadcast_in_dim3A_530 : vector<16xi1>, vector<16xf32>
      %eq3A_674 = arith.cmpf oeq, %gather3A_494, %gather3A_506 : vector<16xf32>
      %select_n3A_675 = arith.select %eq3A_674, %broadcast_in_dim3A_528, %broadcast_in_dim3A_530 : vector<16xi1>, vector<16xf32>
      %add3A_676 = arith.addf %select_n3A_673, %select_n3A_675 : vector<16xf32>
      %add3A_677 = arith.addf %add3A_671, %add3A_676 : vector<16xf32>
      %lt3A_678 = arith.cmpf olt, %gather3A_498, %gather3A_506 : vector<16xf32>
      %select_n3A_679 = arith.select %lt3A_678, %broadcast_in_dim3A_528, %broadcast_in_dim3A_530 : vector<16xi1>, vector<16xf32>
      %eq3A_680 = arith.cmpf oeq, %gather3A_498, %gather3A_506 : vector<16xf32>
      %select_n3A_681 = arith.select %eq3A_680, %broadcast_in_dim3A_528, %broadcast_in_dim3A_530 : vector<16xi1>, vector<16xf32>
      %add3A_682 = arith.addf %select_n3A_679, %select_n3A_681 : vector<16xf32>
      %add3A_683 = arith.addf %add3A_677, %add3A_682 : vector<16xf32>
      %lt3A_684 = arith.cmpf olt, %gather3A_502, %gather3A_506 : vector<16xf32>
      %select_n3A_685 = arith.select %lt3A_684, %broadcast_in_dim3A_528, %broadcast_in_dim3A_530 : vector<16xi1>, vector<16xf32>
      %eq3A_686 = arith.cmpf oeq, %gather3A_502, %gather3A_506 : vector<16xf32>
      %select_n3A_687 = arith.select %eq3A_686, %broadcast_in_dim3A_528, %broadcast_in_dim3A_530 : vector<16xi1>, vector<16xf32>
      %add3A_688 = arith.addf %select_n3A_685, %select_n3A_687 : vector<16xf32>
      %add3A_689 = arith.addf %add3A_683, %add3A_688 : vector<16xf32>
      %lt3A_690 = arith.cmpf olt, %gather3A_506, %gather3A_506 : vector<16xf32>
      %select_n3A_691 = arith.select %lt3A_690, %broadcast_in_dim3A_528, %broadcast_in_dim3A_530 : vector<16xi1>, vector<16xf32>
      %add3A_692 = arith.addf %add3A_689, %select_n3A_691 : vector<16xf32>
      %lt3A_693 = arith.cmpf olt, %gather3A_510, %gather3A_506 : vector<16xf32>
      %select_n3A_694 = arith.select %lt3A_693, %broadcast_in_dim3A_528, %broadcast_in_dim3A_530 : vector<16xi1>, vector<16xf32>
      %add3A_695 = arith.addf %add3A_692, %select_n3A_694 : vector<16xf32>
      %lt3A_696 = arith.cmpf olt, %gather3A_514, %gather3A_506 : vector<16xf32>
      %select_n3A_697 = arith.select %lt3A_696, %broadcast_in_dim3A_528, %broadcast_in_dim3A_530 : vector<16xi1>, vector<16xf32>
      %add3A_698 = arith.addf %add3A_695, %select_n3A_697 : vector<16xf32>
      %lt3A_699 = arith.cmpf olt, %gather3A_518, %gather3A_506 : vector<16xf32>
      %select_n3A_700 = arith.select %lt3A_699, %broadcast_in_dim3A_528, %broadcast_in_dim3A_530 : vector<16xi1>, vector<16xf32>
      %add3A_701 = arith.addf %add3A_698, %select_n3A_700 : vector<16xf32>
      %lt3A_702 = arith.cmpf olt, %gather3A_522, %gather3A_506 : vector<16xf32>
      %select_n3A_703 = arith.select %lt3A_702, %broadcast_in_dim3A_528, %broadcast_in_dim3A_530 : vector<16xi1>, vector<16xf32>
      %add3A_704 = arith.addf %add3A_701, %select_n3A_703 : vector<16xf32>
      %lt3A_705 = arith.cmpf olt, %gather3A_526, %gather3A_506 : vector<16xf32>
      %select_n3A_706 = arith.select %lt3A_705, %broadcast_in_dim3A_528, %broadcast_in_dim3A_530 : vector<16xi1>, vector<16xf32>
      %add3A_707 = arith.addf %add3A_704, %select_n3A_706 : vector<16xf32>
      %lt3A_708 = arith.cmpf olt, %gather3A_490, %gather3A_510 : vector<16xf32>
      %select_n3A_709 = arith.select %lt3A_708, %broadcast_in_dim3A_528, %broadcast_in_dim3A_530 : vector<16xi1>, vector<16xf32>
      %eq3A_710 = arith.cmpf oeq, %gather3A_490, %gather3A_510 : vector<16xf32>
      %select_n3A_711 = arith.select %eq3A_710, %broadcast_in_dim3A_528, %broadcast_in_dim3A_530 : vector<16xi1>, vector<16xf32>
      %add3A_712 = arith.addf %select_n3A_709, %select_n3A_711 : vector<16xf32>
      %add3A_713 = arith.addf %broadcast_in_dim3A_530, %add3A_712 : vector<16xf32>
      %lt3A_714 = arith.cmpf olt, %gather3A_494, %gather3A_510 : vector<16xf32>
      %select_n3A_715 = arith.select %lt3A_714, %broadcast_in_dim3A_528, %broadcast_in_dim3A_530 : vector<16xi1>, vector<16xf32>
      %eq3A_716 = arith.cmpf oeq, %gather3A_494, %gather3A_510 : vector<16xf32>
      %select_n3A_717 = arith.select %eq3A_716, %broadcast_in_dim3A_528, %broadcast_in_dim3A_530 : vector<16xi1>, vector<16xf32>
      %add3A_718 = arith.addf %select_n3A_715, %select_n3A_717 : vector<16xf32>
      %add3A_719 = arith.addf %add3A_713, %add3A_718 : vector<16xf32>
      %lt3A_720 = arith.cmpf olt, %gather3A_498, %gather3A_510 : vector<16xf32>
      %select_n3A_721 = arith.select %lt3A_720, %broadcast_in_dim3A_528, %broadcast_in_dim3A_530 : vector<16xi1>, vector<16xf32>
      %eq3A_722 = arith.cmpf oeq, %gather3A_498, %gather3A_510 : vector<16xf32>
      %select_n3A_723 = arith.select %eq3A_722, %broadcast_in_dim3A_528, %broadcast_in_dim3A_530 : vector<16xi1>, vector<16xf32>
      %add3A_724 = arith.addf %select_n3A_721, %select_n3A_723 : vector<16xf32>
      %add3A_725 = arith.addf %add3A_719, %add3A_724 : vector<16xf32>
      %lt3A_726 = arith.cmpf olt, %gather3A_502, %gather3A_510 : vector<16xf32>
      %select_n3A_727 = arith.select %lt3A_726, %broadcast_in_dim3A_528, %broadcast_in_dim3A_530 : vector<16xi1>, vector<16xf32>
      %eq3A_728 = arith.cmpf oeq, %gather3A_502, %gather3A_510 : vector<16xf32>
      %select_n3A_729 = arith.select %eq3A_728, %broadcast_in_dim3A_528, %broadcast_in_dim3A_530 : vector<16xi1>, vector<16xf32>
      %add3A_730 = arith.addf %select_n3A_727, %select_n3A_729 : vector<16xf32>
      %add3A_731 = arith.addf %add3A_725, %add3A_730 : vector<16xf32>
      %lt3A_732 = arith.cmpf olt, %gather3A_506, %gather3A_510 : vector<16xf32>
      %select_n3A_733 = arith.select %lt3A_732, %broadcast_in_dim3A_528, %broadcast_in_dim3A_530 : vector<16xi1>, vector<16xf32>
      %eq3A_734 = arith.cmpf oeq, %gather3A_506, %gather3A_510 : vector<16xf32>
      %select_n3A_735 = arith.select %eq3A_734, %broadcast_in_dim3A_528, %broadcast_in_dim3A_530 : vector<16xi1>, vector<16xf32>
      %add3A_736 = arith.addf %select_n3A_733, %select_n3A_735 : vector<16xf32>
      %add3A_737 = arith.addf %add3A_731, %add3A_736 : vector<16xf32>
      %lt3A_738 = arith.cmpf olt, %gather3A_510, %gather3A_510 : vector<16xf32>
      %select_n3A_739 = arith.select %lt3A_738, %broadcast_in_dim3A_528, %broadcast_in_dim3A_530 : vector<16xi1>, vector<16xf32>
      %add3A_740 = arith.addf %add3A_737, %select_n3A_739 : vector<16xf32>
      %lt3A_741 = arith.cmpf olt, %gather3A_514, %gather3A_510 : vector<16xf32>
      %select_n3A_742 = arith.select %lt3A_741, %broadcast_in_dim3A_528, %broadcast_in_dim3A_530 : vector<16xi1>, vector<16xf32>
      %add3A_743 = arith.addf %add3A_740, %select_n3A_742 : vector<16xf32>
      %lt3A_744 = arith.cmpf olt, %gather3A_518, %gather3A_510 : vector<16xf32>
      %select_n3A_745 = arith.select %lt3A_744, %broadcast_in_dim3A_528, %broadcast_in_dim3A_530 : vector<16xi1>, vector<16xf32>
      %add3A_746 = arith.addf %add3A_743, %select_n3A_745 : vector<16xf32>
      %lt3A_747 = arith.cmpf olt, %gather3A_522, %gather3A_510 : vector<16xf32>
      %select_n3A_748 = arith.select %lt3A_747, %broadcast_in_dim3A_528, %broadcast_in_dim3A_530 : vector<16xi1>, vector<16xf32>
      %add3A_749 = arith.addf %add3A_746, %select_n3A_748 : vector<16xf32>
      %lt3A_750 = arith.cmpf olt, %gather3A_526, %gather3A_510 : vector<16xf32>
      %select_n3A_751 = arith.select %lt3A_750, %broadcast_in_dim3A_528, %broadcast_in_dim3A_530 : vector<16xi1>, vector<16xf32>
      %add3A_752 = arith.addf %add3A_749, %select_n3A_751 : vector<16xf32>
      %lt3A_753 = arith.cmpf olt, %gather3A_490, %gather3A_514 : vector<16xf32>
      %select_n3A_754 = arith.select %lt3A_753, %broadcast_in_dim3A_528, %broadcast_in_dim3A_530 : vector<16xi1>, vector<16xf32>
      %eq3A_755 = arith.cmpf oeq, %gather3A_490, %gather3A_514 : vector<16xf32>
      %select_n3A_756 = arith.select %eq3A_755, %broadcast_in_dim3A_528, %broadcast_in_dim3A_530 : vector<16xi1>, vector<16xf32>
      %add3A_757 = arith.addf %select_n3A_754, %select_n3A_756 : vector<16xf32>
      %add3A_758 = arith.addf %broadcast_in_dim3A_530, %add3A_757 : vector<16xf32>
      %lt3A_759 = arith.cmpf olt, %gather3A_494, %gather3A_514 : vector<16xf32>
      %select_n3A_760 = arith.select %lt3A_759, %broadcast_in_dim3A_528, %broadcast_in_dim3A_530 : vector<16xi1>, vector<16xf32>
      %eq3A_761 = arith.cmpf oeq, %gather3A_494, %gather3A_514 : vector<16xf32>
      %select_n3A_762 = arith.select %eq3A_761, %broadcast_in_dim3A_528, %broadcast_in_dim3A_530 : vector<16xi1>, vector<16xf32>
      %add3A_763 = arith.addf %select_n3A_760, %select_n3A_762 : vector<16xf32>
      %add3A_764 = arith.addf %add3A_758, %add3A_763 : vector<16xf32>
      %lt3A_765 = arith.cmpf olt, %gather3A_498, %gather3A_514 : vector<16xf32>
      %select_n3A_766 = arith.select %lt3A_765, %broadcast_in_dim3A_528, %broadcast_in_dim3A_530 : vector<16xi1>, vector<16xf32>
      %eq3A_767 = arith.cmpf oeq, %gather3A_498, %gather3A_514 : vector<16xf32>
      %select_n3A_768 = arith.select %eq3A_767, %broadcast_in_dim3A_528, %broadcast_in_dim3A_530 : vector<16xi1>, vector<16xf32>
      %add3A_769 = arith.addf %select_n3A_766, %select_n3A_768 : vector<16xf32>
      %add3A_770 = arith.addf %add3A_764, %add3A_769 : vector<16xf32>
      %lt3A_771 = arith.cmpf olt, %gather3A_502, %gather3A_514 : vector<16xf32>
      %select_n3A_772 = arith.select %lt3A_771, %broadcast_in_dim3A_528, %broadcast_in_dim3A_530 : vector<16xi1>, vector<16xf32>
      %eq3A_773 = arith.cmpf oeq, %gather3A_502, %gather3A_514 : vector<16xf32>
      %select_n3A_774 = arith.select %eq3A_773, %broadcast_in_dim3A_528, %broadcast_in_dim3A_530 : vector<16xi1>, vector<16xf32>
      %add3A_775 = arith.addf %select_n3A_772, %select_n3A_774 : vector<16xf32>
      %add3A_776 = arith.addf %add3A_770, %add3A_775 : vector<16xf32>
      %lt3A_777 = arith.cmpf olt, %gather3A_506, %gather3A_514 : vector<16xf32>
      %select_n3A_778 = arith.select %lt3A_777, %broadcast_in_dim3A_528, %broadcast_in_dim3A_530 : vector<16xi1>, vector<16xf32>
      %eq3A_779 = arith.cmpf oeq, %gather3A_506, %gather3A_514 : vector<16xf32>
      %select_n3A_780 = arith.select %eq3A_779, %broadcast_in_dim3A_528, %broadcast_in_dim3A_530 : vector<16xi1>, vector<16xf32>
      %add3A_781 = arith.addf %select_n3A_778, %select_n3A_780 : vector<16xf32>
      %add3A_782 = arith.addf %add3A_776, %add3A_781 : vector<16xf32>
      %lt3A_783 = arith.cmpf olt, %gather3A_510, %gather3A_514 : vector<16xf32>
      %select_n3A_784 = arith.select %lt3A_783, %broadcast_in_dim3A_528, %broadcast_in_dim3A_530 : vector<16xi1>, vector<16xf32>
      %eq3A_785 = arith.cmpf oeq, %gather3A_510, %gather3A_514 : vector<16xf32>
      %select_n3A_786 = arith.select %eq3A_785, %broadcast_in_dim3A_528, %broadcast_in_dim3A_530 : vector<16xi1>, vector<16xf32>
      %add3A_787 = arith.addf %select_n3A_784, %select_n3A_786 : vector<16xf32>
      %add3A_788 = arith.addf %add3A_782, %add3A_787 : vector<16xf32>
      %lt3A_789 = arith.cmpf olt, %gather3A_514, %gather3A_514 : vector<16xf32>
      %select_n3A_790 = arith.select %lt3A_789, %broadcast_in_dim3A_528, %broadcast_in_dim3A_530 : vector<16xi1>, vector<16xf32>
      %add3A_791 = arith.addf %add3A_788, %select_n3A_790 : vector<16xf32>
      %lt3A_792 = arith.cmpf olt, %gather3A_518, %gather3A_514 : vector<16xf32>
      %select_n3A_793 = arith.select %lt3A_792, %broadcast_in_dim3A_528, %broadcast_in_dim3A_530 : vector<16xi1>, vector<16xf32>
      %add3A_794 = arith.addf %add3A_791, %select_n3A_793 : vector<16xf32>
      %lt3A_795 = arith.cmpf olt, %gather3A_522, %gather3A_514 : vector<16xf32>
      %select_n3A_796 = arith.select %lt3A_795, %broadcast_in_dim3A_528, %broadcast_in_dim3A_530 : vector<16xi1>, vector<16xf32>
      %add3A_797 = arith.addf %add3A_794, %select_n3A_796 : vector<16xf32>
      %lt3A_798 = arith.cmpf olt, %gather3A_526, %gather3A_514 : vector<16xf32>
      %select_n3A_799 = arith.select %lt3A_798, %broadcast_in_dim3A_528, %broadcast_in_dim3A_530 : vector<16xi1>, vector<16xf32>
      %add3A_800 = arith.addf %add3A_797, %select_n3A_799 : vector<16xf32>
      %lt3A_801 = arith.cmpf olt, %gather3A_490, %gather3A_518 : vector<16xf32>
      %select_n3A_802 = arith.select %lt3A_801, %broadcast_in_dim3A_528, %broadcast_in_dim3A_530 : vector<16xi1>, vector<16xf32>
      %eq3A_803 = arith.cmpf oeq, %gather3A_490, %gather3A_518 : vector<16xf32>
      %select_n3A_804 = arith.select %eq3A_803, %broadcast_in_dim3A_528, %broadcast_in_dim3A_530 : vector<16xi1>, vector<16xf32>
      %add3A_805 = arith.addf %select_n3A_802, %select_n3A_804 : vector<16xf32>
      %add3A_806 = arith.addf %broadcast_in_dim3A_530, %add3A_805 : vector<16xf32>
      %lt3A_807 = arith.cmpf olt, %gather3A_494, %gather3A_518 : vector<16xf32>
      %select_n3A_808 = arith.select %lt3A_807, %broadcast_in_dim3A_528, %broadcast_in_dim3A_530 : vector<16xi1>, vector<16xf32>
      %eq3A_809 = arith.cmpf oeq, %gather3A_494, %gather3A_518 : vector<16xf32>
      %select_n3A_810 = arith.select %eq3A_809, %broadcast_in_dim3A_528, %broadcast_in_dim3A_530 : vector<16xi1>, vector<16xf32>
      %add3A_811 = arith.addf %select_n3A_808, %select_n3A_810 : vector<16xf32>
      %add3A_812 = arith.addf %add3A_806, %add3A_811 : vector<16xf32>
      %lt3A_813 = arith.cmpf olt, %gather3A_498, %gather3A_518 : vector<16xf32>
      %select_n3A_814 = arith.select %lt3A_813, %broadcast_in_dim3A_528, %broadcast_in_dim3A_530 : vector<16xi1>, vector<16xf32>
      %eq3A_815 = arith.cmpf oeq, %gather3A_498, %gather3A_518 : vector<16xf32>
      %select_n3A_816 = arith.select %eq3A_815, %broadcast_in_dim3A_528, %broadcast_in_dim3A_530 : vector<16xi1>, vector<16xf32>
      %add3A_817 = arith.addf %select_n3A_814, %select_n3A_816 : vector<16xf32>
      %add3A_818 = arith.addf %add3A_812, %add3A_817 : vector<16xf32>
      %lt3A_819 = arith.cmpf olt, %gather3A_502, %gather3A_518 : vector<16xf32>
      %select_n3A_820 = arith.select %lt3A_819, %broadcast_in_dim3A_528, %broadcast_in_dim3A_530 : vector<16xi1>, vector<16xf32>
      %eq3A_821 = arith.cmpf oeq, %gather3A_502, %gather3A_518 : vector<16xf32>
      %select_n3A_822 = arith.select %eq3A_821, %broadcast_in_dim3A_528, %broadcast_in_dim3A_530 : vector<16xi1>, vector<16xf32>
      %add3A_823 = arith.addf %select_n3A_820, %select_n3A_822 : vector<16xf32>
      %add3A_824 = arith.addf %add3A_818, %add3A_823 : vector<16xf32>
      %lt3A_825 = arith.cmpf olt, %gather3A_506, %gather3A_518 : vector<16xf32>
      %select_n3A_826 = arith.select %lt3A_825, %broadcast_in_dim3A_528, %broadcast_in_dim3A_530 : vector<16xi1>, vector<16xf32>
      %eq3A_827 = arith.cmpf oeq, %gather3A_506, %gather3A_518 : vector<16xf32>
      %select_n3A_828 = arith.select %eq3A_827, %broadcast_in_dim3A_528, %broadcast_in_dim3A_530 : vector<16xi1>, vector<16xf32>
      %add3A_829 = arith.addf %select_n3A_826, %select_n3A_828 : vector<16xf32>
      %add3A_830 = arith.addf %add3A_824, %add3A_829 : vector<16xf32>
      %lt3A_831 = arith.cmpf olt, %gather3A_510, %gather3A_518 : vector<16xf32>
      %select_n3A_832 = arith.select %lt3A_831, %broadcast_in_dim3A_528, %broadcast_in_dim3A_530 : vector<16xi1>, vector<16xf32>
      %eq3A_833 = arith.cmpf oeq, %gather3A_510, %gather3A_518 : vector<16xf32>
      %select_n3A_834 = arith.select %eq3A_833, %broadcast_in_dim3A_528, %broadcast_in_dim3A_530 : vector<16xi1>, vector<16xf32>
      %add3A_835 = arith.addf %select_n3A_832, %select_n3A_834 : vector<16xf32>
      %add3A_836 = arith.addf %add3A_830, %add3A_835 : vector<16xf32>
      %lt3A_837 = arith.cmpf olt, %gather3A_514, %gather3A_518 : vector<16xf32>
      %select_n3A_838 = arith.select %lt3A_837, %broadcast_in_dim3A_528, %broadcast_in_dim3A_530 : vector<16xi1>, vector<16xf32>
      %eq3A_839 = arith.cmpf oeq, %gather3A_514, %gather3A_518 : vector<16xf32>
      %select_n3A_840 = arith.select %eq3A_839, %broadcast_in_dim3A_528, %broadcast_in_dim3A_530 : vector<16xi1>, vector<16xf32>
      %add3A_841 = arith.addf %select_n3A_838, %select_n3A_840 : vector<16xf32>
      %add3A_842 = arith.addf %add3A_836, %add3A_841 : vector<16xf32>
      %lt3A_843 = arith.cmpf olt, %gather3A_518, %gather3A_518 : vector<16xf32>
      %select_n3A_844 = arith.select %lt3A_843, %broadcast_in_dim3A_528, %broadcast_in_dim3A_530 : vector<16xi1>, vector<16xf32>
      %add3A_845 = arith.addf %add3A_842, %select_n3A_844 : vector<16xf32>
      %lt3A_846 = arith.cmpf olt, %gather3A_522, %gather3A_518 : vector<16xf32>
      %select_n3A_847 = arith.select %lt3A_846, %broadcast_in_dim3A_528, %broadcast_in_dim3A_530 : vector<16xi1>, vector<16xf32>
      %add3A_848 = arith.addf %add3A_845, %select_n3A_847 : vector<16xf32>
      %lt3A_849 = arith.cmpf olt, %gather3A_526, %gather3A_518 : vector<16xf32>
      %select_n3A_850 = arith.select %lt3A_849, %broadcast_in_dim3A_528, %broadcast_in_dim3A_530 : vector<16xi1>, vector<16xf32>
      %add3A_851 = arith.addf %add3A_848, %select_n3A_850 : vector<16xf32>
      %lt3A_852 = arith.cmpf olt, %gather3A_490, %gather3A_522 : vector<16xf32>
      %select_n3A_853 = arith.select %lt3A_852, %broadcast_in_dim3A_528, %broadcast_in_dim3A_530 : vector<16xi1>, vector<16xf32>
      %eq3A_854 = arith.cmpf oeq, %gather3A_490, %gather3A_522 : vector<16xf32>
      %select_n3A_855 = arith.select %eq3A_854, %broadcast_in_dim3A_528, %broadcast_in_dim3A_530 : vector<16xi1>, vector<16xf32>
      %add3A_856 = arith.addf %select_n3A_853, %select_n3A_855 : vector<16xf32>
      %add3A_857 = arith.addf %broadcast_in_dim3A_530, %add3A_856 : vector<16xf32>
      %lt3A_858 = arith.cmpf olt, %gather3A_494, %gather3A_522 : vector<16xf32>
      %select_n3A_859 = arith.select %lt3A_858, %broadcast_in_dim3A_528, %broadcast_in_dim3A_530 : vector<16xi1>, vector<16xf32>
      %eq3A_860 = arith.cmpf oeq, %gather3A_494, %gather3A_522 : vector<16xf32>
      %select_n3A_861 = arith.select %eq3A_860, %broadcast_in_dim3A_528, %broadcast_in_dim3A_530 : vector<16xi1>, vector<16xf32>
      %add3A_862 = arith.addf %select_n3A_859, %select_n3A_861 : vector<16xf32>
      %add3A_863 = arith.addf %add3A_857, %add3A_862 : vector<16xf32>
      %lt3A_864 = arith.cmpf olt, %gather3A_498, %gather3A_522 : vector<16xf32>
      %select_n3A_865 = arith.select %lt3A_864, %broadcast_in_dim3A_528, %broadcast_in_dim3A_530 : vector<16xi1>, vector<16xf32>
      %eq3A_866 = arith.cmpf oeq, %gather3A_498, %gather3A_522 : vector<16xf32>
      %select_n3A_867 = arith.select %eq3A_866, %broadcast_in_dim3A_528, %broadcast_in_dim3A_530 : vector<16xi1>, vector<16xf32>
      %add3A_868 = arith.addf %select_n3A_865, %select_n3A_867 : vector<16xf32>
      %add3A_869 = arith.addf %add3A_863, %add3A_868 : vector<16xf32>
      %lt3A_870 = arith.cmpf olt, %gather3A_502, %gather3A_522 : vector<16xf32>
      %select_n3A_871 = arith.select %lt3A_870, %broadcast_in_dim3A_528, %broadcast_in_dim3A_530 : vector<16xi1>, vector<16xf32>
      %eq3A_872 = arith.cmpf oeq, %gather3A_502, %gather3A_522 : vector<16xf32>
      %select_n3A_873 = arith.select %eq3A_872, %broadcast_in_dim3A_528, %broadcast_in_dim3A_530 : vector<16xi1>, vector<16xf32>
      %add3A_874 = arith.addf %select_n3A_871, %select_n3A_873 : vector<16xf32>
      %add3A_875 = arith.addf %add3A_869, %add3A_874 : vector<16xf32>
      %lt3A_876 = arith.cmpf olt, %gather3A_506, %gather3A_522 : vector<16xf32>
      %select_n3A_877 = arith.select %lt3A_876, %broadcast_in_dim3A_528, %broadcast_in_dim3A_530 : vector<16xi1>, vector<16xf32>
      %eq3A_878 = arith.cmpf oeq, %gather3A_506, %gather3A_522 : vector<16xf32>
      %select_n3A_879 = arith.select %eq3A_878, %broadcast_in_dim3A_528, %broadcast_in_dim3A_530 : vector<16xi1>, vector<16xf32>
      %add3A_880 = arith.addf %select_n3A_877, %select_n3A_879 : vector<16xf32>
      %add3A_881 = arith.addf %add3A_875, %add3A_880 : vector<16xf32>
      %lt3A_882 = arith.cmpf olt, %gather3A_510, %gather3A_522 : vector<16xf32>
      %select_n3A_883 = arith.select %lt3A_882, %broadcast_in_dim3A_528, %broadcast_in_dim3A_530 : vector<16xi1>, vector<16xf32>
      %eq3A_884 = arith.cmpf oeq, %gather3A_510, %gather3A_522 : vector<16xf32>
      %select_n3A_885 = arith.select %eq3A_884, %broadcast_in_dim3A_528, %broadcast_in_dim3A_530 : vector<16xi1>, vector<16xf32>
      %add3A_886 = arith.addf %select_n3A_883, %select_n3A_885 : vector<16xf32>
      %add3A_887 = arith.addf %add3A_881, %add3A_886 : vector<16xf32>
      %lt3A_888 = arith.cmpf olt, %gather3A_514, %gather3A_522 : vector<16xf32>
      %select_n3A_889 = arith.select %lt3A_888, %broadcast_in_dim3A_528, %broadcast_in_dim3A_530 : vector<16xi1>, vector<16xf32>
      %eq3A_890 = arith.cmpf oeq, %gather3A_514, %gather3A_522 : vector<16xf32>
      %select_n3A_891 = arith.select %eq3A_890, %broadcast_in_dim3A_528, %broadcast_in_dim3A_530 : vector<16xi1>, vector<16xf32>
      %add3A_892 = arith.addf %select_n3A_889, %select_n3A_891 : vector<16xf32>
      %add3A_893 = arith.addf %add3A_887, %add3A_892 : vector<16xf32>
      %lt3A_894 = arith.cmpf olt, %gather3A_518, %gather3A_522 : vector<16xf32>
      %select_n3A_895 = arith.select %lt3A_894, %broadcast_in_dim3A_528, %broadcast_in_dim3A_530 : vector<16xi1>, vector<16xf32>
      %eq3A_896 = arith.cmpf oeq, %gather3A_518, %gather3A_522 : vector<16xf32>
      %select_n3A_897 = arith.select %eq3A_896, %broadcast_in_dim3A_528, %broadcast_in_dim3A_530 : vector<16xi1>, vector<16xf32>
      %add3A_898 = arith.addf %select_n3A_895, %select_n3A_897 : vector<16xf32>
      %add3A_899 = arith.addf %add3A_893, %add3A_898 : vector<16xf32>
      %lt3A_900 = arith.cmpf olt, %gather3A_522, %gather3A_522 : vector<16xf32>
      %select_n3A_901 = arith.select %lt3A_900, %broadcast_in_dim3A_528, %broadcast_in_dim3A_530 : vector<16xi1>, vector<16xf32>
      %add3A_902 = arith.addf %add3A_899, %select_n3A_901 : vector<16xf32>
      %lt3A_903 = arith.cmpf olt, %gather3A_526, %gather3A_522 : vector<16xf32>
      %select_n3A_904 = arith.select %lt3A_903, %broadcast_in_dim3A_528, %broadcast_in_dim3A_530 : vector<16xi1>, vector<16xf32>
      %add3A_905 = arith.addf %add3A_902, %select_n3A_904 : vector<16xf32>
      %lt3A_906 = arith.cmpf olt, %gather3A_490, %gather3A_526 : vector<16xf32>
      %select_n3A_907 = arith.select %lt3A_906, %broadcast_in_dim3A_528, %broadcast_in_dim3A_530 : vector<16xi1>, vector<16xf32>
      %eq3A_908 = arith.cmpf oeq, %gather3A_490, %gather3A_526 : vector<16xf32>
      %select_n3A_909 = arith.select %eq3A_908, %broadcast_in_dim3A_528, %broadcast_in_dim3A_530 : vector<16xi1>, vector<16xf32>
      %add3A_910 = arith.addf %select_n3A_907, %select_n3A_909 : vector<16xf32>
      %add3A_911 = arith.addf %broadcast_in_dim3A_530, %add3A_910 : vector<16xf32>
      %lt3A_912 = arith.cmpf olt, %gather3A_494, %gather3A_526 : vector<16xf32>
      %select_n3A_913 = arith.select %lt3A_912, %broadcast_in_dim3A_528, %broadcast_in_dim3A_530 : vector<16xi1>, vector<16xf32>
      %eq3A_914 = arith.cmpf oeq, %gather3A_494, %gather3A_526 : vector<16xf32>
      %select_n3A_915 = arith.select %eq3A_914, %broadcast_in_dim3A_528, %broadcast_in_dim3A_530 : vector<16xi1>, vector<16xf32>
      %add3A_916 = arith.addf %select_n3A_913, %select_n3A_915 : vector<16xf32>
      %add3A_917 = arith.addf %add3A_911, %add3A_916 : vector<16xf32>
      %lt3A_918 = arith.cmpf olt, %gather3A_498, %gather3A_526 : vector<16xf32>
      %select_n3A_919 = arith.select %lt3A_918, %broadcast_in_dim3A_528, %broadcast_in_dim3A_530 : vector<16xi1>, vector<16xf32>
      %eq3A_920 = arith.cmpf oeq, %gather3A_498, %gather3A_526 : vector<16xf32>
      %select_n3A_921 = arith.select %eq3A_920, %broadcast_in_dim3A_528, %broadcast_in_dim3A_530 : vector<16xi1>, vector<16xf32>
      %add3A_922 = arith.addf %select_n3A_919, %select_n3A_921 : vector<16xf32>
      %add3A_923 = arith.addf %add3A_917, %add3A_922 : vector<16xf32>
      %lt3A_924 = arith.cmpf olt, %gather3A_502, %gather3A_526 : vector<16xf32>
      %select_n3A_925 = arith.select %lt3A_924, %broadcast_in_dim3A_528, %broadcast_in_dim3A_530 : vector<16xi1>, vector<16xf32>
      %eq3A_926 = arith.cmpf oeq, %gather3A_502, %gather3A_526 : vector<16xf32>
      %select_n3A_927 = arith.select %eq3A_926, %broadcast_in_dim3A_528, %broadcast_in_dim3A_530 : vector<16xi1>, vector<16xf32>
      %add3A_928 = arith.addf %select_n3A_925, %select_n3A_927 : vector<16xf32>
      %add3A_929 = arith.addf %add3A_923, %add3A_928 : vector<16xf32>
      %lt3A_930 = arith.cmpf olt, %gather3A_506, %gather3A_526 : vector<16xf32>
      %select_n3A_931 = arith.select %lt3A_930, %broadcast_in_dim3A_528, %broadcast_in_dim3A_530 : vector<16xi1>, vector<16xf32>
      %eq3A_932 = arith.cmpf oeq, %gather3A_506, %gather3A_526 : vector<16xf32>
      %select_n3A_933 = arith.select %eq3A_932, %broadcast_in_dim3A_528, %broadcast_in_dim3A_530 : vector<16xi1>, vector<16xf32>
      %add3A_934 = arith.addf %select_n3A_931, %select_n3A_933 : vector<16xf32>
      %add3A_935 = arith.addf %add3A_929, %add3A_934 : vector<16xf32>
      %lt3A_936 = arith.cmpf olt, %gather3A_510, %gather3A_526 : vector<16xf32>
      %select_n3A_937 = arith.select %lt3A_936, %broadcast_in_dim3A_528, %broadcast_in_dim3A_530 : vector<16xi1>, vector<16xf32>
      %eq3A_938 = arith.cmpf oeq, %gather3A_510, %gather3A_526 : vector<16xf32>
      %select_n3A_939 = arith.select %eq3A_938, %broadcast_in_dim3A_528, %broadcast_in_dim3A_530 : vector<16xi1>, vector<16xf32>
      %add3A_940 = arith.addf %select_n3A_937, %select_n3A_939 : vector<16xf32>
      %add3A_941 = arith.addf %add3A_935, %add3A_940 : vector<16xf32>
      %lt3A_942 = arith.cmpf olt, %gather3A_514, %gather3A_526 : vector<16xf32>
      %select_n3A_943 = arith.select %lt3A_942, %broadcast_in_dim3A_528, %broadcast_in_dim3A_530 : vector<16xi1>, vector<16xf32>
      %eq3A_944 = arith.cmpf oeq, %gather3A_514, %gather3A_526 : vector<16xf32>
      %select_n3A_945 = arith.select %eq3A_944, %broadcast_in_dim3A_528, %broadcast_in_dim3A_530 : vector<16xi1>, vector<16xf32>
      %add3A_946 = arith.addf %select_n3A_943, %select_n3A_945 : vector<16xf32>
      %add3A_947 = arith.addf %add3A_941, %add3A_946 : vector<16xf32>
      %lt3A_948 = arith.cmpf olt, %gather3A_518, %gather3A_526 : vector<16xf32>
      %select_n3A_949 = arith.select %lt3A_948, %broadcast_in_dim3A_528, %broadcast_in_dim3A_530 : vector<16xi1>, vector<16xf32>
      %eq3A_950 = arith.cmpf oeq, %gather3A_518, %gather3A_526 : vector<16xf32>
      %select_n3A_951 = arith.select %eq3A_950, %broadcast_in_dim3A_528, %broadcast_in_dim3A_530 : vector<16xi1>, vector<16xf32>
      %add3A_952 = arith.addf %select_n3A_949, %select_n3A_951 : vector<16xf32>
      %add3A_953 = arith.addf %add3A_947, %add3A_952 : vector<16xf32>
      %lt3A_954 = arith.cmpf olt, %gather3A_522, %gather3A_526 : vector<16xf32>
      %select_n3A_955 = arith.select %lt3A_954, %broadcast_in_dim3A_528, %broadcast_in_dim3A_530 : vector<16xi1>, vector<16xf32>
      %eq3A_956 = arith.cmpf oeq, %gather3A_522, %gather3A_526 : vector<16xf32>
      %select_n3A_957 = arith.select %eq3A_956, %broadcast_in_dim3A_528, %broadcast_in_dim3A_530 : vector<16xi1>, vector<16xf32>
      %add3A_958 = arith.addf %select_n3A_955, %select_n3A_957 : vector<16xf32>
      %add3A_959 = arith.addf %add3A_953, %add3A_958 : vector<16xf32>
      %lt3A_960 = arith.cmpf olt, %gather3A_526, %gather3A_526 : vector<16xf32>
      %select_n3A_961 = arith.select %lt3A_960, %broadcast_in_dim3A_528, %broadcast_in_dim3A_530 : vector<16xi1>, vector<16xf32>
      %add3A_962 = arith.addf %add3A_959, %select_n3A_961 : vector<16xf32>
      %mul3A_963 = arith.mulf %gather3A, %gather3A_244 : vector<16xf32>
      %mul3A_964 = arith.mulf %mul3A_963, %gather3A_271 : vector<16xf32>
      %mul3A_965 = arith.mulf %mul3A_964, %gather3A_298 : vector<16xf32>
      %mul3A_966 = arith.mulf %mul3A_965, %gather3A_325 : vector<16xf32>
      %mul3A_967 = arith.mulf %mul3A_966, %gather3A_352 : vector<16xf32>
      %mul3A_968 = arith.mulf %mul3A_967, %gather3A_379 : vector<16xf32>
      %mul3A_969 = arith.mulf %mul3A_968, %gather3A_406 : vector<16xf32>
      %mul3A_970 = arith.mulf %mul3A_969, %gather3A_433 : vector<16xf32>
      %mul3A_971 = arith.mulf %mul3A_970, %gather3A_460 : vector<16xf32>
      %broadcast_in_dim3A_972 = arith.constant 1.000000e+00 : f32
      %broadcast_in_dim3A_973 = vector.broadcast %broadcast_in_dim3A_972 : f32 to vector<16xf32>
      %lt3A_974 = arith.cmpf olt, %add3A_558, %broadcast_in_dim3A_973 : vector<16xf32>
      %select_n3A_975 = arith.select %lt3A_974, %gather3A, %broadcast_in_dim3A_530 : vector<16xi1>, vector<16xf32>
      %add3A_976 = arith.addf %broadcast_in_dim3A_530, %select_n3A_975 : vector<16xf32>
      %lt3A_977 = arith.cmpf olt, %add3A_590, %broadcast_in_dim3A_973 : vector<16xf32>
      %select_n3A_978 = arith.select %lt3A_977, %gather3A_244, %broadcast_in_dim3A_530 : vector<16xi1>, vector<16xf32>
      %add3A_979 = arith.addf %add3A_976, %select_n3A_978 : vector<16xf32>
      %lt3A_980 = arith.cmpf olt, %add3A_626, %broadcast_in_dim3A_973 : vector<16xf32>
      %select_n3A_981 = arith.select %lt3A_980, %gather3A_271, %broadcast_in_dim3A_530 : vector<16xi1>, vector<16xf32>
      %add3A_982 = arith.addf %add3A_979, %select_n3A_981 : vector<16xf32>
      %lt3A_983 = arith.cmpf olt, %add3A_665, %broadcast_in_dim3A_973 : vector<16xf32>
      %select_n3A_984 = arith.select %lt3A_983, %gather3A_298, %broadcast_in_dim3A_530 : vector<16xi1>, vector<16xf32>
      %add3A_985 = arith.addf %add3A_982, %select_n3A_984 : vector<16xf32>
      %lt3A_986 = arith.cmpf olt, %add3A_707, %broadcast_in_dim3A_973 : vector<16xf32>
      %select_n3A_987 = arith.select %lt3A_986, %gather3A_325, %broadcast_in_dim3A_530 : vector<16xi1>, vector<16xf32>
      %add3A_988 = arith.addf %add3A_985, %select_n3A_987 : vector<16xf32>
      %lt3A_989 = arith.cmpf olt, %add3A_752, %broadcast_in_dim3A_973 : vector<16xf32>
      %select_n3A_990 = arith.select %lt3A_989, %gather3A_352, %broadcast_in_dim3A_530 : vector<16xi1>, vector<16xf32>
      %add3A_991 = arith.addf %add3A_988, %select_n3A_990 : vector<16xf32>
      %lt3A_992 = arith.cmpf olt, %add3A_800, %broadcast_in_dim3A_973 : vector<16xf32>
      %select_n3A_993 = arith.select %lt3A_992, %gather3A_379, %broadcast_in_dim3A_530 : vector<16xi1>, vector<16xf32>
      %add3A_994 = arith.addf %add3A_991, %select_n3A_993 : vector<16xf32>
      %lt3A_995 = arith.cmpf olt, %add3A_851, %broadcast_in_dim3A_973 : vector<16xf32>
      %select_n3A_996 = arith.select %lt3A_995, %gather3A_406, %broadcast_in_dim3A_530 : vector<16xi1>, vector<16xf32>
      %add3A_997 = arith.addf %add3A_994, %select_n3A_996 : vector<16xf32>
      %lt3A_998 = arith.cmpf olt, %add3A_905, %broadcast_in_dim3A_973 : vector<16xf32>
      %select_n3A_999 = arith.select %lt3A_998, %gather3A_433, %broadcast_in_dim3A_530 : vector<16xi1>, vector<16xf32>
      %add3A_1000 = arith.addf %add3A_997, %select_n3A_999 : vector<16xf32>
      %lt3A_1001 = arith.cmpf olt, %add3A_962, %broadcast_in_dim3A_973 : vector<16xf32>
      %select_n3A_1002 = arith.select %lt3A_1001, %gather3A_460, %broadcast_in_dim3A_530 : vector<16xi1>, vector<16xf32>
      %add3A_1003 = arith.addf %add3A_1000, %select_n3A_1002 : vector<16xf32>
      %sub3A = arith.subf %scan3A_127, %add3A_1003 : vector<16xf32>
      %mul3A_1004 = arith.mulf %scan3A_127, %sub3A : vector<16xf32>
      %broadcast_in_dim3A_1005 = arith.constant 2.000000e+00 : f32
      %broadcast_in_dim3A_1006 = vector.broadcast %broadcast_in_dim3A_1005 : f32 to vector<16xf32>
      %lt3A_1007 = arith.cmpf olt, %add3A_558, %broadcast_in_dim3A_1006 : vector<16xf32>
      %select_n3A_1008 = arith.select %lt3A_1007, %gather3A, %broadcast_in_dim3A_530 : vector<16xi1>, vector<16xf32>
      %add3A_1009 = arith.addf %broadcast_in_dim3A_530, %select_n3A_1008 : vector<16xf32>
      %lt3A_1010 = arith.cmpf olt, %add3A_590, %broadcast_in_dim3A_1006 : vector<16xf32>
      %select_n3A_1011 = arith.select %lt3A_1010, %gather3A_244, %broadcast_in_dim3A_530 : vector<16xi1>, vector<16xf32>
      %add3A_1012 = arith.addf %add3A_1009, %select_n3A_1011 : vector<16xf32>
      %lt3A_1013 = arith.cmpf olt, %add3A_626, %broadcast_in_dim3A_1006 : vector<16xf32>
      %select_n3A_1014 = arith.select %lt3A_1013, %gather3A_271, %broadcast_in_dim3A_530 : vector<16xi1>, vector<16xf32>
      %add3A_1015 = arith.addf %add3A_1012, %select_n3A_1014 : vector<16xf32>
      %lt3A_1016 = arith.cmpf olt, %add3A_665, %broadcast_in_dim3A_1006 : vector<16xf32>
      %select_n3A_1017 = arith.select %lt3A_1016, %gather3A_298, %broadcast_in_dim3A_530 : vector<16xi1>, vector<16xf32>
      %add3A_1018 = arith.addf %add3A_1015, %select_n3A_1017 : vector<16xf32>
      %lt3A_1019 = arith.cmpf olt, %add3A_707, %broadcast_in_dim3A_1006 : vector<16xf32>
      %select_n3A_1020 = arith.select %lt3A_1019, %gather3A_325, %broadcast_in_dim3A_530 : vector<16xi1>, vector<16xf32>
      %add3A_1021 = arith.addf %add3A_1018, %select_n3A_1020 : vector<16xf32>
      %lt3A_1022 = arith.cmpf olt, %add3A_752, %broadcast_in_dim3A_1006 : vector<16xf32>
      %select_n3A_1023 = arith.select %lt3A_1022, %gather3A_352, %broadcast_in_dim3A_530 : vector<16xi1>, vector<16xf32>
      %add3A_1024 = arith.addf %add3A_1021, %select_n3A_1023 : vector<16xf32>
      %lt3A_1025 = arith.cmpf olt, %add3A_800, %broadcast_in_dim3A_1006 : vector<16xf32>
      %select_n3A_1026 = arith.select %lt3A_1025, %gather3A_379, %broadcast_in_dim3A_530 : vector<16xi1>, vector<16xf32>
      %add3A_1027 = arith.addf %add3A_1024, %select_n3A_1026 : vector<16xf32>
      %lt3A_1028 = arith.cmpf olt, %add3A_851, %broadcast_in_dim3A_1006 : vector<16xf32>
      %select_n3A_1029 = arith.select %lt3A_1028, %gather3A_406, %broadcast_in_dim3A_530 : vector<16xi1>, vector<16xf32>
      %add3A_1030 = arith.addf %add3A_1027, %select_n3A_1029 : vector<16xf32>
      %lt3A_1031 = arith.cmpf olt, %add3A_905, %broadcast_in_dim3A_1006 : vector<16xf32>
      %select_n3A_1032 = arith.select %lt3A_1031, %gather3A_433, %broadcast_in_dim3A_530 : vector<16xi1>, vector<16xf32>
      %add3A_1033 = arith.addf %add3A_1030, %select_n3A_1032 : vector<16xf32>
      %lt3A_1034 = arith.cmpf olt, %add3A_962, %broadcast_in_dim3A_1006 : vector<16xf32>
      %select_n3A_1035 = arith.select %lt3A_1034, %gather3A_460, %broadcast_in_dim3A_530 : vector<16xi1>, vector<16xf32>
      %add3A_1036 = arith.addf %add3A_1033, %select_n3A_1035 : vector<16xf32>
      %sub3A_1037 = arith.subf %scan3A_127, %add3A_1036 : vector<16xf32>
      %mul3A_1038 = arith.mulf %mul3A_1004, %sub3A_1037 : vector<16xf32>
      %broadcast_in_dim3A_1039 = arith.constant 3.000000e+00 : f32
      %broadcast_in_dim3A_1040 = vector.broadcast %broadcast_in_dim3A_1039 : f32 to vector<16xf32>
      %lt3A_1041 = arith.cmpf olt, %add3A_558, %broadcast_in_dim3A_1040 : vector<16xf32>
      %select_n3A_1042 = arith.select %lt3A_1041, %gather3A, %broadcast_in_dim3A_530 : vector<16xi1>, vector<16xf32>
      %add3A_1043 = arith.addf %broadcast_in_dim3A_530, %select_n3A_1042 : vector<16xf32>
      %lt3A_1044 = arith.cmpf olt, %add3A_590, %broadcast_in_dim3A_1040 : vector<16xf32>
      %select_n3A_1045 = arith.select %lt3A_1044, %gather3A_244, %broadcast_in_dim3A_530 : vector<16xi1>, vector<16xf32>
      %add3A_1046 = arith.addf %add3A_1043, %select_n3A_1045 : vector<16xf32>
      %lt3A_1047 = arith.cmpf olt, %add3A_626, %broadcast_in_dim3A_1040 : vector<16xf32>
      %select_n3A_1048 = arith.select %lt3A_1047, %gather3A_271, %broadcast_in_dim3A_530 : vector<16xi1>, vector<16xf32>
      %add3A_1049 = arith.addf %add3A_1046, %select_n3A_1048 : vector<16xf32>
      %lt3A_1050 = arith.cmpf olt, %add3A_665, %broadcast_in_dim3A_1040 : vector<16xf32>
      %select_n3A_1051 = arith.select %lt3A_1050, %gather3A_298, %broadcast_in_dim3A_530 : vector<16xi1>, vector<16xf32>
      %add3A_1052 = arith.addf %add3A_1049, %select_n3A_1051 : vector<16xf32>
      %lt3A_1053 = arith.cmpf olt, %add3A_707, %broadcast_in_dim3A_1040 : vector<16xf32>
      %select_n3A_1054 = arith.select %lt3A_1053, %gather3A_325, %broadcast_in_dim3A_530 : vector<16xi1>, vector<16xf32>
      %add3A_1055 = arith.addf %add3A_1052, %select_n3A_1054 : vector<16xf32>
      %lt3A_1056 = arith.cmpf olt, %add3A_752, %broadcast_in_dim3A_1040 : vector<16xf32>
      %select_n3A_1057 = arith.select %lt3A_1056, %gather3A_352, %broadcast_in_dim3A_530 : vector<16xi1>, vector<16xf32>
      %add3A_1058 = arith.addf %add3A_1055, %select_n3A_1057 : vector<16xf32>
      %lt3A_1059 = arith.cmpf olt, %add3A_800, %broadcast_in_dim3A_1040 : vector<16xf32>
      %select_n3A_1060 = arith.select %lt3A_1059, %gather3A_379, %broadcast_in_dim3A_530 : vector<16xi1>, vector<16xf32>
      %add3A_1061 = arith.addf %add3A_1058, %select_n3A_1060 : vector<16xf32>
      %lt3A_1062 = arith.cmpf olt, %add3A_851, %broadcast_in_dim3A_1040 : vector<16xf32>
      %select_n3A_1063 = arith.select %lt3A_1062, %gather3A_406, %broadcast_in_dim3A_530 : vector<16xi1>, vector<16xf32>
      %add3A_1064 = arith.addf %add3A_1061, %select_n3A_1063 : vector<16xf32>
      %lt3A_1065 = arith.cmpf olt, %add3A_905, %broadcast_in_dim3A_1040 : vector<16xf32>
      %select_n3A_1066 = arith.select %lt3A_1065, %gather3A_433, %broadcast_in_dim3A_530 : vector<16xi1>, vector<16xf32>
      %add3A_1067 = arith.addf %add3A_1064, %select_n3A_1066 : vector<16xf32>
      %lt3A_1068 = arith.cmpf olt, %add3A_962, %broadcast_in_dim3A_1040 : vector<16xf32>
      %select_n3A_1069 = arith.select %lt3A_1068, %gather3A_460, %broadcast_in_dim3A_530 : vector<16xi1>, vector<16xf32>
      %add3A_1070 = arith.addf %add3A_1067, %select_n3A_1069 : vector<16xf32>
      %sub3A_1071 = arith.subf %scan3A_127, %add3A_1070 : vector<16xf32>
      %mul3A_1072 = arith.mulf %mul3A_1038, %sub3A_1071 : vector<16xf32>
      %broadcast_in_dim3A_1073 = arith.constant 4.000000e+00 : f32
      %broadcast_in_dim3A_1074 = vector.broadcast %broadcast_in_dim3A_1073 : f32 to vector<16xf32>
      %lt3A_1075 = arith.cmpf olt, %add3A_558, %broadcast_in_dim3A_1074 : vector<16xf32>
      %select_n3A_1076 = arith.select %lt3A_1075, %gather3A, %broadcast_in_dim3A_530 : vector<16xi1>, vector<16xf32>
      %add3A_1077 = arith.addf %broadcast_in_dim3A_530, %select_n3A_1076 : vector<16xf32>
      %lt3A_1078 = arith.cmpf olt, %add3A_590, %broadcast_in_dim3A_1074 : vector<16xf32>
      %select_n3A_1079 = arith.select %lt3A_1078, %gather3A_244, %broadcast_in_dim3A_530 : vector<16xi1>, vector<16xf32>
      %add3A_1080 = arith.addf %add3A_1077, %select_n3A_1079 : vector<16xf32>
      %lt3A_1081 = arith.cmpf olt, %add3A_626, %broadcast_in_dim3A_1074 : vector<16xf32>
      %select_n3A_1082 = arith.select %lt3A_1081, %gather3A_271, %broadcast_in_dim3A_530 : vector<16xi1>, vector<16xf32>
      %add3A_1083 = arith.addf %add3A_1080, %select_n3A_1082 : vector<16xf32>
      %lt3A_1084 = arith.cmpf olt, %add3A_665, %broadcast_in_dim3A_1074 : vector<16xf32>
      %select_n3A_1085 = arith.select %lt3A_1084, %gather3A_298, %broadcast_in_dim3A_530 : vector<16xi1>, vector<16xf32>
      %add3A_1086 = arith.addf %add3A_1083, %select_n3A_1085 : vector<16xf32>
      %lt3A_1087 = arith.cmpf olt, %add3A_707, %broadcast_in_dim3A_1074 : vector<16xf32>
      %select_n3A_1088 = arith.select %lt3A_1087, %gather3A_325, %broadcast_in_dim3A_530 : vector<16xi1>, vector<16xf32>
      %add3A_1089 = arith.addf %add3A_1086, %select_n3A_1088 : vector<16xf32>
      %lt3A_1090 = arith.cmpf olt, %add3A_752, %broadcast_in_dim3A_1074 : vector<16xf32>
      %select_n3A_1091 = arith.select %lt3A_1090, %gather3A_352, %broadcast_in_dim3A_530 : vector<16xi1>, vector<16xf32>
      %add3A_1092 = arith.addf %add3A_1089, %select_n3A_1091 : vector<16xf32>
      %lt3A_1093 = arith.cmpf olt, %add3A_800, %broadcast_in_dim3A_1074 : vector<16xf32>
      %select_n3A_1094 = arith.select %lt3A_1093, %gather3A_379, %broadcast_in_dim3A_530 : vector<16xi1>, vector<16xf32>
      %add3A_1095 = arith.addf %add3A_1092, %select_n3A_1094 : vector<16xf32>
      %lt3A_1096 = arith.cmpf olt, %add3A_851, %broadcast_in_dim3A_1074 : vector<16xf32>
      %select_n3A_1097 = arith.select %lt3A_1096, %gather3A_406, %broadcast_in_dim3A_530 : vector<16xi1>, vector<16xf32>
      %add3A_1098 = arith.addf %add3A_1095, %select_n3A_1097 : vector<16xf32>
      %lt3A_1099 = arith.cmpf olt, %add3A_905, %broadcast_in_dim3A_1074 : vector<16xf32>
      %select_n3A_1100 = arith.select %lt3A_1099, %gather3A_433, %broadcast_in_dim3A_530 : vector<16xi1>, vector<16xf32>
      %add3A_1101 = arith.addf %add3A_1098, %select_n3A_1100 : vector<16xf32>
      %lt3A_1102 = arith.cmpf olt, %add3A_962, %broadcast_in_dim3A_1074 : vector<16xf32>
      %select_n3A_1103 = arith.select %lt3A_1102, %gather3A_460, %broadcast_in_dim3A_530 : vector<16xi1>, vector<16xf32>
      %add3A_1104 = arith.addf %add3A_1101, %select_n3A_1103 : vector<16xf32>
      %sub3A_1105 = arith.subf %scan3A_127, %add3A_1104 : vector<16xf32>
      %mul3A_1106 = arith.mulf %mul3A_1072, %sub3A_1105 : vector<16xf32>
      %broadcast_in_dim3A_1107 = arith.constant 5.000000e+00 : f32
      %broadcast_in_dim3A_1108 = vector.broadcast %broadcast_in_dim3A_1107 : f32 to vector<16xf32>
      %lt3A_1109 = arith.cmpf olt, %add3A_558, %broadcast_in_dim3A_1108 : vector<16xf32>
      %select_n3A_1110 = arith.select %lt3A_1109, %gather3A, %broadcast_in_dim3A_530 : vector<16xi1>, vector<16xf32>
      %add3A_1111 = arith.addf %broadcast_in_dim3A_530, %select_n3A_1110 : vector<16xf32>
      %lt3A_1112 = arith.cmpf olt, %add3A_590, %broadcast_in_dim3A_1108 : vector<16xf32>
      %select_n3A_1113 = arith.select %lt3A_1112, %gather3A_244, %broadcast_in_dim3A_530 : vector<16xi1>, vector<16xf32>
      %add3A_1114 = arith.addf %add3A_1111, %select_n3A_1113 : vector<16xf32>
      %lt3A_1115 = arith.cmpf olt, %add3A_626, %broadcast_in_dim3A_1108 : vector<16xf32>
      %select_n3A_1116 = arith.select %lt3A_1115, %gather3A_271, %broadcast_in_dim3A_530 : vector<16xi1>, vector<16xf32>
      %add3A_1117 = arith.addf %add3A_1114, %select_n3A_1116 : vector<16xf32>
      %lt3A_1118 = arith.cmpf olt, %add3A_665, %broadcast_in_dim3A_1108 : vector<16xf32>
      %select_n3A_1119 = arith.select %lt3A_1118, %gather3A_298, %broadcast_in_dim3A_530 : vector<16xi1>, vector<16xf32>
      %add3A_1120 = arith.addf %add3A_1117, %select_n3A_1119 : vector<16xf32>
      %lt3A_1121 = arith.cmpf olt, %add3A_707, %broadcast_in_dim3A_1108 : vector<16xf32>
      %select_n3A_1122 = arith.select %lt3A_1121, %gather3A_325, %broadcast_in_dim3A_530 : vector<16xi1>, vector<16xf32>
      %add3A_1123 = arith.addf %add3A_1120, %select_n3A_1122 : vector<16xf32>
      %lt3A_1124 = arith.cmpf olt, %add3A_752, %broadcast_in_dim3A_1108 : vector<16xf32>
      %select_n3A_1125 = arith.select %lt3A_1124, %gather3A_352, %broadcast_in_dim3A_530 : vector<16xi1>, vector<16xf32>
      %add3A_1126 = arith.addf %add3A_1123, %select_n3A_1125 : vector<16xf32>
      %lt3A_1127 = arith.cmpf olt, %add3A_800, %broadcast_in_dim3A_1108 : vector<16xf32>
      %select_n3A_1128 = arith.select %lt3A_1127, %gather3A_379, %broadcast_in_dim3A_530 : vector<16xi1>, vector<16xf32>
      %add3A_1129 = arith.addf %add3A_1126, %select_n3A_1128 : vector<16xf32>
      %lt3A_1130 = arith.cmpf olt, %add3A_851, %broadcast_in_dim3A_1108 : vector<16xf32>
      %select_n3A_1131 = arith.select %lt3A_1130, %gather3A_406, %broadcast_in_dim3A_530 : vector<16xi1>, vector<16xf32>
      %add3A_1132 = arith.addf %add3A_1129, %select_n3A_1131 : vector<16xf32>
      %lt3A_1133 = arith.cmpf olt, %add3A_905, %broadcast_in_dim3A_1108 : vector<16xf32>
      %select_n3A_1134 = arith.select %lt3A_1133, %gather3A_433, %broadcast_in_dim3A_530 : vector<16xi1>, vector<16xf32>
      %add3A_1135 = arith.addf %add3A_1132, %select_n3A_1134 : vector<16xf32>
      %lt3A_1136 = arith.cmpf olt, %add3A_962, %broadcast_in_dim3A_1108 : vector<16xf32>
      %select_n3A_1137 = arith.select %lt3A_1136, %gather3A_460, %broadcast_in_dim3A_530 : vector<16xi1>, vector<16xf32>
      %add3A_1138 = arith.addf %add3A_1135, %select_n3A_1137 : vector<16xf32>
      %sub3A_1139 = arith.subf %scan3A_127, %add3A_1138 : vector<16xf32>
      %mul3A_1140 = arith.mulf %mul3A_1106, %sub3A_1139 : vector<16xf32>
      %broadcast_in_dim3A_1141 = arith.constant 6.000000e+00 : f32
      %broadcast_in_dim3A_1142 = vector.broadcast %broadcast_in_dim3A_1141 : f32 to vector<16xf32>
      %lt3A_1143 = arith.cmpf olt, %add3A_558, %broadcast_in_dim3A_1142 : vector<16xf32>
      %select_n3A_1144 = arith.select %lt3A_1143, %gather3A, %broadcast_in_dim3A_530 : vector<16xi1>, vector<16xf32>
      %add3A_1145 = arith.addf %broadcast_in_dim3A_530, %select_n3A_1144 : vector<16xf32>
      %lt3A_1146 = arith.cmpf olt, %add3A_590, %broadcast_in_dim3A_1142 : vector<16xf32>
      %select_n3A_1147 = arith.select %lt3A_1146, %gather3A_244, %broadcast_in_dim3A_530 : vector<16xi1>, vector<16xf32>
      %add3A_1148 = arith.addf %add3A_1145, %select_n3A_1147 : vector<16xf32>
      %lt3A_1149 = arith.cmpf olt, %add3A_626, %broadcast_in_dim3A_1142 : vector<16xf32>
      %select_n3A_1150 = arith.select %lt3A_1149, %gather3A_271, %broadcast_in_dim3A_530 : vector<16xi1>, vector<16xf32>
      %add3A_1151 = arith.addf %add3A_1148, %select_n3A_1150 : vector<16xf32>
      %lt3A_1152 = arith.cmpf olt, %add3A_665, %broadcast_in_dim3A_1142 : vector<16xf32>
      %select_n3A_1153 = arith.select %lt3A_1152, %gather3A_298, %broadcast_in_dim3A_530 : vector<16xi1>, vector<16xf32>
      %add3A_1154 = arith.addf %add3A_1151, %select_n3A_1153 : vector<16xf32>
      %lt3A_1155 = arith.cmpf olt, %add3A_707, %broadcast_in_dim3A_1142 : vector<16xf32>
      %select_n3A_1156 = arith.select %lt3A_1155, %gather3A_325, %broadcast_in_dim3A_530 : vector<16xi1>, vector<16xf32>
      %add3A_1157 = arith.addf %add3A_1154, %select_n3A_1156 : vector<16xf32>
      %lt3A_1158 = arith.cmpf olt, %add3A_752, %broadcast_in_dim3A_1142 : vector<16xf32>
      %select_n3A_1159 = arith.select %lt3A_1158, %gather3A_352, %broadcast_in_dim3A_530 : vector<16xi1>, vector<16xf32>
      %add3A_1160 = arith.addf %add3A_1157, %select_n3A_1159 : vector<16xf32>
      %lt3A_1161 = arith.cmpf olt, %add3A_800, %broadcast_in_dim3A_1142 : vector<16xf32>
      %select_n3A_1162 = arith.select %lt3A_1161, %gather3A_379, %broadcast_in_dim3A_530 : vector<16xi1>, vector<16xf32>
      %add3A_1163 = arith.addf %add3A_1160, %select_n3A_1162 : vector<16xf32>
      %lt3A_1164 = arith.cmpf olt, %add3A_851, %broadcast_in_dim3A_1142 : vector<16xf32>
      %select_n3A_1165 = arith.select %lt3A_1164, %gather3A_406, %broadcast_in_dim3A_530 : vector<16xi1>, vector<16xf32>
      %add3A_1166 = arith.addf %add3A_1163, %select_n3A_1165 : vector<16xf32>
      %lt3A_1167 = arith.cmpf olt, %add3A_905, %broadcast_in_dim3A_1142 : vector<16xf32>
      %select_n3A_1168 = arith.select %lt3A_1167, %gather3A_433, %broadcast_in_dim3A_530 : vector<16xi1>, vector<16xf32>
      %add3A_1169 = arith.addf %add3A_1166, %select_n3A_1168 : vector<16xf32>
      %lt3A_1170 = arith.cmpf olt, %add3A_962, %broadcast_in_dim3A_1142 : vector<16xf32>
      %select_n3A_1171 = arith.select %lt3A_1170, %gather3A_460, %broadcast_in_dim3A_530 : vector<16xi1>, vector<16xf32>
      %add3A_1172 = arith.addf %add3A_1169, %select_n3A_1171 : vector<16xf32>
      %sub3A_1173 = arith.subf %scan3A_127, %add3A_1172 : vector<16xf32>
      %mul3A_1174 = arith.mulf %mul3A_1140, %sub3A_1173 : vector<16xf32>
      %broadcast_in_dim3A_1175 = arith.constant 7.000000e+00 : f32
      %broadcast_in_dim3A_1176 = vector.broadcast %broadcast_in_dim3A_1175 : f32 to vector<16xf32>
      %lt3A_1177 = arith.cmpf olt, %add3A_558, %broadcast_in_dim3A_1176 : vector<16xf32>
      %select_n3A_1178 = arith.select %lt3A_1177, %gather3A, %broadcast_in_dim3A_530 : vector<16xi1>, vector<16xf32>
      %add3A_1179 = arith.addf %broadcast_in_dim3A_530, %select_n3A_1178 : vector<16xf32>
      %lt3A_1180 = arith.cmpf olt, %add3A_590, %broadcast_in_dim3A_1176 : vector<16xf32>
      %select_n3A_1181 = arith.select %lt3A_1180, %gather3A_244, %broadcast_in_dim3A_530 : vector<16xi1>, vector<16xf32>
      %add3A_1182 = arith.addf %add3A_1179, %select_n3A_1181 : vector<16xf32>
      %lt3A_1183 = arith.cmpf olt, %add3A_626, %broadcast_in_dim3A_1176 : vector<16xf32>
      %select_n3A_1184 = arith.select %lt3A_1183, %gather3A_271, %broadcast_in_dim3A_530 : vector<16xi1>, vector<16xf32>
      %add3A_1185 = arith.addf %add3A_1182, %select_n3A_1184 : vector<16xf32>
      %lt3A_1186 = arith.cmpf olt, %add3A_665, %broadcast_in_dim3A_1176 : vector<16xf32>
      %select_n3A_1187 = arith.select %lt3A_1186, %gather3A_298, %broadcast_in_dim3A_530 : vector<16xi1>, vector<16xf32>
      %add3A_1188 = arith.addf %add3A_1185, %select_n3A_1187 : vector<16xf32>
      %lt3A_1189 = arith.cmpf olt, %add3A_707, %broadcast_in_dim3A_1176 : vector<16xf32>
      %select_n3A_1190 = arith.select %lt3A_1189, %gather3A_325, %broadcast_in_dim3A_530 : vector<16xi1>, vector<16xf32>
      %add3A_1191 = arith.addf %add3A_1188, %select_n3A_1190 : vector<16xf32>
      %lt3A_1192 = arith.cmpf olt, %add3A_752, %broadcast_in_dim3A_1176 : vector<16xf32>
      %select_n3A_1193 = arith.select %lt3A_1192, %gather3A_352, %broadcast_in_dim3A_530 : vector<16xi1>, vector<16xf32>
      %add3A_1194 = arith.addf %add3A_1191, %select_n3A_1193 : vector<16xf32>
      %lt3A_1195 = arith.cmpf olt, %add3A_800, %broadcast_in_dim3A_1176 : vector<16xf32>
      %select_n3A_1196 = arith.select %lt3A_1195, %gather3A_379, %broadcast_in_dim3A_530 : vector<16xi1>, vector<16xf32>
      %add3A_1197 = arith.addf %add3A_1194, %select_n3A_1196 : vector<16xf32>
      %lt3A_1198 = arith.cmpf olt, %add3A_851, %broadcast_in_dim3A_1176 : vector<16xf32>
      %select_n3A_1199 = arith.select %lt3A_1198, %gather3A_406, %broadcast_in_dim3A_530 : vector<16xi1>, vector<16xf32>
      %add3A_1200 = arith.addf %add3A_1197, %select_n3A_1199 : vector<16xf32>
      %lt3A_1201 = arith.cmpf olt, %add3A_905, %broadcast_in_dim3A_1176 : vector<16xf32>
      %select_n3A_1202 = arith.select %lt3A_1201, %gather3A_433, %broadcast_in_dim3A_530 : vector<16xi1>, vector<16xf32>
      %add3A_1203 = arith.addf %add3A_1200, %select_n3A_1202 : vector<16xf32>
      %lt3A_1204 = arith.cmpf olt, %add3A_962, %broadcast_in_dim3A_1176 : vector<16xf32>
      %select_n3A_1205 = arith.select %lt3A_1204, %gather3A_460, %broadcast_in_dim3A_530 : vector<16xi1>, vector<16xf32>
      %add3A_1206 = arith.addf %add3A_1203, %select_n3A_1205 : vector<16xf32>
      %sub3A_1207 = arith.subf %scan3A_127, %add3A_1206 : vector<16xf32>
      %mul3A_1208 = arith.mulf %mul3A_1174, %sub3A_1207 : vector<16xf32>
      %broadcast_in_dim3A_1209 = arith.constant 8.000000e+00 : f32
      %broadcast_in_dim3A_1210 = vector.broadcast %broadcast_in_dim3A_1209 : f32 to vector<16xf32>
      %lt3A_1211 = arith.cmpf olt, %add3A_558, %broadcast_in_dim3A_1210 : vector<16xf32>
      %select_n3A_1212 = arith.select %lt3A_1211, %gather3A, %broadcast_in_dim3A_530 : vector<16xi1>, vector<16xf32>
      %add3A_1213 = arith.addf %broadcast_in_dim3A_530, %select_n3A_1212 : vector<16xf32>
      %lt3A_1214 = arith.cmpf olt, %add3A_590, %broadcast_in_dim3A_1210 : vector<16xf32>
      %select_n3A_1215 = arith.select %lt3A_1214, %gather3A_244, %broadcast_in_dim3A_530 : vector<16xi1>, vector<16xf32>
      %add3A_1216 = arith.addf %add3A_1213, %select_n3A_1215 : vector<16xf32>
      %lt3A_1217 = arith.cmpf olt, %add3A_626, %broadcast_in_dim3A_1210 : vector<16xf32>
      %select_n3A_1218 = arith.select %lt3A_1217, %gather3A_271, %broadcast_in_dim3A_530 : vector<16xi1>, vector<16xf32>
      %add3A_1219 = arith.addf %add3A_1216, %select_n3A_1218 : vector<16xf32>
      %lt3A_1220 = arith.cmpf olt, %add3A_665, %broadcast_in_dim3A_1210 : vector<16xf32>
      %select_n3A_1221 = arith.select %lt3A_1220, %gather3A_298, %broadcast_in_dim3A_530 : vector<16xi1>, vector<16xf32>
      %add3A_1222 = arith.addf %add3A_1219, %select_n3A_1221 : vector<16xf32>
      %lt3A_1223 = arith.cmpf olt, %add3A_707, %broadcast_in_dim3A_1210 : vector<16xf32>
      %select_n3A_1224 = arith.select %lt3A_1223, %gather3A_325, %broadcast_in_dim3A_530 : vector<16xi1>, vector<16xf32>
      %add3A_1225 = arith.addf %add3A_1222, %select_n3A_1224 : vector<16xf32>
      %lt3A_1226 = arith.cmpf olt, %add3A_752, %broadcast_in_dim3A_1210 : vector<16xf32>
      %select_n3A_1227 = arith.select %lt3A_1226, %gather3A_352, %broadcast_in_dim3A_530 : vector<16xi1>, vector<16xf32>
      %add3A_1228 = arith.addf %add3A_1225, %select_n3A_1227 : vector<16xf32>
      %lt3A_1229 = arith.cmpf olt, %add3A_800, %broadcast_in_dim3A_1210 : vector<16xf32>
      %select_n3A_1230 = arith.select %lt3A_1229, %gather3A_379, %broadcast_in_dim3A_530 : vector<16xi1>, vector<16xf32>
      %add3A_1231 = arith.addf %add3A_1228, %select_n3A_1230 : vector<16xf32>
      %lt3A_1232 = arith.cmpf olt, %add3A_851, %broadcast_in_dim3A_1210 : vector<16xf32>
      %select_n3A_1233 = arith.select %lt3A_1232, %gather3A_406, %broadcast_in_dim3A_530 : vector<16xi1>, vector<16xf32>
      %add3A_1234 = arith.addf %add3A_1231, %select_n3A_1233 : vector<16xf32>
      %lt3A_1235 = arith.cmpf olt, %add3A_905, %broadcast_in_dim3A_1210 : vector<16xf32>
      %select_n3A_1236 = arith.select %lt3A_1235, %gather3A_433, %broadcast_in_dim3A_530 : vector<16xi1>, vector<16xf32>
      %add3A_1237 = arith.addf %add3A_1234, %select_n3A_1236 : vector<16xf32>
      %lt3A_1238 = arith.cmpf olt, %add3A_962, %broadcast_in_dim3A_1210 : vector<16xf32>
      %select_n3A_1239 = arith.select %lt3A_1238, %gather3A_460, %broadcast_in_dim3A_530 : vector<16xi1>, vector<16xf32>
      %add3A_1240 = arith.addf %add3A_1237, %select_n3A_1239 : vector<16xf32>
      %sub3A_1241 = arith.subf %scan3A_127, %add3A_1240 : vector<16xf32>
      %mul3A_1242 = arith.mulf %mul3A_1208, %sub3A_1241 : vector<16xf32>
      %broadcast_in_dim3A_1243 = arith.constant 9.000000e+00 : f32
      %broadcast_in_dim3A_1244 = vector.broadcast %broadcast_in_dim3A_1243 : f32 to vector<16xf32>
      %lt3A_1245 = arith.cmpf olt, %add3A_558, %broadcast_in_dim3A_1244 : vector<16xf32>
      %select_n3A_1246 = arith.select %lt3A_1245, %gather3A, %broadcast_in_dim3A_530 : vector<16xi1>, vector<16xf32>
      %add3A_1247 = arith.addf %broadcast_in_dim3A_530, %select_n3A_1246 : vector<16xf32>
      %lt3A_1248 = arith.cmpf olt, %add3A_590, %broadcast_in_dim3A_1244 : vector<16xf32>
      %select_n3A_1249 = arith.select %lt3A_1248, %gather3A_244, %broadcast_in_dim3A_530 : vector<16xi1>, vector<16xf32>
      %add3A_1250 = arith.addf %add3A_1247, %select_n3A_1249 : vector<16xf32>
      %lt3A_1251 = arith.cmpf olt, %add3A_626, %broadcast_in_dim3A_1244 : vector<16xf32>
      %select_n3A_1252 = arith.select %lt3A_1251, %gather3A_271, %broadcast_in_dim3A_530 : vector<16xi1>, vector<16xf32>
      %add3A_1253 = arith.addf %add3A_1250, %select_n3A_1252 : vector<16xf32>
      %lt3A_1254 = arith.cmpf olt, %add3A_665, %broadcast_in_dim3A_1244 : vector<16xf32>
      %select_n3A_1255 = arith.select %lt3A_1254, %gather3A_298, %broadcast_in_dim3A_530 : vector<16xi1>, vector<16xf32>
      %add3A_1256 = arith.addf %add3A_1253, %select_n3A_1255 : vector<16xf32>
      %lt3A_1257 = arith.cmpf olt, %add3A_707, %broadcast_in_dim3A_1244 : vector<16xf32>
      %select_n3A_1258 = arith.select %lt3A_1257, %gather3A_325, %broadcast_in_dim3A_530 : vector<16xi1>, vector<16xf32>
      %add3A_1259 = arith.addf %add3A_1256, %select_n3A_1258 : vector<16xf32>
      %lt3A_1260 = arith.cmpf olt, %add3A_752, %broadcast_in_dim3A_1244 : vector<16xf32>
      %select_n3A_1261 = arith.select %lt3A_1260, %gather3A_352, %broadcast_in_dim3A_530 : vector<16xi1>, vector<16xf32>
      %add3A_1262 = arith.addf %add3A_1259, %select_n3A_1261 : vector<16xf32>
      %lt3A_1263 = arith.cmpf olt, %add3A_800, %broadcast_in_dim3A_1244 : vector<16xf32>
      %select_n3A_1264 = arith.select %lt3A_1263, %gather3A_379, %broadcast_in_dim3A_530 : vector<16xi1>, vector<16xf32>
      %add3A_1265 = arith.addf %add3A_1262, %select_n3A_1264 : vector<16xf32>
      %lt3A_1266 = arith.cmpf olt, %add3A_851, %broadcast_in_dim3A_1244 : vector<16xf32>
      %select_n3A_1267 = arith.select %lt3A_1266, %gather3A_406, %broadcast_in_dim3A_530 : vector<16xi1>, vector<16xf32>
      %add3A_1268 = arith.addf %add3A_1265, %select_n3A_1267 : vector<16xf32>
      %lt3A_1269 = arith.cmpf olt, %add3A_905, %broadcast_in_dim3A_1244 : vector<16xf32>
      %select_n3A_1270 = arith.select %lt3A_1269, %gather3A_433, %broadcast_in_dim3A_530 : vector<16xi1>, vector<16xf32>
      %add3A_1271 = arith.addf %add3A_1268, %select_n3A_1270 : vector<16xf32>
      %lt3A_1272 = arith.cmpf olt, %add3A_962, %broadcast_in_dim3A_1244 : vector<16xf32>
      %select_n3A_1273 = arith.select %lt3A_1272, %gather3A_460, %broadcast_in_dim3A_530 : vector<16xi1>, vector<16xf32>
      %add3A_1274 = arith.addf %add3A_1271, %select_n3A_1273 : vector<16xf32>
      %sub3A_1275 = arith.subf %scan3A_127, %add3A_1274 : vector<16xf32>
      %mul3A_1276 = arith.mulf %mul3A_1242, %sub3A_1275 : vector<16xf32>
      %mul3A_1277 = arith.constant 3.628800e+06 : f32
      %mul3A_1278 = vector.broadcast %mul3A_1277 : f32 to vector<16xf32>
      %mul3A_1279 = arith.mulf %mul3A_1278, %mul3A_971 : vector<16xf32>
      %div3A = arith.divf %mul3A_1279, %mul3A_1276 : vector<16xf32>
      %add3A_1280 = arith.addf %broadcast_in_dim3A_530, %gather3A_219 : vector<16xf32>
      %add3A_1281 = arith.addf %add3A_1280, %gather3A_246 : vector<16xf32>
      %add3A_1282 = arith.addf %add3A_1281, %gather3A_273 : vector<16xf32>
      %add3A_1283 = arith.addf %add3A_1282, %gather3A_300 : vector<16xf32>
      %add3A_1284 = arith.addf %add3A_1283, %gather3A_327 : vector<16xf32>
      %add3A_1285 = arith.addf %add3A_1284, %gather3A_354 : vector<16xf32>
      %add3A_1286 = arith.addf %add3A_1285, %gather3A_381 : vector<16xf32>
      %add3A_1287 = arith.addf %add3A_1286, %gather3A_408 : vector<16xf32>
      %add3A_1288 = arith.addf %add3A_1287, %gather3A_435 : vector<16xf32>
      %add3A_1289 = arith.addf %add3A_1288, %gather3A_462 : vector<16xf32>
      %eq3A_1290 = arith.cmpf oeq, %add3A_1289, %broadcast_in_dim3A_530 : vector<16xf32>
      %div3A_1291 = arith.divf %broadcast_in_dim3A_528, %add3A_1289 : vector<16xf32>
      %select_n3A_1292 = arith.select %eq3A_1290, %broadcast_in_dim3A_528, %div3A_1291 : vector<16xi1>, vector<16xf32>
      %mul3A_1293 = arith.mulf %gather3A_227, %gather3A_219 : vector<16xf32>
      %add3A_1294 = arith.addf %broadcast_in_dim3A_530, %mul3A_1293 : vector<16xf32>
      %add3A_1295 = arith.addf %broadcast_in_dim3A_530, %gather3A_227 : vector<16xf32>
      %mul3A_1296 = arith.mulf %gather3A_254, %gather3A_246 : vector<16xf32>
      %add3A_1297 = arith.addf %add3A_1294, %mul3A_1296 : vector<16xf32>
      %add3A_1298 = arith.addf %add3A_1295, %gather3A_254 : vector<16xf32>
      %mul3A_1299 = arith.mulf %gather3A_281, %gather3A_273 : vector<16xf32>
      %add3A_1300 = arith.addf %add3A_1297, %mul3A_1299 : vector<16xf32>
      %add3A_1301 = arith.addf %add3A_1298, %gather3A_281 : vector<16xf32>
      %mul3A_1302 = arith.mulf %gather3A_308, %gather3A_300 : vector<16xf32>
      %add3A_1303 = arith.addf %add3A_1300, %mul3A_1302 : vector<16xf32>
      %add3A_1304 = arith.addf %add3A_1301, %gather3A_308 : vector<16xf32>
      %mul3A_1305 = arith.mulf %gather3A_335, %gather3A_327 : vector<16xf32>
      %add3A_1306 = arith.addf %add3A_1303, %mul3A_1305 : vector<16xf32>
      %add3A_1307 = arith.addf %add3A_1304, %gather3A_335 : vector<16xf32>
      %mul3A_1308 = arith.mulf %gather3A_362, %gather3A_354 : vector<16xf32>
      %add3A_1309 = arith.addf %add3A_1306, %mul3A_1308 : vector<16xf32>
      %add3A_1310 = arith.addf %add3A_1307, %gather3A_362 : vector<16xf32>
      %mul3A_1311 = arith.mulf %gather3A_389, %gather3A_381 : vector<16xf32>
      %add3A_1312 = arith.addf %add3A_1309, %mul3A_1311 : vector<16xf32>
      %add3A_1313 = arith.addf %add3A_1310, %gather3A_389 : vector<16xf32>
      %mul3A_1314 = arith.mulf %gather3A_416, %gather3A_408 : vector<16xf32>
      %add3A_1315 = arith.addf %add3A_1312, %mul3A_1314 : vector<16xf32>
      %add3A_1316 = arith.addf %add3A_1313, %gather3A_416 : vector<16xf32>
      %mul3A_1317 = arith.mulf %gather3A_443, %gather3A_435 : vector<16xf32>
      %add3A_1318 = arith.addf %add3A_1315, %mul3A_1317 : vector<16xf32>
      %add3A_1319 = arith.addf %add3A_1316, %gather3A_443 : vector<16xf32>
      %mul3A_1320 = arith.mulf %gather3A_470, %gather3A_462 : vector<16xf32>
      %add3A_1321 = arith.addf %add3A_1318, %mul3A_1320 : vector<16xf32>
      %add3A_1322 = arith.addf %add3A_1319, %gather3A_470 : vector<16xf32>
      %mul3A_1323 = arith.constant 1.000000e-01 : f32
      %mul3A_1324 = vector.broadcast %mul3A_1323 : f32 to vector<16xf32>
      %mul3A_1325 = arith.mulf %add3A_1322, %mul3A_1324 : vector<16xf32>
      %mul3A_1326 = arith.mulf %add3A_1321, %select_n3A_1292 : vector<16xf32>
      %select_n3A_1327 = arith.select %eq3A_1290, %mul3A_1325, %mul3A_1326 : vector<16xi1>, vector<16xf32>
      %add3A_1328 = arith.addf %broadcast_in_dim3A_530, %select_n3A_1327 : vector<16xf32>
      %mul3A_1329 = arith.mulf %gather3A_231, %gather3A_219 : vector<16xf32>
      %add3A_1330 = arith.addf %broadcast_in_dim3A_530, %mul3A_1329 : vector<16xf32>
      %add3A_1331 = arith.addf %broadcast_in_dim3A_530, %gather3A_231 : vector<16xf32>
      %mul3A_1332 = arith.mulf %gather3A_258, %gather3A_246 : vector<16xf32>
      %add3A_1333 = arith.addf %add3A_1330, %mul3A_1332 : vector<16xf32>
      %add3A_1334 = arith.addf %add3A_1331, %gather3A_258 : vector<16xf32>
      %mul3A_1335 = arith.mulf %gather3A_285, %gather3A_273 : vector<16xf32>
      %add3A_1336 = arith.addf %add3A_1333, %mul3A_1335 : vector<16xf32>
      %add3A_1337 = arith.addf %add3A_1334, %gather3A_285 : vector<16xf32>
      %mul3A_1338 = arith.mulf %gather3A_312, %gather3A_300 : vector<16xf32>
      %add3A_1339 = arith.addf %add3A_1336, %mul3A_1338 : vector<16xf32>
      %add3A_1340 = arith.addf %add3A_1337, %gather3A_312 : vector<16xf32>
      %mul3A_1341 = arith.mulf %gather3A_339, %gather3A_327 : vector<16xf32>
      %add3A_1342 = arith.addf %add3A_1339, %mul3A_1341 : vector<16xf32>
      %add3A_1343 = arith.addf %add3A_1340, %gather3A_339 : vector<16xf32>
      %mul3A_1344 = arith.mulf %gather3A_366, %gather3A_354 : vector<16xf32>
      %add3A_1345 = arith.addf %add3A_1342, %mul3A_1344 : vector<16xf32>
      %add3A_1346 = arith.addf %add3A_1343, %gather3A_366 : vector<16xf32>
      %mul3A_1347 = arith.mulf %gather3A_393, %gather3A_381 : vector<16xf32>
      %add3A_1348 = arith.addf %add3A_1345, %mul3A_1347 : vector<16xf32>
      %add3A_1349 = arith.addf %add3A_1346, %gather3A_393 : vector<16xf32>
      %mul3A_1350 = arith.mulf %gather3A_420, %gather3A_408 : vector<16xf32>
      %add3A_1351 = arith.addf %add3A_1348, %mul3A_1350 : vector<16xf32>
      %add3A_1352 = arith.addf %add3A_1349, %gather3A_420 : vector<16xf32>
      %mul3A_1353 = arith.mulf %gather3A_447, %gather3A_435 : vector<16xf32>
      %add3A_1354 = arith.addf %add3A_1351, %mul3A_1353 : vector<16xf32>
      %add3A_1355 = arith.addf %add3A_1352, %gather3A_447 : vector<16xf32>
      %mul3A_1356 = arith.mulf %gather3A_474, %gather3A_462 : vector<16xf32>
      %add3A_1357 = arith.addf %add3A_1354, %mul3A_1356 : vector<16xf32>
      %add3A_1358 = arith.addf %add3A_1355, %gather3A_474 : vector<16xf32>
      %mul3A_1359 = arith.constant 1.000000e-01 : f32
      %mul3A_1360 = vector.broadcast %mul3A_1359 : f32 to vector<16xf32>
      %mul3A_1361 = arith.mulf %add3A_1358, %mul3A_1360 : vector<16xf32>
      %mul3A_1362 = arith.mulf %add3A_1357, %select_n3A_1292 : vector<16xf32>
      %select_n3A_1363 = arith.select %eq3A_1290, %mul3A_1361, %mul3A_1362 : vector<16xi1>, vector<16xf32>
      %add3A_1364 = arith.addf %add3A_1328, %select_n3A_1363 : vector<16xf32>
      %mul3A_1365 = arith.mulf %gather3A_235, %gather3A_219 : vector<16xf32>
      %add3A_1366 = arith.addf %broadcast_in_dim3A_530, %mul3A_1365 : vector<16xf32>
      %add3A_1367 = arith.addf %broadcast_in_dim3A_530, %gather3A_235 : vector<16xf32>
      %mul3A_1368 = arith.mulf %gather3A_262, %gather3A_246 : vector<16xf32>
      %add3A_1369 = arith.addf %add3A_1366, %mul3A_1368 : vector<16xf32>
      %add3A_1370 = arith.addf %add3A_1367, %gather3A_262 : vector<16xf32>
      %mul3A_1371 = arith.mulf %gather3A_289, %gather3A_273 : vector<16xf32>
      %add3A_1372 = arith.addf %add3A_1369, %mul3A_1371 : vector<16xf32>
      %add3A_1373 = arith.addf %add3A_1370, %gather3A_289 : vector<16xf32>
      %mul3A_1374 = arith.mulf %gather3A_316, %gather3A_300 : vector<16xf32>
      %add3A_1375 = arith.addf %add3A_1372, %mul3A_1374 : vector<16xf32>
      %add3A_1376 = arith.addf %add3A_1373, %gather3A_316 : vector<16xf32>
      %mul3A_1377 = arith.mulf %gather3A_343, %gather3A_327 : vector<16xf32>
      %add3A_1378 = arith.addf %add3A_1375, %mul3A_1377 : vector<16xf32>
      %add3A_1379 = arith.addf %add3A_1376, %gather3A_343 : vector<16xf32>
      %mul3A_1380 = arith.mulf %gather3A_370, %gather3A_354 : vector<16xf32>
      %add3A_1381 = arith.addf %add3A_1378, %mul3A_1380 : vector<16xf32>
      %add3A_1382 = arith.addf %add3A_1379, %gather3A_370 : vector<16xf32>
      %mul3A_1383 = arith.mulf %gather3A_397, %gather3A_381 : vector<16xf32>
      %add3A_1384 = arith.addf %add3A_1381, %mul3A_1383 : vector<16xf32>
      %add3A_1385 = arith.addf %add3A_1382, %gather3A_397 : vector<16xf32>
      %mul3A_1386 = arith.mulf %gather3A_424, %gather3A_408 : vector<16xf32>
      %add3A_1387 = arith.addf %add3A_1384, %mul3A_1386 : vector<16xf32>
      %add3A_1388 = arith.addf %add3A_1385, %gather3A_424 : vector<16xf32>
      %mul3A_1389 = arith.mulf %gather3A_451, %gather3A_435 : vector<16xf32>
      %add3A_1390 = arith.addf %add3A_1387, %mul3A_1389 : vector<16xf32>
      %add3A_1391 = arith.addf %add3A_1388, %gather3A_451 : vector<16xf32>
      %mul3A_1392 = arith.mulf %gather3A_478, %gather3A_462 : vector<16xf32>
      %add3A_1393 = arith.addf %add3A_1390, %mul3A_1392 : vector<16xf32>
      %add3A_1394 = arith.addf %add3A_1391, %gather3A_478 : vector<16xf32>
      %mul3A_1395 = arith.constant 1.000000e-01 : f32
      %mul3A_1396 = vector.broadcast %mul3A_1395 : f32 to vector<16xf32>
      %mul3A_1397 = arith.mulf %add3A_1394, %mul3A_1396 : vector<16xf32>
      %mul3A_1398 = arith.mulf %add3A_1393, %select_n3A_1292 : vector<16xf32>
      %select_n3A_1399 = arith.select %eq3A_1290, %mul3A_1397, %mul3A_1398 : vector<16xi1>, vector<16xf32>
      %add3A_1400 = arith.addf %add3A_1364, %select_n3A_1399 : vector<16xf32>
      %mul3A_1401 = arith.mulf %gather3A_239, %gather3A_219 : vector<16xf32>
      %add3A_1402 = arith.addf %broadcast_in_dim3A_530, %mul3A_1401 : vector<16xf32>
      %add3A_1403 = arith.addf %broadcast_in_dim3A_530, %gather3A_239 : vector<16xf32>
      %mul3A_1404 = arith.mulf %gather3A_266, %gather3A_246 : vector<16xf32>
      %add3A_1405 = arith.addf %add3A_1402, %mul3A_1404 : vector<16xf32>
      %add3A_1406 = arith.addf %add3A_1403, %gather3A_266 : vector<16xf32>
      %mul3A_1407 = arith.mulf %gather3A_293, %gather3A_273 : vector<16xf32>
      %add3A_1408 = arith.addf %add3A_1405, %mul3A_1407 : vector<16xf32>
      %add3A_1409 = arith.addf %add3A_1406, %gather3A_293 : vector<16xf32>
      %mul3A_1410 = arith.mulf %gather3A_320, %gather3A_300 : vector<16xf32>
      %add3A_1411 = arith.addf %add3A_1408, %mul3A_1410 : vector<16xf32>
      %add3A_1412 = arith.addf %add3A_1409, %gather3A_320 : vector<16xf32>
      %mul3A_1413 = arith.mulf %gather3A_347, %gather3A_327 : vector<16xf32>
      %add3A_1414 = arith.addf %add3A_1411, %mul3A_1413 : vector<16xf32>
      %add3A_1415 = arith.addf %add3A_1412, %gather3A_347 : vector<16xf32>
      %mul3A_1416 = arith.mulf %gather3A_374, %gather3A_354 : vector<16xf32>
      %add3A_1417 = arith.addf %add3A_1414, %mul3A_1416 : vector<16xf32>
      %add3A_1418 = arith.addf %add3A_1415, %gather3A_374 : vector<16xf32>
      %mul3A_1419 = arith.mulf %gather3A_401, %gather3A_381 : vector<16xf32>
      %add3A_1420 = arith.addf %add3A_1417, %mul3A_1419 : vector<16xf32>
      %add3A_1421 = arith.addf %add3A_1418, %gather3A_401 : vector<16xf32>
      %mul3A_1422 = arith.mulf %gather3A_428, %gather3A_408 : vector<16xf32>
      %add3A_1423 = arith.addf %add3A_1420, %mul3A_1422 : vector<16xf32>
      %add3A_1424 = arith.addf %add3A_1421, %gather3A_428 : vector<16xf32>
      %mul3A_1425 = arith.mulf %gather3A_455, %gather3A_435 : vector<16xf32>
      %add3A_1426 = arith.addf %add3A_1423, %mul3A_1425 : vector<16xf32>
      %add3A_1427 = arith.addf %add3A_1424, %gather3A_455 : vector<16xf32>
      %mul3A_1428 = arith.mulf %gather3A_482, %gather3A_462 : vector<16xf32>
      %add3A_1429 = arith.addf %add3A_1426, %mul3A_1428 : vector<16xf32>
      %add3A_1430 = arith.addf %add3A_1427, %gather3A_482 : vector<16xf32>
      %mul3A_1431 = arith.constant 1.000000e-01 : f32
      %mul3A_1432 = vector.broadcast %mul3A_1431 : f32 to vector<16xf32>
      %mul3A_1433 = arith.mulf %add3A_1430, %mul3A_1432 : vector<16xf32>
      %mul3A_1434 = arith.mulf %add3A_1429, %select_n3A_1292 : vector<16xf32>
      %select_n3A_1435 = arith.select %eq3A_1290, %mul3A_1433, %mul3A_1434 : vector<16xi1>, vector<16xf32>
      %add3A_1436 = arith.addf %add3A_1400, %select_n3A_1435 : vector<16xf32>
      %div3A_1437 = arith.divf %broadcast_in_dim3A_528, %add3A_1436 : vector<16xf32>
      %mul3A_1438 = arith.constant 16 : i32
      %mul3A_1439 = arith.muli %scan3A_163, %mul3A_1438 : i32
      %swap3A = arith.index_cast %mul3A_1439 : i32 to index
      %swap3A_1440 = tpu.vector_load %arg16[%swap3A] {strides = array<i32>} : memref<400xf32, #tpu.memory_space<vmem>>, vector<16xf32>,
      tpu.vector_store %arg16[%swap3A], %div3A {strides = array<i32>} : memref<400xf32, #tpu.memory_space<vmem>>, vector<16xf32>,
      %mul3A_1441 = arith.mulf %select_n3A_1327, %div3A_1437 : vector<16xf32>
      %add3A_1442 = arith.constant 0 : i32
      %add3A_1443 = arith.addi %add3A_1442, %scan3A_163 : i32
      %mul3A_1444 = arith.constant 16 : i32
      %mul3A_1445 = arith.muli %add3A_1443, %mul3A_1444 : i32
      %swap3A_1446 = arith.index_cast %mul3A_1445 : i32 to index
      %swap3A_1447 = tpu.vector_load %arg17[%swap3A_1446] {strides = array<i32>} : memref<1600xf32, #tpu.memory_space<vmem>>, vector<16xf32>,
      tpu.vector_store %arg17[%swap3A_1446], %mul3A_1441 {strides = array<i32>} : memref<1600xf32, #tpu.memory_space<vmem>>, vector<16xf32>,
      %mul3A_1448 = arith.mulf %select_n3A_1363, %div3A_1437 : vector<16xf32>
      %add3A_1449 = arith.constant 25 : i32
      %add3A_1450 = arith.addi %add3A_1449, %scan3A_163 : i32
      %mul3A_1451 = arith.constant 16 : i32
      %mul3A_1452 = arith.muli %add3A_1450, %mul3A_1451 : i32
      %swap3A_1453 = arith.index_cast %mul3A_1452 : i32 to index
      %swap3A_1454 = tpu.vector_load %arg17[%swap3A_1453] {strides = array<i32>} : memref<1600xf32, #tpu.memory_space<vmem>>, vector<16xf32>,
      tpu.vector_store %arg17[%swap3A_1453], %mul3A_1448 {strides = array<i32>} : memref<1600xf32, #tpu.memory_space<vmem>>, vector<16xf32>,
      %mul3A_1455 = arith.mulf %select_n3A_1399, %div3A_1437 : vector<16xf32>
      %add3A_1456 = arith.constant 50 : i32
      %add3A_1457 = arith.addi %add3A_1456, %scan3A_163 : i32
      %mul3A_1458 = arith.constant 16 : i32
      %mul3A_1459 = arith.muli %add3A_1457, %mul3A_1458 : i32
      %swap3A_1460 = arith.index_cast %mul3A_1459 : i32 to index
      %swap3A_1461 = tpu.vector_load %arg17[%swap3A_1460] {strides = array<i32>} : memref<1600xf32, #tpu.memory_space<vmem>>, vector<16xf32>,
      tpu.vector_store %arg17[%swap3A_1460], %mul3A_1455 {strides = array<i32>} : memref<1600xf32, #tpu.memory_space<vmem>>, vector<16xf32>,
      %mul3A_1462 = arith.mulf %select_n3A_1435, %div3A_1437 : vector<16xf32>
      %add3A_1463 = arith.constant 75 : i32
      %add3A_1464 = arith.addi %add3A_1463, %scan3A_163 : i32
      %mul3A_1465 = arith.constant 16 : i32
      %mul3A_1466 = arith.muli %add3A_1464, %mul3A_1465 : i32
      %swap3A_1467 = arith.index_cast %mul3A_1466 : i32 to index
      %swap3A_1468 = tpu.vector_load %arg17[%swap3A_1467] {strides = array<i32>} : memref<1600xf32, #tpu.memory_space<vmem>>, vector<16xf32>,
      tpu.vector_store %arg17[%swap3A_1467], %mul3A_1462 {strides = array<i32>} : memref<1600xf32, #tpu.memory_space<vmem>>, vector<16xf32>,
    }
    %scan3A_134 = arith.constant 25 : i32
    %mul3A_135 = arith.constant 25 : i32
    %mul3A_136 = arith.muli %add3A_90, %mul3A_135 : i32
    %mul3A_137 = arith.constant 16 : i32
    %mul3A_138 = arith.muli %mul3A_136, %mul3A_137 : i32
    "tpu.region"() ({
      %run_scoped3A = tpu.sem_alloc : memref<!tpu.dma_semaphore, #tpu.memory_space<semaphore_mem>>
      %dma_start3A = tpu.memref_slice %arg7[%mul3A_138] : memref<25600xf32, #tpu.memory_space<hbm>> -> memref<400xf32, #tpu.memory_space<hbm>>
      %dma_start3A_163 = tpu.memref_slice %arg7[%mul3A_138] : memref<25600xf32, #tpu.memory_space<hbm>> -> memref<400xf32, #tpu.memory_space<hbm>>
      tpu.enqueue_dma source(%arg16 : memref<400xf32, #tpu.memory_space<vmem>>) target(%dma_start3A_163 : memref<400xf32, #tpu.memory_space<hbm>>) target_semaphore(%run_scoped3A : memref<!tpu.dma_semaphore, #tpu.memory_space<semaphore_mem>>)
      %dma_wait3A = tpu.memref_slice %arg7[%mul3A_138] : memref<25600xf32, #tpu.memory_space<hbm>> -> memref<400xf32, #tpu.memory_space<hbm>>
      %dma_wait3A_164 = tpu.memref_slice %arg7[%mul3A_138] : memref<25600xf32, #tpu.memory_space<hbm>> -> memref<400xf32, #tpu.memory_space<hbm>>
      tpu.wait_dma2 semaphore(%run_scoped3A : memref<!tpu.dma_semaphore, #tpu.memory_space<semaphore_mem>>) src(%arg16 : memref<400xf32, #tpu.memory_space<vmem>>) dst(%dma_wait3A_164 : memref<400xf32, #tpu.memory_space<hbm>>)
      tpu.yield
    }) : () -> ()
    %add3A_139 = arith.constant 0 : i32
    %add3A_140 = arith.addi %add3A_139, %add3A_90 : i32
    %mul3A_141 = arith.constant 25 : i32
    %mul3A_142 = arith.muli %add3A_140, %mul3A_141 : i32
    %mul3A_143 = arith.constant 16 : i32
    %mul3A_144 = arith.muli %mul3A_142, %mul3A_143 : i32
    "tpu.region"() ({
      %run_scoped3A = tpu.sem_alloc : memref<!tpu.dma_semaphore, #tpu.memory_space<semaphore_mem>>
      %dma_start3A = arith.constant 0 : i32
      %dma_start3A_163 = tpu.memref_slice %arg17[%dma_start3A] : memref<1600xf32, #tpu.memory_space<vmem>> -> memref<400xf32, #tpu.memory_space<vmem>>
      %dma_start3A_164 = tpu.memref_slice %arg8[%mul3A_144] : memref<102400xf32, #tpu.memory_space<hbm>> -> memref<400xf32, #tpu.memory_space<hbm>>
      %dma_start3A_165 = tpu.memref_slice %arg8[%mul3A_144] : memref<102400xf32, #tpu.memory_space<hbm>> -> memref<400xf32, #tpu.memory_space<hbm>>
      %dma_start3A_166 = arith.constant 0 : i32
      %dma_start3A_167 = tpu.memref_slice %arg17[%dma_start3A_166] : memref<1600xf32, #tpu.memory_space<vmem>> -> memref<400xf32, #tpu.memory_space<vmem>>
      tpu.enqueue_dma source(%dma_start3A_167 : memref<400xf32, #tpu.memory_space<vmem>>) target(%dma_start3A_165 : memref<400xf32, #tpu.memory_space<hbm>>) target_semaphore(%run_scoped3A : memref<!tpu.dma_semaphore, #tpu.memory_space<semaphore_mem>>)
      %dma_wait3A = arith.constant 0 : i32
      %dma_wait3A_168 = tpu.memref_slice %arg17[%dma_wait3A] : memref<1600xf32, #tpu.memory_space<vmem>> -> memref<400xf32, #tpu.memory_space<vmem>>
      %dma_wait3A_169 = tpu.memref_slice %arg8[%mul3A_144] : memref<102400xf32, #tpu.memory_space<hbm>> -> memref<400xf32, #tpu.memory_space<hbm>>
      %dma_wait3A_170 = tpu.memref_slice %arg8[%mul3A_144] : memref<102400xf32, #tpu.memory_space<hbm>> -> memref<400xf32, #tpu.memory_space<hbm>>
      %dma_wait3A_171 = arith.constant 0 : i32
      %dma_wait3A_172 = tpu.memref_slice %arg17[%dma_wait3A_171] : memref<1600xf32, #tpu.memory_space<vmem>> -> memref<400xf32, #tpu.memory_space<vmem>>
      tpu.wait_dma2 semaphore(%run_scoped3A : memref<!tpu.dma_semaphore, #tpu.memory_space<semaphore_mem>>) src(%dma_wait3A_172 : memref<400xf32, #tpu.memory_space<vmem>>) dst(%dma_wait3A_170 : memref<400xf32, #tpu.memory_space<hbm>>)
      tpu.yield
    }) : () -> ()
    %add3A_145 = arith.constant 64 : i32
    %add3A_146 = arith.addi %add3A_145, %add3A_90 : i32
    %mul3A_147 = arith.constant 25 : i32
    %mul3A_148 = arith.muli %add3A_146, %mul3A_147 : i32
    %mul3A_149 = arith.constant 16 : i32
    %mul3A_150 = arith.muli %mul3A_148, %mul3A_149 : i32
    "tpu.region"() ({
      %run_scoped3A = tpu.sem_alloc : memref<!tpu.dma_semaphore, #tpu.memory_space<semaphore_mem>>
      %dma_start3A = arith.constant 400 : i32
      %dma_start3A_163 = tpu.memref_slice %arg17[%dma_start3A] : memref<1600xf32, #tpu.memory_space<vmem>> -> memref<400xf32, #tpu.memory_space<vmem>>
      %dma_start3A_164 = tpu.memref_slice %arg8[%mul3A_150] : memref<102400xf32, #tpu.memory_space<hbm>> -> memref<400xf32, #tpu.memory_space<hbm>>
      %dma_start3A_165 = tpu.memref_slice %arg8[%mul3A_150] : memref<102400xf32, #tpu.memory_space<hbm>> -> memref<400xf32, #tpu.memory_space<hbm>>
      %dma_start3A_166 = arith.constant 400 : i32
      %dma_start3A_167 = tpu.memref_slice %arg17[%dma_start3A_166] : memref<1600xf32, #tpu.memory_space<vmem>> -> memref<400xf32, #tpu.memory_space<vmem>>
      tpu.enqueue_dma source(%dma_start3A_167 : memref<400xf32, #tpu.memory_space<vmem>>) target(%dma_start3A_165 : memref<400xf32, #tpu.memory_space<hbm>>) target_semaphore(%run_scoped3A : memref<!tpu.dma_semaphore, #tpu.memory_space<semaphore_mem>>)
      %dma_wait3A = arith.constant 400 : i32
      %dma_wait3A_168 = tpu.memref_slice %arg17[%dma_wait3A] : memref<1600xf32, #tpu.memory_space<vmem>> -> memref<400xf32, #tpu.memory_space<vmem>>
      %dma_wait3A_169 = tpu.memref_slice %arg8[%mul3A_150] : memref<102400xf32, #tpu.memory_space<hbm>> -> memref<400xf32, #tpu.memory_space<hbm>>
      %dma_wait3A_170 = tpu.memref_slice %arg8[%mul3A_150] : memref<102400xf32, #tpu.memory_space<hbm>> -> memref<400xf32, #tpu.memory_space<hbm>>
      %dma_wait3A_171 = arith.constant 400 : i32
      %dma_wait3A_172 = tpu.memref_slice %arg17[%dma_wait3A_171] : memref<1600xf32, #tpu.memory_space<vmem>> -> memref<400xf32, #tpu.memory_space<vmem>>
      tpu.wait_dma2 semaphore(%run_scoped3A : memref<!tpu.dma_semaphore, #tpu.memory_space<semaphore_mem>>) src(%dma_wait3A_172 : memref<400xf32, #tpu.memory_space<vmem>>) dst(%dma_wait3A_170 : memref<400xf32, #tpu.memory_space<hbm>>)
      tpu.yield
    }) : () -> ()
    %add3A_151 = arith.constant 128 : i32
    %add3A_152 = arith.addi %add3A_151, %add3A_90 : i32
    %mul3A_153 = arith.constant 25 : i32
    %mul3A_154 = arith.muli %add3A_152, %mul3A_153 : i32
    %mul3A_155 = arith.constant 16 : i32
    %mul3A_156 = arith.muli %mul3A_154, %mul3A_155 : i32
    "tpu.region"() ({
      %run_scoped3A = tpu.sem_alloc : memref<!tpu.dma_semaphore, #tpu.memory_space<semaphore_mem>>
      %dma_start3A = arith.constant 800 : i32
      %dma_start3A_163 = tpu.memref_slice %arg17[%dma_start3A] : memref<1600xf32, #tpu.memory_space<vmem>> -> memref<400xf32, #tpu.memory_space<vmem>>
      %dma_start3A_164 = tpu.memref_slice %arg8[%mul3A_156] : memref<102400xf32, #tpu.memory_space<hbm>> -> memref<400xf32, #tpu.memory_space<hbm>>
      %dma_start3A_165 = tpu.memref_slice %arg8[%mul3A_156] : memref<102400xf32, #tpu.memory_space<hbm>> -> memref<400xf32, #tpu.memory_space<hbm>>
      %dma_start3A_166 = arith.constant 800 : i32
      %dma_start3A_167 = tpu.memref_slice %arg17[%dma_start3A_166] : memref<1600xf32, #tpu.memory_space<vmem>> -> memref<400xf32, #tpu.memory_space<vmem>>
      tpu.enqueue_dma source(%dma_start3A_167 : memref<400xf32, #tpu.memory_space<vmem>>) target(%dma_start3A_165 : memref<400xf32, #tpu.memory_space<hbm>>) target_semaphore(%run_scoped3A : memref<!tpu.dma_semaphore, #tpu.memory_space<semaphore_mem>>)
      %dma_wait3A = arith.constant 800 : i32
      %dma_wait3A_168 = tpu.memref_slice %arg17[%dma_wait3A] : memref<1600xf32, #tpu.memory_space<vmem>> -> memref<400xf32, #tpu.memory_space<vmem>>
      %dma_wait3A_169 = tpu.memref_slice %arg8[%mul3A_156] : memref<102400xf32, #tpu.memory_space<hbm>> -> memref<400xf32, #tpu.memory_space<hbm>>
      %dma_wait3A_170 = tpu.memref_slice %arg8[%mul3A_156] : memref<102400xf32, #tpu.memory_space<hbm>> -> memref<400xf32, #tpu.memory_space<hbm>>
      %dma_wait3A_171 = arith.constant 800 : i32
      %dma_wait3A_172 = tpu.memref_slice %arg17[%dma_wait3A_171] : memref<1600xf32, #tpu.memory_space<vmem>> -> memref<400xf32, #tpu.memory_space<vmem>>
      tpu.wait_dma2 semaphore(%run_scoped3A : memref<!tpu.dma_semaphore, #tpu.memory_space<semaphore_mem>>) src(%dma_wait3A_172 : memref<400xf32, #tpu.memory_space<vmem>>) dst(%dma_wait3A_170 : memref<400xf32, #tpu.memory_space<hbm>>)
      tpu.yield
    }) : () -> ()
    %add3A_157 = arith.constant 192 : i32
    %add3A_158 = arith.addi %add3A_157, %add3A_90 : i32
    %mul3A_159 = arith.constant 25 : i32
    %mul3A_160 = arith.muli %add3A_158, %mul3A_159 : i32
    %mul3A_161 = arith.constant 16 : i32
    %mul3A_162 = arith.muli %mul3A_160, %mul3A_161 : i32
    "tpu.region"() ({
      %run_scoped3A = tpu.sem_alloc : memref<!tpu.dma_semaphore, #tpu.memory_space<semaphore_mem>>
      %dma_start3A = arith.constant 1200 : i32
      %dma_start3A_163 = tpu.memref_slice %arg17[%dma_start3A] : memref<1600xf32, #tpu.memory_space<vmem>> -> memref<400xf32, #tpu.memory_space<vmem>>
      %dma_start3A_164 = tpu.memref_slice %arg8[%mul3A_162] : memref<102400xf32, #tpu.memory_space<hbm>> -> memref<400xf32, #tpu.memory_space<hbm>>
      %dma_start3A_165 = tpu.memref_slice %arg8[%mul3A_162] : memref<102400xf32, #tpu.memory_space<hbm>> -> memref<400xf32, #tpu.memory_space<hbm>>
      %dma_start3A_166 = arith.constant 1200 : i32
      %dma_start3A_167 = tpu.memref_slice %arg17[%dma_start3A_166] : memref<1600xf32, #tpu.memory_space<vmem>> -> memref<400xf32, #tpu.memory_space<vmem>>
      tpu.enqueue_dma source(%dma_start3A_167 : memref<400xf32, #tpu.memory_space<vmem>>) target(%dma_start3A_165 : memref<400xf32, #tpu.memory_space<hbm>>) target_semaphore(%run_scoped3A : memref<!tpu.dma_semaphore, #tpu.memory_space<semaphore_mem>>)
      %dma_wait3A = arith.constant 1200 : i32
      %dma_wait3A_168 = tpu.memref_slice %arg17[%dma_wait3A] : memref<1600xf32, #tpu.memory_space<vmem>> -> memref<400xf32, #tpu.memory_space<vmem>>
      %dma_wait3A_169 = tpu.memref_slice %arg8[%mul3A_162] : memref<102400xf32, #tpu.memory_space<hbm>> -> memref<400xf32, #tpu.memory_space<hbm>>
      %dma_wait3A_170 = tpu.memref_slice %arg8[%mul3A_162] : memref<102400xf32, #tpu.memory_space<hbm>> -> memref<400xf32, #tpu.memory_space<hbm>>
      %dma_wait3A_171 = arith.constant 1200 : i32
      %dma_wait3A_172 = tpu.memref_slice %arg17[%dma_wait3A_171] : memref<1600xf32, #tpu.memory_space<vmem>> -> memref<400xf32, #tpu.memory_space<vmem>>
      tpu.wait_dma2 semaphore(%run_scoped3A : memref<!tpu.dma_semaphore, #tpu.memory_space<semaphore_mem>>) src(%dma_wait3A_172 : memref<400xf32, #tpu.memory_space<vmem>>) dst(%dma_wait3A_170 : memref<400xf32, #tpu.memory_space<hbm>>)
      tpu.yield
    }) : () -> ()
    return
  }
}

module attributes {stable_mosaic.version = 14 : i64} {
  func.func @_tc_final(%arg0: memref<200x128xf32, #tpu.memory_space<vmem>>, %arg1: memref<4x200x128xf32, #tpu.memory_space<vmem>>, %arg2: memref<1x1xf32, #tpu.memory_space<vmem>>) attributes {dimension_semantics = [], scalar_prefetch = 0 : i64, scratch_operands = 0 : i64, tpu.core_type = #tpu.core_type<tc>} {
    %get3A = arith.constant 0 : index
    %get3A_0 = arith.constant 0 : index
    %get3A_1 = vector.load %arg0[%get3A, %get3A_0] : memref<200x128xf32, #tpu.memory_space<vmem>>, vector<200x128xf32>
    %log3A = math.log %get3A_1 : vector<200x128xf32>
    %broadcast_in_dim3A = arith.constant 0.000000e+00 : f32
    %broadcast_in_dim3A_2 = vector.broadcast %broadcast_in_dim3A : f32 to vector<200x128xf32>
    %get3A_3 = arith.constant 0 : index
    %get3A_4 = arith.constant 0 : index
    %get3A_5 = arith.constant 0 : index
    %get3A_6 = vector.load %arg1[%get3A_3, %get3A_4, %get3A_5] : memref<4x200x128xf32, #tpu.memory_space<vmem>>, vector<1x200x128xf32>
    %get3A_7 = vector.shape_cast %get3A_6 : vector<1x200x128xf32> to vector<200x128xf32>
    %log3A_8 = math.log %get3A_7 : vector<200x128xf32>
    %mul3A = arith.mulf %get3A_7, %log3A_8 : vector<200x128xf32>
    %sub3A = arith.subf %broadcast_in_dim3A_2, %mul3A : vector<200x128xf32>
    %get3A_9 = arith.constant 1 : index
    %get3A_10 = arith.constant 0 : index
    %get3A_11 = arith.constant 0 : index
    %get3A_12 = vector.load %arg1[%get3A_9, %get3A_10, %get3A_11] : memref<4x200x128xf32, #tpu.memory_space<vmem>>, vector<1x200x128xf32>
    %get3A_13 = vector.shape_cast %get3A_12 : vector<1x200x128xf32> to vector<200x128xf32>
    %log3A_14 = math.log %get3A_13 : vector<200x128xf32>
    %mul3A_15 = arith.mulf %get3A_13, %log3A_14 : vector<200x128xf32>
    %sub3A_16 = arith.subf %sub3A, %mul3A_15 : vector<200x128xf32>
    %get3A_17 = arith.constant 2 : index
    %get3A_18 = arith.constant 0 : index
    %get3A_19 = arith.constant 0 : index
    %get3A_20 = vector.load %arg1[%get3A_17, %get3A_18, %get3A_19] : memref<4x200x128xf32, #tpu.memory_space<vmem>>, vector<1x200x128xf32>
    %get3A_21 = vector.shape_cast %get3A_20 : vector<1x200x128xf32> to vector<200x128xf32>
    %log3A_22 = math.log %get3A_21 : vector<200x128xf32>
    %mul3A_23 = arith.mulf %get3A_21, %log3A_22 : vector<200x128xf32>
    %sub3A_24 = arith.subf %sub3A_16, %mul3A_23 : vector<200x128xf32>
    %get3A_25 = arith.constant 3 : index
    %get3A_26 = arith.constant 0 : index
    %get3A_27 = arith.constant 0 : index
    %get3A_28 = vector.load %arg1[%get3A_25, %get3A_26, %get3A_27] : memref<4x200x128xf32, #tpu.memory_space<vmem>>, vector<1x200x128xf32>
    %get3A_29 = vector.shape_cast %get3A_28 : vector<1x200x128xf32> to vector<200x128xf32>
    %log3A_30 = math.log %get3A_29 : vector<200x128xf32>
    %mul3A_31 = arith.mulf %get3A_29, %log3A_30 : vector<200x128xf32>
    %sub3A_32 = arith.subf %sub3A_24, %mul3A_31 : vector<200x128xf32>
    %mul3A_33 = arith.mulf %log3A, %sub3A_32 : vector<200x128xf32>
    %reduce_sum3A = vector.shape_cast %mul3A_33 : vector<200x128xf32> to vector<1x200x128xf32>
    %reduce_sum3A_34 = arith.constant dense<0.000000e+00> : vector<1xf32>
    %reduce_sum3A_35 = vector.multi_reduction <add>, %reduce_sum3A, %reduce_sum3A_34 [1, 2] : vector<1x200x128xf32> to vector<1xf32>
    %reduce_sum3A_36 = vector.shape_cast %reduce_sum3A_35 : vector<1xf32> to vector<1x1x1xf32>
    %reduce_sum3A_37 = vector.extract %reduce_sum3A_36[0, 0, 0] : f32 from vector<1x1x1xf32>
    %reshape3A = vector.broadcast %reduce_sum3A_37 : f32 to vector<1x1xf32>
    %mul3A_38 = arith.constant -3.906250e-05 : f32
    %mul3A_39 = vector.broadcast %mul3A_38 : f32 to vector<1x1xf32>
    %mul3A_40 = arith.mulf %reshape3A, %mul3A_39 : vector<1x1xf32>
    %swap3A = arith.constant 0 : index
    %swap3A_41 = arith.constant 0 : index
    %swap3A_42 = vector.load %arg2[%swap3A, %swap3A_41] : memref<1x1xf32, #tpu.memory_space<vmem>>, vector<1x1xf32>
    tpu.vector_store %arg2[%swap3A, %swap3A_41], %mul3A_40 {strides = array<i32>} : memref<1x1xf32, #tpu.memory_space<vmem>>, vector<1x1xf32>,
    return
  }
}

</mosaic_0001>

<sc_bundles>
// kernel: kernel.6.cloned.1.call-start
scs
__scs_entry_jumppad:
0x0: {  	(pc) =	sbr.rel $0x88, $3  }
0x1: {  	(tag) =	ssettag $0x0;
	lr =	simm.s32 $0x1  }
0x2: {  	[smem:$0x3F9E] =	sst lr;
	_ =	strace $0xD0000000  }
0x3: {  	_ = 	snop  }
0x4: {  	_ = 	snop  }
0x5: {  	_ = 	snop  }
0x6: {  	_ = 	snop  }
0x7: {  	_ = 	snop  }
__scs_overlays_trampoline_lowered:
0x8: {  	[smem:$0x3FAD] =	sst s0  }
0x9: {  	[smem:$0x3FAE] =	sst s1  }
0xa: {  	[smem:$0x3FAF] =	sst s2  }
0xb: {  	[smem:$0x3FB0] =	sst s3  }
0xc: {  	[smem:$0x3FB1] =	sst s4  }
0xd: {  	[smem:$0x3FB2] =	sst s5  }
0xe: {  	[smem:$0x3FB3] =	sst s6  }
0xf: {  	[smem:$0x3FB4] =	sst s7  }
0x10: {  	[smem:$0x3FB5] =	sst s8  }
0x11: {  	[smem:$0x3FB6] =	sst s9;
	s0 =	simm.s32 @!p0 $0x0  }
0x12: {  	s1 =	sld [smem:$0x3F9C];
	s0 =	simm.s32 @p0 $0x1  }
0x13: {  	[smem:$0x3FB7] =	sst s0;
	s0 =	simm.s32 @!p1 $0x0  }
0x14: {  	s2 =	sld [smem:$0x3F9B];
	s0 =	simm.s32 @p1 $0x1  }
0x15: {  	[smem:$0x3FB8] =	sst s0;
	s0 =	simm.s32 @!p2 $0x0  }
0x16: {  	s3 =	sld [smem:$0x3FDB];
	s0 =	simm.s32 @p2 $0x1  }
0x17: {  	s4 =	simm.s32 $0x1BF5;
	[smem:$0x3FBA] =	sst s0  }
0x18: {  	s0 =	sld [smem:$0x3F9D];
	_ =	swait.ge [sflag:s4], $0x0  }
0x19: {  	s7 =	sld [smem:$0x3F9E]  }
0x1a: {  	s8 =	sadd.s32 $0xFFFFE003, lr  }
0x1b: {  	s9 =	sadd.s32 $0xFFFFFEF7, lr;
	s5 =	simm.s32 $0xFFFFFFFF;
	p2 =	slt.u32 s8, $0xFFFFF086  }
0x1c: {  	p1 =	slt.u32 s9, $0xF7A;
	s5 =	simm.s32 @!p2 $0x0  }
0x1d: {  	s5 =	simm.s32 @p1 $0x1;
	p0 =	seq.s32 s7, s2  }
0x1e: {  	s7 =	smul.u32 @!p0 $0xF7A, s2;
	p2 =	seq.s32 @!p0 s5, $0x0  }
0x1f: {  	s9 =	smul.u32 $0xF7A, s1;
	s8 =	simm.s32 @!p0 $0x1BF5;
	p2 =	por !p2, p0  }
0x20: {  	[sflag:s8] =	ssyncset.s32 @!p0 $0xFFFFF086;
	s6 =	sadd.s32 @!p0 s3, s7;
	s7 =	simm.s32 @!p0 $0x108  }
0x21: {  	s3 =	sadd.s32 s3, s9;
	s6 =	sadd.s32 @!p0 $0x88, s6;
	s7 =	simm.s32 @p2 $0x1082  }
0x22: {  	[simem:s7], [sflag:s8] =	dma.local @!p0 [hbm:s6], $0xF7A  }
0x23: {  	s9 =	sor.u32 $0xD0000000, s2;
	s6 =	simm.s32 $0x108;
	_ =	swait.ge @!p0 [sflag:s8], $0x0  }
0x24: {  	s3 =	sadd.s32 $0x88, s3;
	s6 =	simm.s32 @!p1 $0x1082;
	[sflag:s4] =	ssyncset.s32 $0xFFFFF086  }
0x25: {  	[simem:s6], [sflag:s4] =	dma.local [hbm:s3], $0xF7A  }
0x26: {  	[smem:$0x3F9E] =	sst s1;
	(tag) =	ssettag s2;
	_ =	strace s9  }
0x27: {  	s1 =	sld [smem:$0x3FAE]  }
0x28: {  	s2 =	sld [smem:$0x3FAF]  }
0x29: {  	s4 =	sld [smem:$0x3FB1]  }
0x2a: {  	p0 =	seq.s32 s5, $0x0;
	s5 =	sld [smem:$0x3FB2]  }
0x2b: {  	s6 =	sld [smem:$0x3FB3]  }
0x2c: {  	s7 =	sld [smem:$0x3FB4]  }
0x2d: {  	s3 =	simm.s32 $0x108;
	s8 =	sld [smem:$0x3FB5]  }
0x2e: {  	s3 =	simm.s32 @!p0 $0x1082;
	s9 =	sld [smem:$0x3FB6]  }
0x2f: {  	lr =	sadd.s32 s0, s3;
	s0 =	sld [smem:$0x3FAD]  }
0x30: {  	s3 =	sld [smem:$0x3FB0]  }
0x31: {  	[smem:$0x3FB9] =	sst s10  }
0x32: {  	s10 =	sld [smem:$0x3FB7];
	_ =	sdelay $0x3  }
0x33: {  	p0 =	seq.s32 s10, $0x1;
	s10 =	sld [smem:$0x3FB9];
	_ =	sdelay $0x3  }
0x34: {  	[smem:$0x3FB9] =	sst s10  }
0x35: {  	s10 =	sld [smem:$0x3FB8];
	_ =	sdelay $0x3  }
0x36: {  	p1 =	seq.s32 s10, $0x1;
	s10 =	sld [smem:$0x3FB9];
	_ =	sdelay $0x3  }
0x37: {  	[smem:$0x3FB9] =	sst s10  }
0x38: {  	s10 =	sld [smem:$0x3FBA]  }
0x39: {  	_ = 	snop;
	(pc) =	sbr.ind lr, $3  }
0x3a: {  	_ = 	snop  }
0x3b: {  	_ = 	snop  }
0x3c: {  	p2 =	seq.s32 s10, $0x1;
	s10 =	sld [smem:$0x3FB9]  }
0x3d: {  	_ =	shalt  }
0x3e: {  	_ =	shalt  }
0x3f: {  	_ =	shalt  }
0x40: {  	_ =	shalt  }
0x41: {  	_ =	shalt  }
0x42: {  	_ =	shalt  }
0x43: {  	_ =	shalt  }
0x44: {  	_ =	shalt  }
0x45: {  	_ =	shalt  }
0x46: {  	_ =	shalt  }
0x47: {  	_ =	shalt  }
0x48: {  	_ =	shalt  }
0x49: {  	_ =	shalt  }
0x4a: {  	_ =	shalt  }
0x4b: {  	_ =	shalt  }
0x4c: {  	_ =	shalt  }
0x4d: {  	_ =	shalt  }
0x4e: {  	_ =	shalt  }
0x4f: {  	_ =	shalt  }
0x50: {  	_ =	shalt  }
0x51: {  	_ =	shalt  }
0x52: {  	_ =	shalt  }
0x53: {  	_ =	shalt  }
0x54: {  	_ =	shalt  }
0x55: {  	_ =	shalt  }
0x56: {  	_ =	shalt  }
0x57: {  	_ =	shalt  }
0x58: {  	_ =	shalt  }
0x59: {  	_ =	shalt  }
0x5a: {  	_ =	shalt  }
0x5b: {  	_ =	shalt  }
0x5c: {  	_ =	shalt  }
0x5d: {  	_ =	shalt  }
0x5e: {  	_ =	shalt  }
0x5f: {  	_ =	shalt  }
0x60: {  	_ =	shalt  }
0x61: {  	_ =	shalt  }
0x62: {  	_ =	shalt  }
0x63: {  	_ =	shalt  }
0x64: {  	_ =	shalt  }
0x65: {  	_ =	shalt  }
0x66: {  	_ =	shalt  }
0x67: {  	_ =	shalt  }
0x68: {  	_ =	shalt  }
0x69: {  	_ =	shalt  }
0x6a: {  	_ =	shalt  }
0x6b: {  	_ =	shalt  }
0x6c: {  	_ =	shalt  }
0x6d: {  	_ =	shalt  }
0x6e: {  	_ =	shalt  }
0x6f: {  	_ =	shalt  }
0x70: {  	_ =	shalt  }
0x71: {  	_ =	shalt  }
0x72: {  	_ =	shalt  }
0x73: {  	_ =	shalt  }
0x74: {  	_ =	shalt  }
0x75: {  	_ =	shalt  }
0x76: {  	_ =	shalt  }
0x77: {  	_ =	shalt  }
0x78: {  	_ =	shalt  }
0x79: {  	_ =	shalt  }
0x7a: {  	_ =	shalt  }
0x7b: {  	_ =	shalt  }
0x7c: {  	_ =	shalt  }
0x7d: {  	_ =	shalt  }
0x7e: {  	_ =	shalt  }
0x7f: {  	_ =	shalt  }
0x80: {  	_ =	shalt  }
0x81: {  	_ =	shalt  }
0x82: {  	_ =	shalt  }
0x83: {  	_ =	shalt  }
0x84: {  	_ =	shalt  }
0x85: {  	_ =	shalt  }
0x86: {  	_ =	shalt  }
0x87: {  	_ =	shalt  }
.Lfunc_end0:
.L_simem_size_0:
called_computation_lowered:
.L_overlay_start_0:
0x88: {  	s2 =	sld [smem:$0x3FD9]  }
0x89: {  	s3 =	sld [smem:$0x3FFE];
	_ =	sdelay $0x1  }
0x8a: {  	s1 =	srdreg.scid  }
0x8b: {  	s0 =	sand.u32 $0x1, s1  }
0x8c: {  	s16 =	sshll.u32 s0, $0xA;
	s2 =	sadd.s32 s3, s2  }
0x8d: {  	s2 =	sadd.s32 s2, s16  }
0x8e: {  	[smem:$0x3FC5] =	sst s2  }
0x8f: {  	_ = 	snop  }
0x90: {  	(tm) =	ssettm $0x1  }
0x91: {  	s17 =	sld [smem:$0x3FFB];
	_ =	sdelay $0x3  }
0x92: {  	_ =	strace s17  }
0x93: {  	s2 =	sld [smem:$0x3FFC];
	_ =	sdelay $0x3  }
0x94: {  	_ =	strace s2  }
0x95: {  	s2 =	sld [smem:$0x3FFD];
	_ =	sdelay $0x3  }
0x96: {  	_ =	strace s2  }
0x97: {  	_ =	strace $0x8FFFFFFF  }
0x98: {  	s18 =	sld [smem:$0x3FDB];
	_ =	sdelay $0x1  }
0x99: {  	s19 =	simm.s32 $_scs_section_size  }
0x9a: {  	s4 =	simm.s32 $_size__tile_overlayer_lowered;
	s5 =	simm.s32 $_tile_overlayer_lowered  }
0x9b: {  	s22 =	simm.s32 $0x1BFF;
	s21 =	sshll.u32 s5, $0x1;
	s2 =	sadd.s32 s19, s18  }
0x9c: {  	s6 =	simm.s32 $0x0;
	s20 =	sshll.u32 s4, $0x1;
	s4 =	sadd.s32 s21, s2  }
0x9d: {  	[timem:s6], [sflag:s22] =	dma.local [hbm:s4], s20  }
0x9e: {  	_ =	swait.ge [sflag:s22], s20  }
0x9f: {  	s3 =	ssub.s32 $0x0, s20;
	[sflag:s22] =	ssyncset.done $0x0  }
0xa0: {  	[sflag:s22] =	ssyncadd.s32 s3;
	_ =	sdelay $0x1  }
0xa1: {  	s23 =	simm.s32 $0x1B8B  }
0xa2: {  	_ =	swait.ge [sflag:s23], $0x1  }
0xa3: {  	[sflag:s23] =	ssyncset.done $0x0  }
0xa4: {  	s25 =	simm.s32 $0x1B8E;
	s24 =	sld [smem:$0x3FFE];
	[sflag:s23] =	ssyncadd.s32 $0xFFFFFFFF  }
0xa5: {  	s26 =	simm.s32 $execute0_lowered;
	[smem:$0x3FD2] =	sst s25  }
0xa6: {  	s4 =	sshll.u32 s26, $0x1;
	_ =	strace $0x80000046;
	[dreg:$0x1] =	wrdreg $0xFFFFFFFF  }
0xa7: {  	s28 =	simm.s32 $_size_execute0_lowered;
	s2 =	sadd.s32 s2, s4;
	[dreg:$0x0] =	wrdreg $0x0  }
0xa8: {  	s4 =	sshll.u32 s28, $0x1;
	[dreg:$0x2] =	wrdreg s2  }
0xa9: {  	[dreg:$0x3] =	wrdreg s4  }
0xaa: {  	[dreg:$0x4] =	wrdreg $0xC0  }
0xab: {  	_ =	task [dreg:s6], $0x5FFFF  }
0xac: {  	[dreg:$0x1] =	wrdreg $0xFFFFFFFF  }
0xad: {  	[dreg:$0x0] =	wrdreg $0x60  }
0xae: {  	[dreg:$0x2] =	wrdreg s24  }
0xaf: {  	[dreg:$0x3] =	wrdreg $0x9  }
0xb0: {  	_ =	task.clear_ibuf [dreg:s6], $0x4FFFF;
	_ =	strace $0x90000046  }
0xb1: {  	s29 =	simm.s32 $0x9;
	_ =	strace $0x80000048  }
0xb2: {  	_ =	swait.ge [sflag:s29], $0x1  }
0xb3: {  	[sflag:s29] =	ssyncadd.s32 $0xFFFFFFFF  }
0xb4: {  	_ =	strace $0x90000048  }
0xb5: {  	_ =	sfence  }
0xb6: {  	s30 =	sld [smem:$0x0];
	_ =	sdelay $0x2  }
0xb7: {  	s31 =	sshll.u32 s1, $0xD;
	s1 =	sshrl.u32 s1, $0x2  }
0xb8: {  	s3 =	sand.u32 $0x4000, s31;
	s1 =	sadd.s32 s1, s30  }
0xb9: {  	s0 =	sor.u32 s3, s0;
	s1 =	sshll.u32 s1, $0x11  }
0xba: {  	s0 =	sor.u32 s1, s0  }
0xbb: {  	s0 =	sadd.s32 $0x8F2B, s0  }
0xbc: {  	[sflag:s0] =	ssyncadd.remote.s32 $0x1  }
0xbd: {  	_ =	sfence.sel $0xFFFF  }
0xbe: {  	[dreg:$0x0] =	wrdreg $0xFFFFFFFF;
	(pc) =	sbr.abs _section_cstart, $3  }
0xbf: {  	[dreg:$0x1] =	wrdreg $0xFFFFFFFF  }
0xc0: {  	_ =	task.clear_ibuf [dreg:s6], $0x2FFFF;
	_ =	strace $0x9FFFFFFF  }
0xc1: {  	(tm) =	ssettm $0x7FFFFFFF  }
tec
execute0_lowered:
.L_overlay_start_1:
0x0: {  	(tag) =	ssettag $0x1  }
0x1: {  	s4 =	srdreg.scid;
	s6 =	stileid.u32  }
0x2: {  	s0 =	rddreg [dreg:$0x0];
	s4 =	sand.u32 $0x1, s4;
	s6 =	sshll.u32 s6, $0x1  }
0x3: {  	s1 =	simm.s32 $0x0;
	s28 =	simm.s32 $0x19C80;
	s6 =	sor.u32 s4, s6  }
0x4: {  	s29 =	simm.s32 $0x6400;
	s30 =	simm.s32 $0x1900;
	s9 =	smul.u32 $0x320, s6  }
0x5: {  	[smem:$0x7FF] =	sst s1;
	s2 =	sadd.s32 $0x22600, s0;
	s11 =	smul.u32 $0xC80, s6  }
0x6: {  	s3 =	sadd.s32 $0x19F400, s0;
	s5 =	sadd.s32 $0x28A00, s0;
	s23 =	smul.u32 $0x3E8, s6  }
0x7: {  	s7 =	sadd.s32 $0x1C200, s0;
	s8 =	sadd.s32 $0x3200, s0;
	s24 =	smul.u32 $0x4E20, s6  }
0x8: {  	s18 =	sadd.s32 $0x33A00, s0;
	s25 =	smul.u32 $0x64, s6;
	s6 =	sshllo.u32 s6, $0x1  }
0x9: {  	s0 =	sadd.s32 $0x30800, s0;
	s4 =	ssub.s32 $0x2, s4;
	s13 =	smul.u32 $0x190, s6  }
0xa: {  	_ =	strace $0x80000047;
	s10 =	sshrl.u32 s4, $0x1;
	s15 =	smul.u32 $0x640, s6  }
0xb: {  	s4 =	ssub.s32 s4, s10;
	s16 =	smul.u32 $0x1F4, s6;
	s22 =	sadd.s32 s2, s9  }
0xc: {  	s31 =	smul.u32 $0x2710, s6;
	s12 =	sadd.s32 s7, s9;
	[dreg:$0x2] =	wrdreg s22  }
0xd: {  	v0 =	vlaneseq.u32;
	s6 =	smul.u32 $0x32, s6;
	s11 =	sadd.s32 s8, s11;
	[dreg:$0x3] =	wrdreg s12  }
0xe: {  	v2 =	vmul.u32 $0xFA, v0;
	v4 =	vmul.u32 $0x1388, v0;
	s10 =	sadd.s32 s5, s23;
	s9 =	sshrl.u32 s9, $0x3;
	[dreg:$0x4] =	wrdreg s11  }
0xf: {  	s26 =	sadd.s32 s18, s25;
	s23 =	smax.u32 s4, $0x1;
	[dreg:$0x5] =	wrdreg s10  }
0x10: {  	[tilespmem:$0x1FF80] =	vst v4;
	v4 =	vor.u32 $0x1, v2;
	s4 =	simm.s32 $0x1B330;
	s11 =	sadd.s32 s3, s24;
	[dreg:$0x7] =	wrdreg s26  }
0x11: {  	[tilespmem:$0x1FF90] =	vst v4;
	v4 =	vadd.s32 $0x2, v2;
	s22 =	sadd.s32 s0, s9;
	s9 =	sadd.s32 s0, s25;
	s12 =	sadd.s32 s2, s13  }
0x12: {  	[tilespmem:$0x1FFA0] =	vst v4;
	v4 =	vadd.s32 $0x3, v2;
	s13 =	sadd.s32 s7, s13;
	s15 =	sadd.s32 s8, s15;
	s16 =	sadd.s32 s5, s16  }
0x13: {  	s17 =	sadd.s32 s3, s31;
	s18 =	sadd.s32 s18, s6;
	s19 =	sadd.s32 s0, s6;
	[tilespmem:$0x1FFB0] =	vst v4;
	v4 =	vadd.s32 $0x4, v2  }
0x14: {  	v1 =	vmul.u32 $0x320, v0;
	s24 =	simm.s32 $0x1;
	s25 =	simm.s32 $0x2580;
	s26 =	simm.s32 $0x3200;
	[tilespmem:$0x1FFC0] =	vst v4;
	v4 =	vadd.s32 $0x5, v2  }
0x15: {  	v17 =	vimm.f32 $0.0e+00;
	v3 =	vmul.u32 $0xC8, v0;
	s3 =	simm.s32 $0x1B1A0;
	s5 =	simm.s32 $0x0;
	[dreg:$0x6] =	wrdreg s11;
	[tilespmem:$0x1FFD0] =	vst v4;
	v4 =	vadd.s32 $0x6, v2  }
0x16: {  	v5 =	vor.u32 $0x1, v1;
	v6 =	vor.u32 $0x2, v1;
	s10 =	sadd.s32 $0xC80, s22;
	s11 =	sadd.s32 $0x1900, s22;
	s14 =	sadd.s32 $0x2580, s22;
	[tilespmem:$0x1FFE0] =	vst v4;
	v4 =	vadd.s32 $0x7, v2  }
0x17: {  	v7 =	vor.u32 $0x3, v1;
	v15 =	vadd.s32 $0x8, v2;
	v14 =	vmovc v2;
	v16 =	vadd.s32 $0x9, v2;
	s20 =	sadd.s32 $0xCB2, s22;
	s21 =	sadd.s32 $0x1932, s22;
	s22 =	sadd.s32 $0x25B2, s22;
	[tilespmem:$0x1FFF0] =	vst v4  }
.LBB2_1:
0x18: {  	s0 =	rddreg [dreg:$0x2]  }
0x19: {  	[tilespmem:s1], [sflag:$0x1] =	stream.linear.gather [hbm4b:s0+s1], $0xC80, $0x38;
	[tilespmem:$0x1B500] =	vst v63  }
0x1a: {  	_ =	swait.ge [sflag:s24], $0xC80  }
0x1b: {  	[sflag:s24] =	ssyncset.done $0x0  }
0x1c: {  	s2 =	rddreg [dreg:$0x3];
	[sflag:s24] =	ssyncadd.s32 $0xFFFFF380  }
0x1d: {  	[tilespmem:s25], [sflag:$0x1] =	stream.linear.gather [hbm4b:s2+s1], $0xC80, $0x38;
	[tilespmem:$0x1B500] =	vst v63  }
0x1e: {  	_ =	swait.ge [sflag:s24], $0xC80  }
0x1f: {  	[sflag:s24] =	ssyncset.done $0x0  }
0x20: {  	s6 =	rddreg [dreg:$0x4];
	[sflag:s24] =	ssyncadd.s32 $0xFFFFF380  }
0x21: {  	[tilespmem:s26], [sflag:$0x1] =	stream.linear.gather [hbm4b:s6+s1], $0x3200, $0x38;
	[tilespmem:$0x1B500] =	vst v63  }
0x22: {  	_ =	swait.ge [sflag:s24], $0x3200  }
0x23: {  	[sflag:s24] =	ssyncset.done $0x0  }
0x24: {  	s7 =	rddreg [dreg:$0x5];
	[sflag:s24] =	ssyncadd.s32 $0xFFFFCE00  }
0x25: {  	[tilespmem:s28], [sflag:$0x1] =	stream.linear.gather [hbm4b:s7+s1], $0xFA0, $0x38;
	[tilespmem:$0x1B500] =	vst v63  }
0x26: {  	_ =	swait.ge [sflag:s24], $0xFA0  }
0x27: {  	[sflag:s24] =	ssyncset.done $0x0  }
0x28: {  	v4 =	vadd.s32 s1, v3;
	s8 =	rddreg [dreg:$0x6];
	[sflag:s24] =	ssyncadd.s32 $0xFFFFF060  }
0x29: {  	[tilespmem:s29], [sflag:$0x1] =	stream.linear.gather [hbm4b:s8+s1], $0x13880, $0x38;
	[tilespmem:$0x1B500] =	vst v63  }
0x2a: {  	_ =	swait.ge [sflag:s24], $0x13880  }
0x2b: {  	[sflag:s24] =	ssyncset.done $0x0  }
0x2c: {  	[sflag:s24] =	ssyncadd.s32 $0xFFFEC780  }
0x2d: {  	s31 =	simm.s32 $0x1;
	v4 =	vld.idx.msk [tilespmem:v4+s1+$0x0], $0xffff  }
0x2e: {  	v8 =	vadd.s32 s31, v3;
	_ =	sdelay $0x2  }
0x2f: {  	s0 =	simm.s32 $0xC80  }
0x30: {  	[tilespmem:s0+$0x0] =	vst v4  }
0x31: {  	s6 =	simm.s32 $0x2;
	v4 =	vld.idx.msk [tilespmem:v8+s1+$0x0], $0xffff  }
0x32: {  	v8 =	vadd.s32 s6, v3;
	s6 =	simm.s32 $0x3  }
.LBB2_2:
0x33: {  	p0 =	sne.s32 s6, $0xC7;
	_ =	sdelay $0x1  }
.Ltmp0:
0x34: {  	s0 =	sadd.s32 $0x10, s0;
	(pc) =	sbr.rel @p0 .LBB2_2-.Ltmp0, $3  }
0x35: {  	s7 =	simm.s32 $0x0;
	[tilespmem:s0+$0x0] =	vst v4  }
0x36: {  	v4 =	vld.idx.msk [tilespmem:v8+s7+$0x0], $0xffff;
	_ =	sdelay $0x1  }
0x37: {  	v8 =	vadd.s32 s6, v3;
	s6 =	sadd.s32 $0x1, s6  }
0x38: {  	_ =	sdelay $0x1  }
0x39: {  	s0 =	sadd.s32 $0x10, s0  }
0x3a: {  	[tilespmem:s0+$0x0] =	vst v4  }
0x3b: {  	v4 =	vld.idx.msk [tilespmem:v8+s7+$0x0], $0xffff  }
0x3c: {  	p2 =	por $0x1, $0x1  }
.Ltmp1:
0x3d: {  	_ = 	snop;
	(pc) =	sbr.rel @!p2 .LBB2_5-.Ltmp1, $4  }
0x3e: {  	_ = 	snop  }
0x3f: {  	s0 =	sadd.s32 $0x10, s0  }
0x40: {  	s6 =	simm.s32 $0x0;
	[tilespmem:s0+$0x0] =	vst v4  }
0x41: {  	v4 =	vimm.f32 $-3.000000010e+38;
	s0 =	simm.s32 $0x40;
	v8 =	vld [tilespmem:s6+$0xC80]  }
.LBB2_4:
0x42: {  	p0 =	sne.s32 s0, $0x31C0  }
.Ltmp2:
0x43: {  	_ = 	snop;
	(pc) =	sbr.rel @p0 .LBB2_4-.Ltmp2, $3  }
0x44: {  	_ =	sdelay $0x1  }
0x45: {  	s7 =	sshra.s32 s0, $0x2;
	s0 =	sadd.s32 $0x40, s0;
	v4 =	vmax.f32 v4, v8  }
0x46: {  	v8 =	vld [tilespmem:s7+$0xC80]  }
.LBB2_5:
.Ltmp3:
0x47: {  	_ = 	snop;
	(pc) =	sbr.rel @!p2 .LBB2_6-.Ltmp3, $2  }
0x48: {  	_ =	sdelay $0x2  }
0x49: {  	v18 =	vld [tilespmem:s6+$0xC80];
	p0 =	por $0x0, $0x0;
	p1 =	por $0x0, $0x0;
	v8 =	vmax.f32 v4, v8;
	v4 =	vimm.f32 $0.0e+00  }
0x4a: {  	_ =	sdelay $0x3  }
0x4b: {  	v18 =	vsub.f32 v18, v8;
	_ =	sdelay $0x1  }
0x4c: {  	v19 =	vmul.f32 $1.442695020e+00, v18;
	_ =	sdelay $0x1  }
0x4d: {  	(erf) = vpow2.f32 v19  }
0x4e: {  	p2 =	por $0x1, $0x1  }
.Ltmp4:
0x4f: {  	_ = 	snop;
	(pc) =	sbr.rel @!p2 .LBB2_8-.Ltmp4, $3  }
0x50: {  	_ =	sdelay $0x1  }
0x51: {  	s0 =	simm.s32 $0x10  }
0x52: {  	p0 =	por $0x1, $0x1;
	v18 =	vld [tilespmem:s0+$0xC80]  }
0x53: {  	_ =	sdelay $0x3  }
0x54: {  	v18 =	vsub.f32 v18, v8;
	_ =	sdelay $0x1  }
0x55: {  	p2 =	por $0x1, $0x1;
	v19 =	vmul.f32 $1.442695020e+00, v18  }
.Ltmp5:
0x56: {  	s7 =	simm.s32 $0x20;
	(pc) =	sbr.rel @!p2 .LBB2_10-.Ltmp5, $2  }
0x57: {  	v18 =	vld [tilespmem:s7+$0xC80];
	(erf) = vpow2.f32 v19;
	_ =	sdelay $0x2  }
0x58: {  	s8 =	simm.s32 $0xC0;
	p1 =	por $0x1, $0x1;
	v19 =	vimm.f32 $0.0e+00  }
.LBB2_11:
0x59: {  	p2 =	sne.s32 s8, $0x31C0  }
.Ltmp6:
0x5a: {  	s31 =	sshra.s32 s8, $0x2;
	s8 =	sadd.s32 $0x40, s8;
	v20 =	vsub.f32 v18, v8;
	(pc) =	sbr.rel @p2 .LBB2_11-.Ltmp6, $4  }
0x5b: {  	v18 =	vld [tilespmem:s31+$0xC80];
	v21 =	vpop (erf)  }
0x5c: {  	v20 =	vmul.f32 $1.442695020e+00, v20;
	[tilespmem:s6+$0x1900] =	vst v21;
	v19 =	vadd.f32 v21, v19;
	s6 =	smov.u32 s0;
	s0 =	smov.u32 s7  }
0x5d: {  	s7 =	smov.u32 s31  }
0x5e: {  	(erf) = vpow2.f32 v20  }
0x5f: {  	s8 =	smov.u32 s6;
	s6 =	smov.u32 s7  }
.LBB2_13:
0x60: {  	v8 =	vsub.f32 v18, v8;
	_ =	sdelay $0x1  }
0x61: {  	v8 =	vmul.f32 $1.442695020e+00, v8;
	_ =	sdelay $0x1  }
0x62: {  	(erf) = vpow2.f32 v8;
	_ =	sdelay $0x2  }
0x63: {  	v8 =	vpop @p1 (erf)  }
0x64: {  	v18 =	vadd.f32 @p1 v8, v19;
	_ =	sdelay $0x1  }
0x65: {  	v19 =	vpop @p0 (erf);
	v18 =	vpsel p1, v18, v4  }
0x66: {  	v18 =	vadd.f32 @p0 v19, v18  }
0x67: {  	s0 =	smov.u32 @p0 s0;
	[tilespmem:s8+$0x1900] =	vst @p1 v8  }
0x68: {  	[tilespmem:s0+$0x1900] =	vst @p0 v19;
	v4 =	vpsel p0, v18, v4;
	v8 =	vpop (erf)  }
0x69: {  	s7 =	simm.s32 $0x0;
	[tilespmem:s6+$0x1900] =	vst v8;
	v18 =	vadd.f32 v8, v4;
	s6 =	simm.s32 $0x0  }
.LBB2_14:
0x6a: {  	v2 =	vld [tilespmem:$0x1FF80];
	_ =	sdelay $0x2  }
0x6b: {  	s0 =	smul.u32 $0xC8, s7;
	_ =	sdelay $0x1  }
0x6c: {  	v22 =	vadd.s32 s0, v2  }
0x6d: {  	v4 =	vadd.s32 s6, v22;
	_ =	sdelay $0x2  }
0x6e: {  	s8 =	simm.s32 $0xC80  }
0x6f: {  	v8 =	vld [tilespmem:s8+$0x0]  }
0x70: {  	v27 =	vimm.f32 $-3.000000010e+38;
	v30 =	vimm.f32 $-3.000000010e+38;
	v33 =	vimm.f32 $-3.000000010e+38;
	v4 =	vld.idx.msk [tilespmem:v4+s29+$0x0], $0xffff  }
0x71: {  	v31 =	vimm.f32 $-3.000000010e+38;
	v19 =	vimm.s32 $0x0;
	v34 =	vimm.s32 $0x0  }
0x72: {  	v39 =	vimm.f32 $-3.000000010e+38;
	v21 =	vimm.s32 $0x0;
	v40 =	vimm.f32 $-3.000000010e+38  }
0x73: {  	v20 =	vimm.s32 $0x0;
	v41 =	vimm.f32 $-3.000000010e+38;
	v35 =	vimm.f32 $-3.000000010e+38  }
0x74: {  	v36 =	vimm.f32 $-3.000000010e+38;
	v37 =	vimm.f32 $-3.000000010e+38;
	v23 =	vimm.s32 $0x0  }
0x75: {  	v32 =	vimm.f32 $-3.000000010e+38;
	v26 =	vimm.s32 $0x0;
	v29 =	vadd.f32 v8, v4  }
0x76: {  	v24 =	vimm.s32 $0x0;
	v38 =	vimm.s32 $0x0;
	v28 =	vimm.s32 $0x0  }
0x77: {  	v42 =	vimm.f32 $-3.000000010e+38;
	v8 =	vimm.s32 $0x0;
	vm3 =	vgt.f32 v29, v27  }
0x78: {  	v25 =	vimm.s32 $0x0;
	v4 =	vsel vm3, s6, v8;
	v43 =	vsel vm3, v27, v29  }
0x79: {  	s31 =	simm.s32 $0x0;
	s0 =	simm.s32 $0x1;
	vm0 =	vmmov vm3;
	vm2 =	vmmov vm3;
	vm1 =	vmmov vm3  }
.LBB2_15:
0x7a: {  	p0 =	sne.s32 s0, $0xC7  }
0x7b: {  	v27 =	vsel vm3, v29, v27;
	vm5 =	vgt.f32 v29, v30;
	v44 =	vsel vm0, v33, v29;
	s8 =	sadd.s32 $0x10, s8;
	s2 =	smov.u32 s0;
	s0 =	sadd.s32 $0x1, s0  }
0x7c: {  	vm4 =	vgt.f32 v29, v31;
	v30 =	vsel vm5, v44, v30;
	v44 =	vnsel vm0, s31, v8  }
0x7d: {  	v33 =	vsel vm0, v43, v33;
	v45 =	vadd.s32 s2, v22;
	v43 =	vnsel vm5, s31, v19  }
0x7e: {  	v46 =	vnsel vm3, s31, v34;
	v34 =	vmovc v4;
	v47 =	vsel vm5, v39, v29;
	v21 =	vsel vm2, v43, v21;
	v39 =	vmovc v30  }
0x7f: {  	v19 =	vsel vm5, v44, v19;
	v40 =	vsel vm2, v47, v40;
	v43 =	vnsel vm4, s31, v20  }
0x80: {  	vm3 =	vgt.f32 v29, v35;
	vm6 =	vgt.f32 v29, v36;
	v44 =	vsel vm2, v41, v29;
	v41 =	vmovc v40  }
0x81: {  	v48 =	vnsel vm6, s31, v23;
	vm5 =	vgt.f32 v29, v37;
	v47 =	vsel vm6, v36, v29  }
0x82: {  	vm7 =	vgt.f32 v29, v32;
	v26 =	vsel vm1, v48, v26;
	v49 =	vsel vm5, v37, v29;
	v45 =	vld.idx.msk [tilespmem:v45+s29+$0x0], $0xffff  }
0x83: {  	v50 =	vsel vm4, v31, v29;
	v51 =	vsel vm7, v32, v29;
	v52 =	vnsel vm3, s31, v24;
	v48 =	vld [tilespmem:s8+$0x0]  }
0x84: {  	v53 =	vnsel vm2, s31, v38;
	v23 =	vsel vm6, v52, v23;
	v29 =	vsel vm3, v35, v29;
	v38 =	vmovc v21  }
0x85: {  	v20 =	vsel vm4, v53, v20;
	v31 =	vsel vm4, v44, v31;
	v44 =	vnsel vm7, s31, v28  }
0x86: {  	v28 =	vsel vm7, v43, v28;
	v37 =	vsel vm5, v51, v37;
	v42 =	vsel vm1, v47, v42  }
.Ltmp7:
0x87: {  	v43 =	vnsel vm5, s31, v25;
	s31 =	smov.u32 s2;
	v35 =	vsel vm3, v49, v35;
	v36 =	vsel vm6, v29, v36;
	(pc) =	sbr.rel @p0 .LBB2_15-.Ltmp7, $4  }
0x88: {  	v32 =	vsel vm7, v50, v32;
	v24 =	vsel vm3, v43, v24;
	v29 =	vadd.f32 v48, v45  }
0x89: {  	v8 =	vsel vm0, v46, v8;
	v25 =	vsel vm5, v44, v25  }
0x8a: {  	vm3 =	vgt.f32 v29, v27;
	vm0 =	vgt.f32 v29, v33;
	vm1 =	vgt.f32 v29, v42  }
0x8b: {  	vm2 =	vgt.f32 v29, v40;
	v4 =	vsel vm3, s31, v4;
	v43 =	vsel vm3, v27, v29  }
0x8c: {  	v2 =	vld [tilespmem:$0x1FF90];
	_ =	sdelay $0x2  }
0x8d: {  	s0 =	smul.u32 $0xA, s7;
	_ =	sdelay $0x1  }
0x8e: {  	v11 =	vadd.s32 s0, v2;
	v2 =	vld [tilespmem:$0x1FFA0];
	_ =	sdelay $0x4  }
0x8f: {  	v46 =	vadd.s32 s0, v2;
	v2 =	vld [tilespmem:$0x1FFB0]  }
0x90: {  	vm4 =	vgt.f32 v29, v30;
	v22 =	vnsel vm0, s31, v8  }
0x91: {  	vm5 =	vgt.f32 v29, v31;
	v9 =	vnsel vm3, s31, v34;
	vm15 =	vgt.f32 v29, v35  }
0x92: {  	vm6 =	vgt.f32 v29, v36;
	vm7 =	vgt.f32 v29, v37;
	vm8 =	vgt.f32 v29, v32  }
0x93: {  	v45 =	vnsel vm2, s31, v38;
	v27 =	vnsel vm4, s31, v19;
	v31 =	vnsel vm5, s31, v20  }
0x94: {  	v10 =	vnsel vm6, s31, v23;
	v44 =	vnsel vm15, s31, v24;
	v49 =	vadd.s32 s0, v2;
	v2 =	vld [tilespmem:$0x1FFC0]  }
0x95: {  	v47 =	vnsel vm8, s31, v28;
	v40 =	vnsel vm7, s31, v25;
	v33 =	vadd.s32 s0, v14  }
0x96: {  	v48 =	vsel vm4, v22, v19;
	v36 =	vsel vm5, v45, v20;
	v63 =	vadd.s32 s0, v15  }
0x97: {  	v19 =	vshll.u32 v4, $0x4;
	v8 =	vsel vm0, v9, v8;
	v45 =	vadd.s32 s0, v16  }
0x98: {  	v39 =	vsel vm2, v27, v21;
	v22 =	vsel vm1, v10, v26;
	v23 =	vsel vm6, v44, v23  }
0x99: {  	v35 =	vsel vm8, v31, v28;
	v24 =	vsel vm15, v40, v24;
	v50 =	vadd.s32 s0, v2;
	v2 =	vld [tilespmem:$0x1FFD0]  }
0x9a: {  	v40 =	vor.u32 v0, v19;
	v31 =	vadd.s32 v3, v4;
	v59 =	vld.idx.msk [tilespmem:v33+s28+$0x0], $0xffff;
	v33 =	vsel vm7, v47, v25  }
0x9b: {  	v19 =	vshll.u32 v4, $0x2;
	v43 =	vshll.u32 v39, $0x4;
	v44 =	vld.idx.msk [tilespmem:v63+s28+$0x0], $0xffff;
	v53 =	vshll.u32 v33, $0x4  }
0x9c: {  	v20 =	vshll.u32 v8, $0x4;
	v52 =	vor.u32 v0, v43;
	v43 =	vor.u32 v0, v53;
	v53 =	vld.idx.msk [tilespmem:v45+s28+$0x0], $0xffff  }
0x9d: {  	v29 =	vadd.s32 v3, v8;
	v61 =	vshll.u32 v48, $0x4;
	v32 =	vadd.s32 v3, v48;
	v60 =	vld.idx.msk [tilespmem:v11+s28+$0x0], $0xffff  }
0x9e: {  	v21 =	vshll.u32 v48, $0x2;
	v48 =	vshll.u32 v36, $0x4;
	v4 =	vadd.s32 s0, v2;
	v2 =	vld [tilespmem:$0x1FFE0]  }
0x9f: {  	v30 =	vadd.s32 v1, v19;
	v28 =	vadd.s32 v5, v19;
	v41 =	vor.u32 v0, v20  }
0xa0: {  	v20 =	vshll.u32 v8, $0x2;
	v42 =	vor.u32 v0, v61;
	v34 =	vadd.s32 v1, v21;
	v58 =	vld.idx.msk [tilespmem:v46+s28+$0x0], $0xffff  }
0xa1: {  	v27 =	vadd.s32 v1, v20;
	v26 =	vadd.s32 v5, v20;
	v25 =	vadd.s32 v5, v21;
	v56 =	vld.idx.msk [tilespmem:v49+s28+$0x0], $0xffff  }
0xa2: {  	v12 =	vadd.s32 v3, v33;
	vm8 =	vlt.f32 v44, v59;
	vm10 =	vlt.f32 v53, v59;
	v57 =	vld.idx.msk [tilespmem:v50+s28+$0x0], $0xffff  }
0xa3: {  	vm11 =	vlt.f32 v60, v59;
	vm7 =	veq.f32 v59, v60;
	v51 =	vadd.s32 s0, v2;
	v2 =	vld [tilespmem:$0x1FFF0]  }
0xa4: {  	vm6 =	vlt.f32 v59, v60;
	v9 =	vsel vm10, $0x3F800000, v17;
	v61 =	vsel vm7, $0x3F800000, v17  }
0xa5: {  	vm12 =	vlt.f32 v58, v59;
	vm9 =	vlt.f32 v58, v60;
	vm1 =	vlt.f32 v53, v58  }
0xa6: {  	v62 =	vsel vm12, $0x3F800000, v17;
	vm12 =	vlt.f32 v59, v58;
	vm13 =	vlt.f32 v56, v59;
	v54 =	vld.idx.msk [tilespmem:v4+s28+$0x0], $0xffff  }
0xa7: {  	v63 =	vsel vm9, $0x3F800000, v17;
	v11 =	vsel vm12, $0x3F800000, v17;
	v38 =	vsel vm13, $0x3F800000, v17  }
0xa8: {  	v4 =	vsel vm11, $0x3F800000, v17;
	vm14 =	vlt.f32 v57, v59;
	v8 =	vadd.s32 s0, v2;
	v55 =	vld.idx.msk [tilespmem:v51+s28+$0x0], $0xffff  }
0xa9: {  	vm11 =	vlt.f32 v56, v60;
	vm13 =	vlt.f32 v57, v60;
	v4 =	vadd.f32 v62, v4  }
0xaa: {  	vm10 =	vlt.f32 v57, v58;
	v62 =	vsel vm8, $0x3F800000, v17;
	v10 =	vsel vm11, $0x3F800000, v17  }
0xab: {  	vm8 =	vlt.f32 v56, v58;
	v4 =	vadd.f32 v38, v4;
	vm15 =	vlt.f32 v54, v59  }
0xac: {  	v51 =	vor.u32 v0, v48;
	vm7 =	vlt.f32 v54, v60;
	vm12 =	vlt.f32 v54, v58  }
0xad: {  	v50 =	vld.idx.msk [tilespmem:v8+s28+$0x0], $0xffff;
	v8 =	vsel vm14, $0x3F800000, v17;
	vm4 =	vlt.f32 v55, v59;
	vm14 =	veq.f32 v59, v58  }
0xae: {  	vm9 =	vlt.f32 v55, v60;
	v4 =	vadd.f32 v8, v4;
	v8 =	vsel vm15, $0x3F800000, v17  }
0xaf: {  	v49 =	vsel vm4, $0x3F800000, v17;
	vm15 =	vlt.f32 v60, v58;
	v47 =	vsel vm14, $0x3F800000, v17  }
0xb0: {  	vm14 =	vlt.f32 v55, v58;
	vm4 =	vlt.f32 v59, v56;
	v4 =	vadd.f32 v8, v4  }
0xb1: {  	v48 =	vsel vm15, $0x3F800000, v17;
	v47 =	vadd.f32 v47, v11;
	v8 =	vshll.u32 v35, $0x4  }
0xb2: {  	vm15 =	vlt.f32 v53, v60;
	v46 =	vor.u32 v0, v8;
	v4 =	vadd.f32 v49, v4  }
0xb3: {  	vm5 =	vlt.f32 v50, v59;
	vm11 =	vlt.f32 v50, v60;
	vm0 =	vlt.f32 v53, v50  }
0xb4: {  	v8 =	vsel vm5, $0x3F800000, v17;
	v11 =	vsel vm11, $0x3F800000, v17;
	vm5 =	veq.f32 v59, v56  }
0xb5: {  	vm11 =	vlt.f32 v44, v58;
	v8 =	vadd.f32 v8, v4;
	v4 =	vsel vm6, $0x3F800000, v17  }
0xb6: {  	vm6 =	veq.f32 v60, v58;
	v37 =	vadd.f32 v61, v4;
	v4 =	vshll.u32 v24, $0x4  }
0xb7: {  	v49 =	vsel vm6, $0x3F800000, v17;
	v61 =	vsel vm13, $0x3F800000, v17;
	vm13 =	vlt.f32 v44, v60  }
0xb8: {  	vm6 =	vlt.f32 v60, v56;
	v8 =	vadd.f32 v62, v8;
	v48 =	vadd.f32 v49, v48  }
0xb9: {  	v49 =	vsel vm14, $0x3F800000, v17;
	vm14 =	vlt.f32 v59, v57;
	v37 =	vadd.f32 v63, v37  }
0xba: {  	v63 =	vsel vm8, $0x3F800000, v17;
	vm8 =	vlt.f32 v58, v56;
	v62 =	vadd.f32 v48, v47  }
0xbb: {  	v48 =	vsel vm12, $0x3F800000, v17;
	v47 =	vsel vm13, $0x3F800000, v17;
	vm12 =	vlt.f32 v57, v56  }
0xbc: {  	vm13 =	vlt.f32 v54, v56;
	v45 =	vadd.f32 v10, v37;
	v37 =	vadd.f32 v9, v8  }
0xbd: {  	v9 =	vsel vm9, $0x3F800000, v17;
	v10 =	vsel vm10, $0x3F800000, v17;
	vm9 =	veq.f32 v58, v56  }
0xbe: {  	vm10 =	vlt.f32 v50, v58;
	v38 =	vadd.f32 v62, v63;
	v62 =	vsel vm5, $0x3F800000, v17  }
0xbf: {  	v63 =	vsel vm6, $0x3F800000, v17;
	vm5 =	vlt.f32 v44, v56;
	vm6 =	vlt.f32 v54, v57  }
0xc0: {  	v8 =	vadd.f32 v61, v45;
	v61 =	vsel vm7, $0x3F800000, v17;
	vm7 =	veq.f32 v60, v56  }
0xc1: {  	v38 =	vadd.f32 v38, v10;
	v10 =	vsel vm8, $0x3F800000, v17;
	vm8 =	veq.f32 v59, v57  }
0xc2: {  	v8 =	vadd.f32 v61, v8;
	v61 =	vsel vm4, $0x3F800000, v17;
	vm4 =	vlt.f32 v56, v54  }
0xc3: {  	v38 =	vadd.f32 v38, v48;
	v45 =	vadd.f32 v62, v61;
	v62 =	vsel vm10, $0x3F800000, v17  }
0xc4: {  	vm10 =	veq.f32 v60, v57;
	v8 =	vadd.f32 v9, v8;
	v9 =	vsel vm7, $0x3F800000, v17  }
0xc5: {  	vm7 =	vlt.f32 v53, v56;
	v38 =	vadd.f32 v38, v49;
	v48 =	vadd.f32 v9, v63  }
0xc6: {  	v8 =	vadd.f32 v11, v8;
	v11 =	vsel vm9, $0x3F800000, v17;
	vm9 =	vlt.f32 v60, v57  }
0xc7: {  	v45 =	vadd.f32 v48, v45;
	v63 =	vadd.f32 v11, v10;
	v11 =	vsel vm15, $0x3F800000, v17  }
0xc8: {  	v61 =	vadd.f32 v38, v62;
	v62 =	vsel vm12, $0x3F800000, v17;
	vm15 =	vlt.f32 v55, v56  }
0xc9: {  	v48 =	vsel vm8, $0x3F800000, v17;
	v9 =	vsel vm9, $0x3F800000, v17;
	v10 =	vsel vm10, $0x3F800000, v17  }
0xca: {  	vm12 =	veq.f32 v58, v57;
	vm8 =	vlt.f32 v55, v57;
	vm9 =	vlt.f32 v59, v54  }
0xcb: {  	vm10 =	veq.f32 v59, v54;
	v8 =	vadd.f32 v47, v8;
	v47 =	vsel vm14, $0x3F800000, v17  }
0xcc: {  	vm14 =	veq.f32 v56, v57;
	v45 =	vadd.f32 v45, v63;
	v63 =	vsel vm13, $0x3F800000, v17  }
0xcd: {  	v47 =	vadd.f32 v48, v47;
	vm13 =	vlt.f32 v56, v57;
	v38 =	vadd.f32 v11, v8  }
0xce: {  	v8 =	vsel vm11, $0x3F800000, v17;
	v11 =	vsel vm15, $0x3F800000, v17;
	vm11 =	vlt.f32 v58, v57  }
0xcf: {  	vm15 =	vlt.f32 v50, v56;
	v8 =	vadd.f32 v61, v8;
	v45 =	vadd.f32 v45, v62  }
0xd0: {  	v61 =	vadd.f32 v10, v9;
	v62 =	vsel vm11, $0x3F800000, v17;
	v9 =	vsel vm13, $0x3F800000, v17  }
0xd1: {  	v10 =	vsel vm14, $0x3F800000, v17;
	vm11 =	vlt.f32 v60, v54;
	vm13 =	vlt.f32 v58, v54  }
0xd2: {  	vm14 =	veq.f32 v58, v54;
	v45 =	vadd.f32 v45, v63;
	v63 =	vsel vm12, $0x3F800000, v17  }
0xd3: {  	v47 =	vadd.f32 v61, v47;
	vm12 =	veq.f32 v60, v54;
	v48 =	vadd.f32 v63, v62  }
0xd4: {  	v63 =	vsel vm14, $0x3F800000, v17;
	v62 =	vor.u32 v0, v4;
	vm14 =	vlt.f32 v60, v55  }
0xd5: {  	v45 =	vadd.f32 v45, v11;
	v11 =	vsel vm15, $0x3F800000, v17;
	vm15 =	vlt.f32 v50, v57  }
0xd6: {  	v47 =	vadd.f32 v47, v48;
	v48 =	vadd.f32 v10, v9;
	v9 =	vsel vm1, $0x3F800000, v17  }
0xd7: {  	v2 =	vsel vm15, $0x3F800000, v17;
	vm15 =	veq.f32 v60, v55;
	v10 =	vadd.f32 v45, v11  }
0xd8: {  	v11 =	vsel vm5, $0x3F800000, v17;
	v45 =	vadd.f32 v8, v9;
	v9 =	vsel vm6, $0x3F800000, v17  }
0xd9: {  	vm5 =	veq.f32 v56, v54;
	vm6 =	vlt.f32 v57, v54;
	v47 =	vadd.f32 v47, v48  }
0xda: {  	v48 =	vsel vm7, $0x3F800000, v17;
	vm7 =	veq.f32 v57, v54;
	v8 =	vadd.f32 v10, v11  }
0xdb: {  	v10 =	vsel vm8, $0x3F800000, v17;
	v11 =	vsel vm9, $0x3F800000, v17;
	vm8 =	vlt.f32 v44, v57  }
0xdc: {  	vm9 =	vlt.f32 v53, v57;
	v47 =	vadd.f32 v47, v9;
	v9 =	vsel vm10, $0x3F800000, v17  }
0xdd: {  	vm10 =	vlt.f32 v55, v54;
	v49 =	vadd.f32 v9, v11;
	v11 =	vsel vm12, $0x3F800000, v17  }
0xde: {  	v9 =	vsel vm13, $0x3F800000, v17;
	v47 =	vadd.f32 v47, v10;
	v10 =	vsel vm11, $0x3F800000, v17  }
0xdf: {  	vm12 =	vlt.f32 v50, v54;
	vm13 =	veq.f32 v59, v55;
	v61 =	vadd.f32 v11, v10  }
0xe0: {  	vm11 =	vlt.f32 v59, v55;
	v10 =	vadd.f32 v63, v9;
	v11 =	vsel vm4, $0x3F800000, v17  }
0xe1: {  	v9 =	vsel vm5, $0x3F800000, v17;
	v63 =	vsel vm15, $0x3F800000, v17;
	v49 =	vadd.f32 v61, v49  }
0xe2: {  	vm4 =	vlt.f32 v58, v55;
	vm5 =	veq.f32 v58, v55;
	v2 =	vadd.f32 v47, v2  }
0xe3: {  	vm15 =	veq.f32 v59, v50;
	v47 =	vadd.f32 v49, v10;
	v49 =	vadd.f32 v9, v11  }
0xe4: {  	v10 =	vsel vm6, $0x3F800000, v17;
	v11 =	vsel vm7, $0x3F800000, v17;
	v9 =	vsel vm8, $0x3F800000, v17  }
0xe5: {  	vm6 =	vlt.f32 v56, v55;
	vm7 =	veq.f32 v56, v55;
	vm8 =	vlt.f32 v44, v54  }
0xe6: {  	v61 =	vadd.f32 v11, v10;
	v2 =	vadd.f32 v2, v9;
	v10 =	vsel vm10, $0x3F800000, v17  }
0xe7: {  	v9 =	vsel vm12, $0x3F800000, v17;
	vm10 =	veq.f32 v57, v55;
	vm12 =	veq.f32 v54, v55  }
0xe8: {  	v49 =	vadd.f32 v47, v49;
	v47 =	vadd.f32 v8, v48;
	v8 =	vsel vm9, $0x3F800000, v17  }
0xe9: {  	v48 =	vsel vm11, $0x3F800000, v17;
	vm9 =	vlt.f32 v57, v55;
	vm11 =	vlt.f32 v54, v55  }
0xea: {  	v4 =	vadd.f32 v49, v61;
	v49 =	vsel vm13, $0x3F800000, v17;
	v61 =	vsel vm14, $0x3F800000, v17  }
0xeb: {  	vm13 =	vlt.f32 v53, v54;
	vm14 =	vlt.f32 v59, v50;
	v48 =	vadd.f32 v49, v48  }
0xec: {  	v11 =	vadd.f32 v63, v61;
	v61 =	vsel vm4, $0x3F800000, v17;
	v4 =	vadd.f32 v4, v10  }
0xed: {  	v63 =	vsel vm5, $0x3F800000, v17;
	v49 =	vsel vm6, $0x3F800000, v17;
	vm4 =	vlt.f32 v60, v50  }
0xee: {  	vm5 =	veq.f32 v60, v50;
	vm6 =	vlt.f32 v58, v50;
	v4 =	vadd.f32 v4, v9  }
0xef: {  	v9 =	vadd.f32 v11, v48;
	v48 =	vadd.f32 v63, v61;
	v61 =	vsel vm7, $0x3F800000, v17  }
0xf0: {  	v63 =	vsel vm8, $0x3F800000, v17;
	v11 =	vsel vm9, $0x3F800000, v17;
	vm7 =	veq.f32 v58, v50  }
0xf1: {  	vm8 =	vlt.f32 v50, v55;
	vm9 =	vlt.f32 v56, v50;
	v10 =	vadd.f32 v61, v49  }
0xf2: {  	v61 =	vsel vm10, $0x3F800000, v17;
	v49 =	vsel vm11, $0x3F800000, v17;
	vm10 =	veq.f32 v56, v50  }
0xf3: {  	vm11 =	vlt.f32 v59, v44;
	v9 =	vadd.f32 v9, v48;
	v4 =	vadd.f32 v4, v63  }
0xf4: {  	v48 =	vadd.f32 v61, v11;
	v61 =	vsel vm12, $0x3F800000, v17;
	v63 =	vsel vm13, $0x3F800000, v17  }
0xf5: {  	v11 =	vsel vm7, $0x3F800000, v17;
	vm12 =	veq.f32 v59, v44;
	vm13 =	vlt.f32 v57, v50  }
0xf6: {  	vm7 =	vlt.f32 v54, v50;
	v61 =	vadd.f32 v61, v49;
	v9 =	vadd.f32 v9, v10  }
0xf7: {  	v49 =	vadd.f32 v2, v8;
	v8 =	vsel vm15, $0x3F800000, v17;
	vm15 =	veq.f32 v60, v44  }
0xf8: {  	v10 =	vsel vm13, $0x3F800000, v17;
	vm13 =	veq.f32 v56, v44;
	v9 =	vadd.f32 v9, v48  }
0xf9: {  	v48 =	vadd.f32 v4, v63;
	v4 =	vsel vm14, $0x3F800000, v17;
	v63 =	vsel vm5, $0x3F800000, v17  }
0xfa: {  	vm14 =	vlt.f32 v60, v44;
	vm5 =	vlt.f32 v44, v55;
	v4 =	vadd.f32 v8, v4  }
0xfb: {  	v8 =	vsel vm4, $0x3F800000, v17;
	vm4 =	veq.f32 v57, v44;
	v2 =	vadd.f32 v9, v61  }
0xfc: {  	v8 =	vadd.f32 v63, v8;
	v9 =	vsel vm6, $0x3F800000, v17;
	v63 =	vsel vm8, $0x3F800000, v17  }
0xfd: {  	vm6 =	veq.f32 v57, v50;
	v61 =	vsel vm14, $0x3F800000, v17;
	vm8 =	vlt.f32 v58, v44  }
0xfe: {  	vm14 =	veq.f32 v55, v50;
	v4 =	vadd.f32 v8, v4;
	v8 =	vadd.f32 v11, v9  }
0xff: {  	v2 =	vadd.f32 v2, v63;
	v63 =	vsel vm10, $0x3F800000, v17;
	v9 =	vsel vm11, $0x3F800000, v17  }
0x100: {  	v11 =	vsel vm12, $0x3F800000, v17;
	vm10 =	veq.f32 v54, v50;
	vm11 =	vlt.f32 v55, v50  }
0x101: {  	vm12 =	vlt.f32 v56, v44;
	v9 =	vadd.f32 v11, v9;
	v11 =	vsel vm6, $0x3F800000, v17  }
0x102: {  	vm6 =	vlt.f32 v53, v55;
	v4 =	vadd.f32 v4, v8;
	v8 =	vsel vm9, $0x3F800000, v17  }
0x103: {  	vm9 =	veq.f32 v58, v44;
	v8 =	vadd.f32 v63, v8;
	v63 =	vsel vm15, $0x3F800000, v17  }
0x104: {  	vm15 =	vlt.f32 v57, v44;
	v61 =	vadd.f32 v63, v61;
	v63 =	vsel vm10, $0x3F800000, v17  }
0x105: {  	vm10 =	vlt.f32 v55, v44;
	v4 =	vadd.f32 v4, v8;
	v8 =	vadd.f32 v11, v10  }
0x106: {  	v10 =	vsel vm8, $0x3F800000, v17;
	v11 =	vsel vm9, $0x3F800000, v17;
	vm8 =	veq.f32 v54, v44  }
0x107: {  	vm9 =	vlt.f32 v44, v50;
	v9 =	vadd.f32 v61, v9;
	v61 =	vsel vm7, $0x3F800000, v17  }
0x108: {  	v10 =	vadd.f32 v11, v10;
	v11 =	vsel vm13, $0x3F800000, v17;
	vm7 =	vlt.f32 v54, v44  }
0x109: {  	vm13 =	veq.f32 v59, v53;
	v4 =	vadd.f32 v4, v8;
	v8 =	vadd.f32 v63, v61  }
0x10a: {  	v61 =	vsel vm11, $0x3F800000, v17;
	v63 =	vsel vm14, $0x3F800000, v17;
	vm11 =	veq.f32 v55, v44  }
0x10b: {  	vm14 =	vlt.f32 v60, v53;
	v9 =	vadd.f32 v9, v10;
	v10 =	vsel vm12, $0x3F800000, v17  }
0x10c: {  	vm12 =	vlt.f32 v59, v53;
	v59 =	vsel vm13, $0x3F800000, v17;
	vm13 =	veq.f32 v54, v53  }
0x10d: {  	v10 =	vadd.f32 v11, v10;
	v11 =	vshll.u32 v23, $0x4;
	v4 =	vadd.f32 v4, v8  }
0x10e: {  	v8 =	vadd.f32 v63, v61;
	v61 =	vsel vm4, $0x3F800000, v17;
	v63 =	vsel vm5, $0x3F800000, v17  }
0x10f: {  	vm4 =	vlt.f32 v58, v53;
	vm5 =	veq.f32 v58, v53;
	v11 =	vor.u32 v0, v11  }
0x110: {  	v2 =	vadd.f32 v2, v63;
	v63 =	vsel vm9, $0x3F800000, v17;
	v58 =	vsel vm5, $0x3F800000, v17  }
0x111: {  	vm9 =	vlt.f32 v57, v53;
	vm5 =	vlt.f32 v50, v53;
	v9 =	vadd.f32 v9, v10  }
0x112: {  	v10 =	vsel vm15, $0x3F800000, v17;
	v4 =	vadd.f32 v4, v8;
	vm15 =	veq.f32 v60, v53  }
0x113: {  	v10 =	vadd.f32 v61, v10;
	v61 =	vsel vm6, $0x3F800000, v17;
	v60 =	vsel vm15, $0x3F800000, v17  }
0x114: {  	vm6 =	vlt.f32 v50, v44;
	vm15 =	veq.f32 v55, v53;
	v61 =	vadd.f32 v2, v61  }
0x115: {  	v2 =	vadd.f32 v4, v63;
	v63 =	vsel vm11, $0x3F800000, v17;
	vm11 =	veq.f32 v50, v44  }
0x116: {  	v8 =	vadd.f32 v9, v10;
	v9 =	vsel vm7, $0x3F800000, v17;
	v10 =	vsel vm8, $0x3F800000, v17  }
0x117: {  	vm7 =	vlt.f32 v56, v53;
	vm8 =	veq.f32 v56, v53;
	v9 =	vadd.f32 v10, v9  }
0x118: {  	v10 =	vshll.u32 v22, $0x4;
	v56 =	vsel vm8, $0x3F800000, v17;
	vm8 =	vlt.f32 v38, $1.000000000e+00  }
0x119: {  	v10 =	vor.u32 v0, v10;
	v4 =	vadd.f32 v8, v9;
	v8 =	vsel vm10, $0x3F800000, v17  }
0x11a: {  	vm10 =	veq.f32 v57, v53;
	v57 =	vsel vm6, $0x3F800000, v17;
	vm6 =	veq.f32 v50, v53  }
0x11b: {  	v8 =	vadd.f32 v63, v8;
	v63 =	vsel vm12, $0x3F800000, v17;
	vm12 =	vlt.f32 v54, v53  }
0x11c: {  	v54 =	vsel vm13, $0x3F800000, v17;
	vm13 =	vlt.f32 v49, $1.000000000e+00;
	v9 =	vadd.f32 v59, v63  }
0x11d: {  	v59 =	vsel vm14, $0x3F800000, v17;
	v63 =	vsel vm7, $0x3F800000, v17;
	vm14 =	vlt.f32 v55, v53  }
0x11e: {  	vm7 =	vlt.f32 v37, $1.000000000e+00;
	v59 =	vadd.f32 v60, v59;
	v4 =	vadd.f32 v4, v8  }
0x11f: {  	v8 =	vsel vm4, $0x3F800000, v17;
	v60 =	vsel vm9, $0x3F800000, v17;
	vm4 =	vlt.f32 v53, v44  }
0x120: {  	vm9 =	vlt.f32 v44, v53;
	v8 =	vadd.f32 v58, v8;
	v9 =	vadd.f32 v59, v9  }
0x121: {  	v50 =	vsel vm9, $0x3F800000, v17;
	vm9 =	vlt.f32 v49, $2.000000000e+00;
	v59 =	vsel vm6, $0x3F800000, v17  }
0x122: {  	v8 =	vadd.f32 v9, v8;
	v9 =	vadd.f32 v56, v63;
	v63 =	vsel vm10, $0x3F800000, v17  }
0x123: {  	vm6 =	vlt.f32 v61, $1.000000000e+00;
	v56 =	vld.idx.msk [tilespmem:v40+s30+$0x0], $0xffff;
	vm10 =	vlt.f32 v45, $1.000000000e+00;
	v60 =	vadd.f32 v63, v60  }
0x124: {  	v52 =	vld.idx.msk [tilespmem:v52+s30+$0x0], $0xffff;
	v63 =	vsel vm11, $0x3F800000, v17;
	vm11 =	veq.f32 v44, v53;
	v8 =	vadd.f32 v8, v9  }
0x125: {  	v55 =	vld.idx.msk [tilespmem:v41+s30+$0x0], $0xffff;
	v40 =	vadd.f32 v63, v57;
	v63 =	vsel vm15, $0x3F800000, v17;
	v44 =	vsel vm11, $0x3F800000, v17  }
0x126: {  	v57 =	vld.idx.msk [tilespmem:v42+s30+$0x0], $0xffff;
	vm15 =	vlt.f32 v38, $2.000000000e+00;
	v8 =	vadd.f32 v8, v60;
	v60 =	vsel vm12, $0x3F800000, v17  }
0x127: {  	v42 =	vld.idx.msk [tilespmem:v43+s30+$0x0], $0xffff;
	vm11 =	vlt.f32 v48, $2.000000000e+00;
	vm12 =	vlt.f32 v47, $1.000000000e+00;
	v9 =	vadd.f32 v54, v60  }
0x128: {  	v54 =	vsel vm14, $0x3F800000, v17;
	v60 =	vsel vm0, $0x3F800000, v17;
	v58 =	vadd.f32 $0.0e+00, v56  }
0x129: {  	v41 =	vld.idx.msk [tilespmem:v46+s30+$0x0], $0xffff;
	v53 =	vnsel vm12, $0x0, v52;
	vm14 =	vlt.f32 v37, $2.000000000e+00;
	v63 =	vadd.f32 v63, v54  }
0x12a: {  	v43 =	vld.idx.msk [tilespmem:v62+s30+$0x0], $0xffff;
	v56 =	vmul.f32 v55, v56;
	v54 =	vadd.f32 v2, v60;
	v8 =	vadd.f32 v8, v9  }
0x12b: {  	v2 =	vadd.f32 v4, v40;
	v40 =	vld.idx.msk [tilespmem:v51+s30+$0x0], $0xffff;
	v60 =	vnsel vm7, $0x0, v58;
	v51 =	vnsel vm10, $0x0, v57  }
0x12c: {  	v62 =	vnsel vm6, $0x0, v42;
	vm7 =	vlt.f32 v47, $2.000000000e+00;
	v4 =	vadd.f32 v8, v63  }
0x12d: {  	v8 =	vsel vm5, $0x3F800000, v17;
	v63 =	vnsel vm8, $0x0, v55;
	vm5 =	vlt.f32 v45, $2.000000000e+00  }
0x12e: {  	vm8 =	vlt.f32 v54, $1.000000000e+00;
	v8 =	vadd.f32 v59, v8;
	v9 =	vadd.f32 v63, v60  }
0x12f: {  	v59 =	vsel vm4, $0x3F800000, v17;
	vm4 =	vlt.f32 v48, $1.000000000e+00;
	v63 =	vnsel vm8, $0x0, v43  }
0x130: {  	v60 =	vnsel vm4, $0x0, v41;
	v9 =	vadd.f32 v51, v9;
	v4 =	vadd.f32 v4, v8  }
0x131: {  	vm4 =	vlt.f32 v54, $2.000000000e+00;
	v8 =	vadd.f32 v44, v50;
	v51 =	vadd.f32 v2, v59  }
0x132: {  	v46 =	vld.idx.msk [tilespmem:v10+s30+$0x0], $0xffff;
	v2 =	vnsel vm13, $0x0, v40;
	vm13 =	vlt.f32 v61, $2.000000000e+00;
	v9 =	vadd.f32 v53, v9  }
0x133: {  	v44 =	vld.idx.msk [tilespmem:v11+s30+$0x0], $0xffff;
	v50 =	vadd.f32 v4, v8;
	v4 =	vnsel vm14, $0x0, v58;
	v8 =	vnsel vm15, $0x0, v55  }
0x134: {  	vm10 =	vlt.f32 v51, $1.000000000e+00;
	vm14 =	vlt.f32 v37, $3.000000000e+00;
	vm15 =	vlt.f32 v38, $3.000000000e+00  }
0x135: {  	vm6 =	vlt.f32 v51, $2.000000000e+00;
	v4 =	vadd.f32 v8, v4;
	v8 =	vnsel vm5, $0x0, v57  }
0x136: {  	vm5 =	vlt.f32 v45, $3.000000000e+00;
	v2 =	vadd.f32 v2, v9;
	vm12 =	vlt.f32 v50, $1.000000000e+00  }
0x137: {  	vm8 =	vlt.f32 v50, $2.000000000e+00;
	v4 =	vadd.f32 v8, v4;
	v8 =	vnsel vm7, $0x0, v52  }
0x138: {  	v53 =	vnsel vm10, $0x0, v44;
	v59 =	vnsel vm12, $0x0, v46;
	vm7 =	vlt.f32 v47, $3.000000000e+00  }
0x139: {  	vm10 =	vlt.f32 v48, $3.000000000e+00;
	vm12 =	vlt.f32 v38, $4.000000000e+00;
	v2 =	vadd.f32 v60, v2  }
0x13a: {  	v60 =	vnsel vm15, $0x0, v55;
	vm15 =	vlt.f32 v54, $3.000000000e+00;
	v4 =	vadd.f32 v8, v4  }
0x13b: {  	v8 =	vnsel vm9, $0x0, v40;
	vm9 =	vlt.f32 v49, $3.000000000e+00;
	v2 =	vadd.f32 v62, v2  }
0x13c: {  	v62 =	vnsel vm4, $0x0, v43;
	vm4 =	vlt.f32 v47, $4.000000000e+00;
	v4 =	vadd.f32 v8, v4  }
0x13d: {  	v8 =	vnsel vm11, $0x0, v41;
	vm11 =	vlt.f32 v37, $4.000000000e+00;
	v2 =	vadd.f32 v63, v2  }
0x13e: {  	v63 =	vnsel vm5, $0x0, v57;
	vm5 =	vlt.f32 v51, $3.000000000e+00;
	v4 =	vadd.f32 v8, v4  }
0x13f: {  	v8 =	vnsel vm13, $0x0, v42;
	vm13 =	vlt.f32 v61, $3.000000000e+00;
	v2 =	vadd.f32 v53, v2  }
0x140: {  	v53 =	vadd.s32 v3, v39;
	v39 =	vshll.u32 v39, $0x2;
	v4 =	vadd.f32 v8, v4  }
0x141: {  	v8 =	vnsel vm14, $0x0, v58;
	vm14 =	vlt.f32 v45, $4.000000000e+00;
	v2 =	vadd.f32 v59, v2  }
0x142: {  	v8 =	vadd.f32 v60, v8;
	v59 =	vnsel vm6, $0x0, v44;
	v60 =	vnsel vm7, $0x0, v52  }
0x143: {  	vm6 =	vlt.f32 v49, $4.000000000e+00;
	vm7 =	vlt.f32 v50, $3.000000000e+00;
	v4 =	vadd.f32 v62, v4  }
0x144: {  	v62 =	vnsel vm8, $0x0, v46;
	vm8 =	vlt.f32 v48, $4.000000000e+00;
	v8 =	vadd.f32 v63, v8  }
0x145: {  	v2 =	vsub.f32 v18, v2;
	v63 =	vnsel vm9, $0x0, v40;
	vm9 =	vlt.f32 v37, $5.000000000e+00  }
0x146: {  	v4 =	vadd.f32 v59, v4;
	v59 =	vnsel vm10, $0x0, v41;
	vm10 =	vlt.f32 v38, $5.000000000e+00  }
0x147: {  	v8 =	vadd.f32 v60, v8;
	v2 =	vmul.f32 v2, v18;
	v60 =	vnsel vm11, $0x0, v58  }
0x148: {  	vm11 =	vlt.f32 v61, $4.000000000e+00;
	v4 =	vadd.f32 v62, v4;
	v62 =	vnsel vm12, $0x0, v55  }
0x149: {  	vm12 =	vlt.f32 v45, $5.000000000e+00;
	v8 =	vadd.f32 v63, v8;
	v63 =	vnsel vm13, $0x0, v42  }
0x14a: {  	v9 =	vadd.f32 v62, v60;
	v60 =	vnsel vm15, $0x0, v43;
	v62 =	vnsel vm4, $0x0, v52  }
0x14b: {  	vm13 =	vlt.f32 v54, $4.000000000e+00;
	vm15 =	vlt.f32 v51, $4.000000000e+00;
	vm4 =	vlt.f32 v49, $5.000000000e+00  }
0x14c: {  	v4 =	vsub.f32 v18, v4;
	v8 =	vadd.f32 v59, v8;
	v59 =	vnsel vm14, $0x0, v57  }
0x14d: {  	vm14 =	vlt.f32 v47, $5.000000000e+00;
	v9 =	vadd.f32 v59, v9;
	v59 =	vnsel vm6, $0x0, v40  }
0x14e: {  	v2 =	vmul.f32 v2, v4;
	vm6 =	vlt.f32 v48, $5.000000000e+00;
	v8 =	vadd.f32 v63, v8  }
0x14f: {  	v63 =	vnsel vm5, $0x0, v44;
	vm5 =	vlt.f32 v50, $4.000000000e+00;
	v9 =	vadd.f32 v62, v9  }
0x150: {  	v62 =	vnsel vm9, $0x0, v58;
	v11 =	vnsel vm5, $0x0, v46;
	v8 =	vadd.f32 v60, v8  }
0x151: {  	vm9 =	vlt.f32 v38, $6.000000000e+00;
	vm5 =	vlt.f32 v38, $7.000000000e+00;
	v60 =	vnsel vm7, $0x0, v46  }
0x152: {  	vm7 =	vlt.f32 v61, $5.000000000e+00;
	v9 =	vadd.f32 v59, v9;
	v8 =	vadd.f32 v63, v8  }
0x153: {  	v59 =	vnsel vm11, $0x0, v42;
	vm11 =	vlt.f32 v45, $6.000000000e+00;
	v63 =	vnsel vm10, $0x0, v55  }
0x154: {  	vm10 =	vlt.f32 v54, $5.000000000e+00;
	v4 =	vadd.f32 v60, v8;
	v8 =	vnsel vm8, $0x0, v41  }
0x155: {  	v60 =	vnsel vm12, $0x0, v57;
	vm8 =	vlt.f32 v37, $6.000000000e+00;
	v8 =	vadd.f32 v8, v9  }
0x156: {  	vm12 =	vlt.f32 v51, $5.000000000e+00;
	v9 =	vadd.f32 v63, v62;
	v62 =	vnsel vm13, $0x0, v43  }
0x157: {  	v63 =	vnsel vm14, $0x0, v52;
	vm13 =	vlt.f32 v47, $6.000000000e+00;
	v8 =	vadd.f32 v59, v8  }
0x158: {  	vm14 =	vlt.f32 v50, $5.000000000e+00;
	v4 =	vsub.f32 v18, v4;
	v9 =	vadd.f32 v60, v9  }
0x159: {  	v59 =	vnsel vm15, $0x0, v44;
	v60 =	vnsel vm6, $0x0, v41;
	v8 =	vadd.f32 v62, v8  }
0x15a: {  	vm15 =	vlt.f32 v49, $6.000000000e+00;
	vm6 =	vlt.f32 v48, $6.000000000e+00;
	v9 =	vadd.f32 v63, v9  }
0x15b: {  	v63 =	vnsel vm9, $0x0, v55;
	vm9 =	vlt.f32 v47, $7.000000000e+00;
	v10 =	vadd.f32 v59, v8  }
0x15c: {  	v8 =	vnsel vm4, $0x0, v40;
	v59 =	vmul.f32 v2, v4;
	v4 =	vnsel vm7, $0x0, v42  }
0x15d: {  	vm4 =	vlt.f32 v37, $7.000000000e+00;
	vm7 =	vlt.f32 v45, $7.000000000e+00;
	v9 =	vadd.f32 v8, v9  }
0x15e: {  	v8 =	vadd.s32 v1, v39;
	v62 =	vadd.f32 v11, v10;
	v10 =	vnsel vm4, $0x0, v58  }
0x15f: {  	v11 =	vnsel vm5, $0x0, v55;
	vm4 =	vlt.f32 v37, $8.000000000e+00;
	vm5 =	vlt.f32 v38, $8.000000000e+00  }
0x160: {  	v2 =	vadd.f32 v60, v9;
	v60 =	vnsel vm8, $0x0, v58;
	v10 =	vadd.f32 v11, v10  }
0x161: {  	vm8 =	vlt.f32 v61, $6.000000000e+00;
	v11 =	vnsel vm7, $0x0, v57;
	vm7 =	vlt.f32 v45, $8.000000000e+00  }
0x162: {  	v9 =	vadd.f32 v63, v60;
	v60 =	vnsel vm11, $0x0, v57;
	v63 =	vnsel vm13, $0x0, v52  }
0x163: {  	vm11 =	vlt.f32 v49, $7.000000000e+00;
	vm13 =	vlt.f32 v48, $7.000000000e+00;
	v2 =	vadd.f32 v4, v2  }
0x164: {  	v4 =	vnsel vm10, $0x0, v43;
	v10 =	vadd.f32 v11, v10;
	vm10 =	vlt.f32 v54, $6.000000000e+00  }
0x165: {  	v11 =	vnsel vm9, $0x0, v52;
	vm9 =	vlt.f32 v47, $8.000000000e+00;
	v9 =	vadd.f32 v60, v9  }
0x166: {  	v60 =	vnsel vm15, $0x0, v40;
	vm15 =	vlt.f32 v61, $7.000000000e+00;
	v2 =	vadd.f32 v4, v2  }
0x167: {  	v4 =	vnsel vm12, $0x0, v44;
	v10 =	vadd.f32 v11, v10;
	vm12 =	vlt.f32 v51, $6.000000000e+00  }
0x168: {  	v11 =	vnsel vm11, $0x0, v40;
	vm11 =	vlt.f32 v49, $8.000000000e+00;
	v9 =	vadd.f32 v63, v9  }
0x169: {  	v2 =	vadd.f32 v4, v2;
	v4 =	vnsel vm14, $0x0, v46;
	v10 =	vadd.f32 v11, v10  }
0x16a: {  	vm14 =	vlt.f32 v50, $6.000000000e+00;
	v11 =	vnsel vm13, $0x0, v41;
	vm13 =	vlt.f32 v37, $9.000000000e+00  }
0x16b: {  	v9 =	vadd.f32 v60, v9;
	v60 =	vnsel vm6, $0x0, v41;
	vm6 =	vlt.f32 v54, $7.000000000e+00  }
0x16c: {  	v37 =	vnsel vm13, $0x0, v58;
	vm13 =	vlt.f32 v51, $9.000000000e+00;
	v10 =	vadd.f32 v11, v10  }
0x16d: {  	v4 =	vadd.f32 v4, v2;
	v2 =	vnsel vm15, $0x0, v42;
	v63 =	vnsel vm6, $0x0, v43  }
0x16e: {  	v11 =	vadd.s32 v3, v36;
	v36 =	vshll.u32 v36, $0x2;
	vm15 =	vlt.f32 v45, $9.000000000e+00  }
0x16f: {  	v45 =	vmul.f32 v57, v56;
	vm6 =	vlt.f32 v49, $9.000000000e+00;
	v9 =	vadd.f32 v60, v9  }
0x170: {  	v60 =	vnsel vm8, $0x0, v42;
	vm8 =	vlt.f32 v51, $7.000000000e+00;
	v56 =	vnsel vm15, $0x0, v57  }
0x171: {  	v2 =	vadd.f32 v2, v10;
	v10 =	vnsel vm5, $0x0, v55;
	vm5 =	vlt.f32 v61, $8.000000000e+00  }
0x172: {  	v4 =	vsub.f32 v18, v4;
	v9 =	vadd.f32 v60, v9;
	v60 =	vnsel vm10, $0x0, v43  }
0x173: {  	vm10 =	vlt.f32 v50, $7.000000000e+00;
	v2 =	vadd.f32 v63, v2;
	v63 =	vnsel vm8, $0x0, v44  }
0x174: {  	vm8 =	vlt.f32 v48, $9.000000000e+00;
	v9 =	vadd.f32 v60, v9;
	v60 =	vnsel vm12, $0x0, v44  }
0x175: {  	vm12 =	vlt.f32 v48, $8.000000000e+00;
	v48 =	vld.idx.msk [tilespmem:v27+s26+$0x0], $0xffff;
	v27 =	vnsel vm8, $0x0, v41;
	v2 =	vadd.f32 v63, v2  }
0x176: {  	v63 =	vnsel vm10, $0x0, v46;
	vm10 =	vlt.f32 v61, $9.000000000e+00;
	v9 =	vadd.f32 v60, v9  }
0x177: {  	v61 =	vadd.s32 v3, v24;
	v60 =	vnsel vm14, $0x0, v46;
	vm14 =	vlt.f32 v38, $9.000000000e+00  }
0x178: {  	v63 =	vadd.f32 v63, v2;
	v60 =	vadd.f32 v60, v9;
	v9 =	vnsel vm4, $0x0, v58  }
0x179: {  	v2 =	vnsel vm11, $0x0, v40;
	v38 =	vnsel vm14, $0x0, v55;
	v9 =	vadd.f32 v10, v9  }
0x17a: {  	v55 =	vadd.s32 v3, v35;
	v35 =	vshll.u32 v35, $0x2;
	v10 =	vnsel vm7, $0x0, v57  }
0x17b: {  	vm11 =	vlt.f32 v50, $8.000000000e+00;
	vm14 =	vlt.f32 v50, $9.000000000e+00;
	v9 =	vadd.f32 v10, v9  }
0x17c: {  	v50 =	vadd.s32 v3, v22;
	v37 =	vadd.f32 v38, v37;
	v10 =	vnsel vm9, $0x0, v52  }
0x17d: {  	v58 =	vadd.s32 v5, v36;
	v38 =	vadd.s32 v1, v35;
	v9 =	vadd.f32 v10, v9  }
0x17e: {  	v31 =	vld.idx.msk [tilespmem:v31+s25+$0x0], $0xffff;
	vm4 =	vlt.f32 v47, $9.000000000e+00;
	v56 =	vadd.f32 v56, v37;
	v37 =	vshll.u32 v33, $0x2  }
0x17f: {  	v47 =	vld.idx.msk [tilespmem:v30+s26+$0x0], $0xffff;
	v33 =	vmul.f32 v52, v45;
	v52 =	vnsel vm4, $0x0, v52;
	v2 =	vadd.f32 v2, v9  }
0x180: {  	v30 =	vnsel vm5, $0x0, v42;
	v45 =	vadd.f32 v52, v56;
	v56 =	vld.idx.msk [tilespmem:v28+s26+$0x0], $0xffff;
	v9 =	vnsel vm12, $0x0, v41  }
0x181: {  	v57 =	vadd.s32 v5, v35;
	vm7 =	vlt.f32 v54, $8.000000000e+00;
	v28 =	vld.idx.msk [tilespmem:v29+s25+$0x0], $0xffff;
	v2 =	vadd.f32 v9, v2  }
0x182: {  	v49 =	vadd.s32 v1, v37;
	vm9 =	vlt.f32 v51, $8.000000000e+00;
	v52 =	vnsel vm6, $0x0, v40  }
0x183: {  	v34 =	vld.idx.msk [tilespmem:v34+s26+$0x0], $0xffff;
	v29 =	vnsel vm9, $0x0, v44;
	vm12 =	vlt.f32 v54, $9.000000000e+00;
	v2 =	vadd.f32 v30, v2  }
0x184: {  	v8 =	vld.idx.msk [tilespmem:v8+s26+$0x0], $0xffff;
	v54 =	vmul.f32 v47, v31;
	v30 =	vadd.f32 v52, v45;
	v52 =	vnsel vm7, $0x0, v43  }
0x185: {  	v38 =	vld.idx.msk [tilespmem:v38+s26+$0x0], $0xffff;
	v47 =	vadd.f32 $0.0e+00, v47;
	v9 =	vadd.s32 v1, v36;
	v2 =	vadd.f32 v52, v2  }
0x186: {  	v10 =	vadd.s32 v5, v39;
	v51 =	vmul.f32 v48, v28;
	v52 =	vld.idx.msk [tilespmem:v26+s26+$0x0], $0xffff;
	v27 =	vadd.f32 v27, v30  }
0x187: {  	v47 =	vadd.f32 v48, v47;
	v26 =	vld.idx.msk [tilespmem:v32+s25+$0x0], $0xffff;
	v2 =	vadd.f32 v29, v2;
	v29 =	vnsel vm10, $0x0, v42  }
0x188: {  	v48 =	vadd.s32 v3, v23;
	v30 =	vshll.u32 v24, $0x2;
	v24 =	vld.idx.msk [tilespmem:v11+s25+$0x0], $0xffff;
	v29 =	vadd.f32 v29, v27  }
0x189: {  	v32 =	vnsel vm11, $0x0, v46;
	v11 =	vadd.f32 $0.0e+00, v54;
	v27 =	vld.idx.msk [tilespmem:v53+s25+$0x0], $0xffff;
	v53 =	vnsel vm12, $0x0, v43  }
0x18a: {  	v45 =	vadd.s32 v5, v37;
	v9 =	vld.idx.msk [tilespmem:v9+s26+$0x0], $0xffff;
	v2 =	vadd.f32 v32, v2;
	v32 =	vadd.f32 v53, v29  }
0x18b: {  	v54 =	vnsel vm13, $0x0, v44;
	v11 =	vadd.f32 v51, v11;
	v53 =	vadd.s32 v1, v30;
	v29 =	vld.idx.msk [tilespmem:v55+s25+$0x0], $0xffff  }
0x18c: {  	v51 =	vmul.f32 v34, v26;
	v54 =	vadd.f32 v54, v32;
	v32 =	vshll.u32 v23, $0x2;
	v23 =	vld.idx.msk [tilespmem:v12+s25+$0x0], $0xffff  }
0x18d: {  	v55 =	vadd.s32 v5, v30;
	v2 =	vsub.f32 v18, v2;
	v12 =	vadd.f32 v34, v47;
	v47 =	vld.idx.msk [tilespmem:v49+s26+$0x0], $0xffff  }
0x18e: {  	v11 =	vadd.f32 v51, v11;
	v49 =	vnsel vm14, $0x0, v46;
	v51 =	vld.idx.msk [tilespmem:v58+s26+$0x0], $0xffff;
	v58 =	vmul.f32 v56, v31  }
0x18f: {  	v13 =	vld.idx.msk [tilespmem:v25+s26+$0x0], $0xffff;
	v56 =	vadd.f32 $0.0e+00, v56;
	v25 =	vmul.f32 v8, v27;
	v34 =	vadd.s32 v1, v32  }
0x190: {  	v49 =	vadd.f32 v49, v54;
	v12 =	vadd.f32 v8, v12;
	v8 =	vshll.u32 v22, $0x2  }
0x191: {  	v10 =	vld.idx.msk [tilespmem:v10+s26+$0x0], $0xffff;
	v22 =	vsub.f32 v18, v62;
	v62 =	vmul.f32 v52, v28;
	v11 =	vadd.f32 v25, v11  }
0x192: {  	v25 =	vmul.f32 v9, v24;
	v9 =	vadd.f32 v9, v12;
	v12 =	vld.idx.msk [tilespmem:v53+s26+$0x0], $0xffff;
	v53 =	vadd.f32 $0.0e+00, v58  }
0x193: {  	v57 =	vld.idx.msk [tilespmem:v57+s26+$0x0], $0xffff;
	v54 =	vmul.f32 v38, v29;
	v58 =	vadd.s32 v1, v8;
	v59 =	vmul.f32 v59, v22  }
0x194: {  	v11 =	vadd.f32 v25, v11;
	v25 =	vld.idx.msk [tilespmem:v61+s25+$0x0], $0xffff;
	v53 =	vadd.f32 v62, v53;
	v62 =	vmul.f32 v13, v26  }
0x195: {  	v45 =	vld.idx.msk [tilespmem:v45+s26+$0x0], $0xffff;
	v61 =	vmul.f32 v47, v23;
	v9 =	vadd.f32 v38, v9;
	v38 =	vadd.s32 v5, v8  }
0x196: {  	v22 =	vld.idx.msk [tilespmem:v48+s25+$0x0], $0xffff;
	v4 =	vmul.f32 v59, v4;
	v11 =	vadd.f32 v54, v11;
	v53 =	vadd.f32 v62, v53  }
0x197: {  	v48 =	vld.idx.msk [tilespmem:v34+s26+$0x0], $0xffff;
	v62 =	vmul.f32 v10, v27;
	v9 =	vadd.f32 v47, v9;
	v47 =	vadd.s32 v6, v19  }
0x198: {  	v34 =	vld.idx.msk [tilespmem:v50+s25+$0x0], $0xffff;
	v19 =	vadd.s32 v7, v19;
	v11 =	vadd.f32 v61, v11;
	v61 =	vadd.f32 v52, v56  }
0x199: {  	v52 =	vadd.s32 v5, v32;
	v54 =	vld.idx.msk [tilespmem:v58+s26+$0x0], $0xffff;
	v56 =	vmul.f32 v12, v25;
	v9 =	vadd.f32 v12, v9  }
0x19a: {  	v58 =	vmul.f32 v57, v29;
	v13 =	vadd.f32 v13, v61;
	v61 =	vadd.f32 v62, v53  }
0x19b: {  	v62 =	vmul.f32 v51, v24;
	v53 =	vadd.s32 v6, v36;
	v11 =	vadd.f32 v56, v11  }
0x19c: {  	v36 =	vadd.s32 v7, v36;
	v9 =	vadd.f32 v48, v9;
	v10 =	vadd.f32 v10, v13  }
0x19d: {  	v55 =	vld.idx.msk [tilespmem:v55+s26+$0x0], $0xffff;
	v13 =	vadd.s32 v6, v20;
	v50 =	vadd.f32 v62, v61;
	v61 =	vmul.f32 v48, v22  }
0x19e: {  	v62 =	vmul.f32 v45, v23;
	v20 =	vadd.s32 v7, v20;
	v56 =	vmul.f32 v54, v34  }
0x19f: {  	v38 =	vld.idx.msk [tilespmem:v38+s26+$0x0], $0xffff;
	v10 =	vadd.f32 v51, v10;
	v12 =	vadd.f32 v58, v50;
	v58 =	vadd.s32 v6, v21  }
0x1a0: {  	v52 =	vld.idx.msk [tilespmem:v52+s26+$0x0], $0xffff;
	v9 =	vadd.f32 v54, v9;
	v11 =	vadd.f32 v61, v11;
	v61 =	vadd.s32 v6, v39  }
0x1a1: {  	v47 =	vld.idx.msk [tilespmem:v47+s26+$0x0], $0xffff;
	v21 =	vadd.s32 v7, v21;
	v39 =	vadd.s32 v7, v39;
	v10 =	vadd.f32 v57, v10  }
0x1a2: {  	v12 =	vadd.f32 v62, v12;
	v57 =	vmul.f32 v55, v25;
	v11 =	vadd.f32 v56, v11  }
0x1a3: {  	v9 =	vmul.f32 $1.000000010e-01, v9;
	v62 =	vsub.f32 v18, v60;
	v13 =	vld.idx.msk [tilespmem:v13+s26+$0x0], $0xffff;
	v10 =	vadd.f32 v45, v10  }
0x1a4: {  	v56 =	vmul.f32 v38, v34;
	v12 =	vadd.f32 v57, v12;
	v45 =	vld.idx.msk [tilespmem:v58+s26+$0x0], $0xffff;
	v58 =	vadd.f32 $0.0e+00, v31  }
0x1a5: {  	v59 =	vmul.f32 v52, v22;
	v4 =	vmul.f32 v4, v62;
	v62 =	vsub.f32 v18, v63  }
0x1a6: {  	v20 =	vld.idx.msk [tilespmem:v20+s26+$0x0], $0xffff;
	v57 =	vmul.f32 v47, v31;
	v47 =	vadd.f32 $0.0e+00, v47;
	v51 =	vadd.f32 v28, v58  }
0x1a7: {  	v50 =	vld.idx.msk [tilespmem:v61+s26+$0x0], $0xffff;
	v61 =	vadd.s32 v6, v35;
	v35 =	vadd.s32 v7, v35;
	v10 =	vadd.f32 v55, v10  }
0x1a8: {  	v63 =	vld.idx.msk [tilespmem:v53+s26+$0x0], $0xffff;
	v12 =	vadd.f32 v59, v12;
	v4 =	vmul.f32 v4, v62;
	v51 =	vadd.f32 v26, v51  }
0x1a9: {  	v59 =	vadd.f32 $0.0e+00, v57;
	v60 =	vmul.f32 v13, v28;
	v13 =	vadd.f32 v13, v47  }
0x1aa: {  	v2 =	vmul.f32 v4, v2;
	v4 =	vsub.f32 v18, v49;
	v55 =	vadd.f32 v27, v51  }
0x1ab: {  	v21 =	vld.idx.msk [tilespmem:v21+s26+$0x0], $0xffff;
	v62 =	vadd.s32 v6, v32;
	v10 =	vadd.f32 v52, v10;
	v12 =	vadd.f32 v56, v12  }
0x1ac: {  	v2 =	vmul.f32 v2, v4;
	v4 =	vadd.f32 v45, v13;
	v13 =	vld.idx.msk [tilespmem:v19+s26+$0x0], $0xffff;
	v19 =	vadd.f32 v24, v55  }
0x1ad: {  	v28 =	vmul.f32 v20, v28;
	v58 =	vmul.f32 v63, v24;
	v10 =	vadd.f32 v38, v10  }
0x1ae: {  	v39 =	vld.idx.msk [tilespmem:v39+s26+$0x0], $0xffff;
	v38 =	vadd.f32 v60, v59;
	v54 =	vmul.f32 v45, v26;
	v19 =	vadd.f32 v29, v19  }
0x1af: {  	v57 =	vmul.f32 v50, v27;
	v59 =	vadd.s32 v6, v37;
	v60 =	vadd.s32 v6, v30  }
0x1b0: {  	v37 =	vadd.s32 v7, v37;
	v38 =	vadd.f32 v54, v38;
	v19 =	vadd.f32 v23, v19  }
0x1b1: {  	v30 =	vadd.s32 v7, v30;
	v26 =	vmul.f32 v21, v26;
	v4 =	vadd.f32 v50, v4  }
0x1b2: {  	v56 =	vld.idx.msk [tilespmem:v61+s26+$0x0], $0xffff;
	v38 =	vadd.f32 v57, v38;
	v31 =	vmul.f32 v13, v31;
	v19 =	vadd.f32 v25, v19  }
0x1b3: {  	v36 =	vld.idx.msk [tilespmem:v36+s26+$0x0], $0xffff;
	v27 =	vmul.f32 v39, v27;
	v4 =	vadd.f32 v63, v4;
	v13 =	vadd.f32 $0.0e+00, v13  }
0x1b4: {  	v48 =	vld.idx.msk [tilespmem:v62+s26+$0x0], $0xffff;
	(erf) = vrcp.f32 v2;
	v31 =	vadd.f32 $0.0e+00, v31;
	v19 =	vadd.f32 v22, v19  }
0x1b5: {  	v63 =	vadd.s32 v6, v8;
	v8 =	vadd.s32 v7, v8;
	v47 =	vld.idx.msk [tilespmem:v59+s26+$0x0], $0xffff;
	v2 =	vadd.f32 v20, v13  }
0x1b6: {  	v50 =	vadd.s32 v7, v32;
	v45 =	vld.idx.msk [tilespmem:v60+s26+$0x0], $0xffff;
	v28 =	vadd.f32 v28, v31;
	v19 =	vadd.f32 v34, v19  }
0x1b7: {  	v10 =	vmul.f32 $1.000000010e-01, v10;
	v61 =	vmul.f32 v56, v29;
	v38 =	vadd.f32 v58, v38;
	v13 =	vld.idx.msk [tilespmem:v35+s26+$0x0], $0xffff  }
0x1b8: {  	v51 =	vld.idx.msk [tilespmem:v37+s26+$0x0], $0xffff;
	v2 =	vadd.f32 v21, v2;
	v20 =	vadd.f32 v26, v28;
	(erf) = vrcp.f32 v19  }
0x1b9: {  	v24 =	vmul.f32 v36, v24;
	v30 =	vld.idx.msk [tilespmem:v30+s26+$0x0], $0xffff;
	v4 =	vadd.f32 v56, v4;
	v38 =	vadd.f32 v61, v38  }
0x1ba: {  	v56 =	vmul.f32 v48, v22;
	v8 =	vld.idx.msk [tilespmem:v8+s26+$0x0], $0xffff;
	v2 =	vadd.f32 v39, v2;
	v20 =	vadd.f32 v27, v20  }
0x1bb: {  	v53 =	vld.idx.msk [tilespmem:v63+s26+$0x0], $0xffff;
	v52 =	vmul.f32 v47, v23;
	v54 =	vmul.f32 v45, v25;
	v4 =	vadd.f32 v47, v4  }
0x1bc: {  	v28 =	vld.idx.msk [tilespmem:v50+s26+$0x0], $0xffff;
	v55 =	vmul.f32 v13, v29;
	v2 =	vadd.f32 v36, v2;
	v20 =	vadd.f32 v24, v20  }
0x1bd: {  	v23 =	vmul.f32 v51, v23;
	v21 =	vadd.f32 v52, v38;
	v4 =	vadd.f32 v45, v4  }
0x1be: {  	v57 =	vmul.f32 v30, v25;
	v2 =	vadd.f32 v13, v2;
	v20 =	vadd.f32 v55, v20  }
0x1bf: {  	v21 =	vadd.f32 v54, v21;
	v4 =	vadd.f32 v48, v4;
	v59 =	vmul.f32 v8, v34  }
0x1c0: {  	vm15 =	veq.f32 v19, $0.0e+00;
	v2 =	vadd.f32 v51, v2;
	v19 =	vpop (erf);
	v20 =	vadd.f32 v23, v20  }
0x1c1: {  	v13 =	vmul.f32 v53, v34;
	v21 =	vadd.f32 v56, v21;
	v22 =	vmul.f32 v28, v22;
	v58 =	vpop (erf)  }
0x1c2: {  	v2 =	vadd.f32 v30, v2;
	v20 =	vadd.f32 v57, v20;
	v11 =	vmul.f32 v11, v58  }
0x1c3: {  	v4 =	vadd.f32 v53, v4;
	v13 =	vadd.f32 v13, v21;
	v12 =	vmul.f32 v12, v58  }
0x1c4: {  	v2 =	vadd.f32 v28, v2;
	v20 =	vadd.f32 v22, v20;
	v9 =	vsel vm15, v9, v11  }
0x1c5: {  	v4 =	vmul.f32 $1.000000010e-01, v4;
	v10 =	vsel vm15, v10, v12;
	v12 =	vadd.f32 $0.0e+00, v9  }
0x1c6: {  	v2 =	vadd.f32 v8, v2;
	v60 =	vadd.f32 v59, v20;
	v8 =	vmul.f32 v13, v58  }
0x1c7: {  	v13 =	vmul.f32 v40, v33;
	v12 =	vadd.f32 v10, v12  }
0x1c8: {  	v2 =	vmul.f32 $1.000000010e-01, v2;
	v4 =	vsel vm15, v4, v8;
	v8 =	vmul.f32 v60, v58  }
0x1c9: {  	v61 =	vadd.f32 v4, v12  }
0x1ca: {  	v2 =	vsel vm15, v2, v8;
	v12 =	vmul.f32 v41, v13  }
0x1cb: {  	v8 =	vadd.f32 v2, v61  }
0x1cc: {  	v62 =	vmul.f32 v42, v12  }
0x1cd: {  	(erf) = vrcp.f32 v8  }
0x1ce: {  	v8 =	vmul.f32 v43, v62;
	_ =	sdelay $0x1  }
0x1cf: {  	v8 =	vmul.f32 v44, v8;
	_ =	sdelay $0x1  }
0x1d0: {  	v8 =	vmul.f32 v46, v8;
	_ =	sdelay $0x1  }
0x1d1: {  	v8 =	vmul.f32 $3.628800000e+06, v8;
	_ =	sdelay $0x1  }
0x1d2: {  	s31 =	sshll.u32 s7, $0x4;
	s7 =	sadd.s32 $0x1, s7;
	v8 =	vmul.f32 v19, v8;
	v63 =	vpop (erf)  }
0x1d3: {  	p0 =	sne.s32 s7, $0x19;
	v9 =	vmul.f32 v63, v9  }
.Ltmp8:
0x1d4: {  	[tilespmem:s31+$0x1AC80] =	vst v8;
	v8 =	vmul.f32 v63, v10;
	(pc) =	sbr.rel @p0 .LBB2_14-.Ltmp8, $4  }
0x1d5: {  	s0 =	sand.u32 $0x3FFFFFF0, s31;
	v4 =	vmul.f32 v63, v4;
	[tilespmem:s31+$0x1AE80] =	vst v9  }
0x1d6: {  	v2 =	vmul.f32 v63, v2;
	[tilespmem:s0+$0x1B010] =	vst v8  }
0x1d7: {  	[tilespmem:s0+$0x1B1A0] =	vst v4  }
0x1d8: {  	[tilespmem:s0+$0x1B330] =	vst v2  }
0x1d9: {  	s0 =	simm.s32 $0x0;
	s2 =	rddreg [dreg:$0x7];
	s6 =	simm.s32 $0x1AC80  }
0x1da: {  	[hbm4b:s2+s0] =	stream.linear.scatter [tilespmem:s6], [sflag:$0x1], $0x190, $0x38;
	[tilespmem:$0x1B500] =	vst v63  }
0x1db: {  	_ =	swait.ge [sflag:s24], $0x190  }
0x1dc: {  	[sflag:s24] =	ssyncset.done $0x0  }
0x1dd: {  	s6 =	simm.s32 $0x1AE80;
	[sflag:s24] =	ssyncadd.s32 $0xFFFFFE70  }
0x1de: {  	[hbm4b:s9+s0] =	stream.linear.scatter [tilespmem:s6], [sflag:$0x1], $0x190, $0x38;
	[tilespmem:$0x1B500] =	vst v63  }
0x1df: {  	_ =	swait.ge [sflag:s24], $0x190  }
0x1e0: {  	[sflag:s24] =	ssyncset.done $0x0  }
0x1e1: {  	s7 =	simm.s32 $0x1B010;
	[sflag:s24] =	ssyncadd.s32 $0xFFFFFE70  }
0x1e2: {  	[hbm4b:s10+s0] =	stream.linear.scatter [tilespmem:s7], [sflag:$0x1], $0x190, $0x38;
	[tilespmem:$0x1B500] =	vst v63  }
0x1e3: {  	_ =	swait.ge [sflag:s24], $0x190  }
0x1e4: {  	[sflag:s24] =	ssyncset.done $0x0  }
0x1e5: {  	[sflag:s24] =	ssyncadd.s32 $0xFFFFFE70  }
0x1e6: {  	[hbm4b:s11+s0] =	stream.linear.scatter [tilespmem:s3], [sflag:$0x1], $0x190, $0x38;
	[tilespmem:$0x1B500] =	vst v63  }
0x1e7: {  	_ =	swait.ge [sflag:s24], $0x190  }
0x1e8: {  	[sflag:s24] =	ssyncset.done $0x0  }
0x1e9: {  	[sflag:s24] =	ssyncadd.s32 $0xFFFFFE70  }
0x1ea: {  	[hbm4b:s14+s0] =	stream.linear.scatter [tilespmem:s4], [sflag:$0x1], $0x190, $0x38;
	[tilespmem:$0x1B500] =	vst v63  }
0x1eb: {  	_ =	swait.ge [sflag:s24], $0x190  }
0x1ec: {  	[sflag:s24] =	ssyncset.done $0x0  }
0x1ed: {  	[sflag:s24] =	ssyncadd.s32 $0xFFFFFE70  }
0x1ee: {  	[tilespmem:s0], [sflag:$0x1] =	stream.linear.gather [hbm4b:s12+s0], $0xC80, $0x38;
	[tilespmem:$0x1B500] =	vst v63  }
0x1ef: {  	_ =	swait.ge [sflag:s24], $0xC80  }
0x1f0: {  	[sflag:s24] =	ssyncset.done $0x0  }
0x1f1: {  	[sflag:s24] =	ssyncadd.s32 $0xFFFFF380  }
0x1f2: {  	[tilespmem:s25], [sflag:$0x1] =	stream.linear.gather [hbm4b:s13+s0], $0xC80, $0x38;
	[tilespmem:$0x1B500] =	vst v63  }
0x1f3: {  	_ =	swait.ge [sflag:s24], $0xC80  }
0x1f4: {  	[sflag:s24] =	ssyncset.done $0x0  }
0x1f5: {  	[sflag:s24] =	ssyncadd.s32 $0xFFFFF380  }
0x1f6: {  	[tilespmem:s26], [sflag:$0x1] =	stream.linear.gather [hbm4b:s15+s0], $0x3200, $0x38;
	[tilespmem:$0x1B500] =	vst v63  }
0x1f7: {  	_ =	swait.ge [sflag:s24], $0x3200  }
0x1f8: {  	[sflag:s24] =	ssyncset.done $0x0  }
0x1f9: {  	[sflag:s24] =	ssyncadd.s32 $0xFFFFCE00  }
0x1fa: {  	[tilespmem:s28], [sflag:$0x1] =	stream.linear.gather [hbm4b:s16+s0], $0xFA0, $0x38;
	[tilespmem:$0x1B500] =	vst v63  }
0x1fb: {  	_ =	swait.ge [sflag:s24], $0xFA0  }
0x1fc: {  	[sflag:s24] =	ssyncset.done $0x0  }
0x1fd: {  	v2 =	vadd.s32 s0, v3;
	[sflag:s24] =	ssyncadd.s32 $0xFFFFF060  }
0x1fe: {  	[tilespmem:s29], [sflag:$0x1] =	stream.linear.gather [hbm4b:s17+s0], $0x13880, $0x38;
	[tilespmem:$0x1B500] =	vst v63  }
0x1ff: {  	_ =	swait.ge [sflag:s24], $0x13880  }
0x200: {  	[sflag:s24] =	ssyncset.done $0x0  }
0x201: {  	[sflag:s24] =	ssyncadd.s32 $0xFFFEC780  }
0x202: {  	s8 =	simm.s32 $0x1;
	v2 =	vld.idx.msk [tilespmem:v2+s0+$0x0], $0xffff  }
0x203: {  	v4 =	vadd.s32 s8, v3;
	_ =	sdelay $0x2  }
0x204: {  	s6 =	simm.s32 $0xC80  }
0x205: {  	[tilespmem:s6+$0x0] =	vst v2  }
0x206: {  	s31 =	simm.s32 $0x2;
	v4 =	vld.idx.msk [tilespmem:v4+s0+$0x0], $0xffff  }
0x207: {  	v8 =	vadd.s32 s31, v3;
	s7 =	simm.s32 $0x3  }
.LBB2_18:
0x208: {  	p0 =	sne.s32 s7, $0xC7;
	_ =	sdelay $0x1  }
.Ltmp9:
0x209: {  	s6 =	sadd.s32 $0x10, s6;
	(pc) =	sbr.rel @p0 .LBB2_18-.Ltmp9, $3  }
0x20a: {  	[tilespmem:s6+$0x0] =	vst v4  }
0x20b: {  	v4 =	vld.idx.msk [tilespmem:v8+s0+$0x0], $0xffff;
	_ =	sdelay $0x1  }
0x20c: {  	v8 =	vadd.s32 s7, v3;
	s7 =	sadd.s32 $0x1, s7  }
0x20d: {  	_ =	sdelay $0x1  }
0x20e: {  	s2 =	sadd.s32 $0x10, s6  }
0x20f: {  	[tilespmem:s2+$0x0] =	vst v4  }
0x210: {  	v2 =	vld.idx.msk [tilespmem:v8+s0+$0x0], $0xffff;
	_ =	sdelay $0x3  }
0x211: {  	s8 =	sadd.s32 $0x10, s2  }
0x212: {  	s31 =	simm.s32 $0x0;
	[tilespmem:s8+$0x0] =	vst v2  }
0x213: {  	v4 =	vimm.f32 $-3.000000010e+38;
	s0 =	simm.s32 $0x40;
	v8 =	vld [tilespmem:s31+$0xC80]  }
.LBB2_20:
0x214: {  	p0 =	sne.s32 s0, $0x31C0  }
.Ltmp10:
0x215: {  	_ = 	snop;
	(pc) =	sbr.rel @p0 .LBB2_20-.Ltmp10, $3  }
0x216: {  	_ =	sdelay $0x1  }
0x217: {  	s2 =	sshra.s32 s0, $0x2;
	s0 =	sadd.s32 $0x40, s0;
	v4 =	vmax.f32 v4, v8  }
0x218: {  	v8 =	vld [tilespmem:s2+$0xC80]  }
0x219: {  	s7 =	simm.s32 $0x0  }
0x21a: {  	v2 =	vld [tilespmem:s7+$0xC80];
	_ =	sdelay $0x1  }
0x21b: {  	s0 =	simm.s32 $0x10  }
0x21c: {  	v9 =	vld [tilespmem:s0+$0xC80]  }
0x21d: {  	v4 =	vmax.f32 v4, v8  }
0x21e: {  	v2 =	vsub.f32 v2, v4;
	_ =	sdelay $0x1  }
0x21f: {  	v2 =	vmul.f32 $1.442695020e+00, v2  }
0x220: {  	v8 =	vsub.f32 v9, v4  }
0x221: {  	(erf) = vpow2.f32 v2  }
0x222: {  	v9 =	vmul.f32 $1.442695020e+00, v8  }
0x223: {  	s8 =	simm.s32 $0x20  }
0x224: {  	v18 =	vld [tilespmem:s8+$0xC80];
	(erf) = vpow2.f32 v9;
	_ =	sdelay $0x2  }
0x225: {  	s6 =	simm.s32 $0x0;
	s31 =	simm.s32 $0xC0;
	v8 =	vimm.f32 $0.0e+00  }
.LBB2_22:
0x226: {  	p0 =	sne.s32 s31, $0x31C0  }
.Ltmp11:
0x227: {  	s2 =	sshra.s32 s31, $0x2;
	s31 =	sadd.s32 $0x40, s31;
	v2 =	vsub.f32 v18, v4;
	(pc) =	sbr.rel @p0 .LBB2_22-.Ltmp11, $4  }
0x228: {  	v18 =	vld [tilespmem:s2+$0xC80];
	v9 =	vpop (erf)  }
0x229: {  	v2 =	vmul.f32 $1.442695020e+00, v2;
	[tilespmem:s7+$0x1900] =	vst v9;
	v8 =	vadd.f32 v9, v8;
	s7 =	smov.u32 s0;
	s0 =	smov.u32 s8;
	s8 =	smov.u32 s2  }
0x22a: {  	_ = 	snop  }
0x22b: {  	(erf) = vpow2.f32 v2  }
0x22c: {  	_ = 	snop  }
0x22d: {  	v2 =	vsub.f32 v18, v4;
	_ =	sdelay $0x1  }
0x22e: {  	v2 =	vmul.f32 $1.442695020e+00, v2;
	_ =	sdelay $0x1  }
0x22f: {  	(erf) = vpow2.f32 v2;
	_ =	sdelay $0x3  }
0x230: {  	v2 =	vpop (erf)  }
0x231: {  	v4 =	vadd.f32 v2, v8;
	_ =	sdelay $0x1  }
0x232: {  	v8 =	vpop (erf)  }
0x233: {  	[tilespmem:s7+$0x1900] =	vst v2;
	v2 =	vadd.f32 v8, v4  }
0x234: {  	[tilespmem:s0+$0x1900] =	vst v8;
	v4 =	vpop (erf)  }
0x235: {  	[tilespmem:s8+$0x1900] =	vst v4;
	v18 =	vadd.f32 v4, v2  }
.LBB2_24:
0x236: {  	v2 =	vld [tilespmem:$0x1FF80];
	_ =	sdelay $0x2  }
0x237: {  	s0 =	smul.u32 $0xC8, s6;
	_ =	sdelay $0x1  }
0x238: {  	s7 =	simm.s32 $0x0;
	v22 =	vadd.s32 s0, v2  }
0x239: {  	v2 =	vadd.s32 s7, v22;
	_ =	sdelay $0x2  }
0x23a: {  	s8 =	simm.s32 $0xC80  }
0x23b: {  	v4 =	vld [tilespmem:s8+$0x0]  }
0x23c: {  	v27 =	vimm.f32 $-3.000000010e+38;
	v8 =	vimm.s32 $0x0;
	v30 =	vimm.f32 $-3.000000010e+38;
	v2 =	vld.idx.msk [tilespmem:v2+s29+$0x0], $0xffff  }
0x23d: {  	v33 =	vimm.f32 $-3.000000010e+38;
	v31 =	vimm.f32 $-3.000000010e+38;
	v19 =	vimm.s32 $0x0  }
0x23e: {  	v34 =	vimm.s32 $0x0;
	v39 =	vimm.f32 $-3.000000010e+38;
	v21 =	vimm.s32 $0x0  }
0x23f: {  	v40 =	vimm.f32 $-3.000000010e+38;
	v20 =	vimm.s32 $0x0;
	v41 =	vimm.f32 $-3.000000010e+38  }
0x240: {  	v35 =	vimm.f32 $-3.000000010e+38;
	v36 =	vimm.f32 $-3.000000010e+38;
	v37 =	vimm.f32 $-3.000000010e+38  }
0x241: {  	v23 =	vimm.s32 $0x0;
	v32 =	vimm.f32 $-3.000000010e+38;
	v29 =	vadd.f32 v4, v2  }
0x242: {  	v26 =	vimm.s32 $0x0;
	v24 =	vimm.s32 $0x0;
	v38 =	vimm.s32 $0x0  }
0x243: {  	v28 =	vimm.s32 $0x0;
	v42 =	vimm.f32 $-3.000000010e+38;
	vm3 =	vgt.f32 v29, v27  }
0x244: {  	v25 =	vimm.s32 $0x0;
	v4 =	vsel vm3, s7, v8;
	v43 =	vsel vm3, v27, v29  }
0x245: {  	s0 =	simm.s32 $0x1;
	vm0 =	vmmov vm3;
	vm2 =	vmmov vm3;
	vm1 =	vmmov vm3  }
.LBB2_25:
0x246: {  	p0 =	sne.s32 s0, $0xC7  }
0x247: {  	v27 =	vsel vm3, v29, v27;
	vm5 =	vgt.f32 v29, v30;
	v2 =	vsel vm0, v33, v29;
	s8 =	sadd.s32 $0x10, s8;
	s2 =	smov.u32 s0;
	s0 =	sadd.s32 $0x1, s0  }
0x248: {  	vm4 =	vgt.f32 v29, v31;
	v30 =	vsel vm5, v2, v30;
	v2 =	vnsel vm0, s7, v8  }
0x249: {  	v33 =	vsel vm0, v43, v33;
	v9 =	vadd.s32 s2, v22;
	v10 =	vnsel vm5, s7, v19  }
0x24a: {  	v11 =	vnsel vm3, s7, v34;
	v34 =	vmovc v4;
	v12 =	vsel vm5, v39, v29;
	v21 =	vsel vm2, v10, v21;
	v39 =	vmovc v30  }
0x24b: {  	v19 =	vsel vm5, v2, v19;
	v40 =	vsel vm2, v12, v40;
	v2 =	vnsel vm4, s7, v20  }
0x24c: {  	vm3 =	vgt.f32 v29, v35;
	vm6 =	vgt.f32 v29, v36;
	v10 =	vsel vm2, v41, v29;
	v41 =	vmovc v40  }
0x24d: {  	v13 =	vnsel vm6, s7, v23;
	vm5 =	vgt.f32 v29, v37;
	v12 =	vsel vm6, v36, v29  }
0x24e: {  	vm7 =	vgt.f32 v29, v32;
	v26 =	vsel vm1, v13, v26;
	v43 =	vsel vm5, v37, v29;
	v9 =	vld.idx.msk [tilespmem:v9+s29+$0x0], $0xffff  }
0x24f: {  	v44 =	vsel vm4, v31, v29;
	v45 =	vsel vm7, v32, v29;
	v46 =	vnsel vm3, s7, v24;
	v13 =	vld [tilespmem:s8+$0x0]  }
0x250: {  	v47 =	vnsel vm2, s7, v38;
	v23 =	vsel vm6, v46, v23;
	v29 =	vsel vm3, v35, v29;
	v38 =	vmovc v21  }
0x251: {  	v20 =	vsel vm4, v47, v20;
	v31 =	vsel vm4, v10, v31;
	v10 =	vnsel vm7, s7, v28  }
0x252: {  	v28 =	vsel vm7, v2, v28;
	v37 =	vsel vm5, v45, v37;
	v42 =	vsel vm1, v12, v42  }
.Ltmp12:
0x253: {  	v2 =	vnsel vm5, s7, v25;
	s7 =	smov.u32 s2;
	v35 =	vsel vm3, v43, v35;
	v36 =	vsel vm6, v29, v36;
	(pc) =	sbr.rel @p0 .LBB2_25-.Ltmp12, $4  }
0x254: {  	v32 =	vsel vm7, v44, v32;
	v24 =	vsel vm3, v2, v24;
	v29 =	vadd.f32 v13, v9  }
0x255: {  	v8 =	vsel vm0, v11, v8;
	v25 =	vsel vm5, v10, v25  }
0x256: {  	vm3 =	vgt.f32 v29, v27;
	vm0 =	vgt.f32 v29, v33;
	vm1 =	vgt.f32 v29, v42  }
0x257: {  	vm2 =	vgt.f32 v29, v40;
	v4 =	vsel vm3, s7, v4;
	v43 =	vsel vm3, v27, v29  }
0x258: {  	vm4 =	vgt.f32 v29, v30;
	v2 =	vnsel vm0, s7, v8;
	vm5 =	vgt.f32 v29, v31  }
0x259: {  	v10 =	vnsel vm3, s7, v34;
	vm15 =	vgt.f32 v29, v35;
	vm6 =	vgt.f32 v29, v36  }
0x25a: {  	s0 =	smul.u32 $0xA, s6;
	vm7 =	vgt.f32 v29, v37;
	vm8 =	vgt.f32 v29, v32;
	v45 =	vnsel vm2, s7, v38  }
0x25b: {  	v22 =	vld [tilespmem:$0x1FF90];
	v49 =	vshll.u32 v4, $0x4;
	v31 =	vadd.s32 v3, v4;
	v9 =	vnsel vm4, s7, v19  }
0x25c: {  	v46 =	vld [tilespmem:$0x1FFA0];
	v11 =	vnsel vm5, s7, v20;
	v13 =	vnsel vm6, s7, v23;
	v12 =	vadd.s32 s0, v14  }
0x25d: {  	v48 =	vld [tilespmem:$0x1FFB0];
	v44 =	vnsel vm15, s7, v24;
	v32 =	vnsel vm8, s7, v28;
	v2 =	vsel vm4, v2, v19  }
0x25e: {  	v50 =	vld [tilespmem:$0x1FFE0];
	v36 =	vsel vm5, v45, v20;
	v8 =	vsel vm0, v10, v8;
	v61 =	vadd.s32 s0, v15  }
0x25f: {  	v19 =	vshll.u32 v4, $0x2;
	v4 =	vld [tilespmem:$0x1FFD0];
	v10 =	vshll.u32 v8, $0x4;
	v63 =	vadd.s32 s0, v16  }
0x260: {  	v20 =	vshll.u32 v8, $0x2;
	v29 =	vadd.s32 v3, v8;
	v8 =	vld [tilespmem:$0x1FFF0];
	v27 =	vadd.s32 s0, v22  }
0x261: {  	v33 =	vnsel vm7, s7, v25;
	v40 =	vor.u32 v0, v49;
	v47 =	vadd.s32 s0, v46;
	v59 =	vld.idx.msk [tilespmem:v12+s28+$0x0], $0xffff  }
0x262: {  	v39 =	vsel vm2, v9, v21;
	v23 =	vsel vm6, v44, v23;
	v9 =	vadd.s32 s0, v48;
	v12 =	vld [tilespmem:$0x1FFC0]  }
0x263: {  	v35 =	vsel vm8, v11, v28;
	v24 =	vsel vm15, v33, v24;
	v33 =	vsel vm7, v32, v25;
	v44 =	vld.idx.msk [tilespmem:v61+s28+$0x0], $0xffff  }
0x264: {  	v30 =	vadd.s32 v1, v19;
	v28 =	vadd.s32 v5, v19;
	v51 =	vshll.u32 v2, $0x4;
	v53 =	vld.idx.msk [tilespmem:v63+s28+$0x0], $0xffff  }
0x265: {  	v32 =	vadd.s32 v3, v2;
	v21 =	vshll.u32 v2, $0x2;
	v4 =	vadd.s32 s0, v4;
	v60 =	vld.idx.msk [tilespmem:v27+s28+$0x0], $0xffff  }
0x266: {  	v41 =	vor.u32 v0, v10;
	v42 =	vor.u32 v0, v51;
	v8 =	vadd.s32 s0, v8;
	v58 =	vld.idx.msk [tilespmem:v47+s28+$0x0], $0xffff  }
0x267: {  	v34 =	vadd.s32 v1, v21;
	v25 =	vadd.s32 v5, v21;
	v37 =	vshll.u32 v33, $0x4;
	v56 =	vld.idx.msk [tilespmem:v9+s28+$0x0], $0xffff  }
0x268: {  	v43 =	vor.u32 v0, v37;
	v22 =	vsel vm1, v13, v26;
	v26 =	vadd.s32 v5, v20  }
0x269: {  	v9 =	vadd.s32 s0, v50;
	v27 =	vadd.s32 v1, v20;
	vm8 =	vlt.f32 v44, v59  }
0x26a: {  	v54 =	vld.idx.msk [tilespmem:v4+s28+$0x0], $0xffff;
	v12 =	vadd.s32 s0, v12;
	vm10 =	vlt.f32 v53, v59;
	v38 =	vsel vm8, $0x3F800000, v17  }
0x26b: {  	v50 =	vld.idx.msk [tilespmem:v8+s28+$0x0], $0xffff;
	v47 =	vsel vm10, $0x3F800000, v17;
	vm11 =	vlt.f32 v60, v59;
	vm12 =	vlt.f32 v58, v59  }
0x26c: {  	vm13 =	vlt.f32 v56, v59;
	vm6 =	vlt.f32 v59, v60;
	vm7 =	veq.f32 v59, v60  }
0x26d: {  	vm9 =	vlt.f32 v58, v60;
	vm8 =	vlt.f32 v56, v58;
	vm1 =	vlt.f32 v53, v58  }
0x26e: {  	v4 =	vsel vm11, $0x3F800000, v17;
	v55 =	vsel vm12, $0x3F800000, v17;
	v62 =	vsel vm13, $0x3F800000, v17  }
0x26f: {  	vm15 =	vlt.f32 v54, v59;
	v45 =	vsel vm9, $0x3F800000, v17;
	vm11 =	vlt.f32 v56, v60;
	v57 =	vld.idx.msk [tilespmem:v12+s28+$0x0], $0xffff  }
0x270: {  	vm12 =	vlt.f32 v59, v58;
	v4 =	vadd.f32 v55, v4;
	v55 =	vld.idx.msk [tilespmem:v9+s28+$0x0], $0xffff;
	vm5 =	vlt.f32 v50, v59  }
0x271: {  	v48 =	vsel vm11, $0x3F800000, v17;
	v49 =	vsel vm12, $0x3F800000, v17;
	vm11 =	vlt.f32 v50, v60  }
0x272: {  	vm12 =	vlt.f32 v54, v58;
	v2 =	vadd.f32 v62, v4;
	v4 =	vshll.u32 v39, $0x4  }
0x273: {  	v52 =	vor.u32 v0, v4;
	v4 =	vsel vm15, $0x3F800000, v17;
	vm15 =	vlt.f32 v60, v58  }
0x274: {  	vm0 =	vlt.f32 v53, v50;
	v12 =	vsel vm15, $0x3F800000, v17;
	vm15 =	vlt.f32 v53, v60  }
0x275: {  	vm14 =	vlt.f32 v57, v59;
	vm4 =	vlt.f32 v55, v59;
	vm13 =	vlt.f32 v57, v60  }
0x276: {  	vm9 =	vlt.f32 v55, v60;
	vm10 =	vlt.f32 v57, v58;
	v8 =	vsel vm14, $0x3F800000, v17  }
0x277: {  	vm14 =	veq.f32 v59, v58;
	v62 =	vsel vm13, $0x3F800000, v17;
	vm13 =	vlt.f32 v44, v60  }
0x278: {  	v2 =	vadd.f32 v8, v2;
	v8 =	vshll.u32 v36, $0x4;
	v61 =	vsel vm14, $0x3F800000, v17  }
0x279: {  	vm14 =	vlt.f32 v55, v58;
	v51 =	vor.u32 v0, v8;
	v8 =	vsel vm4, $0x3F800000, v17  }
0x27a: {  	v10 =	vadd.f32 v61, v49;
	v49 =	vsel vm11, $0x3F800000, v17;
	v2 =	vadd.f32 v4, v2  }
0x27b: {  	v61 =	vsel vm12, $0x3F800000, v17;
	vm4 =	vlt.f32 v59, v56;
	vm11 =	vlt.f32 v44, v58  }
0x27c: {  	vm12 =	vlt.f32 v57, v56;
	v4 =	vshll.u32 v35, $0x4;
	v2 =	vadd.f32 v8, v2  }
0x27d: {  	v46 =	vor.u32 v0, v4;
	v4 =	vsel vm5, $0x3F800000, v17;
	vm5 =	veq.f32 v59, v56  }
0x27e: {  	v8 =	vsel vm7, $0x3F800000, v17;
	v2 =	vadd.f32 v4, v2;
	v4 =	vsel vm6, $0x3F800000, v17  }
0x27f: {  	vm7 =	vlt.f32 v54, v60;
	vm6 =	veq.f32 v60, v58;
	v8 =	vadd.f32 v8, v4  }
0x280: {  	v4 =	vshll.u32 v24, $0x4;
	v13 =	vsel vm6, $0x3F800000, v17;
	v2 =	vadd.f32 v38, v2  }
0x281: {  	vm6 =	vlt.f32 v60, v56;
	v63 =	vadd.f32 v13, v12;
	v38 =	vsel vm4, $0x3F800000, v17  }
0x282: {  	vm4 =	vlt.f32 v56, v54;
	v8 =	vadd.f32 v45, v8;
	v37 =	vadd.f32 v47, v2  }
0x283: {  	v45 =	vadd.f32 v63, v10;
	v47 =	vsel vm9, $0x3F800000, v17;
	v63 =	vsel vm14, $0x3F800000, v17  }
0x284: {  	vm9 =	veq.f32 v58, v56;
	vm14 =	vlt.f32 v59, v57;
	v8 =	vadd.f32 v48, v8  }
0x285: {  	v48 =	vsel vm10, $0x3F800000, v17;
	vm10 =	vlt.f32 v50, v58;
	v13 =	vsel vm9, $0x3F800000, v17  }
0x286: {  	vm9 =	vlt.f32 v60, v57;
	v2 =	vadd.f32 v62, v8;
	v8 =	vsel vm7, $0x3F800000, v17  }
0x287: {  	v62 =	vsel vm13, $0x3F800000, v17;
	vm7 =	veq.f32 v60, v56;
	vm13 =	vlt.f32 v54, v56  }
0x288: {  	v12 =	vsel vm7, $0x3F800000, v17;
	v2 =	vadd.f32 v8, v2;
	v8 =	vsel vm8, $0x3F800000, v17  }
0x289: {  	vm7 =	vlt.f32 v53, v56;
	vm8 =	vlt.f32 v58, v56;
	v8 =	vadd.f32 v45, v8  }
0x28a: {  	v45 =	vsel vm5, $0x3F800000, v17;
	vm5 =	vlt.f32 v44, v56;
	v2 =	vadd.f32 v47, v2  }
0x28b: {  	v9 =	vadd.f32 v45, v38;
	v47 =	vsel vm6, $0x3F800000, v17;
	v45 =	vsel vm14, $0x3F800000, v17  }
0x28c: {  	vm14 =	veq.f32 v56, v57;
	vm6 =	vlt.f32 v54, v57;
	v8 =	vadd.f32 v8, v48  }
0x28d: {  	v11 =	vadd.f32 v12, v47;
	v12 =	vsel vm8, $0x3F800000, v17;
	v48 =	vsel vm10, $0x3F800000, v17  }
0x28e: {  	vm8 =	veq.f32 v59, v57;
	vm10 =	veq.f32 v60, v57;
	v2 =	vadd.f32 v49, v2  }
0x28f: {  	v49 =	vadd.f32 v13, v12;
	v47 =	vsel vm8, $0x3F800000, v17;
	v12 =	vsel vm10, $0x3F800000, v17  }
0x290: {  	vm8 =	vlt.f32 v55, v57;
	vm10 =	veq.f32 v59, v54;
	v8 =	vadd.f32 v8, v61  }
0x291: {  	v9 =	vadd.f32 v11, v9;
	v61 =	vsel vm15, $0x3F800000, v17;
	vm15 =	vlt.f32 v55, v56  }
0x292: {  	v2 =	vadd.f32 v62, v2;
	v62 =	vsel vm12, $0x3F800000, v17;
	v13 =	vsel vm15, $0x3F800000, v17  }
0x293: {  	vm12 =	veq.f32 v58, v57;
	vm15 =	vlt.f32 v50, v56;
	v8 =	vadd.f32 v8, v63  }
0x294: {  	v9 =	vadd.f32 v9, v49;
	v63 =	vsel vm13, $0x3F800000, v17;
	vm13 =	vlt.f32 v56, v57  }
0x295: {  	v38 =	vadd.f32 v61, v2;
	v2 =	vsel vm11, $0x3F800000, v17;
	vm11 =	vlt.f32 v58, v57  }
0x296: {  	v8 =	vadd.f32 v8, v48;
	v48 =	vsel vm9, $0x3F800000, v17;
	v61 =	vsel vm11, $0x3F800000, v17  }
0x297: {  	vm9 =	vlt.f32 v59, v54;
	vm11 =	vlt.f32 v60, v54;
	v49 =	vadd.f32 v12, v48  }
0x298: {  	v12 =	vsel vm14, $0x3F800000, v17;
	v48 =	vsel vm8, $0x3F800000, v17;
	vm14 =	veq.f32 v58, v54  }
0x299: {  	vm8 =	vlt.f32 v44, v57;
	v2 =	vadd.f32 v8, v2;
	v8 =	vadd.f32 v9, v62  }
0x29a: {  	v9 =	vadd.f32 v47, v45;
	v62 =	vsel vm12, $0x3F800000, v17;
	v47 =	vsel vm1, $0x3F800000, v17  }
0x29b: {  	vm12 =	veq.f32 v60, v54;
	v10 =	vadd.f32 v62, v61;
	v61 =	vsel vm10, $0x3F800000, v17  }
0x29c: {  	v62 =	vsel vm11, $0x3F800000, v17;
	vm10 =	vlt.f32 v55, v54;
	vm11 =	vlt.f32 v59, v55  }
0x29d: {  	v8 =	vadd.f32 v8, v63;
	v9 =	vadd.f32 v49, v9;
	v63 =	vsel vm13, $0x3F800000, v17  }
0x29e: {  	v49 =	vsel vm9, $0x3F800000, v17;
	vm13 =	vlt.f32 v58, v54;
	vm9 =	vlt.f32 v53, v57  }
0x29f: {  	v45 =	vadd.f32 v12, v63;
	v12 =	vsel vm5, $0x3F800000, v17;
	vm5 =	veq.f32 v56, v54  }
0x2a0: {  	v8 =	vadd.f32 v8, v13;
	v13 =	vsel vm15, $0x3F800000, v17;
	v9 =	vadd.f32 v9, v10  }
0x2a1: {  	v10 =	vadd.f32 v61, v49;
	vm15 =	vlt.f32 v50, v57;
	v61 =	vsel vm10, $0x3F800000, v17  }
0x2a2: {  	vm10 =	veq.f32 v57, v55;
	v8 =	vadd.f32 v8, v13;
	v9 =	vadd.f32 v9, v45  }
0x2a3: {  	v45 =	vadd.f32 v2, v47;
	v13 =	vsel vm14, $0x3F800000, v17;
	v47 =	vsel vm15, $0x3F800000, v17  }
0x2a4: {  	vm14 =	vlt.f32 v60, v55;
	vm15 =	veq.f32 v60, v55;
	v2 =	vadd.f32 v8, v12  }
0x2a5: {  	v8 =	vsel vm6, $0x3F800000, v17;
	v12 =	vsel vm12, $0x3F800000, v17;
	vm6 =	vlt.f32 v57, v54  }
0x2a6: {  	vm12 =	vlt.f32 v50, v54;
	v8 =	vadd.f32 v9, v8;
	v9 =	vsel vm7, $0x3F800000, v17  }
0x2a7: {  	v11 =	vadd.f32 v12, v62;
	v12 =	vsel vm13, $0x3F800000, v17;
	vm7 =	veq.f32 v57, v54  }
0x2a8: {  	v62 =	vor.u32 v0, v4;
	vm13 =	veq.f32 v59, v55;
	v63 =	vadd.f32 v13, v12  }
0x2a9: {  	v12 =	vsel vm5, $0x3F800000, v17;
	v13 =	vsel vm7, $0x3F800000, v17;
	vm5 =	veq.f32 v58, v55  }
0x2aa: {  	vm7 =	veq.f32 v56, v55;
	v8 =	vadd.f32 v8, v48;
	v48 =	vsel vm4, $0x3F800000, v17  }
0x2ab: {  	v10 =	vadd.f32 v11, v10;
	vm4 =	vlt.f32 v58, v55;
	v11 =	vadd.f32 v12, v48  }
0x2ac: {  	v12 =	vsel vm6, $0x3F800000, v17;
	v48 =	vsel vm8, $0x3F800000, v17;
	vm6 =	vlt.f32 v56, v55  }
0x2ad: {  	vm8 =	vlt.f32 v44, v54;
	v8 =	vadd.f32 v8, v47;
	v10 =	vadd.f32 v10, v63  }
0x2ae: {  	v49 =	vadd.f32 v13, v12;
	v47 =	vadd.f32 v2, v9;
	v63 =	vsel vm11, $0x3F800000, v17  }
0x2af: {  	v12 =	vsel vm15, $0x3F800000, v17;
	v13 =	vsel vm12, $0x3F800000, v17;
	vm11 =	vlt.f32 v54, v55  }
0x2b0: {  	vm12 =	veq.f32 v54, v55;
	vm15 =	veq.f32 v59, v50;
	v10 =	vadd.f32 v10, v11  }
0x2b1: {  	v2 =	vadd.f32 v8, v48;
	v8 =	vsel vm9, $0x3F800000, v17;
	v48 =	vsel vm13, $0x3F800000, v17  }
0x2b2: {  	vm9 =	vlt.f32 v57, v55;
	vm13 =	vlt.f32 v53, v54;
	v9 =	vadd.f32 v48, v63  }
0x2b3: {  	v63 =	vsel vm4, $0x3F800000, v17;
	v48 =	vsel vm5, $0x3F800000, v17;
	vm4 =	vlt.f32 v60, v50  }
0x2b4: {  	vm5 =	veq.f32 v60, v50;
	v4 =	vadd.f32 v10, v49;
	v49 =	vsel vm14, $0x3F800000, v17  }
0x2b5: {  	v10 =	vadd.f32 v48, v63;
	v63 =	vsel vm9, $0x3F800000, v17;
	v48 =	vsel vm10, $0x3F800000, v17  }
0x2b6: {  	vm14 =	vlt.f32 v59, v50;
	vm9 =	vlt.f32 v56, v50;
	vm10 =	veq.f32 v56, v50  }
0x2b7: {  	v4 =	vadd.f32 v4, v61;
	v61 =	vadd.f32 v12, v49;
	v49 =	vsel vm6, $0x3F800000, v17  }
0x2b8: {  	v12 =	vsel vm7, $0x3F800000, v17;
	vm6 =	vlt.f32 v58, v50;
	vm7 =	veq.f32 v58, v50  }
0x2b9: {  	v4 =	vadd.f32 v4, v13;
	v9 =	vadd.f32 v61, v9;
	v13 =	vsel vm8, $0x3F800000, v17  }
0x2ba: {  	v61 =	vadd.f32 v12, v49;
	v49 =	vsel vm11, $0x3F800000, v17;
	v12 =	vsel vm12, $0x3F800000, v17  }
0x2bb: {  	vm8 =	vlt.f32 v50, v55;
	vm11 =	vlt.f32 v59, v44;
	v9 =	vadd.f32 v9, v10  }
0x2bc: {  	vm12 =	veq.f32 v59, v44;
	v4 =	vadd.f32 v4, v13;
	v10 =	vadd.f32 v48, v63  }
0x2bd: {  	v13 =	vsel vm13, $0x3F800000, v17;
	v63 =	vsel vm5, $0x3F800000, v17;
	vm13 =	vlt.f32 v57, v50  }
0x2be: {  	vm5 =	vlt.f32 v44, v55;
	v9 =	vadd.f32 v9, v61;
	v61 =	vadd.f32 v12, v49  }
0x2bf: {  	v49 =	vadd.f32 v2, v8;
	v48 =	vadd.f32 v4, v13;
	v4 =	vsel vm14, $0x3F800000, v17  }
0x2c0: {  	v8 =	vsel vm15, $0x3F800000, v17;
	vm14 =	vlt.f32 v60, v44;
	vm15 =	veq.f32 v60, v44  }
0x2c1: {  	v12 =	vsel vm13, $0x3F800000, v17;
	vm13 =	veq.f32 v56, v44;
	v4 =	vadd.f32 v8, v4  }
0x2c2: {  	v8 =	vsel vm4, $0x3F800000, v17;
	vm4 =	veq.f32 v57, v44;
	v9 =	vadd.f32 v9, v10  }
0x2c3: {  	v8 =	vadd.f32 v63, v8;
	v63 =	vsel vm8, $0x3F800000, v17;
	vm8 =	vlt.f32 v58, v44  }
0x2c4: {  	v2 =	vadd.f32 v9, v61;
	v9 =	vsel vm6, $0x3F800000, v17;
	v61 =	vsel vm7, $0x3F800000, v17  }
0x2c5: {  	v4 =	vadd.f32 v8, v4;
	vm6 =	veq.f32 v57, v50;
	vm7 =	vlt.f32 v54, v50  }
0x2c6: {  	v8 =	vadd.f32 v61, v9;
	v61 =	vsel vm10, $0x3F800000, v17;
	v13 =	vsel vm6, $0x3F800000, v17  }
0x2c7: {  	vm10 =	veq.f32 v54, v50;
	vm6 =	vlt.f32 v53, v55;
	v2 =	vadd.f32 v2, v63  }
0x2c8: {  	v63 =	vsel vm11, $0x3F800000, v17;
	v4 =	vadd.f32 v4, v8;
	v8 =	vsel vm9, $0x3F800000, v17  }
0x2c9: {  	vm11 =	vlt.f32 v55, v50;
	v8 =	vadd.f32 v61, v8;
	v61 =	vsel vm12, $0x3F800000, v17  }
0x2ca: {  	vm9 =	veq.f32 v58, v44;
	vm12 =	vlt.f32 v56, v44;
	v9 =	vadd.f32 v61, v63  }
0x2cb: {  	v63 =	vsel vm14, $0x3F800000, v17;
	v61 =	vsel vm15, $0x3F800000, v17;
	vm14 =	veq.f32 v55, v50  }
0x2cc: {  	vm15 =	vlt.f32 v57, v44;
	v10 =	vadd.f32 v61, v63;
	v4 =	vadd.f32 v4, v8  }
0x2cd: {  	v8 =	vadd.f32 v13, v12;
	v63 =	vsel vm8, $0x3F800000, v17;
	v61 =	vsel vm9, $0x3F800000, v17  }
0x2ce: {  	v12 =	vsel vm7, $0x3F800000, v17;
	v13 =	vsel vm10, $0x3F800000, v17;
	vm7 =	vlt.f32 v54, v44  }
0x2cf: {  	vm8 =	veq.f32 v54, v44;
	vm9 =	vlt.f32 v44, v50;
	v9 =	vadd.f32 v10, v9  }
0x2d0: {  	vm10 =	vlt.f32 v55, v44;
	v10 =	vadd.f32 v61, v63;
	v4 =	vadd.f32 v4, v8  }
0x2d1: {  	v8 =	vadd.f32 v13, v12;
	v63 =	vsel vm12, $0x3F800000, v17;
	v61 =	vsel vm13, $0x3F800000, v17  }
0x2d2: {  	v12 =	vsel vm11, $0x3F800000, v17;
	v13 =	vsel vm14, $0x3F800000, v17;
	vm11 =	veq.f32 v55, v44  }
0x2d3: {  	vm12 =	vlt.f32 v59, v53;
	vm13 =	veq.f32 v59, v53;
	vm14 =	vlt.f32 v60, v53  }
0x2d4: {  	v9 =	vadd.f32 v9, v10;
	v10 =	vadd.f32 v61, v63;
	v63 =	vshll.u32 v23, $0x4  }
0x2d5: {  	v4 =	vadd.f32 v4, v8;
	v8 =	vadd.f32 v13, v12;
	v61 =	vsel vm15, $0x3F800000, v17  }
0x2d6: {  	v12 =	vsel vm4, $0x3F800000, v17;
	v13 =	vsel vm5, $0x3F800000, v17;
	vm15 =	veq.f32 v60, v53  }
0x2d7: {  	vm4 =	vlt.f32 v58, v53;
	vm5 =	veq.f32 v58, v53;
	v11 =	vor.u32 v0, v63  }
0x2d8: {  	v2 =	vadd.f32 v2, v13;
	v63 =	vsel vm7, $0x3F800000, v17;
	v13 =	vsel vm9, $0x3F800000, v17  }
0x2d9: {  	vm7 =	vlt.f32 v56, v53;
	vm9 =	vlt.f32 v57, v53;
	v9 =	vadd.f32 v9, v10  }
0x2da: {  	v10 =	vadd.f32 v12, v61;
	v4 =	vadd.f32 v4, v8;
	v61 =	vsel vm8, $0x3F800000, v17  }
0x2db: {  	v12 =	vsel vm6, $0x3F800000, v17;
	vm6 =	vlt.f32 v50, v44;
	vm8 =	veq.f32 v56, v53  }
0x2dc: {  	v60 =	vsel vm7, $0x3F800000, v17;
	vm7 =	vlt.f32 v37, $1.000000000e+00;
	v8 =	vadd.f32 v9, v10  }
0x2dd: {  	v9 =	vadd.f32 v61, v63;
	v10 =	vshll.u32 v22, $0x4;
	v61 =	vadd.f32 v2, v12  }
0x2de: {  	v56 =	vld.idx.msk [tilespmem:v40+s30+$0x0], $0xffff;
	v2 =	vadd.f32 v4, v13;
	v63 =	vsel vm11, $0x3F800000, v17;
	v12 =	vsel vm13, $0x3F800000, v17  }
0x2df: {  	v13 =	vsel vm15, $0x3F800000, v17;
	vm11 =	veq.f32 v50, v44;
	vm13 =	veq.f32 v54, v53  }
0x2e0: {  	vm15 =	veq.f32 v55, v53;
	v4 =	vadd.f32 v8, v9;
	v8 =	vsel vm10, $0x3F800000, v17  }
0x2e1: {  	v10 =	vor.u32 v0, v10;
	vm10 =	veq.f32 v57, v53;
	v8 =	vadd.f32 v63, v8  }
0x2e2: {  	v63 =	vsel vm12, $0x3F800000, v17;
	vm12 =	vlt.f32 v54, v53;
	v54 =	vsel vm13, $0x3F800000, v17  }
0x2e3: {  	v58 =	vadd.f32 $0.0e+00, v56;
	vm13 =	vlt.f32 v49, $1.000000000e+00;
	v9 =	vadd.f32 v12, v63  }
0x2e4: {  	v12 =	vsel vm14, $0x3F800000, v17;
	v63 =	vsel vm10, $0x3F800000, v17;
	vm14 =	vlt.f32 v55, v53  }
0x2e5: {  	vm10 =	vlt.f32 v45, $1.000000000e+00;
	v12 =	vadd.f32 v13, v12;
	v4 =	vadd.f32 v4, v8  }
0x2e6: {  	v8 =	vsel vm4, $0x3F800000, v17;
	v13 =	vsel vm5, $0x3F800000, v17;
	vm4 =	vlt.f32 v53, v44  }
0x2e7: {  	vm5 =	vlt.f32 v50, v53;
	v59 =	vnsel vm7, $0x0, v58;
	vm7 =	vlt.f32 v47, $2.000000000e+00  }
0x2e8: {  	v8 =	vadd.f32 v13, v8;
	v13 =	vsel vm9, $0x3F800000, v17;
	v9 =	vadd.f32 v12, v9  }
0x2e9: {  	vm9 =	vlt.f32 v44, v53;
	v12 =	vsel vm8, $0x3F800000, v17;
	vm8 =	vlt.f32 v38, $1.000000000e+00  }
0x2ea: {  	v57 =	vld.idx.msk [tilespmem:v42+s30+$0x0], $0xffff;
	v8 =	vadd.f32 v9, v8;
	v9 =	vadd.f32 v12, v60;
	v12 =	vsel vm6, $0x3F800000, v17  }
0x2eb: {  	v42 =	vld.idx.msk [tilespmem:v43+s30+$0x0], $0xffff;
	v60 =	vadd.f32 v63, v13;
	v13 =	vsel vm11, $0x3F800000, v17;
	v63 =	vsel vm12, $0x3F800000, v17  }
0x2ec: {  	v55 =	vld.idx.msk [tilespmem:v41+s30+$0x0], $0xffff;
	vm6 =	veq.f32 v50, v53;
	vm11 =	veq.f32 v44, v53;
	vm12 =	vlt.f32 v47, $1.000000000e+00  }
0x2ed: {  	v44 =	vld.idx.msk [tilespmem:v11+s30+$0x0], $0xffff;
	v11 =	vadd.s32 v3, v36;
	v36 =	vshll.u32 v36, $0x2;
	v12 =	vadd.f32 v13, v12  }
0x2ee: {  	v13 =	vsel vm14, $0x3F800000, v17;
	v50 =	vsel vm6, $0x3F800000, v17;
	vm14 =	vlt.f32 v37, $2.000000000e+00  }
0x2ef: {  	v8 =	vadd.f32 v8, v9;
	v9 =	vadd.f32 v54, v63;
	v63 =	vsel vm0, $0x3F800000, v17  }
0x2f0: {  	v43 =	vld.idx.msk [tilespmem:v62+s30+$0x0], $0xffff;
	vm6 =	vlt.f32 v61, $1.000000000e+00;
	v54 =	vadd.f32 v2, v63;
	v2 =	vadd.f32 v4, v12  }
0x2f1: {  	v12 =	vnsel vm8, $0x0, v55;
	v8 =	vadd.f32 v8, v60;
	v60 =	vsel vm15, $0x3F800000, v17  }
0x2f2: {  	v63 =	vnsel vm6, $0x0, v42;
	vm15 =	vlt.f32 v38, $2.000000000e+00;
	v40 =	vadd.f32 v60, v13  }
0x2f3: {  	v41 =	vld.idx.msk [tilespmem:v46+s30+$0x0], $0xffff;
	v13 =	vnsel vm10, $0x0, v57;
	v60 =	vsel vm11, $0x3F800000, v17;
	vm8 =	vlt.f32 v54, $1.000000000e+00  }
0x2f4: {  	vm11 =	vlt.f32 v48, $2.000000000e+00;
	v8 =	vadd.f32 v8, v9;
	v9 =	vadd.f32 v12, v59  }
0x2f5: {  	v52 =	vld.idx.msk [tilespmem:v52+s30+$0x0], $0xffff;
	v12 =	vsel vm9, $0x3F800000, v17;
	v53 =	vnsel vm8, $0x0, v43;
	vm9 =	vlt.f32 v49, $2.000000000e+00  }
0x2f6: {  	v4 =	vadd.f32 v8, v40;
	v8 =	vsel vm5, $0x3F800000, v17;
	v9 =	vadd.f32 v13, v9  }
0x2f7: {  	v40 =	vld.idx.msk [tilespmem:v51+s30+$0x0], $0xffff;
	v13 =	vsel vm4, $0x3F800000, v17;
	vm4 =	vlt.f32 v48, $1.000000000e+00;
	v8 =	vadd.f32 v50, v8  }
0x2f8: {  	vm5 =	vlt.f32 v45, $2.000000000e+00;
	v51 =	vadd.f32 v2, v13;
	v62 =	vnsel vm4, $0x0, v41  }
0x2f9: {  	vm4 =	vlt.f32 v54, $2.000000000e+00;
	v13 =	vadd.s32 v5, v36;
	v4 =	vadd.f32 v4, v8  }
0x2fa: {  	v8 =	vadd.f32 v60, v12;
	v12 =	vnsel vm12, $0x0, v52;
	vm10 =	vlt.f32 v51, $1.000000000e+00  }
0x2fb: {  	vm6 =	vlt.f32 v51, $2.000000000e+00;
	v9 =	vadd.f32 v12, v9;
	v59 =	vnsel vm10, $0x0, v44  }
0x2fc: {  	v46 =	vld.idx.msk [tilespmem:v10+s30+$0x0], $0xffff;
	vm10 =	vlt.f32 v48, $3.000000000e+00;
	v50 =	vadd.f32 v4, v8;
	v2 =	vnsel vm13, $0x0, v40  }
0x2fd: {  	v4 =	vnsel vm14, $0x0, v58;
	v8 =	vnsel vm15, $0x0, v55;
	vm13 =	vlt.f32 v61, $2.000000000e+00  }
0x2fe: {  	vm14 =	vlt.f32 v37, $3.000000000e+00;
	vm15 =	vlt.f32 v38, $3.000000000e+00;
	v2 =	vadd.f32 v2, v9  }
0x2ff: {  	v4 =	vadd.f32 v8, v4;
	v8 =	vnsel vm5, $0x0, v57;
	vm5 =	vlt.f32 v45, $3.000000000e+00  }
0x300: {  	vm12 =	vlt.f32 v50, $1.000000000e+00;
	vm8 =	vlt.f32 v50, $2.000000000e+00;
	v2 =	vadd.f32 v62, v2  }
0x301: {  	v4 =	vadd.f32 v8, v4;
	v8 =	vnsel vm7, $0x0, v52;
	v60 =	vnsel vm12, $0x0, v46  }
0x302: {  	v62 =	vnsel vm15, $0x0, v55;
	vm7 =	vlt.f32 v47, $3.000000000e+00;
	vm12 =	vlt.f32 v38, $4.000000000e+00  }
0x303: {  	vm15 =	vlt.f32 v54, $3.000000000e+00;
	v2 =	vadd.f32 v63, v2;
	v4 =	vadd.f32 v8, v4  }
0x304: {  	v8 =	vnsel vm9, $0x0, v40;
	v63 =	vnsel vm4, $0x0, v43;
	vm9 =	vlt.f32 v49, $3.000000000e+00  }
0x305: {  	vm4 =	vlt.f32 v47, $4.000000000e+00;
	v2 =	vadd.f32 v53, v2;
	v4 =	vadd.f32 v8, v4  }
0x306: {  	v8 =	vnsel vm11, $0x0, v41;
	v53 =	vadd.s32 v3, v39;
	v39 =	vshll.u32 v39, $0x2  }
0x307: {  	vm11 =	vlt.f32 v37, $4.000000000e+00;
	v2 =	vadd.f32 v59, v2;
	v4 =	vadd.f32 v8, v4  }
0x308: {  	v8 =	vnsel vm13, $0x0, v42;
	v59 =	vnsel vm5, $0x0, v57;
	vm13 =	vlt.f32 v61, $3.000000000e+00  }
0x309: {  	vm5 =	vlt.f32 v51, $3.000000000e+00;
	v2 =	vadd.f32 v60, v2;
	v4 =	vadd.f32 v8, v4  }
0x30a: {  	v8 =	vnsel vm14, $0x0, v58;
	v60 =	vnsel vm6, $0x0, v44;
	vm14 =	vlt.f32 v45, $4.000000000e+00  }
0x30b: {  	vm6 =	vlt.f32 v49, $4.000000000e+00;
	v8 =	vadd.f32 v62, v8;
	v62 =	vnsel vm7, $0x0, v52  }
0x30c: {  	vm7 =	vlt.f32 v50, $3.000000000e+00;
	v4 =	vadd.f32 v63, v4;
	v63 =	vnsel vm8, $0x0, v46  }
0x30d: {  	v2 =	vsub.f32 v18, v2;
	vm8 =	vlt.f32 v48, $4.000000000e+00;
	v8 =	vadd.f32 v59, v8  }
0x30e: {  	v59 =	vnsel vm9, $0x0, v40;
	vm9 =	vlt.f32 v37, $5.000000000e+00;
	v4 =	vadd.f32 v60, v4  }
0x30f: {  	v2 =	vmul.f32 v2, v18;
	v60 =	vnsel vm10, $0x0, v41;
	vm10 =	vlt.f32 v38, $5.000000000e+00  }
0x310: {  	v8 =	vadd.f32 v62, v8;
	v62 =	vnsel vm11, $0x0, v58;
	vm11 =	vlt.f32 v61, $4.000000000e+00  }
0x311: {  	v4 =	vadd.f32 v63, v4;
	v63 =	vnsel vm12, $0x0, v55;
	vm12 =	vlt.f32 v45, $5.000000000e+00  }
0x312: {  	v8 =	vadd.f32 v59, v8;
	v59 =	vnsel vm13, $0x0, v42;
	v9 =	vadd.f32 v63, v62  }
0x313: {  	v62 =	vnsel vm15, $0x0, v43;
	v63 =	vnsel vm4, $0x0, v52;
	vm13 =	vlt.f32 v54, $4.000000000e+00  }
0x314: {  	vm15 =	vlt.f32 v51, $4.000000000e+00;
	vm4 =	vlt.f32 v49, $5.000000000e+00;
	v4 =	vsub.f32 v18, v4  }
0x315: {  	v8 =	vadd.f32 v60, v8;
	v60 =	vnsel vm14, $0x0, v57;
	vm14 =	vlt.f32 v47, $5.000000000e+00  }
0x316: {  	v9 =	vadd.f32 v60, v9;
	v60 =	vnsel vm6, $0x0, v40;
	v2 =	vmul.f32 v2, v4  }
0x317: {  	vm6 =	vlt.f32 v48, $5.000000000e+00;
	v8 =	vadd.f32 v59, v8;
	v59 =	vnsel vm5, $0x0, v44  }
0x318: {  	vm5 =	vlt.f32 v50, $4.000000000e+00;
	v12 =	vnsel vm6, $0x0, v41;
	vm6 =	vlt.f32 v48, $6.000000000e+00  }
0x319: {  	v9 =	vadd.f32 v63, v9;
	v63 =	vnsel vm9, $0x0, v58;
	v8 =	vadd.f32 v62, v8  }
0x31a: {  	vm9 =	vlt.f32 v38, $6.000000000e+00;
	v62 =	vnsel vm7, $0x0, v46;
	vm7 =	vlt.f32 v61, $5.000000000e+00  }
0x31b: {  	v9 =	vadd.f32 v60, v9;
	v60 =	vnsel vm11, $0x0, v42;
	v8 =	vadd.f32 v59, v8  }
0x31c: {  	vm11 =	vlt.f32 v45, $6.000000000e+00;
	v59 =	vnsel vm10, $0x0, v55;
	vm10 =	vlt.f32 v54, $5.000000000e+00  }
0x31d: {  	v4 =	vadd.f32 v62, v8;
	v8 =	vnsel vm8, $0x0, v41;
	v62 =	vnsel vm12, $0x0, v57  }
0x31e: {  	vm8 =	vlt.f32 v37, $6.000000000e+00;
	v8 =	vadd.f32 v8, v9;
	v9 =	vadd.f32 v59, v63  }
0x31f: {  	vm12 =	vlt.f32 v51, $5.000000000e+00;
	v63 =	vnsel vm13, $0x0, v43;
	v59 =	vnsel vm14, $0x0, v52  }
0x320: {  	vm13 =	vlt.f32 v47, $6.000000000e+00;
	v8 =	vadd.f32 v60, v8;
	v9 =	vadd.f32 v62, v9  }
0x321: {  	vm14 =	vlt.f32 v50, $5.000000000e+00;
	v4 =	vsub.f32 v18, v4;
	v60 =	vnsel vm15, $0x0, v44  }
0x322: {  	vm15 =	vlt.f32 v49, $6.000000000e+00;
	v8 =	vadd.f32 v63, v8;
	v9 =	vadd.f32 v59, v9  }
0x323: {  	v63 =	vnsel vm5, $0x0, v46;
	v59 =	vmul.f32 v2, v4;
	v4 =	vnsel vm7, $0x0, v42  }
0x324: {  	vm5 =	vlt.f32 v38, $7.000000000e+00;
	vm7 =	vlt.f32 v45, $7.000000000e+00;
	v62 =	vadd.f32 v60, v8  }
0x325: {  	v8 =	vnsel vm4, $0x0, v40;
	v60 =	vnsel vm8, $0x0, v58;
	vm4 =	vlt.f32 v37, $7.000000000e+00  }
0x326: {  	vm8 =	vlt.f32 v61, $6.000000000e+00;
	v9 =	vadd.f32 v8, v9;
	v8 =	vadd.s32 v1, v39  }
0x327: {  	v62 =	vadd.f32 v63, v62;
	v63 =	vnsel vm9, $0x0, v55;
	vm9 =	vlt.f32 v47, $7.000000000e+00  }
0x328: {  	v2 =	vadd.f32 v12, v9;
	v9 =	vadd.f32 v63, v60;
	v60 =	vnsel vm11, $0x0, v57  }
0x329: {  	v63 =	vnsel vm13, $0x0, v52;
	v12 =	vnsel vm6, $0x0, v41;
	vm11 =	vlt.f32 v49, $7.000000000e+00  }
0x32a: {  	vm13 =	vlt.f32 v48, $7.000000000e+00;
	vm6 =	vlt.f32 v54, $7.000000000e+00;
	v2 =	vadd.f32 v4, v2  }
0x32b: {  	v4 =	vnsel vm10, $0x0, v43;
	v9 =	vadd.f32 v60, v9;
	v60 =	vnsel vm15, $0x0, v40  }
0x32c: {  	vm10 =	vlt.f32 v54, $6.000000000e+00;
	vm15 =	vlt.f32 v61, $7.000000000e+00;
	v2 =	vadd.f32 v4, v2  }
0x32d: {  	v4 =	vnsel vm12, $0x0, v44;
	v9 =	vadd.f32 v63, v9;
	v63 =	vnsel vm4, $0x0, v58  }
0x32e: {  	vm12 =	vlt.f32 v51, $6.000000000e+00;
	vm4 =	vlt.f32 v37, $8.000000000e+00;
	v2 =	vadd.f32 v4, v2  }
0x32f: {  	v4 =	vnsel vm14, $0x0, v46;
	v9 =	vadd.f32 v60, v9;
	v60 =	vnsel vm5, $0x0, v55  }
0x330: {  	vm14 =	vlt.f32 v50, $6.000000000e+00;
	vm5 =	vlt.f32 v38, $8.000000000e+00;
	v10 =	vadd.f32 v60, v63  }
0x331: {  	v63 =	vnsel vm7, $0x0, v57;
	v60 =	vnsel vm9, $0x0, v52;
	vm7 =	vlt.f32 v45, $8.000000000e+00  }
0x332: {  	vm9 =	vlt.f32 v47, $8.000000000e+00;
	v9 =	vadd.f32 v12, v9;
	v12 =	vnsel vm8, $0x0, v42  }
0x333: {  	v4 =	vadd.f32 v4, v2;
	v2 =	vnsel vm15, $0x0, v42;
	vm8 =	vlt.f32 v51, $7.000000000e+00  }
0x334: {  	vm15 =	vlt.f32 v45, $9.000000000e+00;
	v10 =	vadd.f32 v63, v10;
	v63 =	vnsel vm11, $0x0, v40  }
0x335: {  	vm11 =	vlt.f32 v49, $8.000000000e+00;
	v9 =	vadd.f32 v12, v9;
	v12 =	vnsel vm10, $0x0, v43  }
0x336: {  	vm10 =	vlt.f32 v50, $7.000000000e+00;
	v4 =	vsub.f32 v18, v4;
	v10 =	vadd.f32 v60, v10  }
0x337: {  	v60 =	vnsel vm13, $0x0, v41;
	vm13 =	vlt.f32 v37, $9.000000000e+00;
	v37 =	vnsel vm15, $0x0, v57  }
0x338: {  	v9 =	vadd.f32 v12, v9;
	v12 =	vnsel vm12, $0x0, v44;
	vm12 =	vlt.f32 v48, $8.000000000e+00  }
0x339: {  	v10 =	vadd.f32 v63, v10;
	v63 =	vnsel vm6, $0x0, v43;
	vm6 =	vlt.f32 v49, $9.000000000e+00  }
0x33a: {  	v9 =	vadd.f32 v12, v9;
	v12 =	vnsel vm14, $0x0, v46;
	vm14 =	vlt.f32 v38, $9.000000000e+00  }
0x33b: {  	v49 =	vnsel vm6, $0x0, v40;
	v10 =	vadd.f32 v60, v10;
	v38 =	vnsel vm14, $0x0, v55  }
0x33c: {  	vm14 =	vlt.f32 v50, $9.000000000e+00;
	v60 =	vadd.f32 v12, v9;
	v9 =	vnsel vm4, $0x0, v58  }
0x33d: {  	v12 =	vnsel vm13, $0x0, v58;
	v58 =	vmul.f32 v55, v56;
	vm4 =	vlt.f32 v47, $9.000000000e+00  }
0x33e: {  	vm13 =	vlt.f32 v51, $9.000000000e+00;
	v2 =	vadd.f32 v2, v10;
	v10 =	vnsel vm5, $0x0, v55  }
0x33f: {  	v55 =	vadd.s32 v3, v35;
	v35 =	vshll.u32 v35, $0x2;
	v12 =	vadd.f32 v38, v12  }
0x340: {  	vm5 =	vlt.f32 v61, $8.000000000e+00;
	v9 =	vadd.f32 v10, v9;
	v10 =	vnsel vm7, $0x0, v57  }
0x341: {  	v38 =	vadd.s32 v1, v35;
	v45 =	vmul.f32 v57, v58;
	v56 =	vadd.s32 v5, v35  }
0x342: {  	v57 =	vadd.s32 v3, v33;
	v58 =	vnsel vm5, $0x0, v42;
	vm7 =	vlt.f32 v54, $8.000000000e+00  }
0x343: {  	v2 =	vadd.f32 v63, v2;
	v63 =	vnsel vm8, $0x0, v44;
	v12 =	vadd.f32 v37, v12  }
0x344: {  	v37 =	vshll.u32 v33, $0x2;
	vm8 =	vlt.f32 v48, $9.000000000e+00;
	v9 =	vadd.f32 v10, v9  }
0x345: {  	v31 =	vld.idx.msk [tilespmem:v31+s25+$0x0], $0xffff;
	v10 =	vnsel vm9, $0x0, v52;
	v33 =	vmul.f32 v52, v45;
	v52 =	vnsel vm4, $0x0, v52  }
0x346: {  	v48 =	vld.idx.msk [tilespmem:v27+s26+$0x0], $0xffff;
	v47 =	vadd.s32 v1, v37;
	vm9 =	vlt.f32 v51, $8.000000000e+00;
	v2 =	vadd.f32 v63, v2  }
0x347: {  	v45 =	vld.idx.msk [tilespmem:v30+s26+$0x0], $0xffff;
	v27 =	vnsel vm8, $0x0, v41;
	v63 =	vnsel vm10, $0x0, v46;
	v9 =	vadd.f32 v10, v9  }
0x348: {  	v12 =	vadd.f32 v52, v12;
	v52 =	vld.idx.msk [tilespmem:v28+s26+$0x0], $0xffff;
	v63 =	vadd.f32 v63, v2;
	v2 =	vnsel vm11, $0x0, v40  }
0x349: {  	v28 =	vld.idx.msk [tilespmem:v29+s25+$0x0], $0xffff;
	v29 =	vnsel vm9, $0x0, v44;
	vm10 =	vlt.f32 v61, $9.000000000e+00;
	v2 =	vadd.f32 v2, v9  }
0x34a: {  	v61 =	vadd.s32 v3, v24;
	v12 =	vadd.f32 v49, v12;
	v9 =	vnsel vm12, $0x0, v41  }
0x34b: {  	v34 =	vld.idx.msk [tilespmem:v34+s26+$0x0], $0xffff;
	v10 =	vadd.s32 v5, v39;
	v30 =	vnsel vm10, $0x0, v42;
	v2 =	vadd.f32 v9, v2  }
0x34c: {  	v8 =	vld.idx.msk [tilespmem:v8+s26+$0x0], $0xffff;
	v49 =	vadd.s32 v5, v37;
	vm11 =	vlt.f32 v50, $8.000000000e+00;
	v12 =	vadd.f32 v27, v12  }
0x34d: {  	v27 =	vld.idx.msk [tilespmem:v53+s25+$0x0], $0xffff;
	v53 =	vmul.f32 v45, v31;
	v9 =	vadd.s32 v1, v36;
	v2 =	vadd.f32 v58, v2  }
0x34e: {  	v12 =	vadd.f32 v30, v12;
	v30 =	vshll.u32 v24, $0x2;
	v24 =	vld.idx.msk [tilespmem:v11+s25+$0x0], $0xffff;
	v58 =	vnsel vm7, $0x0, v43  }
0x34f: {  	v50 =	vnsel vm14, $0x0, v46;
	v45 =	vadd.f32 $0.0e+00, v45;
	v2 =	vadd.f32 v58, v2;
	v58 =	vld.idx.msk [tilespmem:v26+s26+$0x0], $0xffff  }
0x350: {  	vm12 =	vlt.f32 v54, $9.000000000e+00;
	v11 =	vadd.f32 $0.0e+00, v53;
	v53 =	vnsel vm13, $0x0, v44;
	v26 =	vld.idx.msk [tilespmem:v32+s25+$0x0], $0xffff  }
0x351: {  	v38 =	vld.idx.msk [tilespmem:v38+s26+$0x0], $0xffff;
	v45 =	vadd.f32 v48, v45;
	v51 =	vadd.s32 v1, v30;
	v32 =	vnsel vm12, $0x0, v43  }
0x352: {  	v47 =	vld.idx.msk [tilespmem:v47+s26+$0x0], $0xffff;
	v54 =	vadd.s32 v5, v30;
	v12 =	vadd.f32 v32, v12;
	v32 =	vmul.f32 v48, v28  }
0x353: {  	v9 =	vld.idx.msk [tilespmem:v9+s26+$0x0], $0xffff;
	v48 =	vadd.s32 v3, v23;
	v2 =	vadd.f32 v29, v2;
	v29 =	vnsel vm11, $0x0, v46  }
0x354: {  	v12 =	vadd.f32 v53, v12;
	v11 =	vadd.f32 v32, v11;
	v32 =	vshll.u32 v23, $0x2;
	v23 =	vld.idx.msk [tilespmem:v57+s25+$0x0], $0xffff  }
0x355: {  	v2 =	vadd.f32 v29, v2;
	v29 =	vld.idx.msk [tilespmem:v55+s25+$0x0], $0xffff;
	v53 =	vmul.f32 v34, v26;
	v34 =	vadd.f32 v34, v45  }
0x356: {  	v55 =	vld.idx.msk [tilespmem:v25+s26+$0x0], $0xffff;
	v45 =	vadd.s32 v1, v32;
	v12 =	vadd.f32 v50, v12;
	v50 =	vadd.s32 v3, v22  }
0x357: {  	v25 =	vld.idx.msk [tilespmem:v61+s25+$0x0], $0xffff;
	v61 =	vmul.f32 v58, v28;
	v11 =	vadd.f32 v53, v11;
	v53 =	vmul.f32 v8, v27  }
0x358: {  	v57 =	vmul.f32 v9, v24;
	v2 =	vsub.f32 v18, v2;
	v34 =	vadd.f32 v8, v34  }
0x359: {  	v10 =	vld.idx.msk [tilespmem:v10+s26+$0x0], $0xffff;
	v8 =	vshll.u32 v22, $0x2;
	v22 =	vsub.f32 v18, v62;
	v11 =	vadd.f32 v53, v11  }
0x35a: {  	v62 =	vmul.f32 v47, v23;
	v53 =	vmul.f32 v38, v29;
	v9 =	vadd.f32 v9, v34  }
0x35b: {  	v51 =	vld.idx.msk [tilespmem:v51+s26+$0x0], $0xffff;
	v59 =	vmul.f32 v59, v22;
	v11 =	vadd.f32 v57, v11;
	v57 =	vmul.f32 v52, v31  }
0x35c: {  	v22 =	vld.idx.msk [tilespmem:v48+s25+$0x0], $0xffff;
	v48 =	vadd.s32 v5, v32;
	v9 =	vadd.f32 v38, v9;
	v52 =	vadd.f32 $0.0e+00, v52  }
0x35d: {  	v4 =	vmul.f32 v59, v4;
	v11 =	vadd.f32 v53, v11;
	v34 =	vadd.f32 $0.0e+00, v57  }
0x35e: {  	v13 =	vld.idx.msk [tilespmem:v13+s26+$0x0], $0xffff;
	v57 =	vadd.s32 v1, v8;
	v38 =	vadd.f32 v58, v52;
	v58 =	vmul.f32 v10, v27  }
0x35f: {  	v54 =	vld.idx.msk [tilespmem:v54+s26+$0x0], $0xffff;
	v9 =	vadd.f32 v47, v9;
	v47 =	vadd.s32 v6, v19;
	v53 =	vadd.s32 v6, v36  }
0x360: {  	v45 =	vld.idx.msk [tilespmem:v45+s26+$0x0], $0xffff;
	v34 =	vadd.f32 v61, v34;
	v61 =	vmul.f32 v55, v26;
	v38 =	vadd.f32 v55, v38  }
0x361: {  	v56 =	vld.idx.msk [tilespmem:v56+s26+$0x0], $0xffff;
	v19 =	vadd.s32 v7, v19;
	v11 =	vadd.f32 v62, v11;
	v9 =	vadd.f32 v51, v9  }
0x362: {  	v49 =	vld.idx.msk [tilespmem:v49+s26+$0x0], $0xffff;
	v36 =	vadd.s32 v7, v36;
	v62 =	vadd.f32 v61, v34;
	v10 =	vadd.f32 v10, v38  }
0x363: {  	v61 =	vmul.f32 v51, v25;
	v34 =	vld.idx.msk [tilespmem:v50+s25+$0x0], $0xffff;
	v50 =	vadd.s32 v5, v8;
	v38 =	vadd.s32 v6, v20  }
0x364: {  	v55 =	vld.idx.msk [tilespmem:v57+s26+$0x0], $0xffff;
	v52 =	vadd.f32 v58, v62;
	v62 =	vmul.f32 v13, v24;
	v10 =	vadd.f32 v13, v10  }
0x365: {  	v48 =	vld.idx.msk [tilespmem:v48+s26+$0x0], $0xffff;
	v9 =	vadd.f32 v45, v9;
	v20 =	vadd.s32 v7, v20;
	v57 =	vmul.f32 v54, v25  }
0x366: {  	v58 =	vmul.f32 v56, v29;
	v52 =	vadd.f32 v62, v52;
	v10 =	vadd.f32 v56, v10  }
0x367: {  	v47 =	vld.idx.msk [tilespmem:v47+s26+$0x0], $0xffff;
	v11 =	vadd.f32 v61, v11;
	v13 =	vmul.f32 v45, v22;
	v45 =	vadd.s32 v6, v21  }
0x368: {  	v62 =	vmul.f32 v49, v23;
	v61 =	vadd.f32 v58, v52;
	v10 =	vadd.f32 v49, v10  }
0x369: {  	v19 =	vld.idx.msk [tilespmem:v19+s26+$0x0], $0xffff;
	v11 =	vadd.f32 v13, v11;
	v56 =	vmul.f32 v55, v34;
	v9 =	vadd.f32 v55, v9  }
0x36a: {  	v59 =	vmul.f32 v48, v22;
	v13 =	vld.idx.msk [tilespmem:v50+s26+$0x0], $0xffff;
	v51 =	vadd.f32 v62, v61;
	v10 =	vadd.f32 v54, v10  }
0x36b: {  	v21 =	vadd.s32 v7, v21;
	v38 =	vld.idx.msk [tilespmem:v38+s26+$0x0], $0xffff;
	v11 =	vadd.f32 v56, v11;
	v62 =	vsub.f32 v18, v60  }
0x36c: {  	v45 =	vld.idx.msk [tilespmem:v45+s26+$0x0], $0xffff;
	v58 =	vadd.f32 v57, v51;
	v10 =	vadd.f32 v48, v10;
	v57 =	vmul.f32 v47, v31  }
0x36d: {  	v4 =	vmul.f32 v4, v62;
	v62 =	vsub.f32 v18, v63;
	v47 =	vadd.f32 $0.0e+00, v47  }
0x36e: {  	v61 =	vadd.s32 v6, v39;
	v49 =	vadd.f32 v59, v58;
	v58 =	vadd.f32 $0.0e+00, v31  }
0x36f: {  	v56 =	vmul.f32 v13, v34;
	v10 =	vadd.f32 v13, v10;
	v13 =	vadd.f32 $0.0e+00, v57  }
0x370: {  	v59 =	vmul.f32 v38, v28;
	v4 =	vmul.f32 v4, v62;
	v52 =	vadd.f32 v28, v58  }
0x371: {  	v38 =	vadd.f32 v38, v47;
	v54 =	vmul.f32 v45, v26;
	v31 =	vmul.f32 v19, v31  }
0x372: {  	v20 =	vld.idx.msk [tilespmem:v20+s26+$0x0], $0xffff;
	v62 =	vadd.s32 v6, v8;
	v19 =	vadd.f32 $0.0e+00, v19;
	v52 =	vadd.f32 v26, v52  }
0x373: {  	v47 =	vadd.s32 v7, v32;
	v60 =	vld.idx.msk [tilespmem:v61+s26+$0x0], $0xffff;
	v61 =	vadd.s32 v6, v35;
	v35 =	vadd.s32 v7, v35  }
0x374: {  	v21 =	vld.idx.msk [tilespmem:v21+s26+$0x0], $0xffff;
	v2 =	vmul.f32 v4, v2;
	v4 =	vsub.f32 v18, v12;
	v12 =	vadd.f32 v27, v52  }
0x375: {  	v49 =	vadd.f32 v56, v49;
	v13 =	vadd.f32 v59, v13;
	v56 =	vadd.s32 v7, v39  }
0x376: {  	v58 =	vadd.s32 v6, v37;
	v59 =	vadd.s32 v6, v30;
	v12 =	vadd.f32 v24, v12  }
0x377: {  	v63 =	vld.idx.msk [tilespmem:v53+s26+$0x0], $0xffff;
	v37 =	vadd.s32 v7, v37;
	v31 =	vadd.f32 $0.0e+00, v31;
	v28 =	vmul.f32 v20, v28  }
0x378: {  	v13 =	vadd.f32 v54, v13;
	v2 =	vmul.f32 v2, v4;
	v12 =	vadd.f32 v29, v12  }
0x379: {  	v4 =	vadd.f32 v45, v38;
	v28 =	vadd.f32 v28, v31;
	v26 =	vmul.f32 v21, v26;
	v51 =	vld.idx.msk [tilespmem:v61+s26+$0x0], $0xffff  }
0x37a: {  	v55 =	vmul.f32 v60, v27;
	v61 =	vadd.s32 v6, v32;
	v38 =	vld.idx.msk [tilespmem:v56+s26+$0x0], $0xffff;
	v12 =	vadd.f32 v23, v12  }
0x37b: {  	v4 =	vadd.f32 v60, v4;
	(erf) = vrcp.f32 v2;
	v2 =	vadd.f32 v20, v19;
	v45 =	vld.idx.msk [tilespmem:v58+s26+$0x0], $0xffff  }
0x37c: {  	v36 =	vld.idx.msk [tilespmem:v36+s26+$0x0], $0xffff;
	v57 =	vmul.f32 v63, v24;
	v13 =	vadd.f32 v55, v13;
	v12 =	vadd.f32 v25, v12  }
0x37d: {  	v30 =	vadd.s32 v7, v30;
	v20 =	vadd.f32 v26, v28;
	v4 =	vadd.f32 v63, v4;
	v63 =	vld.idx.msk [tilespmem:v59+s26+$0x0], $0xffff  }
0x37e: {  	v19 =	vld.idx.msk [tilespmem:v35+s26+$0x0], $0xffff;
	v13 =	vadd.f32 v57, v13;
	v60 =	vmul.f32 v51, v29;
	v12 =	vadd.f32 v22, v12  }
0x37f: {  	v2 =	vadd.f32 v21, v2;
	v4 =	vadd.f32 v51, v4;
	v39 =	vld.idx.msk [tilespmem:v61+s26+$0x0], $0xffff;
	v27 =	vmul.f32 v38, v27  }
0x380: {  	v50 =	vld.idx.msk [tilespmem:v37+s26+$0x0], $0xffff;
	v51 =	vmul.f32 v45, v23;
	v13 =	vadd.f32 v60, v13;
	v12 =	vadd.f32 v34, v12  }
0x381: {  	v24 =	vmul.f32 v36, v24;
	v2 =	vadd.f32 v38, v2;
	v20 =	vadd.f32 v27, v20  }
0x382: {  	v54 =	vmul.f32 v63, v25;
	v13 =	vadd.f32 v51, v13;
	(erf) = vrcp.f32 v12  }
0x383: {  	v8 =	vadd.s32 v7, v8;
	v52 =	vld.idx.msk [tilespmem:v62+s26+$0x0], $0xffff;
	v55 =	vmul.f32 v19, v29;
	v20 =	vadd.f32 v24, v20  }
0x384: {  	v53 =	vld.idx.msk [tilespmem:v30+s26+$0x0], $0xffff;
	v2 =	vadd.f32 v36, v2;
	v56 =	vmul.f32 v39, v22;
	v13 =	vadd.f32 v54, v13  }
0x385: {  	v23 =	vmul.f32 v50, v23;
	v20 =	vadd.f32 v55, v20  }
0x386: {  	v28 =	vld.idx.msk [tilespmem:v47+s26+$0x0], $0xffff;
	v2 =	vadd.f32 v19, v2;
	v13 =	vadd.f32 v56, v13  }
0x387: {  	v4 =	vadd.f32 v45, v4;
	v20 =	vadd.f32 v23, v20  }
0x388: {  	v8 =	vld.idx.msk [tilespmem:v8+s26+$0x0], $0xffff;
	v19 =	vmul.f32 v52, v34;
	v2 =	vadd.f32 v50, v2  }
0x389: {  	v9 =	vmul.f32 $1.000000010e-01, v9;
	v57 =	vmul.f32 v53, v25;
	v4 =	vadd.f32 v63, v4  }
0x38a: {  	vm15 =	veq.f32 v12, $0.0e+00;
	v2 =	vadd.f32 v53, v2;
	v12 =	vadd.f32 v19, v13;
	v13 =	vpop (erf)  }
0x38b: {  	v22 =	vmul.f32 v28, v22;
	v4 =	vadd.f32 v39, v4;
	v19 =	vadd.f32 v57, v20;
	v20 =	vpop (erf)  }
0x38c: {  	v10 =	vmul.f32 $1.000000010e-01, v10;
	v2 =	vadd.f32 v28, v2;
	v11 =	vmul.f32 v11, v20  }
0x38d: {  	v59 =	vmul.f32 v8, v34;
	v4 =	vadd.f32 v52, v4;
	v19 =	vadd.f32 v22, v19  }
0x38e: {  	v2 =	vadd.f32 v8, v2;
	v58 =	vmul.f32 v49, v20;
	v9 =	vsel vm15, v9, v11  }
0x38f: {  	v60 =	vadd.f32 v59, v19;
	v19 =	vadd.f32 $0.0e+00, v9  }
0x390: {  	v4 =	vmul.f32 $1.000000010e-01, v4;
	v8 =	vmul.f32 v12, v20;
	v10 =	vsel vm15, v10, v58  }
0x391: {  	v2 =	vmul.f32 $1.000000010e-01, v2;
	v19 =	vadd.f32 v10, v19  }
0x392: {  	v12 =	vmul.f32 v40, v33;
	v4 =	vsel vm15, v4, v8;
	v8 =	vmul.f32 v60, v20  }
0x393: {  	v61 =	vadd.f32 v4, v19  }
0x394: {  	v12 =	vmul.f32 v41, v12;
	v2 =	vsel vm15, v2, v8  }
0x395: {  	v8 =	vadd.f32 v2, v61  }
0x396: {  	v62 =	vmul.f32 v42, v12  }
0x397: {  	(erf) = vrcp.f32 v8  }
0x398: {  	v8 =	vmul.f32 v43, v62;
	_ =	sdelay $0x1  }
0x399: {  	v8 =	vmul.f32 v44, v8;
	_ =	sdelay $0x1  }
0x39a: {  	v8 =	vmul.f32 v46, v8;
	_ =	sdelay $0x1  }
0x39b: {  	v8 =	vmul.f32 $3.628800000e+06, v8;
	_ =	sdelay $0x1  }
0x39c: {  	s31 =	sshll.u32 s6, $0x4;
	s6 =	sadd.s32 $0x1, s6;
	v8 =	vmul.f32 v13, v8;
	v63 =	vpop (erf)  }
0x39d: {  	p0 =	sne.s32 s6, $0x19;
	v9 =	vmul.f32 v63, v9  }
.Ltmp13:
0x39e: {  	[tilespmem:s31+$0x1AC80] =	vst v8;
	v8 =	vmul.f32 v63, v10;
	(pc) =	sbr.rel @p0 .LBB2_24-.Ltmp13, $4  }
0x39f: {  	s0 =	sand.u32 $0x3FFFFFF0, s31;
	v4 =	vmul.f32 v63, v4;
	[tilespmem:s31+$0x1AE80] =	vst v9  }
0x3a0: {  	v2 =	vmul.f32 v63, v2;
	[tilespmem:s0+$0x1B010] =	vst v8  }
0x3a1: {  	[tilespmem:s0+$0x1B1A0] =	vst v4  }
0x3a2: {  	[tilespmem:s0+$0x1B330] =	vst v2  }
0x3a3: {  	s0 =	simm.s32 $0x1AC80  }
0x3a4: {  	[hbm4b:s18+s1] =	stream.linear.scatter [tilespmem:s0], [sflag:$0x1], $0x190, $0x38;
	[tilespmem:$0x1B500] =	vst v63  }
0x3a5: {  	_ =	swait.ge [sflag:s24], $0x190  }
0x3a6: {  	[sflag:s24] =	ssyncset.done $0x0  }
0x3a7: {  	s8 =	simm.s32 $0x1AE80;
	[sflag:s24] =	ssyncadd.s32 $0xFFFFFE70  }
0x3a8: {  	[hbm4b:s19+s1] =	stream.linear.scatter [tilespmem:s8], [sflag:$0x1], $0x190, $0x38;
	[tilespmem:$0x1B500] =	vst v63  }
0x3a9: {  	_ =	swait.ge [sflag:s24], $0x190  }
0x3aa: {  	[sflag:s24] =	ssyncset.done $0x0  }
0x3ab: {  	s31 =	simm.s32 $0x1B010;
	[sflag:s24] =	ssyncadd.s32 $0xFFFFFE70  }
0x3ac: {  	[hbm4b:s20+s1] =	stream.linear.scatter [tilespmem:s31], [sflag:$0x1], $0x190, $0x38;
	[tilespmem:$0x1B500] =	vst v63  }
0x3ad: {  	_ =	swait.ge [sflag:s24], $0x190  }
0x3ae: {  	[sflag:s24] =	ssyncset.done $0x0  }
0x3af: {  	[sflag:s24] =	ssyncadd.s32 $0xFFFFFE70  }
0x3b0: {  	[hbm4b:s21+s1] =	stream.linear.scatter [tilespmem:s3], [sflag:$0x1], $0x190, $0x38;
	[tilespmem:$0x1B500] =	vst v63  }
0x3b1: {  	_ =	swait.ge [sflag:s24], $0x190  }
0x3b2: {  	s5 =	sadd.s32 $0x1, s5;
	[sflag:s24] =	ssyncset.done $0x0  }
0x3b3: {  	p0 =	sne.s32 s5, s23;
	[sflag:s24] =	ssyncadd.s32 $0xFFFFFE70  }
0x3b4: {  	[hbm4b:s22+s1] =	stream.linear.scatter [tilespmem:s4], [sflag:$0x1], $0x190, $0x38;
	[tilespmem:$0x1B500] =	vst v63  }
.Ltmp14:
0x3b5: {  	_ = 	snop;
	(pc) =	sbr.rel @p0 .LBB2_1-.Ltmp14, $4  }
.Ltmp15:
0x3b6: {  	_ = 	snop;
	(pc) =	sbr.rel @!p0 .LBB2_28-.Ltmp15, $4  }
0x3b7: {  	_ =	swait.ge [sflag:s24], $0x190  }
0x3b8: {  	[sflag:s24] =	ssyncset.done $0x0  }
0x3b9: {  	[sflag:s24] =	ssyncadd.s32 $0xFFFFFE70  }
0x3ba: {  	_ = 	snop  }
.LBB2_6:
.Ltmp16:
0x3bb: {  	(pc) =	sbr.rel .LBB2_13-.Ltmp16, $2  }
0x3bc: {  	_ =	sdelay $0x2  }
0x3bd: {  	v19 =	vimm.f32 $0.0e+00  }
.LBB2_8:
.Ltmp17:
0x3be: {  	(pc) =	sbr.rel .LBB2_13-.Ltmp17, $2  }
0x3bf: {  	_ =	sdelay $0x2  }
0x3c0: {  	v19 =	vimm.f32 $0.0e+00;
	s0 =	simm.s32 $0x0;
	s6 =	simm.s32 $0x10  }
.LBB2_10:
.Ltmp18:
0x3c1: {  	(pc) =	sbr.rel .LBB2_13-.Ltmp18, $2  }
0x3c2: {  	_ =	sdelay $0x2  }
0x3c3: {  	s8 =	simm.s32 $0x0;
	v19 =	vimm.f32 $0.0e+00;
	s6 =	simm.s32 $0x20  }
.LBB2_28:
0x3c4: {  	_ =	sfence.sel $0x180000  }
0x3c5: {  	[bflag:$0x0] =	sbarrier.arrive $0xFFFF  }
0x3c6: {  	_ =	strace $0x90000047  }
0x3c7: {  	s0 =	stileid.u32;
	[bflag:$0x2] =	sbarrier.arrive $0xFFFF  }
0x3c8: {  	p0 =	sne.s32 s0, $0x0;
	s0 =	rddreg [dreg:$0x1]  }
0x3c9: {  	s0 =	sadd.s32 @!p0 $0x100000, s0  }
0x3ca: {  	[sflag:s0] =	ssyncadd.tile.s32 @!p0 $0x1;
	_ =	shalt  }
.Lfunc_end2:
_tile_overlayer_lowered:
.L_overlay_start_2:
0x3cb: {  	(tag) =	ssettag $0x2  }
0x3cc: {  	s0 =	rddreg [dreg:$0x0];
	s2 =	stileid.u32  }
0x3cd: {  	s1 =	rddreg [dreg:$0x1];
	p0 =	sne.s32 s2, $0x0  }
0x3ce: {  	s3 =	rddreg [dreg:$0x2];
	[bflag:$0x3] =	sbarrier.arrive $0xFFFF;
	s2 =	simm.s32 @!p0 $0x1C01  }
0x3cf: {  	[timem:s3], [sflag:s2] =	dma.local @!p0 [hbm:s0], s1  }
0x3d0: {  	s0 =	simm.s32 @!p0 $0x1  }
0x3d1: {  	_ =	swait.ge @!p0 [sflag:s0], s1  }
0x3d2: {  	s1 =	ssub.s32 @!p0 $0x0, s1;
	[sflag:s0] =	ssyncset.done @!p0 $0x0  }
0x3d3: {  	[sflag:s0] =	ssyncadd.s32 @!p0 s1  }
0x3d4: {  	[bflag:$0x3] =	sbarrier.arrive $0xFFFF  }
0x3d5: {  	_ =	shalt  }

</sc_bundles>
